<compile_context>
chip_gen: v7x
topology: tpu7x:2x2x1
jax: 0.10.2.dev20260603
libtpu: 0.0.44.dev20260713+nightly
codegen_flags: <defaults>
</compile_context>

<pallas_src>
import functools

import jax
import jax.numpy as jnp
from jax import lax
from jax.experimental import pallas as pl
from jax.experimental.pallas import tpu as pltpu
from jax.experimental.pallas import tpu_sc as plsc

EMB = 50
WINDOW = 5
BATCH = 16384
HIDDEN = 100
OUT = 64
VOCAB = 1000000

NUM_CORES = 2
NUM_SUBCORES = 16
NW = NUM_CORES * NUM_SUBCORES
NT = VOCAB // 8
K = 20
ROWS_PER_W = BATCH // NW
NCHW = ROWS_PER_W // 4


def _chunk_scalars(idx_v, j):
    g0 = idx_v[j, pl.ds(0, 16)]
    g1 = idx_v[j, pl.ds(4, 16)]
    return [g0[k] for k in range(16)] + [g1[k] for k in range(12, 16)]


def _enqueue_chunk(table_hbm, slab_v, scalars, sem, slot):
    for k in range(K):
        tidx = lax.shift_right_logical(scalars[k], 3)
        pltpu.async_copy(table_hbm.at[tidx], slab_v.at[slot, k], sem)


def _extract_chunk(slab_v, out_v, scalars, slot):
    for k in range(K):
        r = scalars[k] & 7
        w = k % 5
        row = slot * 4 + k // 5
        for c in (0, 16, 32, 34):
            out_v[w, row, pl.ds(c, 16)] = slab_v[slot, k, r, pl.ds(c, 16)]


def _sc_gather_body(idx_hbm, table_hbm, out_hbm, idx_v, slab_v, out_v,
                    sem0, sem1):
    wid = lax.axis_index("s") * NUM_CORES + lax.axis_index("c")
    wbase = wid * ROWS_PER_W
    pltpu.sync_copy(
        idx_hbm.at[pl.ds(pl.multiple_of(wid * NCHW, NCHW), NCHW)], idx_v)

    def _wait(slot, sem):
        pltpu.make_async_copy(
            table_hbm.at[pl.ds(0, K)], slab_v.at[slot], sem).wait()

    sc0 = _chunk_scalars(idx_v, 0)
    _enqueue_chunk(table_hbm, slab_v, sc0, sem0, 0)

    def step(g, carry):
        sc1 = _chunk_scalars(idx_v, 2 * g + 1)
        _enqueue_chunk(table_hbm, slab_v, sc1, sem1, 1)
        sc0 = _chunk_scalars(idx_v, 2 * g)
        _wait(0, sem0)
        _extract_chunk(slab_v, out_v, sc0, 0)

        @pl.when(g < NCHW // 2 - 1)
        def _():
            sc2 = _chunk_scalars(idx_v, 2 * g + 2)
            _enqueue_chunk(table_hbm, slab_v, sc2, sem0, 0)

        _wait(1, sem1)
        _extract_chunk(slab_v, out_v, sc1, 1)
        base = pl.multiple_of(wbase + g * 8, 8)
        for w in range(WINDOW):
            pltpu.sync_copy(out_v.at[w], out_hbm.at[w, pl.ds(base, 8)])
        return carry

    lax.fori_loop(0, NCHW // 2, step, 0)


@functools.cache
def _build_sc_gather():
    mesh = plsc.VectorSubcoreMesh(core_axis_name="c", subcore_axis_name="s")
    return pl.kernel(
        _sc_gather_body,
        out_type=jax.ShapeDtypeStruct((WINDOW, BATCH, EMB), jnp.float32),
        mesh=mesh,
        scratch_types=[
            pltpu.VMEM((NCHW, K), jnp.int32),
            pltpu.VMEM((2, K, 8, EMB), jnp.float32),
            pltpu.VMEM((WINDOW, 8, EMB), jnp.float32),
            pltpu.SemaphoreType.DMA,
            pltpu.SemaphoreType.DMA,
        ],
    )


BLOCK_B = 2048


def _mlp_body(e0, e1, e2, e3, e4, wh_ref, bh_ref, wo_ref, bo_ref, out_ref):
    acc = bh_ref[...]
    for w, e_ref in enumerate((e0, e1, e2, e3, e4)):
        acc = acc + jnp.dot(
            e_ref[...], wh_ref[pl.ds(w * EMB, EMB), :],
            preferred_element_type=jnp.float32)
    h = jnp.tanh(acc)
    logits = (
        jnp.dot(h, wo_ref[...], preferred_element_type=jnp.float32)
        + bo_ref[...])
    m = jnp.max(logits, axis=1, keepdims=True)
    ex = jnp.exp(logits - m)
    out_ref[...] = ex / jnp.sum(ex, axis=1, keepdims=True)


_e_spec = pl.BlockSpec((BLOCK_B, EMB), lambda i: (i, 0))
_mlp = pl.pallas_call(
    _mlp_body,
    grid=(BATCH // BLOCK_B,),
    in_specs=[
        _e_spec, _e_spec, _e_spec, _e_spec, _e_spec,
        pl.BlockSpec((WINDOW * EMB, HIDDEN), lambda i: (0, 0)),
        pl.BlockSpec((1, HIDDEN), lambda i: (0, 0)),
        pl.BlockSpec((HIDDEN, OUT), lambda i: (0, 0)),
        pl.BlockSpec((1, OUT), lambda i: (0, 0)),
    ],
    out_specs=pl.BlockSpec((BLOCK_B, OUT), lambda i: (i, 0)),
    out_shape=jax.ShapeDtypeStruct((BATCH, OUT), jnp.float32),
)


def kernel(x, emb_table, W_h, b_h, W_o, b_o):
    t3 = emb_table.reshape(NT, 8, EMB)
    idx = x.reshape(NW * NCHW, K)
    e5 = _build_sc_gather()(idx, t3)
    return _mlp(e5[0], e5[1], e5[2], e5[3], e5[4],
                W_h, b_h.reshape(1, HIDDEN), W_o, b_o.reshape(1, OUT))

# --- scband reference (transcript-rebuilt; emitter-appended) ---
"""Pipeline reference for scband-neural-network-42356967473645 (READ-ONLY COPY).

The authoritative reference and input builder live on the scoring server;
editing this copy changes nothing except your own understanding.
"""

import jax, jax.numpy as jnp
import numpy as np

EMBEDDING_VECTOR = 50
VOCAB = 1000000
WINDOW = 5
HIDDEN = 100
OUTPUT = 64
BATCH = 16384

def setup_inputs(seed: int = 0) -> dict:
    key = jax.random.key(seed)
    k_x, k_emb, k_wh, k_bh, k_wo, k_bo = jax.random.split(key, 6)
    x = jax.random.randint(k_x, (BATCH, WINDOW), 0, VOCAB, dtype=jnp.int64 if jax.config.jax_enable_x64 else jnp.int32).astype(jnp.int32)
    emb_table = jax.random.normal(k_emb, (VOCAB, EMBEDDING_VECTOR), dtype=jnp.float32)
    in_dense = EMBEDDING_VECTOR * WINDOW
    W_h = jax.random.normal(k_wh, (in_dense, HIDDEN), dtype=jnp.float32) * (1.0 / np.sqrt(in_dense))
    b_h = jax.random.normal(k_bh, (HIDDEN,), dtype=jnp.float32) * 0.01
    W_o = jax.random.normal(k_wo, (HIDDEN, OUTPUT), dtype=jnp.float32) * (1.0 / np.sqrt(HIDDEN))
    b_o = jax.random.normal(k_bo, (OUTPUT,), dtype=jnp.float32) * 0.01
    return {"x": x, "emb_table": emb_table, "W_h": W_h, "b_h": b_h, "W_o": W_o, "b_o": b_o}

def reference(x, emb_table, W_h, b_h, W_o, b_o):
    # features=False path: embed -> flatten window -> linear -> tanh -> (dropout=identity in eval) -> linear -> softmax
    e = jnp.take(emb_table, x, axis=0)              # [B, window, 50]
    e = e.reshape(-1, EMBEDDING_VECTOR * WINDOW)     # [B, 250]
    h = jnp.tanh(e @ W_h + b_h)                      # [B, hidden]
    logits = h @ W_o + b_o                           # [B, output]
    out = jax.nn.softmax(logits, axis=1)
    return out

if __name__ == "__main__":
    import jax
    _d = setup_inputs()
    print(jax.jit(kernel)(*tuple(_d.values())))

</pallas_src>

<mosaic_0001>
#map = affine_map<(d0, d1) -> (0, 0)>
#map1 = affine_map<(d0, d1) -> (0, 0, 0)>
module attributes {stable_mosaic.version = 14 : i64} {
  func.func @_sc_gather_body(%arg0: i32, %arg1: i32, %arg2: memref<4096x20xi32, #tpu.memory_space<hbm>>, %arg3: memref<125000x8x50xf32, #tpu.memory_space<hbm>>, %arg4: memref<5x16384x50xf32, #tpu.memory_space<hbm>>, %arg5: memref<128x20xi32, #tpu.memory_space<vmem>>, %arg6: memref<2x20x8x50xf32, #tpu.memory_space<vmem>>, %arg7: memref<5x8x50xf32, #tpu.memory_space<vmem>>, %arg8: memref<!tpu.dma_semaphore, #tpu.memory_space<semaphore_mem>>, %arg9: memref<!tpu.dma_semaphore, #tpu.memory_space<semaphore_mem>>) attributes {dimension_semantics = [#tpu.dimension_semantics<core_parallel>, #tpu.dimension_semantics<subcore_parallel>], iteration_bounds = array<i64: 2, 16>, scalar_prefetch = 0 : i64, scratch_operands = 5 : i64, tpu.core_type = #tpu.core_type<sc_vector_subcore>, window_params = [{transform_indices = #map}, {transform_indices = #map1}, {transform_indices = #map1}]} {
    %mul3A = arith.constant 2 : i32
    %mul3A_0 = arith.muli %arg1, %mul3A : i32
    %add3A = arith.addi %mul3A_0, %arg0 : i32
    %mul3A_1 = arith.constant 512 : i32
    %mul3A_2 = arith.muli %add3A, %mul3A_1 : i32
    %mul3A_3 = arith.constant 128 : i32
    %mul3A_4 = arith.muli %add3A, %mul3A_3 : i32
    %multiple_of3A = tpu.assume_multiple %mul3A_4, 128 : i32
    "tpu.region"() ({
      %run_scoped3A = tpu.sem_alloc : memref<!tpu.dma_semaphore, #tpu.memory_space<semaphore_mem>>
      %dma_start3A_455 = arith.constant 0 : i32
      %dma_start3A_456 = tpu.memref_slice %arg2[%multiple_of3A, %dma_start3A_455] : memref<4096x20xi32, #tpu.memory_space<hbm>> -> memref<128x20xi32, #tpu.memory_space<hbm>>
      %dma_start3A_457 = arith.constant 0 : i32
      %dma_start3A_458 = tpu.memref_slice %arg2[%multiple_of3A, %dma_start3A_457] : memref<4096x20xi32, #tpu.memory_space<hbm>> -> memref<128x20xi32, #tpu.memory_space<hbm>>
      tpu.enqueue_dma source(%dma_start3A_458 : memref<128x20xi32, #tpu.memory_space<hbm>>) target(%arg5 : memref<128x20xi32, #tpu.memory_space<vmem>>) target_semaphore(%run_scoped3A : memref<!tpu.dma_semaphore, #tpu.memory_space<semaphore_mem>>)
      %dma_wait3A = arith.constant 0 : i32
      %dma_wait3A_459 = tpu.memref_slice %arg2[%multiple_of3A, %dma_wait3A] : memref<4096x20xi32, #tpu.memory_space<hbm>> -> memref<128x20xi32, #tpu.memory_space<hbm>>
      %dma_wait3A_460 = arith.constant 0 : i32
      %dma_wait3A_461 = tpu.memref_slice %arg2[%multiple_of3A, %dma_wait3A_460] : memref<4096x20xi32, #tpu.memory_space<hbm>> -> memref<128x20xi32, #tpu.memory_space<hbm>>
      tpu.wait_dma2 semaphore(%run_scoped3A : memref<!tpu.dma_semaphore, #tpu.memory_space<semaphore_mem>>) src(%dma_wait3A_461 : memref<128x20xi32, #tpu.memory_space<hbm>>) dst(%arg5 : memref<128x20xi32, #tpu.memory_space<vmem>>)
      tpu.yield
    }) : () -> ()
    %get3A = arith.constant 0 : i32
    %get3A_5 = arith.index_cast %get3A : i32 to index
    %get3A_6 = arith.constant 0 : index
    %get3A_7 = tpu.vector_load %arg5[%get3A_5, %get3A_6] {strides = array<i32>} : memref<128x20xi32, #tpu.memory_space<vmem>>, vector<1x16xi32>,
    %get3A_8 = vector.shape_cast %get3A_7 : vector<1x16xi32> to vector<16xi32>
    %get3A_9 = arith.constant 0 : i32
    %get3A_10 = arith.index_cast %get3A_9 : i32 to index
    %get3A_11 = arith.constant 4 : index
    %get3A_12 = tpu.vector_load %arg5[%get3A_10, %get3A_11] {strides = array<i32>} : memref<128x20xi32, #tpu.memory_space<vmem>>, vector<1x16xi32>,
    %get3A_13 = vector.shape_cast %get3A_12 : vector<1x16xi32> to vector<16xi32>
    %slice3A = vector.extract_strided_slice %get3A_8 {offsets = [0], sizes = [1], strides = [1]} : vector<16xi32> to vector<1xi32>
    %squeeze3A = vector.extract %slice3A[0] : i32 from vector<1xi32>
    %slice3A_14 = vector.extract_strided_slice %get3A_8 {offsets = [1], sizes = [1], strides = [1]} : vector<16xi32> to vector<1xi32>
    %squeeze3A_15 = vector.extract %slice3A_14[0] : i32 from vector<1xi32>
    %slice3A_16 = vector.extract_strided_slice %get3A_8 {offsets = [2], sizes = [1], strides = [1]} : vector<16xi32> to vector<1xi32>
    %squeeze3A_17 = vector.extract %slice3A_16[0] : i32 from vector<1xi32>
    %slice3A_18 = vector.extract_strided_slice %get3A_8 {offsets = [3], sizes = [1], strides = [1]} : vector<16xi32> to vector<1xi32>
    %squeeze3A_19 = vector.extract %slice3A_18[0] : i32 from vector<1xi32>
    %slice3A_20 = vector.extract_strided_slice %get3A_8 {offsets = [4], sizes = [1], strides = [1]} : vector<16xi32> to vector<1xi32>
    %squeeze3A_21 = vector.extract %slice3A_20[0] : i32 from vector<1xi32>
    %slice3A_22 = vector.extract_strided_slice %get3A_8 {offsets = [5], sizes = [1], strides = [1]} : vector<16xi32> to vector<1xi32>
    %squeeze3A_23 = vector.extract %slice3A_22[0] : i32 from vector<1xi32>
    %slice3A_24 = vector.extract_strided_slice %get3A_8 {offsets = [6], sizes = [1], strides = [1]} : vector<16xi32> to vector<1xi32>
    %squeeze3A_25 = vector.extract %slice3A_24[0] : i32 from vector<1xi32>
    %slice3A_26 = vector.extract_strided_slice %get3A_8 {offsets = [7], sizes = [1], strides = [1]} : vector<16xi32> to vector<1xi32>
    %squeeze3A_27 = vector.extract %slice3A_26[0] : i32 from vector<1xi32>
    %slice3A_28 = vector.extract_strided_slice %get3A_8 {offsets = [8], sizes = [1], strides = [1]} : vector<16xi32> to vector<1xi32>
    %squeeze3A_29 = vector.extract %slice3A_28[0] : i32 from vector<1xi32>
    %slice3A_30 = vector.extract_strided_slice %get3A_8 {offsets = [9], sizes = [1], strides = [1]} : vector<16xi32> to vector<1xi32>
    %squeeze3A_31 = vector.extract %slice3A_30[0] : i32 from vector<1xi32>
    %slice3A_32 = vector.extract_strided_slice %get3A_8 {offsets = [10], sizes = [1], strides = [1]} : vector<16xi32> to vector<1xi32>
    %squeeze3A_33 = vector.extract %slice3A_32[0] : i32 from vector<1xi32>
    %slice3A_34 = vector.extract_strided_slice %get3A_8 {offsets = [11], sizes = [1], strides = [1]} : vector<16xi32> to vector<1xi32>
    %squeeze3A_35 = vector.extract %slice3A_34[0] : i32 from vector<1xi32>
    %slice3A_36 = vector.extract_strided_slice %get3A_8 {offsets = [12], sizes = [1], strides = [1]} : vector<16xi32> to vector<1xi32>
    %squeeze3A_37 = vector.extract %slice3A_36[0] : i32 from vector<1xi32>
    %slice3A_38 = vector.extract_strided_slice %get3A_8 {offsets = [13], sizes = [1], strides = [1]} : vector<16xi32> to vector<1xi32>
    %squeeze3A_39 = vector.extract %slice3A_38[0] : i32 from vector<1xi32>
    %slice3A_40 = vector.extract_strided_slice %get3A_8 {offsets = [14], sizes = [1], strides = [1]} : vector<16xi32> to vector<1xi32>
    %squeeze3A_41 = vector.extract %slice3A_40[0] : i32 from vector<1xi32>
    %slice3A_42 = vector.extract_strided_slice %get3A_8 {offsets = [15], sizes = [1], strides = [1]} : vector<16xi32> to vector<1xi32>
    %squeeze3A_43 = vector.extract %slice3A_42[0] : i32 from vector<1xi32>
    %slice3A_44 = vector.extract_strided_slice %get3A_13 {offsets = [12], sizes = [1], strides = [1]} : vector<16xi32> to vector<1xi32>
    %squeeze3A_45 = vector.extract %slice3A_44[0] : i32 from vector<1xi32>
    %slice3A_46 = vector.extract_strided_slice %get3A_13 {offsets = [13], sizes = [1], strides = [1]} : vector<16xi32> to vector<1xi32>
    %squeeze3A_47 = vector.extract %slice3A_46[0] : i32 from vector<1xi32>
    %slice3A_48 = vector.extract_strided_slice %get3A_13 {offsets = [14], sizes = [1], strides = [1]} : vector<16xi32> to vector<1xi32>
    %squeeze3A_49 = vector.extract %slice3A_48[0] : i32 from vector<1xi32>
    %slice3A_50 = vector.extract_strided_slice %get3A_13 {offsets = [15], sizes = [1], strides = [1]} : vector<16xi32> to vector<1xi32>
    %squeeze3A_51 = vector.extract %slice3A_50[0] : i32 from vector<1xi32>
    %shift_right_logical3A = arith.constant 3 : i32
    %shift_right_logical3A_52 = arith.shrui %squeeze3A, %shift_right_logical3A : i32
    %dma_start3A = arith.constant 0 : i32
    %dma_start3A_53 = arith.constant 0 : i32
    %dma_start3A_54 = arith.constant 0 : i32
    %dma_start3A_55 = arith.constant 0 : i32
    %dma_start3A_56 = tpu.memref_slice %arg6[%dma_start3A, %dma_start3A_53, %dma_start3A_54, %dma_start3A_55] : memref<2x20x8x50xf32, #tpu.memory_space<vmem>> -> memref<1x1x8x50xf32, #tpu.memory_space<vmem>>
    %dma_start3A_57 = tpu.memref_squeeze %dma_start3A_56 : memref<1x1x8x50xf32, #tpu.memory_space<vmem>> -> memref<8x50xf32, #tpu.memory_space<vmem>>
    %dma_start3A_58 = arith.constant 0 : i32
    %dma_start3A_59 = arith.constant 0 : i32
    %dma_start3A_60 = tpu.memref_slice %arg3[%shift_right_logical3A_52, %dma_start3A_58, %dma_start3A_59] : memref<125000x8x50xf32, #tpu.memory_space<hbm>> -> memref<1x8x50xf32, #tpu.memory_space<hbm>>
    %dma_start3A_61 = tpu.memref_squeeze %dma_start3A_60 : memref<1x8x50xf32, #tpu.memory_space<hbm>> -> memref<8x50xf32, #tpu.memory_space<hbm>>
    %dma_start3A_62 = arith.constant 0 : i32
    %dma_start3A_63 = arith.constant 0 : i32
    %dma_start3A_64 = tpu.memref_slice %arg6[%dma_start3A, %dma_start3A_53, %dma_start3A_62, %dma_start3A_63] : memref<2x20x8x50xf32, #tpu.memory_space<vmem>> -> memref<1x1x8x50xf32, #tpu.memory_space<vmem>>
    %dma_start3A_65 = tpu.memref_squeeze %dma_start3A_64 : memref<1x1x8x50xf32, #tpu.memory_space<vmem>> -> memref<8x50xf32, #tpu.memory_space<vmem>>
    %dma_start3A_66 = arith.constant 0 : i32
    %dma_start3A_67 = arith.constant 0 : i32
    %dma_start3A_68 = tpu.memref_slice %arg3[%shift_right_logical3A_52, %dma_start3A_66, %dma_start3A_67] : memref<125000x8x50xf32, #tpu.memory_space<hbm>> -> memref<1x8x50xf32, #tpu.memory_space<hbm>>
    %dma_start3A_69 = tpu.memref_squeeze %dma_start3A_68 : memref<1x8x50xf32, #tpu.memory_space<hbm>> -> memref<8x50xf32, #tpu.memory_space<hbm>>
    tpu.enqueue_dma source(%dma_start3A_69 : memref<8x50xf32, #tpu.memory_space<hbm>>) target(%dma_start3A_65 : memref<8x50xf32, #tpu.memory_space<vmem>>) target_semaphore(%arg8 : memref<!tpu.dma_semaphore, #tpu.memory_space<semaphore_mem>>)
    %shift_right_logical3A_70 = arith.constant 3 : i32
    %shift_right_logical3A_71 = arith.shrui %squeeze3A_15, %shift_right_logical3A_70 : i32
    %dma_start3A_72 = arith.constant 0 : i32
    %dma_start3A_73 = arith.constant 1 : i32
    %dma_start3A_74 = arith.constant 0 : i32
    %dma_start3A_75 = arith.constant 0 : i32
    %dma_start3A_76 = tpu.memref_slice %arg6[%dma_start3A_72, %dma_start3A_73, %dma_start3A_74, %dma_start3A_75] : memref<2x20x8x50xf32, #tpu.memory_space<vmem>> -> memref<1x1x8x50xf32, #tpu.memory_space<vmem>>
    %dma_start3A_77 = tpu.memref_squeeze %dma_start3A_76 : memref<1x1x8x50xf32, #tpu.memory_space<vmem>> -> memref<8x50xf32, #tpu.memory_space<vmem>>
    %dma_start3A_78 = arith.constant 0 : i32
    %dma_start3A_79 = arith.constant 0 : i32
    %dma_start3A_80 = tpu.memref_slice %arg3[%shift_right_logical3A_71, %dma_start3A_78, %dma_start3A_79] : memref<125000x8x50xf32, #tpu.memory_space<hbm>> -> memref<1x8x50xf32, #tpu.memory_space<hbm>>
    %dma_start3A_81 = tpu.memref_squeeze %dma_start3A_80 : memref<1x8x50xf32, #tpu.memory_space<hbm>> -> memref<8x50xf32, #tpu.memory_space<hbm>>
    %dma_start3A_82 = arith.constant 0 : i32
    %dma_start3A_83 = arith.constant 0 : i32
    %dma_start3A_84 = tpu.memref_slice %arg6[%dma_start3A_72, %dma_start3A_73, %dma_start3A_82, %dma_start3A_83] : memref<2x20x8x50xf32, #tpu.memory_space<vmem>> -> memref<1x1x8x50xf32, #tpu.memory_space<vmem>>
    %dma_start3A_85 = tpu.memref_squeeze %dma_start3A_84 : memref<1x1x8x50xf32, #tpu.memory_space<vmem>> -> memref<8x50xf32, #tpu.memory_space<vmem>>
    %dma_start3A_86 = arith.constant 0 : i32
    %dma_start3A_87 = arith.constant 0 : i32
    %dma_start3A_88 = tpu.memref_slice %arg3[%shift_right_logical3A_71, %dma_start3A_86, %dma_start3A_87] : memref<125000x8x50xf32, #tpu.memory_space<hbm>> -> memref<1x8x50xf32, #tpu.memory_space<hbm>>
    %dma_start3A_89 = tpu.memref_squeeze %dma_start3A_88 : memref<1x8x50xf32, #tpu.memory_space<hbm>> -> memref<8x50xf32, #tpu.memory_space<hbm>>
    tpu.enqueue_dma source(%dma_start3A_89 : memref<8x50xf32, #tpu.memory_space<hbm>>) target(%dma_start3A_85 : memref<8x50xf32, #tpu.memory_space<vmem>>) target_semaphore(%arg8 : memref<!tpu.dma_semaphore, #tpu.memory_space<semaphore_mem>>)
    %shift_right_logical3A_90 = arith.constant 3 : i32
    %shift_right_logical3A_91 = arith.shrui %squeeze3A_17, %shift_right_logical3A_90 : i32
    %dma_start3A_92 = arith.constant 0 : i32
    %dma_start3A_93 = arith.constant 2 : i32
    %dma_start3A_94 = arith.constant 0 : i32
    %dma_start3A_95 = arith.constant 0 : i32
    %dma_start3A_96 = tpu.memref_slice %arg6[%dma_start3A_92, %dma_start3A_93, %dma_start3A_94, %dma_start3A_95] : memref<2x20x8x50xf32, #tpu.memory_space<vmem>> -> memref<1x1x8x50xf32, #tpu.memory_space<vmem>>
    %dma_start3A_97 = tpu.memref_squeeze %dma_start3A_96 : memref<1x1x8x50xf32, #tpu.memory_space<vmem>> -> memref<8x50xf32, #tpu.memory_space<vmem>>
    %dma_start3A_98 = arith.constant 0 : i32
    %dma_start3A_99 = arith.constant 0 : i32
    %dma_start3A_100 = tpu.memref_slice %arg3[%shift_right_logical3A_91, %dma_start3A_98, %dma_start3A_99] : memref<125000x8x50xf32, #tpu.memory_space<hbm>> -> memref<1x8x50xf32, #tpu.memory_space<hbm>>
    %dma_start3A_101 = tpu.memref_squeeze %dma_start3A_100 : memref<1x8x50xf32, #tpu.memory_space<hbm>> -> memref<8x50xf32, #tpu.memory_space<hbm>>
    %dma_start3A_102 = arith.constant 0 : i32
    %dma_start3A_103 = arith.constant 0 : i32
    %dma_start3A_104 = tpu.memref_slice %arg6[%dma_start3A_92, %dma_start3A_93, %dma_start3A_102, %dma_start3A_103] : memref<2x20x8x50xf32, #tpu.memory_space<vmem>> -> memref<1x1x8x50xf32, #tpu.memory_space<vmem>>
    %dma_start3A_105 = tpu.memref_squeeze %dma_start3A_104 : memref<1x1x8x50xf32, #tpu.memory_space<vmem>> -> memref<8x50xf32, #tpu.memory_space<vmem>>
    %dma_start3A_106 = arith.constant 0 : i32
    %dma_start3A_107 = arith.constant 0 : i32
    %dma_start3A_108 = tpu.memref_slice %arg3[%shift_right_logical3A_91, %dma_start3A_106, %dma_start3A_107] : memref<125000x8x50xf32, #tpu.memory_space<hbm>> -> memref<1x8x50xf32, #tpu.memory_space<hbm>>
    %dma_start3A_109 = tpu.memref_squeeze %dma_start3A_108 : memref<1x8x50xf32, #tpu.memory_space<hbm>> -> memref<8x50xf32, #tpu.memory_space<hbm>>
    tpu.enqueue_dma source(%dma_start3A_109 : memref<8x50xf32, #tpu.memory_space<hbm>>) target(%dma_start3A_105 : memref<8x50xf32, #tpu.memory_space<vmem>>) target_semaphore(%arg8 : memref<!tpu.dma_semaphore, #tpu.memory_space<semaphore_mem>>)
    %shift_right_logical3A_110 = arith.constant 3 : i32
    %shift_right_logical3A_111 = arith.shrui %squeeze3A_19, %shift_right_logical3A_110 : i32
    %dma_start3A_112 = arith.constant 0 : i32
    %dma_start3A_113 = arith.constant 3 : i32
    %dma_start3A_114 = arith.constant 0 : i32
    %dma_start3A_115 = arith.constant 0 : i32
    %dma_start3A_116 = tpu.memref_slice %arg6[%dma_start3A_112, %dma_start3A_113, %dma_start3A_114, %dma_start3A_115] : memref<2x20x8x50xf32, #tpu.memory_space<vmem>> -> memref<1x1x8x50xf32, #tpu.memory_space<vmem>>
    %dma_start3A_117 = tpu.memref_squeeze %dma_start3A_116 : memref<1x1x8x50xf32, #tpu.memory_space<vmem>> -> memref<8x50xf32, #tpu.memory_space<vmem>>
    %dma_start3A_118 = arith.constant 0 : i32
    %dma_start3A_119 = arith.constant 0 : i32
    %dma_start3A_120 = tpu.memref_slice %arg3[%shift_right_logical3A_111, %dma_start3A_118, %dma_start3A_119] : memref<125000x8x50xf32, #tpu.memory_space<hbm>> -> memref<1x8x50xf32, #tpu.memory_space<hbm>>
    %dma_start3A_121 = tpu.memref_squeeze %dma_start3A_120 : memref<1x8x50xf32, #tpu.memory_space<hbm>> -> memref<8x50xf32, #tpu.memory_space<hbm>>
    %dma_start3A_122 = arith.constant 0 : i32
    %dma_start3A_123 = arith.constant 0 : i32
    %dma_start3A_124 = tpu.memref_slice %arg6[%dma_start3A_112, %dma_start3A_113, %dma_start3A_122, %dma_start3A_123] : memref<2x20x8x50xf32, #tpu.memory_space<vmem>> -> memref<1x1x8x50xf32, #tpu.memory_space<vmem>>
    %dma_start3A_125 = tpu.memref_squeeze %dma_start3A_124 : memref<1x1x8x50xf32, #tpu.memory_space<vmem>> -> memref<8x50xf32, #tpu.memory_space<vmem>>
    %dma_start3A_126 = arith.constant 0 : i32
    %dma_start3A_127 = arith.constant 0 : i32
    %dma_start3A_128 = tpu.memref_slice %arg3[%shift_right_logical3A_111, %dma_start3A_126, %dma_start3A_127] : memref<125000x8x50xf32, #tpu.memory_space<hbm>> -> memref<1x8x50xf32, #tpu.memory_space<hbm>>
    %dma_start3A_129 = tpu.memref_squeeze %dma_start3A_128 : memref<1x8x50xf32, #tpu.memory_space<hbm>> -> memref<8x50xf32, #tpu.memory_space<hbm>>
    tpu.enqueue_dma source(%dma_start3A_129 : memref<8x50xf32, #tpu.memory_space<hbm>>) target(%dma_start3A_125 : memref<8x50xf32, #tpu.memory_space<vmem>>) target_semaphore(%arg8 : memref<!tpu.dma_semaphore, #tpu.memory_space<semaphore_mem>>)
    %shift_right_logical3A_130 = arith.constant 3 : i32
    %shift_right_logical3A_131 = arith.shrui %squeeze3A_21, %shift_right_logical3A_130 : i32
    %dma_start3A_132 = arith.constant 0 : i32
    %dma_start3A_133 = arith.constant 4 : i32
    %dma_start3A_134 = arith.constant 0 : i32
    %dma_start3A_135 = arith.constant 0 : i32
    %dma_start3A_136 = tpu.memref_slice %arg6[%dma_start3A_132, %dma_start3A_133, %dma_start3A_134, %dma_start3A_135] : memref<2x20x8x50xf32, #tpu.memory_space<vmem>> -> memref<1x1x8x50xf32, #tpu.memory_space<vmem>>
    %dma_start3A_137 = tpu.memref_squeeze %dma_start3A_136 : memref<1x1x8x50xf32, #tpu.memory_space<vmem>> -> memref<8x50xf32, #tpu.memory_space<vmem>>
    %dma_start3A_138 = arith.constant 0 : i32
    %dma_start3A_139 = arith.constant 0 : i32
    %dma_start3A_140 = tpu.memref_slice %arg3[%shift_right_logical3A_131, %dma_start3A_138, %dma_start3A_139] : memref<125000x8x50xf32, #tpu.memory_space<hbm>> -> memref<1x8x50xf32, #tpu.memory_space<hbm>>
    %dma_start3A_141 = tpu.memref_squeeze %dma_start3A_140 : memref<1x8x50xf32, #tpu.memory_space<hbm>> -> memref<8x50xf32, #tpu.memory_space<hbm>>
    %dma_start3A_142 = arith.constant 0 : i32
    %dma_start3A_143 = arith.constant 0 : i32
    %dma_start3A_144 = tpu.memref_slice %arg6[%dma_start3A_132, %dma_start3A_133, %dma_start3A_142, %dma_start3A_143] : memref<2x20x8x50xf32, #tpu.memory_space<vmem>> -> memref<1x1x8x50xf32, #tpu.memory_space<vmem>>
    %dma_start3A_145 = tpu.memref_squeeze %dma_start3A_144 : memref<1x1x8x50xf32, #tpu.memory_space<vmem>> -> memref<8x50xf32, #tpu.memory_space<vmem>>
    %dma_start3A_146 = arith.constant 0 : i32
    %dma_start3A_147 = arith.constant 0 : i32
    %dma_start3A_148 = tpu.memref_slice %arg3[%shift_right_logical3A_131, %dma_start3A_146, %dma_start3A_147] : memref<125000x8x50xf32, #tpu.memory_space<hbm>> -> memref<1x8x50xf32, #tpu.memory_space<hbm>>
    %dma_start3A_149 = tpu.memref_squeeze %dma_start3A_148 : memref<1x8x50xf32, #tpu.memory_space<hbm>> -> memref<8x50xf32, #tpu.memory_space<hbm>>
    tpu.enqueue_dma source(%dma_start3A_149 : memref<8x50xf32, #tpu.memory_space<hbm>>) target(%dma_start3A_145 : memref<8x50xf32, #tpu.memory_space<vmem>>) target_semaphore(%arg8 : memref<!tpu.dma_semaphore, #tpu.memory_space<semaphore_mem>>)
    %shift_right_logical3A_150 = arith.constant 3 : i32
    %shift_right_logical3A_151 = arith.shrui %squeeze3A_23, %shift_right_logical3A_150 : i32
    %dma_start3A_152 = arith.constant 0 : i32
    %dma_start3A_153 = arith.constant 5 : i32
    %dma_start3A_154 = arith.constant 0 : i32
    %dma_start3A_155 = arith.constant 0 : i32
    %dma_start3A_156 = tpu.memref_slice %arg6[%dma_start3A_152, %dma_start3A_153, %dma_start3A_154, %dma_start3A_155] : memref<2x20x8x50xf32, #tpu.memory_space<vmem>> -> memref<1x1x8x50xf32, #tpu.memory_space<vmem>>
    %dma_start3A_157 = tpu.memref_squeeze %dma_start3A_156 : memref<1x1x8x50xf32, #tpu.memory_space<vmem>> -> memref<8x50xf32, #tpu.memory_space<vmem>>
    %dma_start3A_158 = arith.constant 0 : i32
    %dma_start3A_159 = arith.constant 0 : i32
    %dma_start3A_160 = tpu.memref_slice %arg3[%shift_right_logical3A_151, %dma_start3A_158, %dma_start3A_159] : memref<125000x8x50xf32, #tpu.memory_space<hbm>> -> memref<1x8x50xf32, #tpu.memory_space<hbm>>
    %dma_start3A_161 = tpu.memref_squeeze %dma_start3A_160 : memref<1x8x50xf32, #tpu.memory_space<hbm>> -> memref<8x50xf32, #tpu.memory_space<hbm>>
    %dma_start3A_162 = arith.constant 0 : i32
    %dma_start3A_163 = arith.constant 0 : i32
    %dma_start3A_164 = tpu.memref_slice %arg6[%dma_start3A_152, %dma_start3A_153, %dma_start3A_162, %dma_start3A_163] : memref<2x20x8x50xf32, #tpu.memory_space<vmem>> -> memref<1x1x8x50xf32, #tpu.memory_space<vmem>>
    %dma_start3A_165 = tpu.memref_squeeze %dma_start3A_164 : memref<1x1x8x50xf32, #tpu.memory_space<vmem>> -> memref<8x50xf32, #tpu.memory_space<vmem>>
    %dma_start3A_166 = arith.constant 0 : i32
    %dma_start3A_167 = arith.constant 0 : i32
    %dma_start3A_168 = tpu.memref_slice %arg3[%shift_right_logical3A_151, %dma_start3A_166, %dma_start3A_167] : memref<125000x8x50xf32, #tpu.memory_space<hbm>> -> memref<1x8x50xf32, #tpu.memory_space<hbm>>
    %dma_start3A_169 = tpu.memref_squeeze %dma_start3A_168 : memref<1x8x50xf32, #tpu.memory_space<hbm>> -> memref<8x50xf32, #tpu.memory_space<hbm>>
    tpu.enqueue_dma source(%dma_start3A_169 : memref<8x50xf32, #tpu.memory_space<hbm>>) target(%dma_start3A_165 : memref<8x50xf32, #tpu.memory_space<vmem>>) target_semaphore(%arg8 : memref<!tpu.dma_semaphore, #tpu.memory_space<semaphore_mem>>)
    %shift_right_logical3A_170 = arith.constant 3 : i32
    %shift_right_logical3A_171 = arith.shrui %squeeze3A_25, %shift_right_logical3A_170 : i32
    %dma_start3A_172 = arith.constant 0 : i32
    %dma_start3A_173 = arith.constant 6 : i32
    %dma_start3A_174 = arith.constant 0 : i32
    %dma_start3A_175 = arith.constant 0 : i32
    %dma_start3A_176 = tpu.memref_slice %arg6[%dma_start3A_172, %dma_start3A_173, %dma_start3A_174, %dma_start3A_175] : memref<2x20x8x50xf32, #tpu.memory_space<vmem>> -> memref<1x1x8x50xf32, #tpu.memory_space<vmem>>
    %dma_start3A_177 = tpu.memref_squeeze %dma_start3A_176 : memref<1x1x8x50xf32, #tpu.memory_space<vmem>> -> memref<8x50xf32, #tpu.memory_space<vmem>>
    %dma_start3A_178 = arith.constant 0 : i32
    %dma_start3A_179 = arith.constant 0 : i32
    %dma_start3A_180 = tpu.memref_slice %arg3[%shift_right_logical3A_171, %dma_start3A_178, %dma_start3A_179] : memref<125000x8x50xf32, #tpu.memory_space<hbm>> -> memref<1x8x50xf32, #tpu.memory_space<hbm>>
    %dma_start3A_181 = tpu.memref_squeeze %dma_start3A_180 : memref<1x8x50xf32, #tpu.memory_space<hbm>> -> memref<8x50xf32, #tpu.memory_space<hbm>>
    %dma_start3A_182 = arith.constant 0 : i32
    %dma_start3A_183 = arith.constant 0 : i32
    %dma_start3A_184 = tpu.memref_slice %arg6[%dma_start3A_172, %dma_start3A_173, %dma_start3A_182, %dma_start3A_183] : memref<2x20x8x50xf32, #tpu.memory_space<vmem>> -> memref<1x1x8x50xf32, #tpu.memory_space<vmem>>
    %dma_start3A_185 = tpu.memref_squeeze %dma_start3A_184 : memref<1x1x8x50xf32, #tpu.memory_space<vmem>> -> memref<8x50xf32, #tpu.memory_space<vmem>>
    %dma_start3A_186 = arith.constant 0 : i32
    %dma_start3A_187 = arith.constant 0 : i32
    %dma_start3A_188 = tpu.memref_slice %arg3[%shift_right_logical3A_171, %dma_start3A_186, %dma_start3A_187] : memref<125000x8x50xf32, #tpu.memory_space<hbm>> -> memref<1x8x50xf32, #tpu.memory_space<hbm>>
    %dma_start3A_189 = tpu.memref_squeeze %dma_start3A_188 : memref<1x8x50xf32, #tpu.memory_space<hbm>> -> memref<8x50xf32, #tpu.memory_space<hbm>>
    tpu.enqueue_dma source(%dma_start3A_189 : memref<8x50xf32, #tpu.memory_space<hbm>>) target(%dma_start3A_185 : memref<8x50xf32, #tpu.memory_space<vmem>>) target_semaphore(%arg8 : memref<!tpu.dma_semaphore, #tpu.memory_space<semaphore_mem>>)
    %shift_right_logical3A_190 = arith.constant 3 : i32
    %shift_right_logical3A_191 = arith.shrui %squeeze3A_27, %shift_right_logical3A_190 : i32
    %dma_start3A_192 = arith.constant 0 : i32
    %dma_start3A_193 = arith.constant 7 : i32
    %dma_start3A_194 = arith.constant 0 : i32
    %dma_start3A_195 = arith.constant 0 : i32
    %dma_start3A_196 = tpu.memref_slice %arg6[%dma_start3A_192, %dma_start3A_193, %dma_start3A_194, %dma_start3A_195] : memref<2x20x8x50xf32, #tpu.memory_space<vmem>> -> memref<1x1x8x50xf32, #tpu.memory_space<vmem>>
    %dma_start3A_197 = tpu.memref_squeeze %dma_start3A_196 : memref<1x1x8x50xf32, #tpu.memory_space<vmem>> -> memref<8x50xf32, #tpu.memory_space<vmem>>
    %dma_start3A_198 = arith.constant 0 : i32
    %dma_start3A_199 = arith.constant 0 : i32
    %dma_start3A_200 = tpu.memref_slice %arg3[%shift_right_logical3A_191, %dma_start3A_198, %dma_start3A_199] : memref<125000x8x50xf32, #tpu.memory_space<hbm>> -> memref<1x8x50xf32, #tpu.memory_space<hbm>>
    %dma_start3A_201 = tpu.memref_squeeze %dma_start3A_200 : memref<1x8x50xf32, #tpu.memory_space<hbm>> -> memref<8x50xf32, #tpu.memory_space<hbm>>
    %dma_start3A_202 = arith.constant 0 : i32
    %dma_start3A_203 = arith.constant 0 : i32
    %dma_start3A_204 = tpu.memref_slice %arg6[%dma_start3A_192, %dma_start3A_193, %dma_start3A_202, %dma_start3A_203] : memref<2x20x8x50xf32, #tpu.memory_space<vmem>> -> memref<1x1x8x50xf32, #tpu.memory_space<vmem>>
    %dma_start3A_205 = tpu.memref_squeeze %dma_start3A_204 : memref<1x1x8x50xf32, #tpu.memory_space<vmem>> -> memref<8x50xf32, #tpu.memory_space<vmem>>
    %dma_start3A_206 = arith.constant 0 : i32
    %dma_start3A_207 = arith.constant 0 : i32
    %dma_start3A_208 = tpu.memref_slice %arg3[%shift_right_logical3A_191, %dma_start3A_206, %dma_start3A_207] : memref<125000x8x50xf32, #tpu.memory_space<hbm>> -> memref<1x8x50xf32, #tpu.memory_space<hbm>>
    %dma_start3A_209 = tpu.memref_squeeze %dma_start3A_208 : memref<1x8x50xf32, #tpu.memory_space<hbm>> -> memref<8x50xf32, #tpu.memory_space<hbm>>
    tpu.enqueue_dma source(%dma_start3A_209 : memref<8x50xf32, #tpu.memory_space<hbm>>) target(%dma_start3A_205 : memref<8x50xf32, #tpu.memory_space<vmem>>) target_semaphore(%arg8 : memref<!tpu.dma_semaphore, #tpu.memory_space<semaphore_mem>>)
    %shift_right_logical3A_210 = arith.constant 3 : i32
    %shift_right_logical3A_211 = arith.shrui %squeeze3A_29, %shift_right_logical3A_210 : i32
    %dma_start3A_212 = arith.constant 0 : i32
    %dma_start3A_213 = arith.constant 8 : i32
    %dma_start3A_214 = arith.constant 0 : i32
    %dma_start3A_215 = arith.constant 0 : i32
    %dma_start3A_216 = tpu.memref_slice %arg6[%dma_start3A_212, %dma_start3A_213, %dma_start3A_214, %dma_start3A_215] : memref<2x20x8x50xf32, #tpu.memory_space<vmem>> -> memref<1x1x8x50xf32, #tpu.memory_space<vmem>>
    %dma_start3A_217 = tpu.memref_squeeze %dma_start3A_216 : memref<1x1x8x50xf32, #tpu.memory_space<vmem>> -> memref<8x50xf32, #tpu.memory_space<vmem>>
    %dma_start3A_218 = arith.constant 0 : i32
    %dma_start3A_219 = arith.constant 0 : i32
    %dma_start3A_220 = tpu.memref_slice %arg3[%shift_right_logical3A_211, %dma_start3A_218, %dma_start3A_219] : memref<125000x8x50xf32, #tpu.memory_space<hbm>> -> memref<1x8x50xf32, #tpu.memory_space<hbm>>
    %dma_start3A_221 = tpu.memref_squeeze %dma_start3A_220 : memref<1x8x50xf32, #tpu.memory_space<hbm>> -> memref<8x50xf32, #tpu.memory_space<hbm>>
    %dma_start3A_222 = arith.constant 0 : i32
    %dma_start3A_223 = arith.constant 0 : i32
    %dma_start3A_224 = tpu.memref_slice %arg6[%dma_start3A_212, %dma_start3A_213, %dma_start3A_222, %dma_start3A_223] : memref<2x20x8x50xf32, #tpu.memory_space<vmem>> -> memref<1x1x8x50xf32, #tpu.memory_space<vmem>>
    %dma_start3A_225 = tpu.memref_squeeze %dma_start3A_224 : memref<1x1x8x50xf32, #tpu.memory_space<vmem>> -> memref<8x50xf32, #tpu.memory_space<vmem>>
    %dma_start3A_226 = arith.constant 0 : i32
    %dma_start3A_227 = arith.constant 0 : i32
    %dma_start3A_228 = tpu.memref_slice %arg3[%shift_right_logical3A_211, %dma_start3A_226, %dma_start3A_227] : memref<125000x8x50xf32, #tpu.memory_space<hbm>> -> memref<1x8x50xf32, #tpu.memory_space<hbm>>
    %dma_start3A_229 = tpu.memref_squeeze %dma_start3A_228 : memref<1x8x50xf32, #tpu.memory_space<hbm>> -> memref<8x50xf32, #tpu.memory_space<hbm>>
    tpu.enqueue_dma source(%dma_start3A_229 : memref<8x50xf32, #tpu.memory_space<hbm>>) target(%dma_start3A_225 : memref<8x50xf32, #tpu.memory_space<vmem>>) target_semaphore(%arg8 : memref<!tpu.dma_semaphore, #tpu.memory_space<semaphore_mem>>)
    %shift_right_logical3A_230 = arith.constant 3 : i32
    %shift_right_logical3A_231 = arith.shrui %squeeze3A_31, %shift_right_logical3A_230 : i32
    %dma_start3A_232 = arith.constant 0 : i32
    %dma_start3A_233 = arith.constant 9 : i32
    %dma_start3A_234 = arith.constant 0 : i32
    %dma_start3A_235 = arith.constant 0 : i32
    %dma_start3A_236 = tpu.memref_slice %arg6[%dma_start3A_232, %dma_start3A_233, %dma_start3A_234, %dma_start3A_235] : memref<2x20x8x50xf32, #tpu.memory_space<vmem>> -> memref<1x1x8x50xf32, #tpu.memory_space<vmem>>
    %dma_start3A_237 = tpu.memref_squeeze %dma_start3A_236 : memref<1x1x8x50xf32, #tpu.memory_space<vmem>> -> memref<8x50xf32, #tpu.memory_space<vmem>>
    %dma_start3A_238 = arith.constant 0 : i32
    %dma_start3A_239 = arith.constant 0 : i32
    %dma_start3A_240 = tpu.memref_slice %arg3[%shift_right_logical3A_231, %dma_start3A_238, %dma_start3A_239] : memref<125000x8x50xf32, #tpu.memory_space<hbm>> -> memref<1x8x50xf32, #tpu.memory_space<hbm>>
    %dma_start3A_241 = tpu.memref_squeeze %dma_start3A_240 : memref<1x8x50xf32, #tpu.memory_space<hbm>> -> memref<8x50xf32, #tpu.memory_space<hbm>>
    %dma_start3A_242 = arith.constant 0 : i32
    %dma_start3A_243 = arith.constant 0 : i32
    %dma_start3A_244 = tpu.memref_slice %arg6[%dma_start3A_232, %dma_start3A_233, %dma_start3A_242, %dma_start3A_243] : memref<2x20x8x50xf32, #tpu.memory_space<vmem>> -> memref<1x1x8x50xf32, #tpu.memory_space<vmem>>
    %dma_start3A_245 = tpu.memref_squeeze %dma_start3A_244 : memref<1x1x8x50xf32, #tpu.memory_space<vmem>> -> memref<8x50xf32, #tpu.memory_space<vmem>>
    %dma_start3A_246 = arith.constant 0 : i32
    %dma_start3A_247 = arith.constant 0 : i32
    %dma_start3A_248 = tpu.memref_slice %arg3[%shift_right_logical3A_231, %dma_start3A_246, %dma_start3A_247] : memref<125000x8x50xf32, #tpu.memory_space<hbm>> -> memref<1x8x50xf32, #tpu.memory_space<hbm>>
    %dma_start3A_249 = tpu.memref_squeeze %dma_start3A_248 : memref<1x8x50xf32, #tpu.memory_space<hbm>> -> memref<8x50xf32, #tpu.memory_space<hbm>>
    tpu.enqueue_dma source(%dma_start3A_249 : memref<8x50xf32, #tpu.memory_space<hbm>>) target(%dma_start3A_245 : memref<8x50xf32, #tpu.memory_space<vmem>>) target_semaphore(%arg8 : memref<!tpu.dma_semaphore, #tpu.memory_space<semaphore_mem>>)
    %shift_right_logical3A_250 = arith.constant 3 : i32
    %shift_right_logical3A_251 = arith.shrui %squeeze3A_33, %shift_right_logical3A_250 : i32
    %dma_start3A_252 = arith.constant 0 : i32
    %dma_start3A_253 = arith.constant 10 : i32
    %dma_start3A_254 = arith.constant 0 : i32
    %dma_start3A_255 = arith.constant 0 : i32
    %dma_start3A_256 = tpu.memref_slice %arg6[%dma_start3A_252, %dma_start3A_253, %dma_start3A_254, %dma_start3A_255] : memref<2x20x8x50xf32, #tpu.memory_space<vmem>> -> memref<1x1x8x50xf32, #tpu.memory_space<vmem>>
    %dma_start3A_257 = tpu.memref_squeeze %dma_start3A_256 : memref<1x1x8x50xf32, #tpu.memory_space<vmem>> -> memref<8x50xf32, #tpu.memory_space<vmem>>
    %dma_start3A_258 = arith.constant 0 : i32
    %dma_start3A_259 = arith.constant 0 : i32
    %dma_start3A_260 = tpu.memref_slice %arg3[%shift_right_logical3A_251, %dma_start3A_258, %dma_start3A_259] : memref<125000x8x50xf32, #tpu.memory_space<hbm>> -> memref<1x8x50xf32, #tpu.memory_space<hbm>>
    %dma_start3A_261 = tpu.memref_squeeze %dma_start3A_260 : memref<1x8x50xf32, #tpu.memory_space<hbm>> -> memref<8x50xf32, #tpu.memory_space<hbm>>
    %dma_start3A_262 = arith.constant 0 : i32
    %dma_start3A_263 = arith.constant 0 : i32
    %dma_start3A_264 = tpu.memref_slice %arg6[%dma_start3A_252, %dma_start3A_253, %dma_start3A_262, %dma_start3A_263] : memref<2x20x8x50xf32, #tpu.memory_space<vmem>> -> memref<1x1x8x50xf32, #tpu.memory_space<vmem>>
    %dma_start3A_265 = tpu.memref_squeeze %dma_start3A_264 : memref<1x1x8x50xf32, #tpu.memory_space<vmem>> -> memref<8x50xf32, #tpu.memory_space<vmem>>
    %dma_start3A_266 = arith.constant 0 : i32
    %dma_start3A_267 = arith.constant 0 : i32
    %dma_start3A_268 = tpu.memref_slice %arg3[%shift_right_logical3A_251, %dma_start3A_266, %dma_start3A_267] : memref<125000x8x50xf32, #tpu.memory_space<hbm>> -> memref<1x8x50xf32, #tpu.memory_space<hbm>>
    %dma_start3A_269 = tpu.memref_squeeze %dma_start3A_268 : memref<1x8x50xf32, #tpu.memory_space<hbm>> -> memref<8x50xf32, #tpu.memory_space<hbm>>
    tpu.enqueue_dma source(%dma_start3A_269 : memref<8x50xf32, #tpu.memory_space<hbm>>) target(%dma_start3A_265 : memref<8x50xf32, #tpu.memory_space<vmem>>) target_semaphore(%arg8 : memref<!tpu.dma_semaphore, #tpu.memory_space<semaphore_mem>>)
    %shift_right_logical3A_270 = arith.constant 3 : i32
    %shift_right_logical3A_271 = arith.shrui %squeeze3A_35, %shift_right_logical3A_270 : i32
    %dma_start3A_272 = arith.constant 0 : i32
    %dma_start3A_273 = arith.constant 11 : i32
    %dma_start3A_274 = arith.constant 0 : i32
    %dma_start3A_275 = arith.constant 0 : i32
    %dma_start3A_276 = tpu.memref_slice %arg6[%dma_start3A_272, %dma_start3A_273, %dma_start3A_274, %dma_start3A_275] : memref<2x20x8x50xf32, #tpu.memory_space<vmem>> -> memref<1x1x8x50xf32, #tpu.memory_space<vmem>>
    %dma_start3A_277 = tpu.memref_squeeze %dma_start3A_276 : memref<1x1x8x50xf32, #tpu.memory_space<vmem>> -> memref<8x50xf32, #tpu.memory_space<vmem>>
    %dma_start3A_278 = arith.constant 0 : i32
    %dma_start3A_279 = arith.constant 0 : i32
    %dma_start3A_280 = tpu.memref_slice %arg3[%shift_right_logical3A_271, %dma_start3A_278, %dma_start3A_279] : memref<125000x8x50xf32, #tpu.memory_space<hbm>> -> memref<1x8x50xf32, #tpu.memory_space<hbm>>
    %dma_start3A_281 = tpu.memref_squeeze %dma_start3A_280 : memref<1x8x50xf32, #tpu.memory_space<hbm>> -> memref<8x50xf32, #tpu.memory_space<hbm>>
    %dma_start3A_282 = arith.constant 0 : i32
    %dma_start3A_283 = arith.constant 0 : i32
    %dma_start3A_284 = tpu.memref_slice %arg6[%dma_start3A_272, %dma_start3A_273, %dma_start3A_282, %dma_start3A_283] : memref<2x20x8x50xf32, #tpu.memory_space<vmem>> -> memref<1x1x8x50xf32, #tpu.memory_space<vmem>>
    %dma_start3A_285 = tpu.memref_squeeze %dma_start3A_284 : memref<1x1x8x50xf32, #tpu.memory_space<vmem>> -> memref<8x50xf32, #tpu.memory_space<vmem>>
    %dma_start3A_286 = arith.constant 0 : i32
    %dma_start3A_287 = arith.constant 0 : i32
    %dma_start3A_288 = tpu.memref_slice %arg3[%shift_right_logical3A_271, %dma_start3A_286, %dma_start3A_287] : memref<125000x8x50xf32, #tpu.memory_space<hbm>> -> memref<1x8x50xf32, #tpu.memory_space<hbm>>
    %dma_start3A_289 = tpu.memref_squeeze %dma_start3A_288 : memref<1x8x50xf32, #tpu.memory_space<hbm>> -> memref<8x50xf32, #tpu.memory_space<hbm>>
    tpu.enqueue_dma source(%dma_start3A_289 : memref<8x50xf32, #tpu.memory_space<hbm>>) target(%dma_start3A_285 : memref<8x50xf32, #tpu.memory_space<vmem>>) target_semaphore(%arg8 : memref<!tpu.dma_semaphore, #tpu.memory_space<semaphore_mem>>)
    %shift_right_logical3A_290 = arith.constant 3 : i32
    %shift_right_logical3A_291 = arith.shrui %squeeze3A_37, %shift_right_logical3A_290 : i32
    %dma_start3A_292 = arith.constant 0 : i32
    %dma_start3A_293 = arith.constant 12 : i32
    %dma_start3A_294 = arith.constant 0 : i32
    %dma_start3A_295 = arith.constant 0 : i32
    %dma_start3A_296 = tpu.memref_slice %arg6[%dma_start3A_292, %dma_start3A_293, %dma_start3A_294, %dma_start3A_295] : memref<2x20x8x50xf32, #tpu.memory_space<vmem>> -> memref<1x1x8x50xf32, #tpu.memory_space<vmem>>
    %dma_start3A_297 = tpu.memref_squeeze %dma_start3A_296 : memref<1x1x8x50xf32, #tpu.memory_space<vmem>> -> memref<8x50xf32, #tpu.memory_space<vmem>>
    %dma_start3A_298 = arith.constant 0 : i32
    %dma_start3A_299 = arith.constant 0 : i32
    %dma_start3A_300 = tpu.memref_slice %arg3[%shift_right_logical3A_291, %dma_start3A_298, %dma_start3A_299] : memref<125000x8x50xf32, #tpu.memory_space<hbm>> -> memref<1x8x50xf32, #tpu.memory_space<hbm>>
    %dma_start3A_301 = tpu.memref_squeeze %dma_start3A_300 : memref<1x8x50xf32, #tpu.memory_space<hbm>> -> memref<8x50xf32, #tpu.memory_space<hbm>>
    %dma_start3A_302 = arith.constant 0 : i32
    %dma_start3A_303 = arith.constant 0 : i32
    %dma_start3A_304 = tpu.memref_slice %arg6[%dma_start3A_292, %dma_start3A_293, %dma_start3A_302, %dma_start3A_303] : memref<2x20x8x50xf32, #tpu.memory_space<vmem>> -> memref<1x1x8x50xf32, #tpu.memory_space<vmem>>
    %dma_start3A_305 = tpu.memref_squeeze %dma_start3A_304 : memref<1x1x8x50xf32, #tpu.memory_space<vmem>> -> memref<8x50xf32, #tpu.memory_space<vmem>>
    %dma_start3A_306 = arith.constant 0 : i32
    %dma_start3A_307 = arith.constant 0 : i32
    %dma_start3A_308 = tpu.memref_slice %arg3[%shift_right_logical3A_291, %dma_start3A_306, %dma_start3A_307] : memref<125000x8x50xf32, #tpu.memory_space<hbm>> -> memref<1x8x50xf32, #tpu.memory_space<hbm>>
    %dma_start3A_309 = tpu.memref_squeeze %dma_start3A_308 : memref<1x8x50xf32, #tpu.memory_space<hbm>> -> memref<8x50xf32, #tpu.memory_space<hbm>>
    tpu.enqueue_dma source(%dma_start3A_309 : memref<8x50xf32, #tpu.memory_space<hbm>>) target(%dma_start3A_305 : memref<8x50xf32, #tpu.memory_space<vmem>>) target_semaphore(%arg8 : memref<!tpu.dma_semaphore, #tpu.memory_space<semaphore_mem>>)
    %shift_right_logical3A_310 = arith.constant 3 : i32
    %shift_right_logical3A_311 = arith.shrui %squeeze3A_39, %shift_right_logical3A_310 : i32
    %dma_start3A_312 = arith.constant 0 : i32
    %dma_start3A_313 = arith.constant 13 : i32
    %dma_start3A_314 = arith.constant 0 : i32
    %dma_start3A_315 = arith.constant 0 : i32
    %dma_start3A_316 = tpu.memref_slice %arg6[%dma_start3A_312, %dma_start3A_313, %dma_start3A_314, %dma_start3A_315] : memref<2x20x8x50xf32, #tpu.memory_space<vmem>> -> memref<1x1x8x50xf32, #tpu.memory_space<vmem>>
    %dma_start3A_317 = tpu.memref_squeeze %dma_start3A_316 : memref<1x1x8x50xf32, #tpu.memory_space<vmem>> -> memref<8x50xf32, #tpu.memory_space<vmem>>
    %dma_start3A_318 = arith.constant 0 : i32
    %dma_start3A_319 = arith.constant 0 : i32
    %dma_start3A_320 = tpu.memref_slice %arg3[%shift_right_logical3A_311, %dma_start3A_318, %dma_start3A_319] : memref<125000x8x50xf32, #tpu.memory_space<hbm>> -> memref<1x8x50xf32, #tpu.memory_space<hbm>>
    %dma_start3A_321 = tpu.memref_squeeze %dma_start3A_320 : memref<1x8x50xf32, #tpu.memory_space<hbm>> -> memref<8x50xf32, #tpu.memory_space<hbm>>
    %dma_start3A_322 = arith.constant 0 : i32
    %dma_start3A_323 = arith.constant 0 : i32
    %dma_start3A_324 = tpu.memref_slice %arg6[%dma_start3A_312, %dma_start3A_313, %dma_start3A_322, %dma_start3A_323] : memref<2x20x8x50xf32, #tpu.memory_space<vmem>> -> memref<1x1x8x50xf32, #tpu.memory_space<vmem>>
    %dma_start3A_325 = tpu.memref_squeeze %dma_start3A_324 : memref<1x1x8x50xf32, #tpu.memory_space<vmem>> -> memref<8x50xf32, #tpu.memory_space<vmem>>
    %dma_start3A_326 = arith.constant 0 : i32
    %dma_start3A_327 = arith.constant 0 : i32
    %dma_start3A_328 = tpu.memref_slice %arg3[%shift_right_logical3A_311, %dma_start3A_326, %dma_start3A_327] : memref<125000x8x50xf32, #tpu.memory_space<hbm>> -> memref<1x8x50xf32, #tpu.memory_space<hbm>>
    %dma_start3A_329 = tpu.memref_squeeze %dma_start3A_328 : memref<1x8x50xf32, #tpu.memory_space<hbm>> -> memref<8x50xf32, #tpu.memory_space<hbm>>
    tpu.enqueue_dma source(%dma_start3A_329 : memref<8x50xf32, #tpu.memory_space<hbm>>) target(%dma_start3A_325 : memref<8x50xf32, #tpu.memory_space<vmem>>) target_semaphore(%arg8 : memref<!tpu.dma_semaphore, #tpu.memory_space<semaphore_mem>>)
    %shift_right_logical3A_330 = arith.constant 3 : i32
    %shift_right_logical3A_331 = arith.shrui %squeeze3A_41, %shift_right_logical3A_330 : i32
    %dma_start3A_332 = arith.constant 0 : i32
    %dma_start3A_333 = arith.constant 14 : i32
    %dma_start3A_334 = arith.constant 0 : i32
    %dma_start3A_335 = arith.constant 0 : i32
    %dma_start3A_336 = tpu.memref_slice %arg6[%dma_start3A_332, %dma_start3A_333, %dma_start3A_334, %dma_start3A_335] : memref<2x20x8x50xf32, #tpu.memory_space<vmem>> -> memref<1x1x8x50xf32, #tpu.memory_space<vmem>>
    %dma_start3A_337 = tpu.memref_squeeze %dma_start3A_336 : memref<1x1x8x50xf32, #tpu.memory_space<vmem>> -> memref<8x50xf32, #tpu.memory_space<vmem>>
    %dma_start3A_338 = arith.constant 0 : i32
    %dma_start3A_339 = arith.constant 0 : i32
    %dma_start3A_340 = tpu.memref_slice %arg3[%shift_right_logical3A_331, %dma_start3A_338, %dma_start3A_339] : memref<125000x8x50xf32, #tpu.memory_space<hbm>> -> memref<1x8x50xf32, #tpu.memory_space<hbm>>
    %dma_start3A_341 = tpu.memref_squeeze %dma_start3A_340 : memref<1x8x50xf32, #tpu.memory_space<hbm>> -> memref<8x50xf32, #tpu.memory_space<hbm>>
    %dma_start3A_342 = arith.constant 0 : i32
    %dma_start3A_343 = arith.constant 0 : i32
    %dma_start3A_344 = tpu.memref_slice %arg6[%dma_start3A_332, %dma_start3A_333, %dma_start3A_342, %dma_start3A_343] : memref<2x20x8x50xf32, #tpu.memory_space<vmem>> -> memref<1x1x8x50xf32, #tpu.memory_space<vmem>>
    %dma_start3A_345 = tpu.memref_squeeze %dma_start3A_344 : memref<1x1x8x50xf32, #tpu.memory_space<vmem>> -> memref<8x50xf32, #tpu.memory_space<vmem>>
    %dma_start3A_346 = arith.constant 0 : i32
    %dma_start3A_347 = arith.constant 0 : i32
    %dma_start3A_348 = tpu.memref_slice %arg3[%shift_right_logical3A_331, %dma_start3A_346, %dma_start3A_347] : memref<125000x8x50xf32, #tpu.memory_space<hbm>> -> memref<1x8x50xf32, #tpu.memory_space<hbm>>
    %dma_start3A_349 = tpu.memref_squeeze %dma_start3A_348 : memref<1x8x50xf32, #tpu.memory_space<hbm>> -> memref<8x50xf32, #tpu.memory_space<hbm>>
    tpu.enqueue_dma source(%dma_start3A_349 : memref<8x50xf32, #tpu.memory_space<hbm>>) target(%dma_start3A_345 : memref<8x50xf32, #tpu.memory_space<vmem>>) target_semaphore(%arg8 : memref<!tpu.dma_semaphore, #tpu.memory_space<semaphore_mem>>)
    %shift_right_logical3A_350 = arith.constant 3 : i32
    %shift_right_logical3A_351 = arith.shrui %squeeze3A_43, %shift_right_logical3A_350 : i32
    %dma_start3A_352 = arith.constant 0 : i32
    %dma_start3A_353 = arith.constant 15 : i32
    %dma_start3A_354 = arith.constant 0 : i32
    %dma_start3A_355 = arith.constant 0 : i32
    %dma_start3A_356 = tpu.memref_slice %arg6[%dma_start3A_352, %dma_start3A_353, %dma_start3A_354, %dma_start3A_355] : memref<2x20x8x50xf32, #tpu.memory_space<vmem>> -> memref<1x1x8x50xf32, #tpu.memory_space<vmem>>
    %dma_start3A_357 = tpu.memref_squeeze %dma_start3A_356 : memref<1x1x8x50xf32, #tpu.memory_space<vmem>> -> memref<8x50xf32, #tpu.memory_space<vmem>>
    %dma_start3A_358 = arith.constant 0 : i32
    %dma_start3A_359 = arith.constant 0 : i32
    %dma_start3A_360 = tpu.memref_slice %arg3[%shift_right_logical3A_351, %dma_start3A_358, %dma_start3A_359] : memref<125000x8x50xf32, #tpu.memory_space<hbm>> -> memref<1x8x50xf32, #tpu.memory_space<hbm>>
    %dma_start3A_361 = tpu.memref_squeeze %dma_start3A_360 : memref<1x8x50xf32, #tpu.memory_space<hbm>> -> memref<8x50xf32, #tpu.memory_space<hbm>>
    %dma_start3A_362 = arith.constant 0 : i32
    %dma_start3A_363 = arith.constant 0 : i32
    %dma_start3A_364 = tpu.memref_slice %arg6[%dma_start3A_352, %dma_start3A_353, %dma_start3A_362, %dma_start3A_363] : memref<2x20x8x50xf32, #tpu.memory_space<vmem>> -> memref<1x1x8x50xf32, #tpu.memory_space<vmem>>
    %dma_start3A_365 = tpu.memref_squeeze %dma_start3A_364 : memref<1x1x8x50xf32, #tpu.memory_space<vmem>> -> memref<8x50xf32, #tpu.memory_space<vmem>>
    %dma_start3A_366 = arith.constant 0 : i32
    %dma_start3A_367 = arith.constant 0 : i32
    %dma_start3A_368 = tpu.memref_slice %arg3[%shift_right_logical3A_351, %dma_start3A_366, %dma_start3A_367] : memref<125000x8x50xf32, #tpu.memory_space<hbm>> -> memref<1x8x50xf32, #tpu.memory_space<hbm>>
    %dma_start3A_369 = tpu.memref_squeeze %dma_start3A_368 : memref<1x8x50xf32, #tpu.memory_space<hbm>> -> memref<8x50xf32, #tpu.memory_space<hbm>>
    tpu.enqueue_dma source(%dma_start3A_369 : memref<8x50xf32, #tpu.memory_space<hbm>>) target(%dma_start3A_365 : memref<8x50xf32, #tpu.memory_space<vmem>>) target_semaphore(%arg8 : memref<!tpu.dma_semaphore, #tpu.memory_space<semaphore_mem>>)
    %shift_right_logical3A_370 = arith.constant 3 : i32
    %shift_right_logical3A_371 = arith.shrui %squeeze3A_45, %shift_right_logical3A_370 : i32
    %dma_start3A_372 = arith.constant 0 : i32
    %dma_start3A_373 = arith.constant 16 : i32
    %dma_start3A_374 = arith.constant 0 : i32
    %dma_start3A_375 = arith.constant 0 : i32
    %dma_start3A_376 = tpu.memref_slice %arg6[%dma_start3A_372, %dma_start3A_373, %dma_start3A_374, %dma_start3A_375] : memref<2x20x8x50xf32, #tpu.memory_space<vmem>> -> memref<1x1x8x50xf32, #tpu.memory_space<vmem>>
    %dma_start3A_377 = tpu.memref_squeeze %dma_start3A_376 : memref<1x1x8x50xf32, #tpu.memory_space<vmem>> -> memref<8x50xf32, #tpu.memory_space<vmem>>
    %dma_start3A_378 = arith.constant 0 : i32
    %dma_start3A_379 = arith.constant 0 : i32
    %dma_start3A_380 = tpu.memref_slice %arg3[%shift_right_logical3A_371, %dma_start3A_378, %dma_start3A_379] : memref<125000x8x50xf32, #tpu.memory_space<hbm>> -> memref<1x8x50xf32, #tpu.memory_space<hbm>>
    %dma_start3A_381 = tpu.memref_squeeze %dma_start3A_380 : memref<1x8x50xf32, #tpu.memory_space<hbm>> -> memref<8x50xf32, #tpu.memory_space<hbm>>
    %dma_start3A_382 = arith.constant 0 : i32
    %dma_start3A_383 = arith.constant 0 : i32
    %dma_start3A_384 = tpu.memref_slice %arg6[%dma_start3A_372, %dma_start3A_373, %dma_start3A_382, %dma_start3A_383] : memref<2x20x8x50xf32, #tpu.memory_space<vmem>> -> memref<1x1x8x50xf32, #tpu.memory_space<vmem>>
    %dma_start3A_385 = tpu.memref_squeeze %dma_start3A_384 : memref<1x1x8x50xf32, #tpu.memory_space<vmem>> -> memref<8x50xf32, #tpu.memory_space<vmem>>
    %dma_start3A_386 = arith.constant 0 : i32
    %dma_start3A_387 = arith.constant 0 : i32
    %dma_start3A_388 = tpu.memref_slice %arg3[%shift_right_logical3A_371, %dma_start3A_386, %dma_start3A_387] : memref<125000x8x50xf32, #tpu.memory_space<hbm>> -> memref<1x8x50xf32, #tpu.memory_space<hbm>>
    %dma_start3A_389 = tpu.memref_squeeze %dma_start3A_388 : memref<1x8x50xf32, #tpu.memory_space<hbm>> -> memref<8x50xf32, #tpu.memory_space<hbm>>
    tpu.enqueue_dma source(%dma_start3A_389 : memref<8x50xf32, #tpu.memory_space<hbm>>) target(%dma_start3A_385 : memref<8x50xf32, #tpu.memory_space<vmem>>) target_semaphore(%arg8 : memref<!tpu.dma_semaphore, #tpu.memory_space<semaphore_mem>>)
    %shift_right_logical3A_390 = arith.constant 3 : i32
    %shift_right_logical3A_391 = arith.shrui %squeeze3A_47, %shift_right_logical3A_390 : i32
    %dma_start3A_392 = arith.constant 0 : i32
    %dma_start3A_393 = arith.constant 17 : i32
    %dma_start3A_394 = arith.constant 0 : i32
    %dma_start3A_395 = arith.constant 0 : i32
    %dma_start3A_396 = tpu.memref_slice %arg6[%dma_start3A_392, %dma_start3A_393, %dma_start3A_394, %dma_start3A_395] : memref<2x20x8x50xf32, #tpu.memory_space<vmem>> -> memref<1x1x8x50xf32, #tpu.memory_space<vmem>>
    %dma_start3A_397 = tpu.memref_squeeze %dma_start3A_396 : memref<1x1x8x50xf32, #tpu.memory_space<vmem>> -> memref<8x50xf32, #tpu.memory_space<vmem>>
    %dma_start3A_398 = arith.constant 0 : i32
    %dma_start3A_399 = arith.constant 0 : i32
    %dma_start3A_400 = tpu.memref_slice %arg3[%shift_right_logical3A_391, %dma_start3A_398, %dma_start3A_399] : memref<125000x8x50xf32, #tpu.memory_space<hbm>> -> memref<1x8x50xf32, #tpu.memory_space<hbm>>
    %dma_start3A_401 = tpu.memref_squeeze %dma_start3A_400 : memref<1x8x50xf32, #tpu.memory_space<hbm>> -> memref<8x50xf32, #tpu.memory_space<hbm>>
    %dma_start3A_402 = arith.constant 0 : i32
    %dma_start3A_403 = arith.constant 0 : i32
    %dma_start3A_404 = tpu.memref_slice %arg6[%dma_start3A_392, %dma_start3A_393, %dma_start3A_402, %dma_start3A_403] : memref<2x20x8x50xf32, #tpu.memory_space<vmem>> -> memref<1x1x8x50xf32, #tpu.memory_space<vmem>>
    %dma_start3A_405 = tpu.memref_squeeze %dma_start3A_404 : memref<1x1x8x50xf32, #tpu.memory_space<vmem>> -> memref<8x50xf32, #tpu.memory_space<vmem>>
    %dma_start3A_406 = arith.constant 0 : i32
    %dma_start3A_407 = arith.constant 0 : i32
    %dma_start3A_408 = tpu.memref_slice %arg3[%shift_right_logical3A_391, %dma_start3A_406, %dma_start3A_407] : memref<125000x8x50xf32, #tpu.memory_space<hbm>> -> memref<1x8x50xf32, #tpu.memory_space<hbm>>
    %dma_start3A_409 = tpu.memref_squeeze %dma_start3A_408 : memref<1x8x50xf32, #tpu.memory_space<hbm>> -> memref<8x50xf32, #tpu.memory_space<hbm>>
    tpu.enqueue_dma source(%dma_start3A_409 : memref<8x50xf32, #tpu.memory_space<hbm>>) target(%dma_start3A_405 : memref<8x50xf32, #tpu.memory_space<vmem>>) target_semaphore(%arg8 : memref<!tpu.dma_semaphore, #tpu.memory_space<semaphore_mem>>)
    %shift_right_logical3A_410 = arith.constant 3 : i32
    %shift_right_logical3A_411 = arith.shrui %squeeze3A_49, %shift_right_logical3A_410 : i32
    %dma_start3A_412 = arith.constant 0 : i32
    %dma_start3A_413 = arith.constant 18 : i32
    %dma_start3A_414 = arith.constant 0 : i32
    %dma_start3A_415 = arith.constant 0 : i32
    %dma_start3A_416 = tpu.memref_slice %arg6[%dma_start3A_412, %dma_start3A_413, %dma_start3A_414, %dma_start3A_415] : memref<2x20x8x50xf32, #tpu.memory_space<vmem>> -> memref<1x1x8x50xf32, #tpu.memory_space<vmem>>
    %dma_start3A_417 = tpu.memref_squeeze %dma_start3A_416 : memref<1x1x8x50xf32, #tpu.memory_space<vmem>> -> memref<8x50xf32, #tpu.memory_space<vmem>>
    %dma_start3A_418 = arith.constant 0 : i32
    %dma_start3A_419 = arith.constant 0 : i32
    %dma_start3A_420 = tpu.memref_slice %arg3[%shift_right_logical3A_411, %dma_start3A_418, %dma_start3A_419] : memref<125000x8x50xf32, #tpu.memory_space<hbm>> -> memref<1x8x50xf32, #tpu.memory_space<hbm>>
    %dma_start3A_421 = tpu.memref_squeeze %dma_start3A_420 : memref<1x8x50xf32, #tpu.memory_space<hbm>> -> memref<8x50xf32, #tpu.memory_space<hbm>>
    %dma_start3A_422 = arith.constant 0 : i32
    %dma_start3A_423 = arith.constant 0 : i32
    %dma_start3A_424 = tpu.memref_slice %arg6[%dma_start3A_412, %dma_start3A_413, %dma_start3A_422, %dma_start3A_423] : memref<2x20x8x50xf32, #tpu.memory_space<vmem>> -> memref<1x1x8x50xf32, #tpu.memory_space<vmem>>
    %dma_start3A_425 = tpu.memref_squeeze %dma_start3A_424 : memref<1x1x8x50xf32, #tpu.memory_space<vmem>> -> memref<8x50xf32, #tpu.memory_space<vmem>>
    %dma_start3A_426 = arith.constant 0 : i32
    %dma_start3A_427 = arith.constant 0 : i32
    %dma_start3A_428 = tpu.memref_slice %arg3[%shift_right_logical3A_411, %dma_start3A_426, %dma_start3A_427] : memref<125000x8x50xf32, #tpu.memory_space<hbm>> -> memref<1x8x50xf32, #tpu.memory_space<hbm>>
    %dma_start3A_429 = tpu.memref_squeeze %dma_start3A_428 : memref<1x8x50xf32, #tpu.memory_space<hbm>> -> memref<8x50xf32, #tpu.memory_space<hbm>>
    tpu.enqueue_dma source(%dma_start3A_429 : memref<8x50xf32, #tpu.memory_space<hbm>>) target(%dma_start3A_425 : memref<8x50xf32, #tpu.memory_space<vmem>>) target_semaphore(%arg8 : memref<!tpu.dma_semaphore, #tpu.memory_space<semaphore_mem>>)
    %shift_right_logical3A_430 = arith.constant 3 : i32
    %shift_right_logical3A_431 = arith.shrui %squeeze3A_51, %shift_right_logical3A_430 : i32
    %dma_start3A_432 = arith.constant 0 : i32
    %dma_start3A_433 = arith.constant 19 : i32
    %dma_start3A_434 = arith.constant 0 : i32
    %dma_start3A_435 = arith.constant 0 : i32
    %dma_start3A_436 = tpu.memref_slice %arg6[%dma_start3A_432, %dma_start3A_433, %dma_start3A_434, %dma_start3A_435] : memref<2x20x8x50xf32, #tpu.memory_space<vmem>> -> memref<1x1x8x50xf32, #tpu.memory_space<vmem>>
    %dma_start3A_437 = tpu.memref_squeeze %dma_start3A_436 : memref<1x1x8x50xf32, #tpu.memory_space<vmem>> -> memref<8x50xf32, #tpu.memory_space<vmem>>
    %dma_start3A_438 = arith.constant 0 : i32
    %dma_start3A_439 = arith.constant 0 : i32
    %dma_start3A_440 = tpu.memref_slice %arg3[%shift_right_logical3A_431, %dma_start3A_438, %dma_start3A_439] : memref<125000x8x50xf32, #tpu.memory_space<hbm>> -> memref<1x8x50xf32, #tpu.memory_space<hbm>>
    %dma_start3A_441 = tpu.memref_squeeze %dma_start3A_440 : memref<1x8x50xf32, #tpu.memory_space<hbm>> -> memref<8x50xf32, #tpu.memory_space<hbm>>
    %dma_start3A_442 = arith.constant 0 : i32
    %dma_start3A_443 = arith.constant 0 : i32
    %dma_start3A_444 = tpu.memref_slice %arg6[%dma_start3A_432, %dma_start3A_433, %dma_start3A_442, %dma_start3A_443] : memref<2x20x8x50xf32, #tpu.memory_space<vmem>> -> memref<1x1x8x50xf32, #tpu.memory_space<vmem>>
    %dma_start3A_445 = tpu.memref_squeeze %dma_start3A_444 : memref<1x1x8x50xf32, #tpu.memory_space<vmem>> -> memref<8x50xf32, #tpu.memory_space<vmem>>
    %dma_start3A_446 = arith.constant 0 : i32
    %dma_start3A_447 = arith.constant 0 : i32
    %dma_start3A_448 = tpu.memref_slice %arg3[%shift_right_logical3A_431, %dma_start3A_446, %dma_start3A_447] : memref<125000x8x50xf32, #tpu.memory_space<hbm>> -> memref<1x8x50xf32, #tpu.memory_space<hbm>>
    %dma_start3A_449 = tpu.memref_squeeze %dma_start3A_448 : memref<1x8x50xf32, #tpu.memory_space<hbm>> -> memref<8x50xf32, #tpu.memory_space<hbm>>
    tpu.enqueue_dma source(%dma_start3A_449 : memref<8x50xf32, #tpu.memory_space<hbm>>) target(%dma_start3A_445 : memref<8x50xf32, #tpu.memory_space<vmem>>) target_semaphore(%arg8 : memref<!tpu.dma_semaphore, #tpu.memory_space<semaphore_mem>>)
    %scan3A = arith.constant 0 : i32
    %scan3A_450 = arith.constant 0 : i32
    %scan3A_451 = arith.constant 64 : i32
    %scan3A_452 = arith.addi %scan3A_450, %scan3A_451 : i32
    %scan3A_453 = arith.constant 1 : i32
    scf.for %scan3A_455 = %scan3A_450 to %scan3A_452 step %scan3A_453  : i32 {
      %mul3A_456 = arith.constant 2 : i32
      %mul3A_457 = arith.muli %mul3A_456, %scan3A_455 : i32
      %add3A_458 = arith.constant 1 : i32
      %add3A_459 = arith.addi %mul3A_457, %add3A_458 : i32
      %get3A_460 = arith.index_cast %add3A_459 : i32 to index
      %get3A_461 = arith.constant 0 : index
      %get3A_462 = tpu.vector_load %arg5[%get3A_460, %get3A_461] {strides = array<i32>} : memref<128x20xi32, #tpu.memory_space<vmem>>, vector<1x16xi32>,
      %get3A_463 = vector.shape_cast %get3A_462 : vector<1x16xi32> to vector<16xi32>
      %get3A_464 = arith.index_cast %add3A_459 : i32 to index
      %get3A_465 = arith.constant 4 : index
      %get3A_466 = tpu.vector_load %arg5[%get3A_464, %get3A_465] {strides = array<i32>} : memref<128x20xi32, #tpu.memory_space<vmem>>, vector<1x16xi32>,
      %get3A_467 = vector.shape_cast %get3A_466 : vector<1x16xi32> to vector<16xi32>
      %slice3A_468 = vector.extract_strided_slice %get3A_463 {offsets = [0], sizes = [1], strides = [1]} : vector<16xi32> to vector<1xi32>
      %squeeze3A_469 = vector.extract %slice3A_468[0] : i32 from vector<1xi32>
      %slice3A_470 = vector.extract_strided_slice %get3A_463 {offsets = [1], sizes = [1], strides = [1]} : vector<16xi32> to vector<1xi32>
      %squeeze3A_471 = vector.extract %slice3A_470[0] : i32 from vector<1xi32>
      %slice3A_472 = vector.extract_strided_slice %get3A_463 {offsets = [2], sizes = [1], strides = [1]} : vector<16xi32> to vector<1xi32>
      %squeeze3A_473 = vector.extract %slice3A_472[0] : i32 from vector<1xi32>
      %slice3A_474 = vector.extract_strided_slice %get3A_463 {offsets = [3], sizes = [1], strides = [1]} : vector<16xi32> to vector<1xi32>
      %squeeze3A_475 = vector.extract %slice3A_474[0] : i32 from vector<1xi32>
      %slice3A_476 = vector.extract_strided_slice %get3A_463 {offsets = [4], sizes = [1], strides = [1]} : vector<16xi32> to vector<1xi32>
      %squeeze3A_477 = vector.extract %slice3A_476[0] : i32 from vector<1xi32>
      %slice3A_478 = vector.extract_strided_slice %get3A_463 {offsets = [5], sizes = [1], strides = [1]} : vector<16xi32> to vector<1xi32>
      %squeeze3A_479 = vector.extract %slice3A_478[0] : i32 from vector<1xi32>
      %slice3A_480 = vector.extract_strided_slice %get3A_463 {offsets = [6], sizes = [1], strides = [1]} : vector<16xi32> to vector<1xi32>
      %squeeze3A_481 = vector.extract %slice3A_480[0] : i32 from vector<1xi32>
      %slice3A_482 = vector.extract_strided_slice %get3A_463 {offsets = [7], sizes = [1], strides = [1]} : vector<16xi32> to vector<1xi32>
      %squeeze3A_483 = vector.extract %slice3A_482[0] : i32 from vector<1xi32>
      %slice3A_484 = vector.extract_strided_slice %get3A_463 {offsets = [8], sizes = [1], strides = [1]} : vector<16xi32> to vector<1xi32>
      %squeeze3A_485 = vector.extract %slice3A_484[0] : i32 from vector<1xi32>
      %slice3A_486 = vector.extract_strided_slice %get3A_463 {offsets = [9], sizes = [1], strides = [1]} : vector<16xi32> to vector<1xi32>
      %squeeze3A_487 = vector.extract %slice3A_486[0] : i32 from vector<1xi32>
      %slice3A_488 = vector.extract_strided_slice %get3A_463 {offsets = [10], sizes = [1], strides = [1]} : vector<16xi32> to vector<1xi32>
      %squeeze3A_489 = vector.extract %slice3A_488[0] : i32 from vector<1xi32>
      %slice3A_490 = vector.extract_strided_slice %get3A_463 {offsets = [11], sizes = [1], strides = [1]} : vector<16xi32> to vector<1xi32>
      %squeeze3A_491 = vector.extract %slice3A_490[0] : i32 from vector<1xi32>
      %slice3A_492 = vector.extract_strided_slice %get3A_463 {offsets = [12], sizes = [1], strides = [1]} : vector<16xi32> to vector<1xi32>
      %squeeze3A_493 = vector.extract %slice3A_492[0] : i32 from vector<1xi32>
      %slice3A_494 = vector.extract_strided_slice %get3A_463 {offsets = [13], sizes = [1], strides = [1]} : vector<16xi32> to vector<1xi32>
      %squeeze3A_495 = vector.extract %slice3A_494[0] : i32 from vector<1xi32>
      %slice3A_496 = vector.extract_strided_slice %get3A_463 {offsets = [14], sizes = [1], strides = [1]} : vector<16xi32> to vector<1xi32>
      %squeeze3A_497 = vector.extract %slice3A_496[0] : i32 from vector<1xi32>
      %slice3A_498 = vector.extract_strided_slice %get3A_463 {offsets = [15], sizes = [1], strides = [1]} : vector<16xi32> to vector<1xi32>
      %squeeze3A_499 = vector.extract %slice3A_498[0] : i32 from vector<1xi32>
      %slice3A_500 = vector.extract_strided_slice %get3A_467 {offsets = [12], sizes = [1], strides = [1]} : vector<16xi32> to vector<1xi32>
      %squeeze3A_501 = vector.extract %slice3A_500[0] : i32 from vector<1xi32>
      %slice3A_502 = vector.extract_strided_slice %get3A_467 {offsets = [13], sizes = [1], strides = [1]} : vector<16xi32> to vector<1xi32>
      %squeeze3A_503 = vector.extract %slice3A_502[0] : i32 from vector<1xi32>
      %slice3A_504 = vector.extract_strided_slice %get3A_467 {offsets = [14], sizes = [1], strides = [1]} : vector<16xi32> to vector<1xi32>
      %squeeze3A_505 = vector.extract %slice3A_504[0] : i32 from vector<1xi32>
      %slice3A_506 = vector.extract_strided_slice %get3A_467 {offsets = [15], sizes = [1], strides = [1]} : vector<16xi32> to vector<1xi32>
      %squeeze3A_507 = vector.extract %slice3A_506[0] : i32 from vector<1xi32>
      %shift_right_logical3A_508 = arith.constant 3 : i32
      %shift_right_logical3A_509 = arith.shrui %squeeze3A_469, %shift_right_logical3A_508 : i32
      %dma_start3A_510 = arith.constant 1 : i32
      %dma_start3A_511 = arith.constant 0 : i32
      %dma_start3A_512 = arith.constant 0 : i32
      %dma_start3A_513 = arith.constant 0 : i32
      %dma_start3A_514 = tpu.memref_slice %arg6[%dma_start3A_510, %dma_start3A_511, %dma_start3A_512, %dma_start3A_513] : memref<2x20x8x50xf32, #tpu.memory_space<vmem>> -> memref<1x1x8x50xf32, #tpu.memory_space<vmem>>
      %dma_start3A_515 = tpu.memref_squeeze %dma_start3A_514 : memref<1x1x8x50xf32, #tpu.memory_space<vmem>> -> memref<8x50xf32, #tpu.memory_space<vmem>>
      %dma_start3A_516 = arith.constant 0 : i32
      %dma_start3A_517 = arith.constant 0 : i32
      %dma_start3A_518 = tpu.memref_slice %arg3[%shift_right_logical3A_509, %dma_start3A_516, %dma_start3A_517] : memref<125000x8x50xf32, #tpu.memory_space<hbm>> -> memref<1x8x50xf32, #tpu.memory_space<hbm>>
      %dma_start3A_519 = tpu.memref_squeeze %dma_start3A_518 : memref<1x8x50xf32, #tpu.memory_space<hbm>> -> memref<8x50xf32, #tpu.memory_space<hbm>>
      %dma_start3A_520 = arith.constant 0 : i32
      %dma_start3A_521 = arith.constant 0 : i32
      %dma_start3A_522 = tpu.memref_slice %arg6[%dma_start3A_510, %dma_start3A_511, %dma_start3A_520, %dma_start3A_521] : memref<2x20x8x50xf32, #tpu.memory_space<vmem>> -> memref<1x1x8x50xf32, #tpu.memory_space<vmem>>
      %dma_start3A_523 = tpu.memref_squeeze %dma_start3A_522 : memref<1x1x8x50xf32, #tpu.memory_space<vmem>> -> memref<8x50xf32, #tpu.memory_space<vmem>>
      %dma_start3A_524 = arith.constant 0 : i32
      %dma_start3A_525 = arith.constant 0 : i32
      %dma_start3A_526 = tpu.memref_slice %arg3[%shift_right_logical3A_509, %dma_start3A_524, %dma_start3A_525] : memref<125000x8x50xf32, #tpu.memory_space<hbm>> -> memref<1x8x50xf32, #tpu.memory_space<hbm>>
      %dma_start3A_527 = tpu.memref_squeeze %dma_start3A_526 : memref<1x8x50xf32, #tpu.memory_space<hbm>> -> memref<8x50xf32, #tpu.memory_space<hbm>>
      tpu.enqueue_dma source(%dma_start3A_527 : memref<8x50xf32, #tpu.memory_space<hbm>>) target(%dma_start3A_523 : memref<8x50xf32, #tpu.memory_space<vmem>>) target_semaphore(%arg9 : memref<!tpu.dma_semaphore, #tpu.memory_space<semaphore_mem>>)
      %shift_right_logical3A_528 = arith.constant 3 : i32
      %shift_right_logical3A_529 = arith.shrui %squeeze3A_471, %shift_right_logical3A_528 : i32
      %dma_start3A_530 = arith.constant 1 : i32
      %dma_start3A_531 = arith.constant 1 : i32
      %dma_start3A_532 = arith.constant 0 : i32
      %dma_start3A_533 = arith.constant 0 : i32
      %dma_start3A_534 = tpu.memref_slice %arg6[%dma_start3A_530, %dma_start3A_531, %dma_start3A_532, %dma_start3A_533] : memref<2x20x8x50xf32, #tpu.memory_space<vmem>> -> memref<1x1x8x50xf32, #tpu.memory_space<vmem>>
      %dma_start3A_535 = tpu.memref_squeeze %dma_start3A_534 : memref<1x1x8x50xf32, #tpu.memory_space<vmem>> -> memref<8x50xf32, #tpu.memory_space<vmem>>
      %dma_start3A_536 = arith.constant 0 : i32
      %dma_start3A_537 = arith.constant 0 : i32
      %dma_start3A_538 = tpu.memref_slice %arg3[%shift_right_logical3A_529, %dma_start3A_536, %dma_start3A_537] : memref<125000x8x50xf32, #tpu.memory_space<hbm>> -> memref<1x8x50xf32, #tpu.memory_space<hbm>>
      %dma_start3A_539 = tpu.memref_squeeze %dma_start3A_538 : memref<1x8x50xf32, #tpu.memory_space<hbm>> -> memref<8x50xf32, #tpu.memory_space<hbm>>
      %dma_start3A_540 = arith.constant 0 : i32
      %dma_start3A_541 = arith.constant 0 : i32
      %dma_start3A_542 = tpu.memref_slice %arg6[%dma_start3A_530, %dma_start3A_531, %dma_start3A_540, %dma_start3A_541] : memref<2x20x8x50xf32, #tpu.memory_space<vmem>> -> memref<1x1x8x50xf32, #tpu.memory_space<vmem>>
      %dma_start3A_543 = tpu.memref_squeeze %dma_start3A_542 : memref<1x1x8x50xf32, #tpu.memory_space<vmem>> -> memref<8x50xf32, #tpu.memory_space<vmem>>
      %dma_start3A_544 = arith.constant 0 : i32
      %dma_start3A_545 = arith.constant 0 : i32
      %dma_start3A_546 = tpu.memref_slice %arg3[%shift_right_logical3A_529, %dma_start3A_544, %dma_start3A_545] : memref<125000x8x50xf32, #tpu.memory_space<hbm>> -> memref<1x8x50xf32, #tpu.memory_space<hbm>>
      %dma_start3A_547 = tpu.memref_squeeze %dma_start3A_546 : memref<1x8x50xf32, #tpu.memory_space<hbm>> -> memref<8x50xf32, #tpu.memory_space<hbm>>
      tpu.enqueue_dma source(%dma_start3A_547 : memref<8x50xf32, #tpu.memory_space<hbm>>) target(%dma_start3A_543 : memref<8x50xf32, #tpu.memory_space<vmem>>) target_semaphore(%arg9 : memref<!tpu.dma_semaphore, #tpu.memory_space<semaphore_mem>>)
      %shift_right_logical3A_548 = arith.constant 3 : i32
      %shift_right_logical3A_549 = arith.shrui %squeeze3A_473, %shift_right_logical3A_548 : i32
      %dma_start3A_550 = arith.constant 1 : i32
      %dma_start3A_551 = arith.constant 2 : i32
      %dma_start3A_552 = arith.constant 0 : i32
      %dma_start3A_553 = arith.constant 0 : i32
      %dma_start3A_554 = tpu.memref_slice %arg6[%dma_start3A_550, %dma_start3A_551, %dma_start3A_552, %dma_start3A_553] : memref<2x20x8x50xf32, #tpu.memory_space<vmem>> -> memref<1x1x8x50xf32, #tpu.memory_space<vmem>>
      %dma_start3A_555 = tpu.memref_squeeze %dma_start3A_554 : memref<1x1x8x50xf32, #tpu.memory_space<vmem>> -> memref<8x50xf32, #tpu.memory_space<vmem>>
      %dma_start3A_556 = arith.constant 0 : i32
      %dma_start3A_557 = arith.constant 0 : i32
      %dma_start3A_558 = tpu.memref_slice %arg3[%shift_right_logical3A_549, %dma_start3A_556, %dma_start3A_557] : memref<125000x8x50xf32, #tpu.memory_space<hbm>> -> memref<1x8x50xf32, #tpu.memory_space<hbm>>
      %dma_start3A_559 = tpu.memref_squeeze %dma_start3A_558 : memref<1x8x50xf32, #tpu.memory_space<hbm>> -> memref<8x50xf32, #tpu.memory_space<hbm>>
      %dma_start3A_560 = arith.constant 0 : i32
      %dma_start3A_561 = arith.constant 0 : i32
      %dma_start3A_562 = tpu.memref_slice %arg6[%dma_start3A_550, %dma_start3A_551, %dma_start3A_560, %dma_start3A_561] : memref<2x20x8x50xf32, #tpu.memory_space<vmem>> -> memref<1x1x8x50xf32, #tpu.memory_space<vmem>>
      %dma_start3A_563 = tpu.memref_squeeze %dma_start3A_562 : memref<1x1x8x50xf32, #tpu.memory_space<vmem>> -> memref<8x50xf32, #tpu.memory_space<vmem>>
      %dma_start3A_564 = arith.constant 0 : i32
      %dma_start3A_565 = arith.constant 0 : i32
      %dma_start3A_566 = tpu.memref_slice %arg3[%shift_right_logical3A_549, %dma_start3A_564, %dma_start3A_565] : memref<125000x8x50xf32, #tpu.memory_space<hbm>> -> memref<1x8x50xf32, #tpu.memory_space<hbm>>
      %dma_start3A_567 = tpu.memref_squeeze %dma_start3A_566 : memref<1x8x50xf32, #tpu.memory_space<hbm>> -> memref<8x50xf32, #tpu.memory_space<hbm>>
      tpu.enqueue_dma source(%dma_start3A_567 : memref<8x50xf32, #tpu.memory_space<hbm>>) target(%dma_start3A_563 : memref<8x50xf32, #tpu.memory_space<vmem>>) target_semaphore(%arg9 : memref<!tpu.dma_semaphore, #tpu.memory_space<semaphore_mem>>)
      %shift_right_logical3A_568 = arith.constant 3 : i32
      %shift_right_logical3A_569 = arith.shrui %squeeze3A_475, %shift_right_logical3A_568 : i32
      %dma_start3A_570 = arith.constant 1 : i32
      %dma_start3A_571 = arith.constant 3 : i32
      %dma_start3A_572 = arith.constant 0 : i32
      %dma_start3A_573 = arith.constant 0 : i32
      %dma_start3A_574 = tpu.memref_slice %arg6[%dma_start3A_570, %dma_start3A_571, %dma_start3A_572, %dma_start3A_573] : memref<2x20x8x50xf32, #tpu.memory_space<vmem>> -> memref<1x1x8x50xf32, #tpu.memory_space<vmem>>
      %dma_start3A_575 = tpu.memref_squeeze %dma_start3A_574 : memref<1x1x8x50xf32, #tpu.memory_space<vmem>> -> memref<8x50xf32, #tpu.memory_space<vmem>>
      %dma_start3A_576 = arith.constant 0 : i32
      %dma_start3A_577 = arith.constant 0 : i32
      %dma_start3A_578 = tpu.memref_slice %arg3[%shift_right_logical3A_569, %dma_start3A_576, %dma_start3A_577] : memref<125000x8x50xf32, #tpu.memory_space<hbm>> -> memref<1x8x50xf32, #tpu.memory_space<hbm>>
      %dma_start3A_579 = tpu.memref_squeeze %dma_start3A_578 : memref<1x8x50xf32, #tpu.memory_space<hbm>> -> memref<8x50xf32, #tpu.memory_space<hbm>>
      %dma_start3A_580 = arith.constant 0 : i32
      %dma_start3A_581 = arith.constant 0 : i32
      %dma_start3A_582 = tpu.memref_slice %arg6[%dma_start3A_570, %dma_start3A_571, %dma_start3A_580, %dma_start3A_581] : memref<2x20x8x50xf32, #tpu.memory_space<vmem>> -> memref<1x1x8x50xf32, #tpu.memory_space<vmem>>
      %dma_start3A_583 = tpu.memref_squeeze %dma_start3A_582 : memref<1x1x8x50xf32, #tpu.memory_space<vmem>> -> memref<8x50xf32, #tpu.memory_space<vmem>>
      %dma_start3A_584 = arith.constant 0 : i32
      %dma_start3A_585 = arith.constant 0 : i32
      %dma_start3A_586 = tpu.memref_slice %arg3[%shift_right_logical3A_569, %dma_start3A_584, %dma_start3A_585] : memref<125000x8x50xf32, #tpu.memory_space<hbm>> -> memref<1x8x50xf32, #tpu.memory_space<hbm>>
      %dma_start3A_587 = tpu.memref_squeeze %dma_start3A_586 : memref<1x8x50xf32, #tpu.memory_space<hbm>> -> memref<8x50xf32, #tpu.memory_space<hbm>>
      tpu.enqueue_dma source(%dma_start3A_587 : memref<8x50xf32, #tpu.memory_space<hbm>>) target(%dma_start3A_583 : memref<8x50xf32, #tpu.memory_space<vmem>>) target_semaphore(%arg9 : memref<!tpu.dma_semaphore, #tpu.memory_space<semaphore_mem>>)
      %shift_right_logical3A_588 = arith.constant 3 : i32
      %shift_right_logical3A_589 = arith.shrui %squeeze3A_477, %shift_right_logical3A_588 : i32
      %dma_start3A_590 = arith.constant 1 : i32
      %dma_start3A_591 = arith.constant 4 : i32
      %dma_start3A_592 = arith.constant 0 : i32
      %dma_start3A_593 = arith.constant 0 : i32
      %dma_start3A_594 = tpu.memref_slice %arg6[%dma_start3A_590, %dma_start3A_591, %dma_start3A_592, %dma_start3A_593] : memref<2x20x8x50xf32, #tpu.memory_space<vmem>> -> memref<1x1x8x50xf32, #tpu.memory_space<vmem>>
      %dma_start3A_595 = tpu.memref_squeeze %dma_start3A_594 : memref<1x1x8x50xf32, #tpu.memory_space<vmem>> -> memref<8x50xf32, #tpu.memory_space<vmem>>
      %dma_start3A_596 = arith.constant 0 : i32
      %dma_start3A_597 = arith.constant 0 : i32
      %dma_start3A_598 = tpu.memref_slice %arg3[%shift_right_logical3A_589, %dma_start3A_596, %dma_start3A_597] : memref<125000x8x50xf32, #tpu.memory_space<hbm>> -> memref<1x8x50xf32, #tpu.memory_space<hbm>>
      %dma_start3A_599 = tpu.memref_squeeze %dma_start3A_598 : memref<1x8x50xf32, #tpu.memory_space<hbm>> -> memref<8x50xf32, #tpu.memory_space<hbm>>
      %dma_start3A_600 = arith.constant 0 : i32
      %dma_start3A_601 = arith.constant 0 : i32
      %dma_start3A_602 = tpu.memref_slice %arg6[%dma_start3A_590, %dma_start3A_591, %dma_start3A_600, %dma_start3A_601] : memref<2x20x8x50xf32, #tpu.memory_space<vmem>> -> memref<1x1x8x50xf32, #tpu.memory_space<vmem>>
      %dma_start3A_603 = tpu.memref_squeeze %dma_start3A_602 : memref<1x1x8x50xf32, #tpu.memory_space<vmem>> -> memref<8x50xf32, #tpu.memory_space<vmem>>
      %dma_start3A_604 = arith.constant 0 : i32
      %dma_start3A_605 = arith.constant 0 : i32
      %dma_start3A_606 = tpu.memref_slice %arg3[%shift_right_logical3A_589, %dma_start3A_604, %dma_start3A_605] : memref<125000x8x50xf32, #tpu.memory_space<hbm>> -> memref<1x8x50xf32, #tpu.memory_space<hbm>>
      %dma_start3A_607 = tpu.memref_squeeze %dma_start3A_606 : memref<1x8x50xf32, #tpu.memory_space<hbm>> -> memref<8x50xf32, #tpu.memory_space<hbm>>
      tpu.enqueue_dma source(%dma_start3A_607 : memref<8x50xf32, #tpu.memory_space<hbm>>) target(%dma_start3A_603 : memref<8x50xf32, #tpu.memory_space<vmem>>) target_semaphore(%arg9 : memref<!tpu.dma_semaphore, #tpu.memory_space<semaphore_mem>>)
      %shift_right_logical3A_608 = arith.constant 3 : i32
      %shift_right_logical3A_609 = arith.shrui %squeeze3A_479, %shift_right_logical3A_608 : i32
      %dma_start3A_610 = arith.constant 1 : i32
      %dma_start3A_611 = arith.constant 5 : i32
      %dma_start3A_612 = arith.constant 0 : i32
      %dma_start3A_613 = arith.constant 0 : i32
      %dma_start3A_614 = tpu.memref_slice %arg6[%dma_start3A_610, %dma_start3A_611, %dma_start3A_612, %dma_start3A_613] : memref<2x20x8x50xf32, #tpu.memory_space<vmem>> -> memref<1x1x8x50xf32, #tpu.memory_space<vmem>>
      %dma_start3A_615 = tpu.memref_squeeze %dma_start3A_614 : memref<1x1x8x50xf32, #tpu.memory_space<vmem>> -> memref<8x50xf32, #tpu.memory_space<vmem>>
      %dma_start3A_616 = arith.constant 0 : i32
      %dma_start3A_617 = arith.constant 0 : i32
      %dma_start3A_618 = tpu.memref_slice %arg3[%shift_right_logical3A_609, %dma_start3A_616, %dma_start3A_617] : memref<125000x8x50xf32, #tpu.memory_space<hbm>> -> memref<1x8x50xf32, #tpu.memory_space<hbm>>
      %dma_start3A_619 = tpu.memref_squeeze %dma_start3A_618 : memref<1x8x50xf32, #tpu.memory_space<hbm>> -> memref<8x50xf32, #tpu.memory_space<hbm>>
      %dma_start3A_620 = arith.constant 0 : i32
      %dma_start3A_621 = arith.constant 0 : i32
      %dma_start3A_622 = tpu.memref_slice %arg6[%dma_start3A_610, %dma_start3A_611, %dma_start3A_620, %dma_start3A_621] : memref<2x20x8x50xf32, #tpu.memory_space<vmem>> -> memref<1x1x8x50xf32, #tpu.memory_space<vmem>>
      %dma_start3A_623 = tpu.memref_squeeze %dma_start3A_622 : memref<1x1x8x50xf32, #tpu.memory_space<vmem>> -> memref<8x50xf32, #tpu.memory_space<vmem>>
      %dma_start3A_624 = arith.constant 0 : i32
      %dma_start3A_625 = arith.constant 0 : i32
      %dma_start3A_626 = tpu.memref_slice %arg3[%shift_right_logical3A_609, %dma_start3A_624, %dma_start3A_625] : memref<125000x8x50xf32, #tpu.memory_space<hbm>> -> memref<1x8x50xf32, #tpu.memory_space<hbm>>
      %dma_start3A_627 = tpu.memref_squeeze %dma_start3A_626 : memref<1x8x50xf32, #tpu.memory_space<hbm>> -> memref<8x50xf32, #tpu.memory_space<hbm>>
      tpu.enqueue_dma source(%dma_start3A_627 : memref<8x50xf32, #tpu.memory_space<hbm>>) target(%dma_start3A_623 : memref<8x50xf32, #tpu.memory_space<vmem>>) target_semaphore(%arg9 : memref<!tpu.dma_semaphore, #tpu.memory_space<semaphore_mem>>)
      %shift_right_logical3A_628 = arith.constant 3 : i32
      %shift_right_logical3A_629 = arith.shrui %squeeze3A_481, %shift_right_logical3A_628 : i32
      %dma_start3A_630 = arith.constant 1 : i32
      %dma_start3A_631 = arith.constant 6 : i32
      %dma_start3A_632 = arith.constant 0 : i32
      %dma_start3A_633 = arith.constant 0 : i32
      %dma_start3A_634 = tpu.memref_slice %arg6[%dma_start3A_630, %dma_start3A_631, %dma_start3A_632, %dma_start3A_633] : memref<2x20x8x50xf32, #tpu.memory_space<vmem>> -> memref<1x1x8x50xf32, #tpu.memory_space<vmem>>
      %dma_start3A_635 = tpu.memref_squeeze %dma_start3A_634 : memref<1x1x8x50xf32, #tpu.memory_space<vmem>> -> memref<8x50xf32, #tpu.memory_space<vmem>>
      %dma_start3A_636 = arith.constant 0 : i32
      %dma_start3A_637 = arith.constant 0 : i32
      %dma_start3A_638 = tpu.memref_slice %arg3[%shift_right_logical3A_629, %dma_start3A_636, %dma_start3A_637] : memref<125000x8x50xf32, #tpu.memory_space<hbm>> -> memref<1x8x50xf32, #tpu.memory_space<hbm>>
      %dma_start3A_639 = tpu.memref_squeeze %dma_start3A_638 : memref<1x8x50xf32, #tpu.memory_space<hbm>> -> memref<8x50xf32, #tpu.memory_space<hbm>>
      %dma_start3A_640 = arith.constant 0 : i32
      %dma_start3A_641 = arith.constant 0 : i32
      %dma_start3A_642 = tpu.memref_slice %arg6[%dma_start3A_630, %dma_start3A_631, %dma_start3A_640, %dma_start3A_641] : memref<2x20x8x50xf32, #tpu.memory_space<vmem>> -> memref<1x1x8x50xf32, #tpu.memory_space<vmem>>
      %dma_start3A_643 = tpu.memref_squeeze %dma_start3A_642 : memref<1x1x8x50xf32, #tpu.memory_space<vmem>> -> memref<8x50xf32, #tpu.memory_space<vmem>>
      %dma_start3A_644 = arith.constant 0 : i32
      %dma_start3A_645 = arith.constant 0 : i32
      %dma_start3A_646 = tpu.memref_slice %arg3[%shift_right_logical3A_629, %dma_start3A_644, %dma_start3A_645] : memref<125000x8x50xf32, #tpu.memory_space<hbm>> -> memref<1x8x50xf32, #tpu.memory_space<hbm>>
      %dma_start3A_647 = tpu.memref_squeeze %dma_start3A_646 : memref<1x8x50xf32, #tpu.memory_space<hbm>> -> memref<8x50xf32, #tpu.memory_space<hbm>>
      tpu.enqueue_dma source(%dma_start3A_647 : memref<8x50xf32, #tpu.memory_space<hbm>>) target(%dma_start3A_643 : memref<8x50xf32, #tpu.memory_space<vmem>>) target_semaphore(%arg9 : memref<!tpu.dma_semaphore, #tpu.memory_space<semaphore_mem>>)
      %shift_right_logical3A_648 = arith.constant 3 : i32
      %shift_right_logical3A_649 = arith.shrui %squeeze3A_483, %shift_right_logical3A_648 : i32
      %dma_start3A_650 = arith.constant 1 : i32
      %dma_start3A_651 = arith.constant 7 : i32
      %dma_start3A_652 = arith.constant 0 : i32
      %dma_start3A_653 = arith.constant 0 : i32
      %dma_start3A_654 = tpu.memref_slice %arg6[%dma_start3A_650, %dma_start3A_651, %dma_start3A_652, %dma_start3A_653] : memref<2x20x8x50xf32, #tpu.memory_space<vmem>> -> memref<1x1x8x50xf32, #tpu.memory_space<vmem>>
      %dma_start3A_655 = tpu.memref_squeeze %dma_start3A_654 : memref<1x1x8x50xf32, #tpu.memory_space<vmem>> -> memref<8x50xf32, #tpu.memory_space<vmem>>
      %dma_start3A_656 = arith.constant 0 : i32
      %dma_start3A_657 = arith.constant 0 : i32
      %dma_start3A_658 = tpu.memref_slice %arg3[%shift_right_logical3A_649, %dma_start3A_656, %dma_start3A_657] : memref<125000x8x50xf32, #tpu.memory_space<hbm>> -> memref<1x8x50xf32, #tpu.memory_space<hbm>>
      %dma_start3A_659 = tpu.memref_squeeze %dma_start3A_658 : memref<1x8x50xf32, #tpu.memory_space<hbm>> -> memref<8x50xf32, #tpu.memory_space<hbm>>
      %dma_start3A_660 = arith.constant 0 : i32
      %dma_start3A_661 = arith.constant 0 : i32
      %dma_start3A_662 = tpu.memref_slice %arg6[%dma_start3A_650, %dma_start3A_651, %dma_start3A_660, %dma_start3A_661] : memref<2x20x8x50xf32, #tpu.memory_space<vmem>> -> memref<1x1x8x50xf32, #tpu.memory_space<vmem>>
      %dma_start3A_663 = tpu.memref_squeeze %dma_start3A_662 : memref<1x1x8x50xf32, #tpu.memory_space<vmem>> -> memref<8x50xf32, #tpu.memory_space<vmem>>
      %dma_start3A_664 = arith.constant 0 : i32
      %dma_start3A_665 = arith.constant 0 : i32
      %dma_start3A_666 = tpu.memref_slice %arg3[%shift_right_logical3A_649, %dma_start3A_664, %dma_start3A_665] : memref<125000x8x50xf32, #tpu.memory_space<hbm>> -> memref<1x8x50xf32, #tpu.memory_space<hbm>>
      %dma_start3A_667 = tpu.memref_squeeze %dma_start3A_666 : memref<1x8x50xf32, #tpu.memory_space<hbm>> -> memref<8x50xf32, #tpu.memory_space<hbm>>
      tpu.enqueue_dma source(%dma_start3A_667 : memref<8x50xf32, #tpu.memory_space<hbm>>) target(%dma_start3A_663 : memref<8x50xf32, #tpu.memory_space<vmem>>) target_semaphore(%arg9 : memref<!tpu.dma_semaphore, #tpu.memory_space<semaphore_mem>>)
      %shift_right_logical3A_668 = arith.constant 3 : i32
      %shift_right_logical3A_669 = arith.shrui %squeeze3A_485, %shift_right_logical3A_668 : i32
      %dma_start3A_670 = arith.constant 1 : i32
      %dma_start3A_671 = arith.constant 8 : i32
      %dma_start3A_672 = arith.constant 0 : i32
      %dma_start3A_673 = arith.constant 0 : i32
      %dma_start3A_674 = tpu.memref_slice %arg6[%dma_start3A_670, %dma_start3A_671, %dma_start3A_672, %dma_start3A_673] : memref<2x20x8x50xf32, #tpu.memory_space<vmem>> -> memref<1x1x8x50xf32, #tpu.memory_space<vmem>>
      %dma_start3A_675 = tpu.memref_squeeze %dma_start3A_674 : memref<1x1x8x50xf32, #tpu.memory_space<vmem>> -> memref<8x50xf32, #tpu.memory_space<vmem>>
      %dma_start3A_676 = arith.constant 0 : i32
      %dma_start3A_677 = arith.constant 0 : i32
      %dma_start3A_678 = tpu.memref_slice %arg3[%shift_right_logical3A_669, %dma_start3A_676, %dma_start3A_677] : memref<125000x8x50xf32, #tpu.memory_space<hbm>> -> memref<1x8x50xf32, #tpu.memory_space<hbm>>
      %dma_start3A_679 = tpu.memref_squeeze %dma_start3A_678 : memref<1x8x50xf32, #tpu.memory_space<hbm>> -> memref<8x50xf32, #tpu.memory_space<hbm>>
      %dma_start3A_680 = arith.constant 0 : i32
      %dma_start3A_681 = arith.constant 0 : i32
      %dma_start3A_682 = tpu.memref_slice %arg6[%dma_start3A_670, %dma_start3A_671, %dma_start3A_680, %dma_start3A_681] : memref<2x20x8x50xf32, #tpu.memory_space<vmem>> -> memref<1x1x8x50xf32, #tpu.memory_space<vmem>>
      %dma_start3A_683 = tpu.memref_squeeze %dma_start3A_682 : memref<1x1x8x50xf32, #tpu.memory_space<vmem>> -> memref<8x50xf32, #tpu.memory_space<vmem>>
      %dma_start3A_684 = arith.constant 0 : i32
      %dma_start3A_685 = arith.constant 0 : i32
      %dma_start3A_686 = tpu.memref_slice %arg3[%shift_right_logical3A_669, %dma_start3A_684, %dma_start3A_685] : memref<125000x8x50xf32, #tpu.memory_space<hbm>> -> memref<1x8x50xf32, #tpu.memory_space<hbm>>
      %dma_start3A_687 = tpu.memref_squeeze %dma_start3A_686 : memref<1x8x50xf32, #tpu.memory_space<hbm>> -> memref<8x50xf32, #tpu.memory_space<hbm>>
      tpu.enqueue_dma source(%dma_start3A_687 : memref<8x50xf32, #tpu.memory_space<hbm>>) target(%dma_start3A_683 : memref<8x50xf32, #tpu.memory_space<vmem>>) target_semaphore(%arg9 : memref<!tpu.dma_semaphore, #tpu.memory_space<semaphore_mem>>)
      %shift_right_logical3A_688 = arith.constant 3 : i32
      %shift_right_logical3A_689 = arith.shrui %squeeze3A_487, %shift_right_logical3A_688 : i32
      %dma_start3A_690 = arith.constant 1 : i32
      %dma_start3A_691 = arith.constant 9 : i32
      %dma_start3A_692 = arith.constant 0 : i32
      %dma_start3A_693 = arith.constant 0 : i32
      %dma_start3A_694 = tpu.memref_slice %arg6[%dma_start3A_690, %dma_start3A_691, %dma_start3A_692, %dma_start3A_693] : memref<2x20x8x50xf32, #tpu.memory_space<vmem>> -> memref<1x1x8x50xf32, #tpu.memory_space<vmem>>
      %dma_start3A_695 = tpu.memref_squeeze %dma_start3A_694 : memref<1x1x8x50xf32, #tpu.memory_space<vmem>> -> memref<8x50xf32, #tpu.memory_space<vmem>>
      %dma_start3A_696 = arith.constant 0 : i32
      %dma_start3A_697 = arith.constant 0 : i32
      %dma_start3A_698 = tpu.memref_slice %arg3[%shift_right_logical3A_689, %dma_start3A_696, %dma_start3A_697] : memref<125000x8x50xf32, #tpu.memory_space<hbm>> -> memref<1x8x50xf32, #tpu.memory_space<hbm>>
      %dma_start3A_699 = tpu.memref_squeeze %dma_start3A_698 : memref<1x8x50xf32, #tpu.memory_space<hbm>> -> memref<8x50xf32, #tpu.memory_space<hbm>>
      %dma_start3A_700 = arith.constant 0 : i32
      %dma_start3A_701 = arith.constant 0 : i32
      %dma_start3A_702 = tpu.memref_slice %arg6[%dma_start3A_690, %dma_start3A_691, %dma_start3A_700, %dma_start3A_701] : memref<2x20x8x50xf32, #tpu.memory_space<vmem>> -> memref<1x1x8x50xf32, #tpu.memory_space<vmem>>
      %dma_start3A_703 = tpu.memref_squeeze %dma_start3A_702 : memref<1x1x8x50xf32, #tpu.memory_space<vmem>> -> memref<8x50xf32, #tpu.memory_space<vmem>>
      %dma_start3A_704 = arith.constant 0 : i32
      %dma_start3A_705 = arith.constant 0 : i32
      %dma_start3A_706 = tpu.memref_slice %arg3[%shift_right_logical3A_689, %dma_start3A_704, %dma_start3A_705] : memref<125000x8x50xf32, #tpu.memory_space<hbm>> -> memref<1x8x50xf32, #tpu.memory_space<hbm>>
      %dma_start3A_707 = tpu.memref_squeeze %dma_start3A_706 : memref<1x8x50xf32, #tpu.memory_space<hbm>> -> memref<8x50xf32, #tpu.memory_space<hbm>>
      tpu.enqueue_dma source(%dma_start3A_707 : memref<8x50xf32, #tpu.memory_space<hbm>>) target(%dma_start3A_703 : memref<8x50xf32, #tpu.memory_space<vmem>>) target_semaphore(%arg9 : memref<!tpu.dma_semaphore, #tpu.memory_space<semaphore_mem>>)
      %shift_right_logical3A_708 = arith.constant 3 : i32
      %shift_right_logical3A_709 = arith.shrui %squeeze3A_489, %shift_right_logical3A_708 : i32
      %dma_start3A_710 = arith.constant 1 : i32
      %dma_start3A_711 = arith.constant 10 : i32
      %dma_start3A_712 = arith.constant 0 : i32
      %dma_start3A_713 = arith.constant 0 : i32
      %dma_start3A_714 = tpu.memref_slice %arg6[%dma_start3A_710, %dma_start3A_711, %dma_start3A_712, %dma_start3A_713] : memref<2x20x8x50xf32, #tpu.memory_space<vmem>> -> memref<1x1x8x50xf32, #tpu.memory_space<vmem>>
      %dma_start3A_715 = tpu.memref_squeeze %dma_start3A_714 : memref<1x1x8x50xf32, #tpu.memory_space<vmem>> -> memref<8x50xf32, #tpu.memory_space<vmem>>
      %dma_start3A_716 = arith.constant 0 : i32
      %dma_start3A_717 = arith.constant 0 : i32
      %dma_start3A_718 = tpu.memref_slice %arg3[%shift_right_logical3A_709, %dma_start3A_716, %dma_start3A_717] : memref<125000x8x50xf32, #tpu.memory_space<hbm>> -> memref<1x8x50xf32, #tpu.memory_space<hbm>>
      %dma_start3A_719 = tpu.memref_squeeze %dma_start3A_718 : memref<1x8x50xf32, #tpu.memory_space<hbm>> -> memref<8x50xf32, #tpu.memory_space<hbm>>
      %dma_start3A_720 = arith.constant 0 : i32
      %dma_start3A_721 = arith.constant 0 : i32
      %dma_start3A_722 = tpu.memref_slice %arg6[%dma_start3A_710, %dma_start3A_711, %dma_start3A_720, %dma_start3A_721] : memref<2x20x8x50xf32, #tpu.memory_space<vmem>> -> memref<1x1x8x50xf32, #tpu.memory_space<vmem>>
      %dma_start3A_723 = tpu.memref_squeeze %dma_start3A_722 : memref<1x1x8x50xf32, #tpu.memory_space<vmem>> -> memref<8x50xf32, #tpu.memory_space<vmem>>
      %dma_start3A_724 = arith.constant 0 : i32
      %dma_start3A_725 = arith.constant 0 : i32
      %dma_start3A_726 = tpu.memref_slice %arg3[%shift_right_logical3A_709, %dma_start3A_724, %dma_start3A_725] : memref<125000x8x50xf32, #tpu.memory_space<hbm>> -> memref<1x8x50xf32, #tpu.memory_space<hbm>>
      %dma_start3A_727 = tpu.memref_squeeze %dma_start3A_726 : memref<1x8x50xf32, #tpu.memory_space<hbm>> -> memref<8x50xf32, #tpu.memory_space<hbm>>
      tpu.enqueue_dma source(%dma_start3A_727 : memref<8x50xf32, #tpu.memory_space<hbm>>) target(%dma_start3A_723 : memref<8x50xf32, #tpu.memory_space<vmem>>) target_semaphore(%arg9 : memref<!tpu.dma_semaphore, #tpu.memory_space<semaphore_mem>>)
      %shift_right_logical3A_728 = arith.constant 3 : i32
      %shift_right_logical3A_729 = arith.shrui %squeeze3A_491, %shift_right_logical3A_728 : i32
      %dma_start3A_730 = arith.constant 1 : i32
      %dma_start3A_731 = arith.constant 11 : i32
      %dma_start3A_732 = arith.constant 0 : i32
      %dma_start3A_733 = arith.constant 0 : i32
      %dma_start3A_734 = tpu.memref_slice %arg6[%dma_start3A_730, %dma_start3A_731, %dma_start3A_732, %dma_start3A_733] : memref<2x20x8x50xf32, #tpu.memory_space<vmem>> -> memref<1x1x8x50xf32, #tpu.memory_space<vmem>>
      %dma_start3A_735 = tpu.memref_squeeze %dma_start3A_734 : memref<1x1x8x50xf32, #tpu.memory_space<vmem>> -> memref<8x50xf32, #tpu.memory_space<vmem>>
      %dma_start3A_736 = arith.constant 0 : i32
      %dma_start3A_737 = arith.constant 0 : i32
      %dma_start3A_738 = tpu.memref_slice %arg3[%shift_right_logical3A_729, %dma_start3A_736, %dma_start3A_737] : memref<125000x8x50xf32, #tpu.memory_space<hbm>> -> memref<1x8x50xf32, #tpu.memory_space<hbm>>
      %dma_start3A_739 = tpu.memref_squeeze %dma_start3A_738 : memref<1x8x50xf32, #tpu.memory_space<hbm>> -> memref<8x50xf32, #tpu.memory_space<hbm>>
      %dma_start3A_740 = arith.constant 0 : i32
      %dma_start3A_741 = arith.constant 0 : i32
      %dma_start3A_742 = tpu.memref_slice %arg6[%dma_start3A_730, %dma_start3A_731, %dma_start3A_740, %dma_start3A_741] : memref<2x20x8x50xf32, #tpu.memory_space<vmem>> -> memref<1x1x8x50xf32, #tpu.memory_space<vmem>>
      %dma_start3A_743 = tpu.memref_squeeze %dma_start3A_742 : memref<1x1x8x50xf32, #tpu.memory_space<vmem>> -> memref<8x50xf32, #tpu.memory_space<vmem>>
      %dma_start3A_744 = arith.constant 0 : i32
      %dma_start3A_745 = arith.constant 0 : i32
      %dma_start3A_746 = tpu.memref_slice %arg3[%shift_right_logical3A_729, %dma_start3A_744, %dma_start3A_745] : memref<125000x8x50xf32, #tpu.memory_space<hbm>> -> memref<1x8x50xf32, #tpu.memory_space<hbm>>
      %dma_start3A_747 = tpu.memref_squeeze %dma_start3A_746 : memref<1x8x50xf32, #tpu.memory_space<hbm>> -> memref<8x50xf32, #tpu.memory_space<hbm>>
      tpu.enqueue_dma source(%dma_start3A_747 : memref<8x50xf32, #tpu.memory_space<hbm>>) target(%dma_start3A_743 : memref<8x50xf32, #tpu.memory_space<vmem>>) target_semaphore(%arg9 : memref<!tpu.dma_semaphore, #tpu.memory_space<semaphore_mem>>)
      %shift_right_logical3A_748 = arith.constant 3 : i32
      %shift_right_logical3A_749 = arith.shrui %squeeze3A_493, %shift_right_logical3A_748 : i32
      %dma_start3A_750 = arith.constant 1 : i32
      %dma_start3A_751 = arith.constant 12 : i32
      %dma_start3A_752 = arith.constant 0 : i32
      %dma_start3A_753 = arith.constant 0 : i32
      %dma_start3A_754 = tpu.memref_slice %arg6[%dma_start3A_750, %dma_start3A_751, %dma_start3A_752, %dma_start3A_753] : memref<2x20x8x50xf32, #tpu.memory_space<vmem>> -> memref<1x1x8x50xf32, #tpu.memory_space<vmem>>
      %dma_start3A_755 = tpu.memref_squeeze %dma_start3A_754 : memref<1x1x8x50xf32, #tpu.memory_space<vmem>> -> memref<8x50xf32, #tpu.memory_space<vmem>>
      %dma_start3A_756 = arith.constant 0 : i32
      %dma_start3A_757 = arith.constant 0 : i32
      %dma_start3A_758 = tpu.memref_slice %arg3[%shift_right_logical3A_749, %dma_start3A_756, %dma_start3A_757] : memref<125000x8x50xf32, #tpu.memory_space<hbm>> -> memref<1x8x50xf32, #tpu.memory_space<hbm>>
      %dma_start3A_759 = tpu.memref_squeeze %dma_start3A_758 : memref<1x8x50xf32, #tpu.memory_space<hbm>> -> memref<8x50xf32, #tpu.memory_space<hbm>>
      %dma_start3A_760 = arith.constant 0 : i32
      %dma_start3A_761 = arith.constant 0 : i32
      %dma_start3A_762 = tpu.memref_slice %arg6[%dma_start3A_750, %dma_start3A_751, %dma_start3A_760, %dma_start3A_761] : memref<2x20x8x50xf32, #tpu.memory_space<vmem>> -> memref<1x1x8x50xf32, #tpu.memory_space<vmem>>
      %dma_start3A_763 = tpu.memref_squeeze %dma_start3A_762 : memref<1x1x8x50xf32, #tpu.memory_space<vmem>> -> memref<8x50xf32, #tpu.memory_space<vmem>>
      %dma_start3A_764 = arith.constant 0 : i32
      %dma_start3A_765 = arith.constant 0 : i32
      %dma_start3A_766 = tpu.memref_slice %arg3[%shift_right_logical3A_749, %dma_start3A_764, %dma_start3A_765] : memref<125000x8x50xf32, #tpu.memory_space<hbm>> -> memref<1x8x50xf32, #tpu.memory_space<hbm>>
      %dma_start3A_767 = tpu.memref_squeeze %dma_start3A_766 : memref<1x8x50xf32, #tpu.memory_space<hbm>> -> memref<8x50xf32, #tpu.memory_space<hbm>>
      tpu.enqueue_dma source(%dma_start3A_767 : memref<8x50xf32, #tpu.memory_space<hbm>>) target(%dma_start3A_763 : memref<8x50xf32, #tpu.memory_space<vmem>>) target_semaphore(%arg9 : memref<!tpu.dma_semaphore, #tpu.memory_space<semaphore_mem>>)
      %shift_right_logical3A_768 = arith.constant 3 : i32
      %shift_right_logical3A_769 = arith.shrui %squeeze3A_495, %shift_right_logical3A_768 : i32
      %dma_start3A_770 = arith.constant 1 : i32
      %dma_start3A_771 = arith.constant 13 : i32
      %dma_start3A_772 = arith.constant 0 : i32
      %dma_start3A_773 = arith.constant 0 : i32
      %dma_start3A_774 = tpu.memref_slice %arg6[%dma_start3A_770, %dma_start3A_771, %dma_start3A_772, %dma_start3A_773] : memref<2x20x8x50xf32, #tpu.memory_space<vmem>> -> memref<1x1x8x50xf32, #tpu.memory_space<vmem>>
      %dma_start3A_775 = tpu.memref_squeeze %dma_start3A_774 : memref<1x1x8x50xf32, #tpu.memory_space<vmem>> -> memref<8x50xf32, #tpu.memory_space<vmem>>
      %dma_start3A_776 = arith.constant 0 : i32
      %dma_start3A_777 = arith.constant 0 : i32
      %dma_start3A_778 = tpu.memref_slice %arg3[%shift_right_logical3A_769, %dma_start3A_776, %dma_start3A_777] : memref<125000x8x50xf32, #tpu.memory_space<hbm>> -> memref<1x8x50xf32, #tpu.memory_space<hbm>>
      %dma_start3A_779 = tpu.memref_squeeze %dma_start3A_778 : memref<1x8x50xf32, #tpu.memory_space<hbm>> -> memref<8x50xf32, #tpu.memory_space<hbm>>
      %dma_start3A_780 = arith.constant 0 : i32
      %dma_start3A_781 = arith.constant 0 : i32
      %dma_start3A_782 = tpu.memref_slice %arg6[%dma_start3A_770, %dma_start3A_771, %dma_start3A_780, %dma_start3A_781] : memref<2x20x8x50xf32, #tpu.memory_space<vmem>> -> memref<1x1x8x50xf32, #tpu.memory_space<vmem>>
      %dma_start3A_783 = tpu.memref_squeeze %dma_start3A_782 : memref<1x1x8x50xf32, #tpu.memory_space<vmem>> -> memref<8x50xf32, #tpu.memory_space<vmem>>
      %dma_start3A_784 = arith.constant 0 : i32
      %dma_start3A_785 = arith.constant 0 : i32
      %dma_start3A_786 = tpu.memref_slice %arg3[%shift_right_logical3A_769, %dma_start3A_784, %dma_start3A_785] : memref<125000x8x50xf32, #tpu.memory_space<hbm>> -> memref<1x8x50xf32, #tpu.memory_space<hbm>>
      %dma_start3A_787 = tpu.memref_squeeze %dma_start3A_786 : memref<1x8x50xf32, #tpu.memory_space<hbm>> -> memref<8x50xf32, #tpu.memory_space<hbm>>
      tpu.enqueue_dma source(%dma_start3A_787 : memref<8x50xf32, #tpu.memory_space<hbm>>) target(%dma_start3A_783 : memref<8x50xf32, #tpu.memory_space<vmem>>) target_semaphore(%arg9 : memref<!tpu.dma_semaphore, #tpu.memory_space<semaphore_mem>>)
      %shift_right_logical3A_788 = arith.constant 3 : i32
      %shift_right_logical3A_789 = arith.shrui %squeeze3A_497, %shift_right_logical3A_788 : i32
      %dma_start3A_790 = arith.constant 1 : i32
      %dma_start3A_791 = arith.constant 14 : i32
      %dma_start3A_792 = arith.constant 0 : i32
      %dma_start3A_793 = arith.constant 0 : i32
      %dma_start3A_794 = tpu.memref_slice %arg6[%dma_start3A_790, %dma_start3A_791, %dma_start3A_792, %dma_start3A_793] : memref<2x20x8x50xf32, #tpu.memory_space<vmem>> -> memref<1x1x8x50xf32, #tpu.memory_space<vmem>>
      %dma_start3A_795 = tpu.memref_squeeze %dma_start3A_794 : memref<1x1x8x50xf32, #tpu.memory_space<vmem>> -> memref<8x50xf32, #tpu.memory_space<vmem>>
      %dma_start3A_796 = arith.constant 0 : i32
      %dma_start3A_797 = arith.constant 0 : i32
      %dma_start3A_798 = tpu.memref_slice %arg3[%shift_right_logical3A_789, %dma_start3A_796, %dma_start3A_797] : memref<125000x8x50xf32, #tpu.memory_space<hbm>> -> memref<1x8x50xf32, #tpu.memory_space<hbm>>
      %dma_start3A_799 = tpu.memref_squeeze %dma_start3A_798 : memref<1x8x50xf32, #tpu.memory_space<hbm>> -> memref<8x50xf32, #tpu.memory_space<hbm>>
      %dma_start3A_800 = arith.constant 0 : i32
      %dma_start3A_801 = arith.constant 0 : i32
      %dma_start3A_802 = tpu.memref_slice %arg6[%dma_start3A_790, %dma_start3A_791, %dma_start3A_800, %dma_start3A_801] : memref<2x20x8x50xf32, #tpu.memory_space<vmem>> -> memref<1x1x8x50xf32, #tpu.memory_space<vmem>>
      %dma_start3A_803 = tpu.memref_squeeze %dma_start3A_802 : memref<1x1x8x50xf32, #tpu.memory_space<vmem>> -> memref<8x50xf32, #tpu.memory_space<vmem>>
      %dma_start3A_804 = arith.constant 0 : i32
      %dma_start3A_805 = arith.constant 0 : i32
      %dma_start3A_806 = tpu.memref_slice %arg3[%shift_right_logical3A_789, %dma_start3A_804, %dma_start3A_805] : memref<125000x8x50xf32, #tpu.memory_space<hbm>> -> memref<1x8x50xf32, #tpu.memory_space<hbm>>
      %dma_start3A_807 = tpu.memref_squeeze %dma_start3A_806 : memref<1x8x50xf32, #tpu.memory_space<hbm>> -> memref<8x50xf32, #tpu.memory_space<hbm>>
      tpu.enqueue_dma source(%dma_start3A_807 : memref<8x50xf32, #tpu.memory_space<hbm>>) target(%dma_start3A_803 : memref<8x50xf32, #tpu.memory_space<vmem>>) target_semaphore(%arg9 : memref<!tpu.dma_semaphore, #tpu.memory_space<semaphore_mem>>)
      %shift_right_logical3A_808 = arith.constant 3 : i32
      %shift_right_logical3A_809 = arith.shrui %squeeze3A_499, %shift_right_logical3A_808 : i32
      %dma_start3A_810 = arith.constant 1 : i32
      %dma_start3A_811 = arith.constant 15 : i32
      %dma_start3A_812 = arith.constant 0 : i32
      %dma_start3A_813 = arith.constant 0 : i32
      %dma_start3A_814 = tpu.memref_slice %arg6[%dma_start3A_810, %dma_start3A_811, %dma_start3A_812, %dma_start3A_813] : memref<2x20x8x50xf32, #tpu.memory_space<vmem>> -> memref<1x1x8x50xf32, #tpu.memory_space<vmem>>
      %dma_start3A_815 = tpu.memref_squeeze %dma_start3A_814 : memref<1x1x8x50xf32, #tpu.memory_space<vmem>> -> memref<8x50xf32, #tpu.memory_space<vmem>>
      %dma_start3A_816 = arith.constant 0 : i32
      %dma_start3A_817 = arith.constant 0 : i32
      %dma_start3A_818 = tpu.memref_slice %arg3[%shift_right_logical3A_809, %dma_start3A_816, %dma_start3A_817] : memref<125000x8x50xf32, #tpu.memory_space<hbm>> -> memref<1x8x50xf32, #tpu.memory_space<hbm>>
      %dma_start3A_819 = tpu.memref_squeeze %dma_start3A_818 : memref<1x8x50xf32, #tpu.memory_space<hbm>> -> memref<8x50xf32, #tpu.memory_space<hbm>>
      %dma_start3A_820 = arith.constant 0 : i32
      %dma_start3A_821 = arith.constant 0 : i32
      %dma_start3A_822 = tpu.memref_slice %arg6[%dma_start3A_810, %dma_start3A_811, %dma_start3A_820, %dma_start3A_821] : memref<2x20x8x50xf32, #tpu.memory_space<vmem>> -> memref<1x1x8x50xf32, #tpu.memory_space<vmem>>
      %dma_start3A_823 = tpu.memref_squeeze %dma_start3A_822 : memref<1x1x8x50xf32, #tpu.memory_space<vmem>> -> memref<8x50xf32, #tpu.memory_space<vmem>>
      %dma_start3A_824 = arith.constant 0 : i32
      %dma_start3A_825 = arith.constant 0 : i32
      %dma_start3A_826 = tpu.memref_slice %arg3[%shift_right_logical3A_809, %dma_start3A_824, %dma_start3A_825] : memref<125000x8x50xf32, #tpu.memory_space<hbm>> -> memref<1x8x50xf32, #tpu.memory_space<hbm>>
      %dma_start3A_827 = tpu.memref_squeeze %dma_start3A_826 : memref<1x8x50xf32, #tpu.memory_space<hbm>> -> memref<8x50xf32, #tpu.memory_space<hbm>>
      tpu.enqueue_dma source(%dma_start3A_827 : memref<8x50xf32, #tpu.memory_space<hbm>>) target(%dma_start3A_823 : memref<8x50xf32, #tpu.memory_space<vmem>>) target_semaphore(%arg9 : memref<!tpu.dma_semaphore, #tpu.memory_space<semaphore_mem>>)
      %shift_right_logical3A_828 = arith.constant 3 : i32
      %shift_right_logical3A_829 = arith.shrui %squeeze3A_501, %shift_right_logical3A_828 : i32
      %dma_start3A_830 = arith.constant 1 : i32
      %dma_start3A_831 = arith.constant 16 : i32
      %dma_start3A_832 = arith.constant 0 : i32
      %dma_start3A_833 = arith.constant 0 : i32
      %dma_start3A_834 = tpu.memref_slice %arg6[%dma_start3A_830, %dma_start3A_831, %dma_start3A_832, %dma_start3A_833] : memref<2x20x8x50xf32, #tpu.memory_space<vmem>> -> memref<1x1x8x50xf32, #tpu.memory_space<vmem>>
      %dma_start3A_835 = tpu.memref_squeeze %dma_start3A_834 : memref<1x1x8x50xf32, #tpu.memory_space<vmem>> -> memref<8x50xf32, #tpu.memory_space<vmem>>
      %dma_start3A_836 = arith.constant 0 : i32
      %dma_start3A_837 = arith.constant 0 : i32
      %dma_start3A_838 = tpu.memref_slice %arg3[%shift_right_logical3A_829, %dma_start3A_836, %dma_start3A_837] : memref<125000x8x50xf32, #tpu.memory_space<hbm>> -> memref<1x8x50xf32, #tpu.memory_space<hbm>>
      %dma_start3A_839 = tpu.memref_squeeze %dma_start3A_838 : memref<1x8x50xf32, #tpu.memory_space<hbm>> -> memref<8x50xf32, #tpu.memory_space<hbm>>
      %dma_start3A_840 = arith.constant 0 : i32
      %dma_start3A_841 = arith.constant 0 : i32
      %dma_start3A_842 = tpu.memref_slice %arg6[%dma_start3A_830, %dma_start3A_831, %dma_start3A_840, %dma_start3A_841] : memref<2x20x8x50xf32, #tpu.memory_space<vmem>> -> memref<1x1x8x50xf32, #tpu.memory_space<vmem>>
      %dma_start3A_843 = tpu.memref_squeeze %dma_start3A_842 : memref<1x1x8x50xf32, #tpu.memory_space<vmem>> -> memref<8x50xf32, #tpu.memory_space<vmem>>
      %dma_start3A_844 = arith.constant 0 : i32
      %dma_start3A_845 = arith.constant 0 : i32
      %dma_start3A_846 = tpu.memref_slice %arg3[%shift_right_logical3A_829, %dma_start3A_844, %dma_start3A_845] : memref<125000x8x50xf32, #tpu.memory_space<hbm>> -> memref<1x8x50xf32, #tpu.memory_space<hbm>>
      %dma_start3A_847 = tpu.memref_squeeze %dma_start3A_846 : memref<1x8x50xf32, #tpu.memory_space<hbm>> -> memref<8x50xf32, #tpu.memory_space<hbm>>
      tpu.enqueue_dma source(%dma_start3A_847 : memref<8x50xf32, #tpu.memory_space<hbm>>) target(%dma_start3A_843 : memref<8x50xf32, #tpu.memory_space<vmem>>) target_semaphore(%arg9 : memref<!tpu.dma_semaphore, #tpu.memory_space<semaphore_mem>>)
      %shift_right_logical3A_848 = arith.constant 3 : i32
      %shift_right_logical3A_849 = arith.shrui %squeeze3A_503, %shift_right_logical3A_848 : i32
      %dma_start3A_850 = arith.constant 1 : i32
      %dma_start3A_851 = arith.constant 17 : i32
      %dma_start3A_852 = arith.constant 0 : i32
      %dma_start3A_853 = arith.constant 0 : i32
      %dma_start3A_854 = tpu.memref_slice %arg6[%dma_start3A_850, %dma_start3A_851, %dma_start3A_852, %dma_start3A_853] : memref<2x20x8x50xf32, #tpu.memory_space<vmem>> -> memref<1x1x8x50xf32, #tpu.memory_space<vmem>>
      %dma_start3A_855 = tpu.memref_squeeze %dma_start3A_854 : memref<1x1x8x50xf32, #tpu.memory_space<vmem>> -> memref<8x50xf32, #tpu.memory_space<vmem>>
      %dma_start3A_856 = arith.constant 0 : i32
      %dma_start3A_857 = arith.constant 0 : i32
      %dma_start3A_858 = tpu.memref_slice %arg3[%shift_right_logical3A_849, %dma_start3A_856, %dma_start3A_857] : memref<125000x8x50xf32, #tpu.memory_space<hbm>> -> memref<1x8x50xf32, #tpu.memory_space<hbm>>
      %dma_start3A_859 = tpu.memref_squeeze %dma_start3A_858 : memref<1x8x50xf32, #tpu.memory_space<hbm>> -> memref<8x50xf32, #tpu.memory_space<hbm>>
      %dma_start3A_860 = arith.constant 0 : i32
      %dma_start3A_861 = arith.constant 0 : i32
      %dma_start3A_862 = tpu.memref_slice %arg6[%dma_start3A_850, %dma_start3A_851, %dma_start3A_860, %dma_start3A_861] : memref<2x20x8x50xf32, #tpu.memory_space<vmem>> -> memref<1x1x8x50xf32, #tpu.memory_space<vmem>>
      %dma_start3A_863 = tpu.memref_squeeze %dma_start3A_862 : memref<1x1x8x50xf32, #tpu.memory_space<vmem>> -> memref<8x50xf32, #tpu.memory_space<vmem>>
      %dma_start3A_864 = arith.constant 0 : i32
      %dma_start3A_865 = arith.constant 0 : i32
      %dma_start3A_866 = tpu.memref_slice %arg3[%shift_right_logical3A_849, %dma_start3A_864, %dma_start3A_865] : memref<125000x8x50xf32, #tpu.memory_space<hbm>> -> memref<1x8x50xf32, #tpu.memory_space<hbm>>
      %dma_start3A_867 = tpu.memref_squeeze %dma_start3A_866 : memref<1x8x50xf32, #tpu.memory_space<hbm>> -> memref<8x50xf32, #tpu.memory_space<hbm>>
      tpu.enqueue_dma source(%dma_start3A_867 : memref<8x50xf32, #tpu.memory_space<hbm>>) target(%dma_start3A_863 : memref<8x50xf32, #tpu.memory_space<vmem>>) target_semaphore(%arg9 : memref<!tpu.dma_semaphore, #tpu.memory_space<semaphore_mem>>)
      %shift_right_logical3A_868 = arith.constant 3 : i32
      %shift_right_logical3A_869 = arith.shrui %squeeze3A_505, %shift_right_logical3A_868 : i32
      %dma_start3A_870 = arith.constant 1 : i32
      %dma_start3A_871 = arith.constant 18 : i32
      %dma_start3A_872 = arith.constant 0 : i32
      %dma_start3A_873 = arith.constant 0 : i32
      %dma_start3A_874 = tpu.memref_slice %arg6[%dma_start3A_870, %dma_start3A_871, %dma_start3A_872, %dma_start3A_873] : memref<2x20x8x50xf32, #tpu.memory_space<vmem>> -> memref<1x1x8x50xf32, #tpu.memory_space<vmem>>
      %dma_start3A_875 = tpu.memref_squeeze %dma_start3A_874 : memref<1x1x8x50xf32, #tpu.memory_space<vmem>> -> memref<8x50xf32, #tpu.memory_space<vmem>>
      %dma_start3A_876 = arith.constant 0 : i32
      %dma_start3A_877 = arith.constant 0 : i32
      %dma_start3A_878 = tpu.memref_slice %arg3[%shift_right_logical3A_869, %dma_start3A_876, %dma_start3A_877] : memref<125000x8x50xf32, #tpu.memory_space<hbm>> -> memref<1x8x50xf32, #tpu.memory_space<hbm>>
      %dma_start3A_879 = tpu.memref_squeeze %dma_start3A_878 : memref<1x8x50xf32, #tpu.memory_space<hbm>> -> memref<8x50xf32, #tpu.memory_space<hbm>>
      %dma_start3A_880 = arith.constant 0 : i32
      %dma_start3A_881 = arith.constant 0 : i32
      %dma_start3A_882 = tpu.memref_slice %arg6[%dma_start3A_870, %dma_start3A_871, %dma_start3A_880, %dma_start3A_881] : memref<2x20x8x50xf32, #tpu.memory_space<vmem>> -> memref<1x1x8x50xf32, #tpu.memory_space<vmem>>
      %dma_start3A_883 = tpu.memref_squeeze %dma_start3A_882 : memref<1x1x8x50xf32, #tpu.memory_space<vmem>> -> memref<8x50xf32, #tpu.memory_space<vmem>>
      %dma_start3A_884 = arith.constant 0 : i32
      %dma_start3A_885 = arith.constant 0 : i32
      %dma_start3A_886 = tpu.memref_slice %arg3[%shift_right_logical3A_869, %dma_start3A_884, %dma_start3A_885] : memref<125000x8x50xf32, #tpu.memory_space<hbm>> -> memref<1x8x50xf32, #tpu.memory_space<hbm>>
      %dma_start3A_887 = tpu.memref_squeeze %dma_start3A_886 : memref<1x8x50xf32, #tpu.memory_space<hbm>> -> memref<8x50xf32, #tpu.memory_space<hbm>>
      tpu.enqueue_dma source(%dma_start3A_887 : memref<8x50xf32, #tpu.memory_space<hbm>>) target(%dma_start3A_883 : memref<8x50xf32, #tpu.memory_space<vmem>>) target_semaphore(%arg9 : memref<!tpu.dma_semaphore, #tpu.memory_space<semaphore_mem>>)
      %shift_right_logical3A_888 = arith.constant 3 : i32
      %shift_right_logical3A_889 = arith.shrui %squeeze3A_507, %shift_right_logical3A_888 : i32
      %dma_start3A_890 = arith.constant 1 : i32
      %dma_start3A_891 = arith.constant 19 : i32
      %dma_start3A_892 = arith.constant 0 : i32
      %dma_start3A_893 = arith.constant 0 : i32
      %dma_start3A_894 = tpu.memref_slice %arg6[%dma_start3A_890, %dma_start3A_891, %dma_start3A_892, %dma_start3A_893] : memref<2x20x8x50xf32, #tpu.memory_space<vmem>> -> memref<1x1x8x50xf32, #tpu.memory_space<vmem>>
      %dma_start3A_895 = tpu.memref_squeeze %dma_start3A_894 : memref<1x1x8x50xf32, #tpu.memory_space<vmem>> -> memref<8x50xf32, #tpu.memory_space<vmem>>
      %dma_start3A_896 = arith.constant 0 : i32
      %dma_start3A_897 = arith.constant 0 : i32
      %dma_start3A_898 = tpu.memref_slice %arg3[%shift_right_logical3A_889, %dma_start3A_896, %dma_start3A_897] : memref<125000x8x50xf32, #tpu.memory_space<hbm>> -> memref<1x8x50xf32, #tpu.memory_space<hbm>>
      %dma_start3A_899 = tpu.memref_squeeze %dma_start3A_898 : memref<1x8x50xf32, #tpu.memory_space<hbm>> -> memref<8x50xf32, #tpu.memory_space<hbm>>
      %dma_start3A_900 = arith.constant 0 : i32
      %dma_start3A_901 = arith.constant 0 : i32
      %dma_start3A_902 = tpu.memref_slice %arg6[%dma_start3A_890, %dma_start3A_891, %dma_start3A_900, %dma_start3A_901] : memref<2x20x8x50xf32, #tpu.memory_space<vmem>> -> memref<1x1x8x50xf32, #tpu.memory_space<vmem>>
      %dma_start3A_903 = tpu.memref_squeeze %dma_start3A_902 : memref<1x1x8x50xf32, #tpu.memory_space<vmem>> -> memref<8x50xf32, #tpu.memory_space<vmem>>
      %dma_start3A_904 = arith.constant 0 : i32
      %dma_start3A_905 = arith.constant 0 : i32
      %dma_start3A_906 = tpu.memref_slice %arg3[%shift_right_logical3A_889, %dma_start3A_904, %dma_start3A_905] : memref<125000x8x50xf32, #tpu.memory_space<hbm>> -> memref<1x8x50xf32, #tpu.memory_space<hbm>>
      %dma_start3A_907 = tpu.memref_squeeze %dma_start3A_906 : memref<1x8x50xf32, #tpu.memory_space<hbm>> -> memref<8x50xf32, #tpu.memory_space<hbm>>
      tpu.enqueue_dma source(%dma_start3A_907 : memref<8x50xf32, #tpu.memory_space<hbm>>) target(%dma_start3A_903 : memref<8x50xf32, #tpu.memory_space<vmem>>) target_semaphore(%arg9 : memref<!tpu.dma_semaphore, #tpu.memory_space<semaphore_mem>>)
      %mul3A_908 = arith.constant 2 : i32
      %mul3A_909 = arith.muli %mul3A_908, %scan3A_455 : i32
      %get3A_910 = arith.index_cast %mul3A_909 : i32 to index
      %get3A_911 = arith.constant 0 : index
      %get3A_912 = tpu.vector_load %arg5[%get3A_910, %get3A_911] {strides = array<i32>} : memref<128x20xi32, #tpu.memory_space<vmem>>, vector<1x16xi32>,
      %get3A_913 = vector.shape_cast %get3A_912 : vector<1x16xi32> to vector<16xi32>
      %get3A_914 = arith.index_cast %mul3A_909 : i32 to index
      %get3A_915 = arith.constant 4 : index
      %get3A_916 = tpu.vector_load %arg5[%get3A_914, %get3A_915] {strides = array<i32>} : memref<128x20xi32, #tpu.memory_space<vmem>>, vector<1x16xi32>,
      %get3A_917 = vector.shape_cast %get3A_916 : vector<1x16xi32> to vector<16xi32>
      %slice3A_918 = vector.extract_strided_slice %get3A_913 {offsets = [0], sizes = [1], strides = [1]} : vector<16xi32> to vector<1xi32>
      %squeeze3A_919 = vector.extract %slice3A_918[0] : i32 from vector<1xi32>
      %slice3A_920 = vector.extract_strided_slice %get3A_913 {offsets = [1], sizes = [1], strides = [1]} : vector<16xi32> to vector<1xi32>
      %squeeze3A_921 = vector.extract %slice3A_920[0] : i32 from vector<1xi32>
      %slice3A_922 = vector.extract_strided_slice %get3A_913 {offsets = [2], sizes = [1], strides = [1]} : vector<16xi32> to vector<1xi32>
      %squeeze3A_923 = vector.extract %slice3A_922[0] : i32 from vector<1xi32>
      %slice3A_924 = vector.extract_strided_slice %get3A_913 {offsets = [3], sizes = [1], strides = [1]} : vector<16xi32> to vector<1xi32>
      %squeeze3A_925 = vector.extract %slice3A_924[0] : i32 from vector<1xi32>
      %slice3A_926 = vector.extract_strided_slice %get3A_913 {offsets = [4], sizes = [1], strides = [1]} : vector<16xi32> to vector<1xi32>
      %squeeze3A_927 = vector.extract %slice3A_926[0] : i32 from vector<1xi32>
      %slice3A_928 = vector.extract_strided_slice %get3A_913 {offsets = [5], sizes = [1], strides = [1]} : vector<16xi32> to vector<1xi32>
      %squeeze3A_929 = vector.extract %slice3A_928[0] : i32 from vector<1xi32>
      %slice3A_930 = vector.extract_strided_slice %get3A_913 {offsets = [6], sizes = [1], strides = [1]} : vector<16xi32> to vector<1xi32>
      %squeeze3A_931 = vector.extract %slice3A_930[0] : i32 from vector<1xi32>
      %slice3A_932 = vector.extract_strided_slice %get3A_913 {offsets = [7], sizes = [1], strides = [1]} : vector<16xi32> to vector<1xi32>
      %squeeze3A_933 = vector.extract %slice3A_932[0] : i32 from vector<1xi32>
      %slice3A_934 = vector.extract_strided_slice %get3A_913 {offsets = [8], sizes = [1], strides = [1]} : vector<16xi32> to vector<1xi32>
      %squeeze3A_935 = vector.extract %slice3A_934[0] : i32 from vector<1xi32>
      %slice3A_936 = vector.extract_strided_slice %get3A_913 {offsets = [9], sizes = [1], strides = [1]} : vector<16xi32> to vector<1xi32>
      %squeeze3A_937 = vector.extract %slice3A_936[0] : i32 from vector<1xi32>
      %slice3A_938 = vector.extract_strided_slice %get3A_913 {offsets = [10], sizes = [1], strides = [1]} : vector<16xi32> to vector<1xi32>
      %squeeze3A_939 = vector.extract %slice3A_938[0] : i32 from vector<1xi32>
      %slice3A_940 = vector.extract_strided_slice %get3A_913 {offsets = [11], sizes = [1], strides = [1]} : vector<16xi32> to vector<1xi32>
      %squeeze3A_941 = vector.extract %slice3A_940[0] : i32 from vector<1xi32>
      %slice3A_942 = vector.extract_strided_slice %get3A_913 {offsets = [12], sizes = [1], strides = [1]} : vector<16xi32> to vector<1xi32>
      %squeeze3A_943 = vector.extract %slice3A_942[0] : i32 from vector<1xi32>
      %slice3A_944 = vector.extract_strided_slice %get3A_913 {offsets = [13], sizes = [1], strides = [1]} : vector<16xi32> to vector<1xi32>
      %squeeze3A_945 = vector.extract %slice3A_944[0] : i32 from vector<1xi32>
      %slice3A_946 = vector.extract_strided_slice %get3A_913 {offsets = [14], sizes = [1], strides = [1]} : vector<16xi32> to vector<1xi32>
      %squeeze3A_947 = vector.extract %slice3A_946[0] : i32 from vector<1xi32>
      %slice3A_948 = vector.extract_strided_slice %get3A_913 {offsets = [15], sizes = [1], strides = [1]} : vector<16xi32> to vector<1xi32>
      %squeeze3A_949 = vector.extract %slice3A_948[0] : i32 from vector<1xi32>
      %slice3A_950 = vector.extract_strided_slice %get3A_917 {offsets = [12], sizes = [1], strides = [1]} : vector<16xi32> to vector<1xi32>
      %squeeze3A_951 = vector.extract %slice3A_950[0] : i32 from vector<1xi32>
      %slice3A_952 = vector.extract_strided_slice %get3A_917 {offsets = [13], sizes = [1], strides = [1]} : vector<16xi32> to vector<1xi32>
      %squeeze3A_953 = vector.extract %slice3A_952[0] : i32 from vector<1xi32>
      %slice3A_954 = vector.extract_strided_slice %get3A_917 {offsets = [14], sizes = [1], strides = [1]} : vector<16xi32> to vector<1xi32>
      %squeeze3A_955 = vector.extract %slice3A_954[0] : i32 from vector<1xi32>
      %slice3A_956 = vector.extract_strided_slice %get3A_917 {offsets = [15], sizes = [1], strides = [1]} : vector<16xi32> to vector<1xi32>
      %squeeze3A_957 = vector.extract %slice3A_956[0] : i32 from vector<1xi32>
      %dma_wait3A = arith.constant 0 : i32
      %dma_wait3A_958 = arith.constant 0 : i32
      %dma_wait3A_959 = arith.constant 0 : i32
      %dma_wait3A_960 = arith.constant 0 : i32
      %dma_wait3A_961 = tpu.memref_slice %arg6[%dma_wait3A, %dma_wait3A_958, %dma_wait3A_959, %dma_wait3A_960] : memref<2x20x8x50xf32, #tpu.memory_space<vmem>> -> memref<1x20x8x50xf32, #tpu.memory_space<vmem>>
      %dma_wait3A_962 = tpu.memref_squeeze %dma_wait3A_961 : memref<1x20x8x50xf32, #tpu.memory_space<vmem>> -> memref<20x8x50xf32, #tpu.memory_space<vmem>>
      %dma_wait3A_963 = arith.constant 0 : i32
      %dma_wait3A_964 = arith.constant 0 : i32
      %dma_wait3A_965 = arith.constant 0 : i32
      %dma_wait3A_966 = tpu.memref_slice %arg3[%dma_wait3A_963, %dma_wait3A_964, %dma_wait3A_965] : memref<125000x8x50xf32, #tpu.memory_space<hbm>> -> memref<20x8x50xf32, #tpu.memory_space<hbm>>
      %dma_wait3A_967 = arith.constant 0 : i32
      %dma_wait3A_968 = arith.constant 0 : i32
      %dma_wait3A_969 = arith.constant 0 : i32
      %dma_wait3A_970 = tpu.memref_slice %arg6[%dma_wait3A, %dma_wait3A_967, %dma_wait3A_968, %dma_wait3A_969] : memref<2x20x8x50xf32, #tpu.memory_space<vmem>> -> memref<1x20x8x50xf32, #tpu.memory_space<vmem>>
      %dma_wait3A_971 = tpu.memref_squeeze %dma_wait3A_970 : memref<1x20x8x50xf32, #tpu.memory_space<vmem>> -> memref<20x8x50xf32, #tpu.memory_space<vmem>>
      %dma_wait3A_972 = arith.constant 0 : i32
      %dma_wait3A_973 = arith.constant 0 : i32
      %dma_wait3A_974 = arith.constant 0 : i32
      %dma_wait3A_975 = tpu.memref_slice %arg3[%dma_wait3A_972, %dma_wait3A_973, %dma_wait3A_974] : memref<125000x8x50xf32, #tpu.memory_space<hbm>> -> memref<20x8x50xf32, #tpu.memory_space<hbm>>
      tpu.wait_dma2 semaphore(%arg8 : memref<!tpu.dma_semaphore, #tpu.memory_space<semaphore_mem>>) src(%dma_wait3A_975 : memref<20x8x50xf32, #tpu.memory_space<hbm>>) dst(%dma_wait3A_971 : memref<20x8x50xf32, #tpu.memory_space<vmem>>)
      %and3A = arith.constant 7 : i32
      %and3A_976 = arith.andi %squeeze3A_919, %and3A : i32
      %get3A_977 = arith.constant 0 : i32
      %get3A_978 = arith.constant 0 : i32
      %get3A_979 = arith.index_cast %get3A_977 : i32 to index
      %get3A_980 = arith.index_cast %get3A_978 : i32 to index
      %get3A_981 = arith.index_cast %and3A_976 : i32 to index
      %get3A_982 = arith.constant 0 : index
      %get3A_983 = tpu.vector_load %arg6[%get3A_979, %get3A_980, %get3A_981, %get3A_982] {strides = array<i32>} : memref<2x20x8x50xf32, #tpu.memory_space<vmem>>, vector<1x1x1x16xf32>,
      %get3A_984 = vector.shape_cast %get3A_983 : vector<1x1x1x16xf32> to vector<16xf32>
      %swap3A = arith.constant 0 : i32
      %swap3A_985 = arith.constant 0 : i32
      %swap3A_986 = arith.index_cast %swap3A : i32 to index
      %swap3A_987 = arith.index_cast %swap3A_985 : i32 to index
      %swap3A_988 = arith.constant 0 : index
      %swap3A_989 = tpu.vector_load %arg7[%swap3A_986, %swap3A_987, %swap3A_988] {strides = array<i32>} : memref<5x8x50xf32, #tpu.memory_space<vmem>>, vector<1x1x16xf32>,
      %swap3A_990 = vector.shape_cast %swap3A_989 : vector<1x1x16xf32> to vector<16xf32>
      %swap3A_991 = vector.shape_cast %get3A_984 : vector<16xf32> to vector<1x1x16xf32>
      tpu.vector_store %arg7[%swap3A_986, %swap3A_987, %swap3A_988], %swap3A_991 {strides = array<i32>} : memref<5x8x50xf32, #tpu.memory_space<vmem>>, vector<1x1x16xf32>,
      %get3A_992 = arith.constant 0 : i32
      %get3A_993 = arith.constant 0 : i32
      %get3A_994 = arith.index_cast %get3A_992 : i32 to index
      %get3A_995 = arith.index_cast %get3A_993 : i32 to index
      %get3A_996 = arith.index_cast %and3A_976 : i32 to index
      %get3A_997 = arith.constant 16 : index
      %get3A_998 = tpu.vector_load %arg6[%get3A_994, %get3A_995, %get3A_996, %get3A_997] {strides = array<i32>} : memref<2x20x8x50xf32, #tpu.memory_space<vmem>>, vector<1x1x1x16xf32>,
      %get3A_999 = vector.shape_cast %get3A_998 : vector<1x1x1x16xf32> to vector<16xf32>
      %swap3A_1000 = arith.constant 0 : i32
      %swap3A_1001 = arith.constant 0 : i32
      %swap3A_1002 = arith.index_cast %swap3A_1000 : i32 to index
      %swap3A_1003 = arith.index_cast %swap3A_1001 : i32 to index
      %swap3A_1004 = arith.constant 16 : index
      %swap3A_1005 = tpu.vector_load %arg7[%swap3A_1002, %swap3A_1003, %swap3A_1004] {strides = array<i32>} : memref<5x8x50xf32, #tpu.memory_space<vmem>>, vector<1x1x16xf32>,
      %swap3A_1006 = vector.shape_cast %swap3A_1005 : vector<1x1x16xf32> to vector<16xf32>
      %swap3A_1007 = vector.shape_cast %get3A_999 : vector<16xf32> to vector<1x1x16xf32>
      tpu.vector_store %arg7[%swap3A_1002, %swap3A_1003, %swap3A_1004], %swap3A_1007 {strides = array<i32>} : memref<5x8x50xf32, #tpu.memory_space<vmem>>, vector<1x1x16xf32>,
      %get3A_1008 = arith.constant 0 : i32
      %get3A_1009 = arith.constant 0 : i32
      %get3A_1010 = arith.index_cast %get3A_1008 : i32 to index
      %get3A_1011 = arith.index_cast %get3A_1009 : i32 to index
      %get3A_1012 = arith.index_cast %and3A_976 : i32 to index
      %get3A_1013 = arith.constant 32 : index
      %get3A_1014 = tpu.vector_load %arg6[%get3A_1010, %get3A_1011, %get3A_1012, %get3A_1013] {strides = array<i32>} : memref<2x20x8x50xf32, #tpu.memory_space<vmem>>, vector<1x1x1x16xf32>,
      %get3A_1015 = vector.shape_cast %get3A_1014 : vector<1x1x1x16xf32> to vector<16xf32>
      %swap3A_1016 = arith.constant 0 : i32
      %swap3A_1017 = arith.constant 0 : i32
      %swap3A_1018 = arith.index_cast %swap3A_1016 : i32 to index
      %swap3A_1019 = arith.index_cast %swap3A_1017 : i32 to index
      %swap3A_1020 = arith.constant 32 : index
      %swap3A_1021 = tpu.vector_load %arg7[%swap3A_1018, %swap3A_1019, %swap3A_1020] {strides = array<i32>} : memref<5x8x50xf32, #tpu.memory_space<vmem>>, vector<1x1x16xf32>,
      %swap3A_1022 = vector.shape_cast %swap3A_1021 : vector<1x1x16xf32> to vector<16xf32>
      %swap3A_1023 = vector.shape_cast %get3A_1015 : vector<16xf32> to vector<1x1x16xf32>
      tpu.vector_store %arg7[%swap3A_1018, %swap3A_1019, %swap3A_1020], %swap3A_1023 {strides = array<i32>} : memref<5x8x50xf32, #tpu.memory_space<vmem>>, vector<1x1x16xf32>,
      %get3A_1024 = arith.constant 0 : i32
      %get3A_1025 = arith.constant 0 : i32
      %get3A_1026 = arith.index_cast %get3A_1024 : i32 to index
      %get3A_1027 = arith.index_cast %get3A_1025 : i32 to index
      %get3A_1028 = arith.index_cast %and3A_976 : i32 to index
      %get3A_1029 = arith.constant 34 : index
      %get3A_1030 = tpu.vector_load %arg6[%get3A_1026, %get3A_1027, %get3A_1028, %get3A_1029] {strides = array<i32>} : memref<2x20x8x50xf32, #tpu.memory_space<vmem>>, vector<1x1x1x16xf32>,
      %get3A_1031 = vector.shape_cast %get3A_1030 : vector<1x1x1x16xf32> to vector<16xf32>
      %swap3A_1032 = arith.constant 0 : i32
      %swap3A_1033 = arith.constant 0 : i32
      %swap3A_1034 = arith.index_cast %swap3A_1032 : i32 to index
      %swap3A_1035 = arith.index_cast %swap3A_1033 : i32 to index
      %swap3A_1036 = arith.constant 34 : index
      %swap3A_1037 = tpu.vector_load %arg7[%swap3A_1034, %swap3A_1035, %swap3A_1036] {strides = array<i32>} : memref<5x8x50xf32, #tpu.memory_space<vmem>>, vector<1x1x16xf32>,
      %swap3A_1038 = vector.shape_cast %swap3A_1037 : vector<1x1x16xf32> to vector<16xf32>
      %swap3A_1039 = vector.shape_cast %get3A_1031 : vector<16xf32> to vector<1x1x16xf32>
      tpu.vector_store %arg7[%swap3A_1034, %swap3A_1035, %swap3A_1036], %swap3A_1039 {strides = array<i32>} : memref<5x8x50xf32, #tpu.memory_space<vmem>>, vector<1x1x16xf32>,
      %and3A_1040 = arith.constant 7 : i32
      %and3A_1041 = arith.andi %squeeze3A_921, %and3A_1040 : i32
      %get3A_1042 = arith.constant 0 : i32
      %get3A_1043 = arith.constant 1 : i32
      %get3A_1044 = arith.index_cast %get3A_1042 : i32 to index
      %get3A_1045 = arith.index_cast %get3A_1043 : i32 to index
      %get3A_1046 = arith.index_cast %and3A_1041 : i32 to index
      %get3A_1047 = arith.constant 0 : index
      %get3A_1048 = tpu.vector_load %arg6[%get3A_1044, %get3A_1045, %get3A_1046, %get3A_1047] {strides = array<i32>} : memref<2x20x8x50xf32, #tpu.memory_space<vmem>>, vector<1x1x1x16xf32>,
      %get3A_1049 = vector.shape_cast %get3A_1048 : vector<1x1x1x16xf32> to vector<16xf32>
      %swap3A_1050 = arith.constant 1 : i32
      %swap3A_1051 = arith.constant 0 : i32
      %swap3A_1052 = arith.index_cast %swap3A_1050 : i32 to index
      %swap3A_1053 = arith.index_cast %swap3A_1051 : i32 to index
      %swap3A_1054 = arith.constant 0 : index
      %swap3A_1055 = tpu.vector_load %arg7[%swap3A_1052, %swap3A_1053, %swap3A_1054] {strides = array<i32>} : memref<5x8x50xf32, #tpu.memory_space<vmem>>, vector<1x1x16xf32>,
      %swap3A_1056 = vector.shape_cast %swap3A_1055 : vector<1x1x16xf32> to vector<16xf32>
      %swap3A_1057 = vector.shape_cast %get3A_1049 : vector<16xf32> to vector<1x1x16xf32>
      tpu.vector_store %arg7[%swap3A_1052, %swap3A_1053, %swap3A_1054], %swap3A_1057 {strides = array<i32>} : memref<5x8x50xf32, #tpu.memory_space<vmem>>, vector<1x1x16xf32>,
      %get3A_1058 = arith.constant 0 : i32
      %get3A_1059 = arith.constant 1 : i32
      %get3A_1060 = arith.index_cast %get3A_1058 : i32 to index
      %get3A_1061 = arith.index_cast %get3A_1059 : i32 to index
      %get3A_1062 = arith.index_cast %and3A_1041 : i32 to index
      %get3A_1063 = arith.constant 16 : index
      %get3A_1064 = tpu.vector_load %arg6[%get3A_1060, %get3A_1061, %get3A_1062, %get3A_1063] {strides = array<i32>} : memref<2x20x8x50xf32, #tpu.memory_space<vmem>>, vector<1x1x1x16xf32>,
      %get3A_1065 = vector.shape_cast %get3A_1064 : vector<1x1x1x16xf32> to vector<16xf32>
      %swap3A_1066 = arith.constant 1 : i32
      %swap3A_1067 = arith.constant 0 : i32
      %swap3A_1068 = arith.index_cast %swap3A_1066 : i32 to index
      %swap3A_1069 = arith.index_cast %swap3A_1067 : i32 to index
      %swap3A_1070 = arith.constant 16 : index
      %swap3A_1071 = tpu.vector_load %arg7[%swap3A_1068, %swap3A_1069, %swap3A_1070] {strides = array<i32>} : memref<5x8x50xf32, #tpu.memory_space<vmem>>, vector<1x1x16xf32>,
      %swap3A_1072 = vector.shape_cast %swap3A_1071 : vector<1x1x16xf32> to vector<16xf32>
      %swap3A_1073 = vector.shape_cast %get3A_1065 : vector<16xf32> to vector<1x1x16xf32>
      tpu.vector_store %arg7[%swap3A_1068, %swap3A_1069, %swap3A_1070], %swap3A_1073 {strides = array<i32>} : memref<5x8x50xf32, #tpu.memory_space<vmem>>, vector<1x1x16xf32>,
      %get3A_1074 = arith.constant 0 : i32
      %get3A_1075 = arith.constant 1 : i32
      %get3A_1076 = arith.index_cast %get3A_1074 : i32 to index
      %get3A_1077 = arith.index_cast %get3A_1075 : i32 to index
      %get3A_1078 = arith.index_cast %and3A_1041 : i32 to index
      %get3A_1079 = arith.constant 32 : index
      %get3A_1080 = tpu.vector_load %arg6[%get3A_1076, %get3A_1077, %get3A_1078, %get3A_1079] {strides = array<i32>} : memref<2x20x8x50xf32, #tpu.memory_space<vmem>>, vector<1x1x1x16xf32>,
      %get3A_1081 = vector.shape_cast %get3A_1080 : vector<1x1x1x16xf32> to vector<16xf32>
      %swap3A_1082 = arith.constant 1 : i32
      %swap3A_1083 = arith.constant 0 : i32
      %swap3A_1084 = arith.index_cast %swap3A_1082 : i32 to index
      %swap3A_1085 = arith.index_cast %swap3A_1083 : i32 to index
      %swap3A_1086 = arith.constant 32 : index
      %swap3A_1087 = tpu.vector_load %arg7[%swap3A_1084, %swap3A_1085, %swap3A_1086] {strides = array<i32>} : memref<5x8x50xf32, #tpu.memory_space<vmem>>, vector<1x1x16xf32>,
      %swap3A_1088 = vector.shape_cast %swap3A_1087 : vector<1x1x16xf32> to vector<16xf32>
      %swap3A_1089 = vector.shape_cast %get3A_1081 : vector<16xf32> to vector<1x1x16xf32>
      tpu.vector_store %arg7[%swap3A_1084, %swap3A_1085, %swap3A_1086], %swap3A_1089 {strides = array<i32>} : memref<5x8x50xf32, #tpu.memory_space<vmem>>, vector<1x1x16xf32>,
      %get3A_1090 = arith.constant 0 : i32
      %get3A_1091 = arith.constant 1 : i32
      %get3A_1092 = arith.index_cast %get3A_1090 : i32 to index
      %get3A_1093 = arith.index_cast %get3A_1091 : i32 to index
      %get3A_1094 = arith.index_cast %and3A_1041 : i32 to index
      %get3A_1095 = arith.constant 34 : index
      %get3A_1096 = tpu.vector_load %arg6[%get3A_1092, %get3A_1093, %get3A_1094, %get3A_1095] {strides = array<i32>} : memref<2x20x8x50xf32, #tpu.memory_space<vmem>>, vector<1x1x1x16xf32>,
      %get3A_1097 = vector.shape_cast %get3A_1096 : vector<1x1x1x16xf32> to vector<16xf32>
      %swap3A_1098 = arith.constant 1 : i32
      %swap3A_1099 = arith.constant 0 : i32
      %swap3A_1100 = arith.index_cast %swap3A_1098 : i32 to index
      %swap3A_1101 = arith.index_cast %swap3A_1099 : i32 to index
      %swap3A_1102 = arith.constant 34 : index
      %swap3A_1103 = tpu.vector_load %arg7[%swap3A_1100, %swap3A_1101, %swap3A_1102] {strides = array<i32>} : memref<5x8x50xf32, #tpu.memory_space<vmem>>, vector<1x1x16xf32>,
      %swap3A_1104 = vector.shape_cast %swap3A_1103 : vector<1x1x16xf32> to vector<16xf32>
      %swap3A_1105 = vector.shape_cast %get3A_1097 : vector<16xf32> to vector<1x1x16xf32>
      tpu.vector_store %arg7[%swap3A_1100, %swap3A_1101, %swap3A_1102], %swap3A_1105 {strides = array<i32>} : memref<5x8x50xf32, #tpu.memory_space<vmem>>, vector<1x1x16xf32>,
      %and3A_1106 = arith.constant 7 : i32
      %and3A_1107 = arith.andi %squeeze3A_923, %and3A_1106 : i32
      %get3A_1108 = arith.constant 0 : i32
      %get3A_1109 = arith.constant 2 : i32
      %get3A_1110 = arith.index_cast %get3A_1108 : i32 to index
      %get3A_1111 = arith.index_cast %get3A_1109 : i32 to index
      %get3A_1112 = arith.index_cast %and3A_1107 : i32 to index
      %get3A_1113 = arith.constant 0 : index
      %get3A_1114 = tpu.vector_load %arg6[%get3A_1110, %get3A_1111, %get3A_1112, %get3A_1113] {strides = array<i32>} : memref<2x20x8x50xf32, #tpu.memory_space<vmem>>, vector<1x1x1x16xf32>,
      %get3A_1115 = vector.shape_cast %get3A_1114 : vector<1x1x1x16xf32> to vector<16xf32>
      %swap3A_1116 = arith.constant 2 : i32
      %swap3A_1117 = arith.constant 0 : i32
      %swap3A_1118 = arith.index_cast %swap3A_1116 : i32 to index
      %swap3A_1119 = arith.index_cast %swap3A_1117 : i32 to index
      %swap3A_1120 = arith.constant 0 : index
      %swap3A_1121 = tpu.vector_load %arg7[%swap3A_1118, %swap3A_1119, %swap3A_1120] {strides = array<i32>} : memref<5x8x50xf32, #tpu.memory_space<vmem>>, vector<1x1x16xf32>,
      %swap3A_1122 = vector.shape_cast %swap3A_1121 : vector<1x1x16xf32> to vector<16xf32>
      %swap3A_1123 = vector.shape_cast %get3A_1115 : vector<16xf32> to vector<1x1x16xf32>
      tpu.vector_store %arg7[%swap3A_1118, %swap3A_1119, %swap3A_1120], %swap3A_1123 {strides = array<i32>} : memref<5x8x50xf32, #tpu.memory_space<vmem>>, vector<1x1x16xf32>,
      %get3A_1124 = arith.constant 0 : i32
      %get3A_1125 = arith.constant 2 : i32
      %get3A_1126 = arith.index_cast %get3A_1124 : i32 to index
      %get3A_1127 = arith.index_cast %get3A_1125 : i32 to index
      %get3A_1128 = arith.index_cast %and3A_1107 : i32 to index
      %get3A_1129 = arith.constant 16 : index
      %get3A_1130 = tpu.vector_load %arg6[%get3A_1126, %get3A_1127, %get3A_1128, %get3A_1129] {strides = array<i32>} : memref<2x20x8x50xf32, #tpu.memory_space<vmem>>, vector<1x1x1x16xf32>,
      %get3A_1131 = vector.shape_cast %get3A_1130 : vector<1x1x1x16xf32> to vector<16xf32>
      %swap3A_1132 = arith.constant 2 : i32
      %swap3A_1133 = arith.constant 0 : i32
      %swap3A_1134 = arith.index_cast %swap3A_1132 : i32 to index
      %swap3A_1135 = arith.index_cast %swap3A_1133 : i32 to index
      %swap3A_1136 = arith.constant 16 : index
      %swap3A_1137 = tpu.vector_load %arg7[%swap3A_1134, %swap3A_1135, %swap3A_1136] {strides = array<i32>} : memref<5x8x50xf32, #tpu.memory_space<vmem>>, vector<1x1x16xf32>,
      %swap3A_1138 = vector.shape_cast %swap3A_1137 : vector<1x1x16xf32> to vector<16xf32>
      %swap3A_1139 = vector.shape_cast %get3A_1131 : vector<16xf32> to vector<1x1x16xf32>
      tpu.vector_store %arg7[%swap3A_1134, %swap3A_1135, %swap3A_1136], %swap3A_1139 {strides = array<i32>} : memref<5x8x50xf32, #tpu.memory_space<vmem>>, vector<1x1x16xf32>,
      %get3A_1140 = arith.constant 0 : i32
      %get3A_1141 = arith.constant 2 : i32
      %get3A_1142 = arith.index_cast %get3A_1140 : i32 to index
      %get3A_1143 = arith.index_cast %get3A_1141 : i32 to index
      %get3A_1144 = arith.index_cast %and3A_1107 : i32 to index
      %get3A_1145 = arith.constant 32 : index
      %get3A_1146 = tpu.vector_load %arg6[%get3A_1142, %get3A_1143, %get3A_1144, %get3A_1145] {strides = array<i32>} : memref<2x20x8x50xf32, #tpu.memory_space<vmem>>, vector<1x1x1x16xf32>,
      %get3A_1147 = vector.shape_cast %get3A_1146 : vector<1x1x1x16xf32> to vector<16xf32>
      %swap3A_1148 = arith.constant 2 : i32
      %swap3A_1149 = arith.constant 0 : i32
      %swap3A_1150 = arith.index_cast %swap3A_1148 : i32 to index
      %swap3A_1151 = arith.index_cast %swap3A_1149 : i32 to index
      %swap3A_1152 = arith.constant 32 : index
      %swap3A_1153 = tpu.vector_load %arg7[%swap3A_1150, %swap3A_1151, %swap3A_1152] {strides = array<i32>} : memref<5x8x50xf32, #tpu.memory_space<vmem>>, vector<1x1x16xf32>,
      %swap3A_1154 = vector.shape_cast %swap3A_1153 : vector<1x1x16xf32> to vector<16xf32>
      %swap3A_1155 = vector.shape_cast %get3A_1147 : vector<16xf32> to vector<1x1x16xf32>
      tpu.vector_store %arg7[%swap3A_1150, %swap3A_1151, %swap3A_1152], %swap3A_1155 {strides = array<i32>} : memref<5x8x50xf32, #tpu.memory_space<vmem>>, vector<1x1x16xf32>,
      %get3A_1156 = arith.constant 0 : i32
      %get3A_1157 = arith.constant 2 : i32
      %get3A_1158 = arith.index_cast %get3A_1156 : i32 to index
      %get3A_1159 = arith.index_cast %get3A_1157 : i32 to index
      %get3A_1160 = arith.index_cast %and3A_1107 : i32 to index
      %get3A_1161 = arith.constant 34 : index
      %get3A_1162 = tpu.vector_load %arg6[%get3A_1158, %get3A_1159, %get3A_1160, %get3A_1161] {strides = array<i32>} : memref<2x20x8x50xf32, #tpu.memory_space<vmem>>, vector<1x1x1x16xf32>,
      %get3A_1163 = vector.shape_cast %get3A_1162 : vector<1x1x1x16xf32> to vector<16xf32>
      %swap3A_1164 = arith.constant 2 : i32
      %swap3A_1165 = arith.constant 0 : i32
      %swap3A_1166 = arith.index_cast %swap3A_1164 : i32 to index
      %swap3A_1167 = arith.index_cast %swap3A_1165 : i32 to index
      %swap3A_1168 = arith.constant 34 : index
      %swap3A_1169 = tpu.vector_load %arg7[%swap3A_1166, %swap3A_1167, %swap3A_1168] {strides = array<i32>} : memref<5x8x50xf32, #tpu.memory_space<vmem>>, vector<1x1x16xf32>,
      %swap3A_1170 = vector.shape_cast %swap3A_1169 : vector<1x1x16xf32> to vector<16xf32>
      %swap3A_1171 = vector.shape_cast %get3A_1163 : vector<16xf32> to vector<1x1x16xf32>
      tpu.vector_store %arg7[%swap3A_1166, %swap3A_1167, %swap3A_1168], %swap3A_1171 {strides = array<i32>} : memref<5x8x50xf32, #tpu.memory_space<vmem>>, vector<1x1x16xf32>,
      %and3A_1172 = arith.constant 7 : i32
      %and3A_1173 = arith.andi %squeeze3A_925, %and3A_1172 : i32
      %get3A_1174 = arith.constant 0 : i32
      %get3A_1175 = arith.constant 3 : i32
      %get3A_1176 = arith.index_cast %get3A_1174 : i32 to index
      %get3A_1177 = arith.index_cast %get3A_1175 : i32 to index
      %get3A_1178 = arith.index_cast %and3A_1173 : i32 to index
      %get3A_1179 = arith.constant 0 : index
      %get3A_1180 = tpu.vector_load %arg6[%get3A_1176, %get3A_1177, %get3A_1178, %get3A_1179] {strides = array<i32>} : memref<2x20x8x50xf32, #tpu.memory_space<vmem>>, vector<1x1x1x16xf32>,
      %get3A_1181 = vector.shape_cast %get3A_1180 : vector<1x1x1x16xf32> to vector<16xf32>
      %swap3A_1182 = arith.constant 3 : i32
      %swap3A_1183 = arith.constant 0 : i32
      %swap3A_1184 = arith.index_cast %swap3A_1182 : i32 to index
      %swap3A_1185 = arith.index_cast %swap3A_1183 : i32 to index
      %swap3A_1186 = arith.constant 0 : index
      %swap3A_1187 = tpu.vector_load %arg7[%swap3A_1184, %swap3A_1185, %swap3A_1186] {strides = array<i32>} : memref<5x8x50xf32, #tpu.memory_space<vmem>>, vector<1x1x16xf32>,
      %swap3A_1188 = vector.shape_cast %swap3A_1187 : vector<1x1x16xf32> to vector<16xf32>
      %swap3A_1189 = vector.shape_cast %get3A_1181 : vector<16xf32> to vector<1x1x16xf32>
      tpu.vector_store %arg7[%swap3A_1184, %swap3A_1185, %swap3A_1186], %swap3A_1189 {strides = array<i32>} : memref<5x8x50xf32, #tpu.memory_space<vmem>>, vector<1x1x16xf32>,
      %get3A_1190 = arith.constant 0 : i32
      %get3A_1191 = arith.constant 3 : i32
      %get3A_1192 = arith.index_cast %get3A_1190 : i32 to index
      %get3A_1193 = arith.index_cast %get3A_1191 : i32 to index
      %get3A_1194 = arith.index_cast %and3A_1173 : i32 to index
      %get3A_1195 = arith.constant 16 : index
      %get3A_1196 = tpu.vector_load %arg6[%get3A_1192, %get3A_1193, %get3A_1194, %get3A_1195] {strides = array<i32>} : memref<2x20x8x50xf32, #tpu.memory_space<vmem>>, vector<1x1x1x16xf32>,
      %get3A_1197 = vector.shape_cast %get3A_1196 : vector<1x1x1x16xf32> to vector<16xf32>
      %swap3A_1198 = arith.constant 3 : i32
      %swap3A_1199 = arith.constant 0 : i32
      %swap3A_1200 = arith.index_cast %swap3A_1198 : i32 to index
      %swap3A_1201 = arith.index_cast %swap3A_1199 : i32 to index
      %swap3A_1202 = arith.constant 16 : index
      %swap3A_1203 = tpu.vector_load %arg7[%swap3A_1200, %swap3A_1201, %swap3A_1202] {strides = array<i32>} : memref<5x8x50xf32, #tpu.memory_space<vmem>>, vector<1x1x16xf32>,
      %swap3A_1204 = vector.shape_cast %swap3A_1203 : vector<1x1x16xf32> to vector<16xf32>
      %swap3A_1205 = vector.shape_cast %get3A_1197 : vector<16xf32> to vector<1x1x16xf32>
      tpu.vector_store %arg7[%swap3A_1200, %swap3A_1201, %swap3A_1202], %swap3A_1205 {strides = array<i32>} : memref<5x8x50xf32, #tpu.memory_space<vmem>>, vector<1x1x16xf32>,
      %get3A_1206 = arith.constant 0 : i32
      %get3A_1207 = arith.constant 3 : i32
      %get3A_1208 = arith.index_cast %get3A_1206 : i32 to index
      %get3A_1209 = arith.index_cast %get3A_1207 : i32 to index
      %get3A_1210 = arith.index_cast %and3A_1173 : i32 to index
      %get3A_1211 = arith.constant 32 : index
      %get3A_1212 = tpu.vector_load %arg6[%get3A_1208, %get3A_1209, %get3A_1210, %get3A_1211] {strides = array<i32>} : memref<2x20x8x50xf32, #tpu.memory_space<vmem>>, vector<1x1x1x16xf32>,
      %get3A_1213 = vector.shape_cast %get3A_1212 : vector<1x1x1x16xf32> to vector<16xf32>
      %swap3A_1214 = arith.constant 3 : i32
      %swap3A_1215 = arith.constant 0 : i32
      %swap3A_1216 = arith.index_cast %swap3A_1214 : i32 to index
      %swap3A_1217 = arith.index_cast %swap3A_1215 : i32 to index
      %swap3A_1218 = arith.constant 32 : index
      %swap3A_1219 = tpu.vector_load %arg7[%swap3A_1216, %swap3A_1217, %swap3A_1218] {strides = array<i32>} : memref<5x8x50xf32, #tpu.memory_space<vmem>>, vector<1x1x16xf32>,
      %swap3A_1220 = vector.shape_cast %swap3A_1219 : vector<1x1x16xf32> to vector<16xf32>
      %swap3A_1221 = vector.shape_cast %get3A_1213 : vector<16xf32> to vector<1x1x16xf32>
      tpu.vector_store %arg7[%swap3A_1216, %swap3A_1217, %swap3A_1218], %swap3A_1221 {strides = array<i32>} : memref<5x8x50xf32, #tpu.memory_space<vmem>>, vector<1x1x16xf32>,
      %get3A_1222 = arith.constant 0 : i32
      %get3A_1223 = arith.constant 3 : i32
      %get3A_1224 = arith.index_cast %get3A_1222 : i32 to index
      %get3A_1225 = arith.index_cast %get3A_1223 : i32 to index
      %get3A_1226 = arith.index_cast %and3A_1173 : i32 to index
      %get3A_1227 = arith.constant 34 : index
      %get3A_1228 = tpu.vector_load %arg6[%get3A_1224, %get3A_1225, %get3A_1226, %get3A_1227] {strides = array<i32>} : memref<2x20x8x50xf32, #tpu.memory_space<vmem>>, vector<1x1x1x16xf32>,
      %get3A_1229 = vector.shape_cast %get3A_1228 : vector<1x1x1x16xf32> to vector<16xf32>
      %swap3A_1230 = arith.constant 3 : i32
      %swap3A_1231 = arith.constant 0 : i32
      %swap3A_1232 = arith.index_cast %swap3A_1230 : i32 to index
      %swap3A_1233 = arith.index_cast %swap3A_1231 : i32 to index
      %swap3A_1234 = arith.constant 34 : index
      %swap3A_1235 = tpu.vector_load %arg7[%swap3A_1232, %swap3A_1233, %swap3A_1234] {strides = array<i32>} : memref<5x8x50xf32, #tpu.memory_space<vmem>>, vector<1x1x16xf32>,
      %swap3A_1236 = vector.shape_cast %swap3A_1235 : vector<1x1x16xf32> to vector<16xf32>
      %swap3A_1237 = vector.shape_cast %get3A_1229 : vector<16xf32> to vector<1x1x16xf32>
      tpu.vector_store %arg7[%swap3A_1232, %swap3A_1233, %swap3A_1234], %swap3A_1237 {strides = array<i32>} : memref<5x8x50xf32, #tpu.memory_space<vmem>>, vector<1x1x16xf32>,
      %and3A_1238 = arith.constant 7 : i32
      %and3A_1239 = arith.andi %squeeze3A_927, %and3A_1238 : i32
      %get3A_1240 = arith.constant 0 : i32
      %get3A_1241 = arith.constant 4 : i32
      %get3A_1242 = arith.index_cast %get3A_1240 : i32 to index
      %get3A_1243 = arith.index_cast %get3A_1241 : i32 to index
      %get3A_1244 = arith.index_cast %and3A_1239 : i32 to index
      %get3A_1245 = arith.constant 0 : index
      %get3A_1246 = tpu.vector_load %arg6[%get3A_1242, %get3A_1243, %get3A_1244, %get3A_1245] {strides = array<i32>} : memref<2x20x8x50xf32, #tpu.memory_space<vmem>>, vector<1x1x1x16xf32>,
      %get3A_1247 = vector.shape_cast %get3A_1246 : vector<1x1x1x16xf32> to vector<16xf32>
      %swap3A_1248 = arith.constant 4 : i32
      %swap3A_1249 = arith.constant 0 : i32
      %swap3A_1250 = arith.index_cast %swap3A_1248 : i32 to index
      %swap3A_1251 = arith.index_cast %swap3A_1249 : i32 to index
      %swap3A_1252 = arith.constant 0 : index
      %swap3A_1253 = tpu.vector_load %arg7[%swap3A_1250, %swap3A_1251, %swap3A_1252] {strides = array<i32>} : memref<5x8x50xf32, #tpu.memory_space<vmem>>, vector<1x1x16xf32>,
      %swap3A_1254 = vector.shape_cast %swap3A_1253 : vector<1x1x16xf32> to vector<16xf32>
      %swap3A_1255 = vector.shape_cast %get3A_1247 : vector<16xf32> to vector<1x1x16xf32>
      tpu.vector_store %arg7[%swap3A_1250, %swap3A_1251, %swap3A_1252], %swap3A_1255 {strides = array<i32>} : memref<5x8x50xf32, #tpu.memory_space<vmem>>, vector<1x1x16xf32>,
      %get3A_1256 = arith.constant 0 : i32
      %get3A_1257 = arith.constant 4 : i32
      %get3A_1258 = arith.index_cast %get3A_1256 : i32 to index
      %get3A_1259 = arith.index_cast %get3A_1257 : i32 to index
      %get3A_1260 = arith.index_cast %and3A_1239 : i32 to index
      %get3A_1261 = arith.constant 16 : index
      %get3A_1262 = tpu.vector_load %arg6[%get3A_1258, %get3A_1259, %get3A_1260, %get3A_1261] {strides = array<i32>} : memref<2x20x8x50xf32, #tpu.memory_space<vmem>>, vector<1x1x1x16xf32>,
      %get3A_1263 = vector.shape_cast %get3A_1262 : vector<1x1x1x16xf32> to vector<16xf32>
      %swap3A_1264 = arith.constant 4 : i32
      %swap3A_1265 = arith.constant 0 : i32
      %swap3A_1266 = arith.index_cast %swap3A_1264 : i32 to index
      %swap3A_1267 = arith.index_cast %swap3A_1265 : i32 to index
      %swap3A_1268 = arith.constant 16 : index
      %swap3A_1269 = tpu.vector_load %arg7[%swap3A_1266, %swap3A_1267, %swap3A_1268] {strides = array<i32>} : memref<5x8x50xf32, #tpu.memory_space<vmem>>, vector<1x1x16xf32>,
      %swap3A_1270 = vector.shape_cast %swap3A_1269 : vector<1x1x16xf32> to vector<16xf32>
      %swap3A_1271 = vector.shape_cast %get3A_1263 : vector<16xf32> to vector<1x1x16xf32>
      tpu.vector_store %arg7[%swap3A_1266, %swap3A_1267, %swap3A_1268], %swap3A_1271 {strides = array<i32>} : memref<5x8x50xf32, #tpu.memory_space<vmem>>, vector<1x1x16xf32>,
      %get3A_1272 = arith.constant 0 : i32
      %get3A_1273 = arith.constant 4 : i32
      %get3A_1274 = arith.index_cast %get3A_1272 : i32 to index
      %get3A_1275 = arith.index_cast %get3A_1273 : i32 to index
      %get3A_1276 = arith.index_cast %and3A_1239 : i32 to index
      %get3A_1277 = arith.constant 32 : index
      %get3A_1278 = tpu.vector_load %arg6[%get3A_1274, %get3A_1275, %get3A_1276, %get3A_1277] {strides = array<i32>} : memref<2x20x8x50xf32, #tpu.memory_space<vmem>>, vector<1x1x1x16xf32>,
      %get3A_1279 = vector.shape_cast %get3A_1278 : vector<1x1x1x16xf32> to vector<16xf32>
      %swap3A_1280 = arith.constant 4 : i32
      %swap3A_1281 = arith.constant 0 : i32
      %swap3A_1282 = arith.index_cast %swap3A_1280 : i32 to index
      %swap3A_1283 = arith.index_cast %swap3A_1281 : i32 to index
      %swap3A_1284 = arith.constant 32 : index
      %swap3A_1285 = tpu.vector_load %arg7[%swap3A_1282, %swap3A_1283, %swap3A_1284] {strides = array<i32>} : memref<5x8x50xf32, #tpu.memory_space<vmem>>, vector<1x1x16xf32>,
      %swap3A_1286 = vector.shape_cast %swap3A_1285 : vector<1x1x16xf32> to vector<16xf32>
      %swap3A_1287 = vector.shape_cast %get3A_1279 : vector<16xf32> to vector<1x1x16xf32>
      tpu.vector_store %arg7[%swap3A_1282, %swap3A_1283, %swap3A_1284], %swap3A_1287 {strides = array<i32>} : memref<5x8x50xf32, #tpu.memory_space<vmem>>, vector<1x1x16xf32>,
      %get3A_1288 = arith.constant 0 : i32
      %get3A_1289 = arith.constant 4 : i32
      %get3A_1290 = arith.index_cast %get3A_1288 : i32 to index
      %get3A_1291 = arith.index_cast %get3A_1289 : i32 to index
      %get3A_1292 = arith.index_cast %and3A_1239 : i32 to index
      %get3A_1293 = arith.constant 34 : index
      %get3A_1294 = tpu.vector_load %arg6[%get3A_1290, %get3A_1291, %get3A_1292, %get3A_1293] {strides = array<i32>} : memref<2x20x8x50xf32, #tpu.memory_space<vmem>>, vector<1x1x1x16xf32>,
      %get3A_1295 = vector.shape_cast %get3A_1294 : vector<1x1x1x16xf32> to vector<16xf32>
      %swap3A_1296 = arith.constant 4 : i32
      %swap3A_1297 = arith.constant 0 : i32
      %swap3A_1298 = arith.index_cast %swap3A_1296 : i32 to index
      %swap3A_1299 = arith.index_cast %swap3A_1297 : i32 to index
      %swap3A_1300 = arith.constant 34 : index
      %swap3A_1301 = tpu.vector_load %arg7[%swap3A_1298, %swap3A_1299, %swap3A_1300] {strides = array<i32>} : memref<5x8x50xf32, #tpu.memory_space<vmem>>, vector<1x1x16xf32>,
      %swap3A_1302 = vector.shape_cast %swap3A_1301 : vector<1x1x16xf32> to vector<16xf32>
      %swap3A_1303 = vector.shape_cast %get3A_1295 : vector<16xf32> to vector<1x1x16xf32>
      tpu.vector_store %arg7[%swap3A_1298, %swap3A_1299, %swap3A_1300], %swap3A_1303 {strides = array<i32>} : memref<5x8x50xf32, #tpu.memory_space<vmem>>, vector<1x1x16xf32>,
      %and3A_1304 = arith.constant 7 : i32
      %and3A_1305 = arith.andi %squeeze3A_929, %and3A_1304 : i32
      %get3A_1306 = arith.constant 0 : i32
      %get3A_1307 = arith.constant 5 : i32
      %get3A_1308 = arith.index_cast %get3A_1306 : i32 to index
      %get3A_1309 = arith.index_cast %get3A_1307 : i32 to index
      %get3A_1310 = arith.index_cast %and3A_1305 : i32 to index
      %get3A_1311 = arith.constant 0 : index
      %get3A_1312 = tpu.vector_load %arg6[%get3A_1308, %get3A_1309, %get3A_1310, %get3A_1311] {strides = array<i32>} : memref<2x20x8x50xf32, #tpu.memory_space<vmem>>, vector<1x1x1x16xf32>,
      %get3A_1313 = vector.shape_cast %get3A_1312 : vector<1x1x1x16xf32> to vector<16xf32>
      %swap3A_1314 = arith.constant 0 : i32
      %swap3A_1315 = arith.constant 1 : i32
      %swap3A_1316 = arith.index_cast %swap3A_1314 : i32 to index
      %swap3A_1317 = arith.index_cast %swap3A_1315 : i32 to index
      %swap3A_1318 = arith.constant 0 : index
      %swap3A_1319 = tpu.vector_load %arg7[%swap3A_1316, %swap3A_1317, %swap3A_1318] {strides = array<i32>} : memref<5x8x50xf32, #tpu.memory_space<vmem>>, vector<1x1x16xf32>,
      %swap3A_1320 = vector.shape_cast %swap3A_1319 : vector<1x1x16xf32> to vector<16xf32>
      %swap3A_1321 = vector.shape_cast %get3A_1313 : vector<16xf32> to vector<1x1x16xf32>
      tpu.vector_store %arg7[%swap3A_1316, %swap3A_1317, %swap3A_1318], %swap3A_1321 {strides = array<i32>} : memref<5x8x50xf32, #tpu.memory_space<vmem>>, vector<1x1x16xf32>,
      %get3A_1322 = arith.constant 0 : i32
      %get3A_1323 = arith.constant 5 : i32
      %get3A_1324 = arith.index_cast %get3A_1322 : i32 to index
      %get3A_1325 = arith.index_cast %get3A_1323 : i32 to index
      %get3A_1326 = arith.index_cast %and3A_1305 : i32 to index
      %get3A_1327 = arith.constant 16 : index
      %get3A_1328 = tpu.vector_load %arg6[%get3A_1324, %get3A_1325, %get3A_1326, %get3A_1327] {strides = array<i32>} : memref<2x20x8x50xf32, #tpu.memory_space<vmem>>, vector<1x1x1x16xf32>,
      %get3A_1329 = vector.shape_cast %get3A_1328 : vector<1x1x1x16xf32> to vector<16xf32>
      %swap3A_1330 = arith.constant 0 : i32
      %swap3A_1331 = arith.constant 1 : i32
      %swap3A_1332 = arith.index_cast %swap3A_1330 : i32 to index
      %swap3A_1333 = arith.index_cast %swap3A_1331 : i32 to index
      %swap3A_1334 = arith.constant 16 : index
      %swap3A_1335 = tpu.vector_load %arg7[%swap3A_1332, %swap3A_1333, %swap3A_1334] {strides = array<i32>} : memref<5x8x50xf32, #tpu.memory_space<vmem>>, vector<1x1x16xf32>,
      %swap3A_1336 = vector.shape_cast %swap3A_1335 : vector<1x1x16xf32> to vector<16xf32>
      %swap3A_1337 = vector.shape_cast %get3A_1329 : vector<16xf32> to vector<1x1x16xf32>
      tpu.vector_store %arg7[%swap3A_1332, %swap3A_1333, %swap3A_1334], %swap3A_1337 {strides = array<i32>} : memref<5x8x50xf32, #tpu.memory_space<vmem>>, vector<1x1x16xf32>,
      %get3A_1338 = arith.constant 0 : i32
      %get3A_1339 = arith.constant 5 : i32
      %get3A_1340 = arith.index_cast %get3A_1338 : i32 to index
      %get3A_1341 = arith.index_cast %get3A_1339 : i32 to index
      %get3A_1342 = arith.index_cast %and3A_1305 : i32 to index
      %get3A_1343 = arith.constant 32 : index
      %get3A_1344 = tpu.vector_load %arg6[%get3A_1340, %get3A_1341, %get3A_1342, %get3A_1343] {strides = array<i32>} : memref<2x20x8x50xf32, #tpu.memory_space<vmem>>, vector<1x1x1x16xf32>,
      %get3A_1345 = vector.shape_cast %get3A_1344 : vector<1x1x1x16xf32> to vector<16xf32>
      %swap3A_1346 = arith.constant 0 : i32
      %swap3A_1347 = arith.constant 1 : i32
      %swap3A_1348 = arith.index_cast %swap3A_1346 : i32 to index
      %swap3A_1349 = arith.index_cast %swap3A_1347 : i32 to index
      %swap3A_1350 = arith.constant 32 : index
      %swap3A_1351 = tpu.vector_load %arg7[%swap3A_1348, %swap3A_1349, %swap3A_1350] {strides = array<i32>} : memref<5x8x50xf32, #tpu.memory_space<vmem>>, vector<1x1x16xf32>,
      %swap3A_1352 = vector.shape_cast %swap3A_1351 : vector<1x1x16xf32> to vector<16xf32>
      %swap3A_1353 = vector.shape_cast %get3A_1345 : vector<16xf32> to vector<1x1x16xf32>
      tpu.vector_store %arg7[%swap3A_1348, %swap3A_1349, %swap3A_1350], %swap3A_1353 {strides = array<i32>} : memref<5x8x50xf32, #tpu.memory_space<vmem>>, vector<1x1x16xf32>,
      %get3A_1354 = arith.constant 0 : i32
      %get3A_1355 = arith.constant 5 : i32
      %get3A_1356 = arith.index_cast %get3A_1354 : i32 to index
      %get3A_1357 = arith.index_cast %get3A_1355 : i32 to index
      %get3A_1358 = arith.index_cast %and3A_1305 : i32 to index
      %get3A_1359 = arith.constant 34 : index
      %get3A_1360 = tpu.vector_load %arg6[%get3A_1356, %get3A_1357, %get3A_1358, %get3A_1359] {strides = array<i32>} : memref<2x20x8x50xf32, #tpu.memory_space<vmem>>, vector<1x1x1x16xf32>,
      %get3A_1361 = vector.shape_cast %get3A_1360 : vector<1x1x1x16xf32> to vector<16xf32>
      %swap3A_1362 = arith.constant 0 : i32
      %swap3A_1363 = arith.constant 1 : i32
      %swap3A_1364 = arith.index_cast %swap3A_1362 : i32 to index
      %swap3A_1365 = arith.index_cast %swap3A_1363 : i32 to index
      %swap3A_1366 = arith.constant 34 : index
      %swap3A_1367 = tpu.vector_load %arg7[%swap3A_1364, %swap3A_1365, %swap3A_1366] {strides = array<i32>} : memref<5x8x50xf32, #tpu.memory_space<vmem>>, vector<1x1x16xf32>,
      %swap3A_1368 = vector.shape_cast %swap3A_1367 : vector<1x1x16xf32> to vector<16xf32>
      %swap3A_1369 = vector.shape_cast %get3A_1361 : vector<16xf32> to vector<1x1x16xf32>
      tpu.vector_store %arg7[%swap3A_1364, %swap3A_1365, %swap3A_1366], %swap3A_1369 {strides = array<i32>} : memref<5x8x50xf32, #tpu.memory_space<vmem>>, vector<1x1x16xf32>,
      %and3A_1370 = arith.constant 7 : i32
      %and3A_1371 = arith.andi %squeeze3A_931, %and3A_1370 : i32
      %get3A_1372 = arith.constant 0 : i32
      %get3A_1373 = arith.constant 6 : i32
      %get3A_1374 = arith.index_cast %get3A_1372 : i32 to index
      %get3A_1375 = arith.index_cast %get3A_1373 : i32 to index
      %get3A_1376 = arith.index_cast %and3A_1371 : i32 to index
      %get3A_1377 = arith.constant 0 : index
      %get3A_1378 = tpu.vector_load %arg6[%get3A_1374, %get3A_1375, %get3A_1376, %get3A_1377] {strides = array<i32>} : memref<2x20x8x50xf32, #tpu.memory_space<vmem>>, vector<1x1x1x16xf32>,
      %get3A_1379 = vector.shape_cast %get3A_1378 : vector<1x1x1x16xf32> to vector<16xf32>
      %swap3A_1380 = arith.constant 1 : i32
      %swap3A_1381 = arith.constant 1 : i32
      %swap3A_1382 = arith.index_cast %swap3A_1380 : i32 to index
      %swap3A_1383 = arith.index_cast %swap3A_1381 : i32 to index
      %swap3A_1384 = arith.constant 0 : index
      %swap3A_1385 = tpu.vector_load %arg7[%swap3A_1382, %swap3A_1383, %swap3A_1384] {strides = array<i32>} : memref<5x8x50xf32, #tpu.memory_space<vmem>>, vector<1x1x16xf32>,
      %swap3A_1386 = vector.shape_cast %swap3A_1385 : vector<1x1x16xf32> to vector<16xf32>
      %swap3A_1387 = vector.shape_cast %get3A_1379 : vector<16xf32> to vector<1x1x16xf32>
      tpu.vector_store %arg7[%swap3A_1382, %swap3A_1383, %swap3A_1384], %swap3A_1387 {strides = array<i32>} : memref<5x8x50xf32, #tpu.memory_space<vmem>>, vector<1x1x16xf32>,
      %get3A_1388 = arith.constant 0 : i32
      %get3A_1389 = arith.constant 6 : i32
      %get3A_1390 = arith.index_cast %get3A_1388 : i32 to index
      %get3A_1391 = arith.index_cast %get3A_1389 : i32 to index
      %get3A_1392 = arith.index_cast %and3A_1371 : i32 to index
      %get3A_1393 = arith.constant 16 : index
      %get3A_1394 = tpu.vector_load %arg6[%get3A_1390, %get3A_1391, %get3A_1392, %get3A_1393] {strides = array<i32>} : memref<2x20x8x50xf32, #tpu.memory_space<vmem>>, vector<1x1x1x16xf32>,
      %get3A_1395 = vector.shape_cast %get3A_1394 : vector<1x1x1x16xf32> to vector<16xf32>
      %swap3A_1396 = arith.constant 1 : i32
      %swap3A_1397 = arith.constant 1 : i32
      %swap3A_1398 = arith.index_cast %swap3A_1396 : i32 to index
      %swap3A_1399 = arith.index_cast %swap3A_1397 : i32 to index
      %swap3A_1400 = arith.constant 16 : index
      %swap3A_1401 = tpu.vector_load %arg7[%swap3A_1398, %swap3A_1399, %swap3A_1400] {strides = array<i32>} : memref<5x8x50xf32, #tpu.memory_space<vmem>>, vector<1x1x16xf32>,
      %swap3A_1402 = vector.shape_cast %swap3A_1401 : vector<1x1x16xf32> to vector<16xf32>
      %swap3A_1403 = vector.shape_cast %get3A_1395 : vector<16xf32> to vector<1x1x16xf32>
      tpu.vector_store %arg7[%swap3A_1398, %swap3A_1399, %swap3A_1400], %swap3A_1403 {strides = array<i32>} : memref<5x8x50xf32, #tpu.memory_space<vmem>>, vector<1x1x16xf32>,
      %get3A_1404 = arith.constant 0 : i32
      %get3A_1405 = arith.constant 6 : i32
      %get3A_1406 = arith.index_cast %get3A_1404 : i32 to index
      %get3A_1407 = arith.index_cast %get3A_1405 : i32 to index
      %get3A_1408 = arith.index_cast %and3A_1371 : i32 to index
      %get3A_1409 = arith.constant 32 : index
      %get3A_1410 = tpu.vector_load %arg6[%get3A_1406, %get3A_1407, %get3A_1408, %get3A_1409] {strides = array<i32>} : memref<2x20x8x50xf32, #tpu.memory_space<vmem>>, vector<1x1x1x16xf32>,
      %get3A_1411 = vector.shape_cast %get3A_1410 : vector<1x1x1x16xf32> to vector<16xf32>
      %swap3A_1412 = arith.constant 1 : i32
      %swap3A_1413 = arith.constant 1 : i32
      %swap3A_1414 = arith.index_cast %swap3A_1412 : i32 to index
      %swap3A_1415 = arith.index_cast %swap3A_1413 : i32 to index
      %swap3A_1416 = arith.constant 32 : index
      %swap3A_1417 = tpu.vector_load %arg7[%swap3A_1414, %swap3A_1415, %swap3A_1416] {strides = array<i32>} : memref<5x8x50xf32, #tpu.memory_space<vmem>>, vector<1x1x16xf32>,
      %swap3A_1418 = vector.shape_cast %swap3A_1417 : vector<1x1x16xf32> to vector<16xf32>
      %swap3A_1419 = vector.shape_cast %get3A_1411 : vector<16xf32> to vector<1x1x16xf32>
      tpu.vector_store %arg7[%swap3A_1414, %swap3A_1415, %swap3A_1416], %swap3A_1419 {strides = array<i32>} : memref<5x8x50xf32, #tpu.memory_space<vmem>>, vector<1x1x16xf32>,
      %get3A_1420 = arith.constant 0 : i32
      %get3A_1421 = arith.constant 6 : i32
      %get3A_1422 = arith.index_cast %get3A_1420 : i32 to index
      %get3A_1423 = arith.index_cast %get3A_1421 : i32 to index
      %get3A_1424 = arith.index_cast %and3A_1371 : i32 to index
      %get3A_1425 = arith.constant 34 : index
      %get3A_1426 = tpu.vector_load %arg6[%get3A_1422, %get3A_1423, %get3A_1424, %get3A_1425] {strides = array<i32>} : memref<2x20x8x50xf32, #tpu.memory_space<vmem>>, vector<1x1x1x16xf32>,
      %get3A_1427 = vector.shape_cast %get3A_1426 : vector<1x1x1x16xf32> to vector<16xf32>
      %swap3A_1428 = arith.constant 1 : i32
      %swap3A_1429 = arith.constant 1 : i32
      %swap3A_1430 = arith.index_cast %swap3A_1428 : i32 to index
      %swap3A_1431 = arith.index_cast %swap3A_1429 : i32 to index
      %swap3A_1432 = arith.constant 34 : index
      %swap3A_1433 = tpu.vector_load %arg7[%swap3A_1430, %swap3A_1431, %swap3A_1432] {strides = array<i32>} : memref<5x8x50xf32, #tpu.memory_space<vmem>>, vector<1x1x16xf32>,
      %swap3A_1434 = vector.shape_cast %swap3A_1433 : vector<1x1x16xf32> to vector<16xf32>
      %swap3A_1435 = vector.shape_cast %get3A_1427 : vector<16xf32> to vector<1x1x16xf32>
      tpu.vector_store %arg7[%swap3A_1430, %swap3A_1431, %swap3A_1432], %swap3A_1435 {strides = array<i32>} : memref<5x8x50xf32, #tpu.memory_space<vmem>>, vector<1x1x16xf32>,
      %and3A_1436 = arith.constant 7 : i32
      %and3A_1437 = arith.andi %squeeze3A_933, %and3A_1436 : i32
      %get3A_1438 = arith.constant 0 : i32
      %get3A_1439 = arith.constant 7 : i32
      %get3A_1440 = arith.index_cast %get3A_1438 : i32 to index
      %get3A_1441 = arith.index_cast %get3A_1439 : i32 to index
      %get3A_1442 = arith.index_cast %and3A_1437 : i32 to index
      %get3A_1443 = arith.constant 0 : index
      %get3A_1444 = tpu.vector_load %arg6[%get3A_1440, %get3A_1441, %get3A_1442, %get3A_1443] {strides = array<i32>} : memref<2x20x8x50xf32, #tpu.memory_space<vmem>>, vector<1x1x1x16xf32>,
      %get3A_1445 = vector.shape_cast %get3A_1444 : vector<1x1x1x16xf32> to vector<16xf32>
      %swap3A_1446 = arith.constant 2 : i32
      %swap3A_1447 = arith.constant 1 : i32
      %swap3A_1448 = arith.index_cast %swap3A_1446 : i32 to index
      %swap3A_1449 = arith.index_cast %swap3A_1447 : i32 to index
      %swap3A_1450 = arith.constant 0 : index
      %swap3A_1451 = tpu.vector_load %arg7[%swap3A_1448, %swap3A_1449, %swap3A_1450] {strides = array<i32>} : memref<5x8x50xf32, #tpu.memory_space<vmem>>, vector<1x1x16xf32>,
      %swap3A_1452 = vector.shape_cast %swap3A_1451 : vector<1x1x16xf32> to vector<16xf32>
      %swap3A_1453 = vector.shape_cast %get3A_1445 : vector<16xf32> to vector<1x1x16xf32>
      tpu.vector_store %arg7[%swap3A_1448, %swap3A_1449, %swap3A_1450], %swap3A_1453 {strides = array<i32>} : memref<5x8x50xf32, #tpu.memory_space<vmem>>, vector<1x1x16xf32>,
      %get3A_1454 = arith.constant 0 : i32
      %get3A_1455 = arith.constant 7 : i32
      %get3A_1456 = arith.index_cast %get3A_1454 : i32 to index
      %get3A_1457 = arith.index_cast %get3A_1455 : i32 to index
      %get3A_1458 = arith.index_cast %and3A_1437 : i32 to index
      %get3A_1459 = arith.constant 16 : index
      %get3A_1460 = tpu.vector_load %arg6[%get3A_1456, %get3A_1457, %get3A_1458, %get3A_1459] {strides = array<i32>} : memref<2x20x8x50xf32, #tpu.memory_space<vmem>>, vector<1x1x1x16xf32>,
      %get3A_1461 = vector.shape_cast %get3A_1460 : vector<1x1x1x16xf32> to vector<16xf32>
      %swap3A_1462 = arith.constant 2 : i32
      %swap3A_1463 = arith.constant 1 : i32
      %swap3A_1464 = arith.index_cast %swap3A_1462 : i32 to index
      %swap3A_1465 = arith.index_cast %swap3A_1463 : i32 to index
      %swap3A_1466 = arith.constant 16 : index
      %swap3A_1467 = tpu.vector_load %arg7[%swap3A_1464, %swap3A_1465, %swap3A_1466] {strides = array<i32>} : memref<5x8x50xf32, #tpu.memory_space<vmem>>, vector<1x1x16xf32>,
      %swap3A_1468 = vector.shape_cast %swap3A_1467 : vector<1x1x16xf32> to vector<16xf32>
      %swap3A_1469 = vector.shape_cast %get3A_1461 : vector<16xf32> to vector<1x1x16xf32>
      tpu.vector_store %arg7[%swap3A_1464, %swap3A_1465, %swap3A_1466], %swap3A_1469 {strides = array<i32>} : memref<5x8x50xf32, #tpu.memory_space<vmem>>, vector<1x1x16xf32>,
      %get3A_1470 = arith.constant 0 : i32
      %get3A_1471 = arith.constant 7 : i32
      %get3A_1472 = arith.index_cast %get3A_1470 : i32 to index
      %get3A_1473 = arith.index_cast %get3A_1471 : i32 to index
      %get3A_1474 = arith.index_cast %and3A_1437 : i32 to index
      %get3A_1475 = arith.constant 32 : index
      %get3A_1476 = tpu.vector_load %arg6[%get3A_1472, %get3A_1473, %get3A_1474, %get3A_1475] {strides = array<i32>} : memref<2x20x8x50xf32, #tpu.memory_space<vmem>>, vector<1x1x1x16xf32>,
      %get3A_1477 = vector.shape_cast %get3A_1476 : vector<1x1x1x16xf32> to vector<16xf32>
      %swap3A_1478 = arith.constant 2 : i32
      %swap3A_1479 = arith.constant 1 : i32
      %swap3A_1480 = arith.index_cast %swap3A_1478 : i32 to index
      %swap3A_1481 = arith.index_cast %swap3A_1479 : i32 to index
      %swap3A_1482 = arith.constant 32 : index
      %swap3A_1483 = tpu.vector_load %arg7[%swap3A_1480, %swap3A_1481, %swap3A_1482] {strides = array<i32>} : memref<5x8x50xf32, #tpu.memory_space<vmem>>, vector<1x1x16xf32>,
      %swap3A_1484 = vector.shape_cast %swap3A_1483 : vector<1x1x16xf32> to vector<16xf32>
      %swap3A_1485 = vector.shape_cast %get3A_1477 : vector<16xf32> to vector<1x1x16xf32>
      tpu.vector_store %arg7[%swap3A_1480, %swap3A_1481, %swap3A_1482], %swap3A_1485 {strides = array<i32>} : memref<5x8x50xf32, #tpu.memory_space<vmem>>, vector<1x1x16xf32>,
      %get3A_1486 = arith.constant 0 : i32
      %get3A_1487 = arith.constant 7 : i32
      %get3A_1488 = arith.index_cast %get3A_1486 : i32 to index
      %get3A_1489 = arith.index_cast %get3A_1487 : i32 to index
      %get3A_1490 = arith.index_cast %and3A_1437 : i32 to index
      %get3A_1491 = arith.constant 34 : index
      %get3A_1492 = tpu.vector_load %arg6[%get3A_1488, %get3A_1489, %get3A_1490, %get3A_1491] {strides = array<i32>} : memref<2x20x8x50xf32, #tpu.memory_space<vmem>>, vector<1x1x1x16xf32>,
      %get3A_1493 = vector.shape_cast %get3A_1492 : vector<1x1x1x16xf32> to vector<16xf32>
      %swap3A_1494 = arith.constant 2 : i32
      %swap3A_1495 = arith.constant 1 : i32
      %swap3A_1496 = arith.index_cast %swap3A_1494 : i32 to index
      %swap3A_1497 = arith.index_cast %swap3A_1495 : i32 to index
      %swap3A_1498 = arith.constant 34 : index
      %swap3A_1499 = tpu.vector_load %arg7[%swap3A_1496, %swap3A_1497, %swap3A_1498] {strides = array<i32>} : memref<5x8x50xf32, #tpu.memory_space<vmem>>, vector<1x1x16xf32>,
      %swap3A_1500 = vector.shape_cast %swap3A_1499 : vector<1x1x16xf32> to vector<16xf32>
      %swap3A_1501 = vector.shape_cast %get3A_1493 : vector<16xf32> to vector<1x1x16xf32>
      tpu.vector_store %arg7[%swap3A_1496, %swap3A_1497, %swap3A_1498], %swap3A_1501 {strides = array<i32>} : memref<5x8x50xf32, #tpu.memory_space<vmem>>, vector<1x1x16xf32>,
      %and3A_1502 = arith.constant 7 : i32
      %and3A_1503 = arith.andi %squeeze3A_935, %and3A_1502 : i32
      %get3A_1504 = arith.constant 0 : i32
      %get3A_1505 = arith.constant 8 : i32
      %get3A_1506 = arith.index_cast %get3A_1504 : i32 to index
      %get3A_1507 = arith.index_cast %get3A_1505 : i32 to index
      %get3A_1508 = arith.index_cast %and3A_1503 : i32 to index
      %get3A_1509 = arith.constant 0 : index
      %get3A_1510 = tpu.vector_load %arg6[%get3A_1506, %get3A_1507, %get3A_1508, %get3A_1509] {strides = array<i32>} : memref<2x20x8x50xf32, #tpu.memory_space<vmem>>, vector<1x1x1x16xf32>,
      %get3A_1511 = vector.shape_cast %get3A_1510 : vector<1x1x1x16xf32> to vector<16xf32>
      %swap3A_1512 = arith.constant 3 : i32
      %swap3A_1513 = arith.constant 1 : i32
      %swap3A_1514 = arith.index_cast %swap3A_1512 : i32 to index
      %swap3A_1515 = arith.index_cast %swap3A_1513 : i32 to index
      %swap3A_1516 = arith.constant 0 : index
      %swap3A_1517 = tpu.vector_load %arg7[%swap3A_1514, %swap3A_1515, %swap3A_1516] {strides = array<i32>} : memref<5x8x50xf32, #tpu.memory_space<vmem>>, vector<1x1x16xf32>,
      %swap3A_1518 = vector.shape_cast %swap3A_1517 : vector<1x1x16xf32> to vector<16xf32>
      %swap3A_1519 = vector.shape_cast %get3A_1511 : vector<16xf32> to vector<1x1x16xf32>
      tpu.vector_store %arg7[%swap3A_1514, %swap3A_1515, %swap3A_1516], %swap3A_1519 {strides = array<i32>} : memref<5x8x50xf32, #tpu.memory_space<vmem>>, vector<1x1x16xf32>,
      %get3A_1520 = arith.constant 0 : i32
      %get3A_1521 = arith.constant 8 : i32
      %get3A_1522 = arith.index_cast %get3A_1520 : i32 to index
      %get3A_1523 = arith.index_cast %get3A_1521 : i32 to index
      %get3A_1524 = arith.index_cast %and3A_1503 : i32 to index
      %get3A_1525 = arith.constant 16 : index
      %get3A_1526 = tpu.vector_load %arg6[%get3A_1522, %get3A_1523, %get3A_1524, %get3A_1525] {strides = array<i32>} : memref<2x20x8x50xf32, #tpu.memory_space<vmem>>, vector<1x1x1x16xf32>,
      %get3A_1527 = vector.shape_cast %get3A_1526 : vector<1x1x1x16xf32> to vector<16xf32>
      %swap3A_1528 = arith.constant 3 : i32
      %swap3A_1529 = arith.constant 1 : i32
      %swap3A_1530 = arith.index_cast %swap3A_1528 : i32 to index
      %swap3A_1531 = arith.index_cast %swap3A_1529 : i32 to index
      %swap3A_1532 = arith.constant 16 : index
      %swap3A_1533 = tpu.vector_load %arg7[%swap3A_1530, %swap3A_1531, %swap3A_1532] {strides = array<i32>} : memref<5x8x50xf32, #tpu.memory_space<vmem>>, vector<1x1x16xf32>,
      %swap3A_1534 = vector.shape_cast %swap3A_1533 : vector<1x1x16xf32> to vector<16xf32>
      %swap3A_1535 = vector.shape_cast %get3A_1527 : vector<16xf32> to vector<1x1x16xf32>
      tpu.vector_store %arg7[%swap3A_1530, %swap3A_1531, %swap3A_1532], %swap3A_1535 {strides = array<i32>} : memref<5x8x50xf32, #tpu.memory_space<vmem>>, vector<1x1x16xf32>,
      %get3A_1536 = arith.constant 0 : i32
      %get3A_1537 = arith.constant 8 : i32
      %get3A_1538 = arith.index_cast %get3A_1536 : i32 to index
      %get3A_1539 = arith.index_cast %get3A_1537 : i32 to index
      %get3A_1540 = arith.index_cast %and3A_1503 : i32 to index
      %get3A_1541 = arith.constant 32 : index
      %get3A_1542 = tpu.vector_load %arg6[%get3A_1538, %get3A_1539, %get3A_1540, %get3A_1541] {strides = array<i32>} : memref<2x20x8x50xf32, #tpu.memory_space<vmem>>, vector<1x1x1x16xf32>,
      %get3A_1543 = vector.shape_cast %get3A_1542 : vector<1x1x1x16xf32> to vector<16xf32>
      %swap3A_1544 = arith.constant 3 : i32
      %swap3A_1545 = arith.constant 1 : i32
      %swap3A_1546 = arith.index_cast %swap3A_1544 : i32 to index
      %swap3A_1547 = arith.index_cast %swap3A_1545 : i32 to index
      %swap3A_1548 = arith.constant 32 : index
      %swap3A_1549 = tpu.vector_load %arg7[%swap3A_1546, %swap3A_1547, %swap3A_1548] {strides = array<i32>} : memref<5x8x50xf32, #tpu.memory_space<vmem>>, vector<1x1x16xf32>,
      %swap3A_1550 = vector.shape_cast %swap3A_1549 : vector<1x1x16xf32> to vector<16xf32>
      %swap3A_1551 = vector.shape_cast %get3A_1543 : vector<16xf32> to vector<1x1x16xf32>
      tpu.vector_store %arg7[%swap3A_1546, %swap3A_1547, %swap3A_1548], %swap3A_1551 {strides = array<i32>} : memref<5x8x50xf32, #tpu.memory_space<vmem>>, vector<1x1x16xf32>,
      %get3A_1552 = arith.constant 0 : i32
      %get3A_1553 = arith.constant 8 : i32
      %get3A_1554 = arith.index_cast %get3A_1552 : i32 to index
      %get3A_1555 = arith.index_cast %get3A_1553 : i32 to index
      %get3A_1556 = arith.index_cast %and3A_1503 : i32 to index
      %get3A_1557 = arith.constant 34 : index
      %get3A_1558 = tpu.vector_load %arg6[%get3A_1554, %get3A_1555, %get3A_1556, %get3A_1557] {strides = array<i32>} : memref<2x20x8x50xf32, #tpu.memory_space<vmem>>, vector<1x1x1x16xf32>,
      %get3A_1559 = vector.shape_cast %get3A_1558 : vector<1x1x1x16xf32> to vector<16xf32>
      %swap3A_1560 = arith.constant 3 : i32
      %swap3A_1561 = arith.constant 1 : i32
      %swap3A_1562 = arith.index_cast %swap3A_1560 : i32 to index
      %swap3A_1563 = arith.index_cast %swap3A_1561 : i32 to index
      %swap3A_1564 = arith.constant 34 : index
      %swap3A_1565 = tpu.vector_load %arg7[%swap3A_1562, %swap3A_1563, %swap3A_1564] {strides = array<i32>} : memref<5x8x50xf32, #tpu.memory_space<vmem>>, vector<1x1x16xf32>,
      %swap3A_1566 = vector.shape_cast %swap3A_1565 : vector<1x1x16xf32> to vector<16xf32>
      %swap3A_1567 = vector.shape_cast %get3A_1559 : vector<16xf32> to vector<1x1x16xf32>
      tpu.vector_store %arg7[%swap3A_1562, %swap3A_1563, %swap3A_1564], %swap3A_1567 {strides = array<i32>} : memref<5x8x50xf32, #tpu.memory_space<vmem>>, vector<1x1x16xf32>,
      %and3A_1568 = arith.constant 7 : i32
      %and3A_1569 = arith.andi %squeeze3A_937, %and3A_1568 : i32
      %get3A_1570 = arith.constant 0 : i32
      %get3A_1571 = arith.constant 9 : i32
      %get3A_1572 = arith.index_cast %get3A_1570 : i32 to index
      %get3A_1573 = arith.index_cast %get3A_1571 : i32 to index
      %get3A_1574 = arith.index_cast %and3A_1569 : i32 to index
      %get3A_1575 = arith.constant 0 : index
      %get3A_1576 = tpu.vector_load %arg6[%get3A_1572, %get3A_1573, %get3A_1574, %get3A_1575] {strides = array<i32>} : memref<2x20x8x50xf32, #tpu.memory_space<vmem>>, vector<1x1x1x16xf32>,
      %get3A_1577 = vector.shape_cast %get3A_1576 : vector<1x1x1x16xf32> to vector<16xf32>
      %swap3A_1578 = arith.constant 4 : i32
      %swap3A_1579 = arith.constant 1 : i32
      %swap3A_1580 = arith.index_cast %swap3A_1578 : i32 to index
      %swap3A_1581 = arith.index_cast %swap3A_1579 : i32 to index
      %swap3A_1582 = arith.constant 0 : index
      %swap3A_1583 = tpu.vector_load %arg7[%swap3A_1580, %swap3A_1581, %swap3A_1582] {strides = array<i32>} : memref<5x8x50xf32, #tpu.memory_space<vmem>>, vector<1x1x16xf32>,
      %swap3A_1584 = vector.shape_cast %swap3A_1583 : vector<1x1x16xf32> to vector<16xf32>
      %swap3A_1585 = vector.shape_cast %get3A_1577 : vector<16xf32> to vector<1x1x16xf32>
      tpu.vector_store %arg7[%swap3A_1580, %swap3A_1581, %swap3A_1582], %swap3A_1585 {strides = array<i32>} : memref<5x8x50xf32, #tpu.memory_space<vmem>>, vector<1x1x16xf32>,
      %get3A_1586 = arith.constant 0 : i32
      %get3A_1587 = arith.constant 9 : i32
      %get3A_1588 = arith.index_cast %get3A_1586 : i32 to index
      %get3A_1589 = arith.index_cast %get3A_1587 : i32 to index
      %get3A_1590 = arith.index_cast %and3A_1569 : i32 to index
      %get3A_1591 = arith.constant 16 : index
      %get3A_1592 = tpu.vector_load %arg6[%get3A_1588, %get3A_1589, %get3A_1590, %get3A_1591] {strides = array<i32>} : memref<2x20x8x50xf32, #tpu.memory_space<vmem>>, vector<1x1x1x16xf32>,
      %get3A_1593 = vector.shape_cast %get3A_1592 : vector<1x1x1x16xf32> to vector<16xf32>
      %swap3A_1594 = arith.constant 4 : i32
      %swap3A_1595 = arith.constant 1 : i32
      %swap3A_1596 = arith.index_cast %swap3A_1594 : i32 to index
      %swap3A_1597 = arith.index_cast %swap3A_1595 : i32 to index
      %swap3A_1598 = arith.constant 16 : index
      %swap3A_1599 = tpu.vector_load %arg7[%swap3A_1596, %swap3A_1597, %swap3A_1598] {strides = array<i32>} : memref<5x8x50xf32, #tpu.memory_space<vmem>>, vector<1x1x16xf32>,
      %swap3A_1600 = vector.shape_cast %swap3A_1599 : vector<1x1x16xf32> to vector<16xf32>
      %swap3A_1601 = vector.shape_cast %get3A_1593 : vector<16xf32> to vector<1x1x16xf32>
      tpu.vector_store %arg7[%swap3A_1596, %swap3A_1597, %swap3A_1598], %swap3A_1601 {strides = array<i32>} : memref<5x8x50xf32, #tpu.memory_space<vmem>>, vector<1x1x16xf32>,
      %get3A_1602 = arith.constant 0 : i32
      %get3A_1603 = arith.constant 9 : i32
      %get3A_1604 = arith.index_cast %get3A_1602 : i32 to index
      %get3A_1605 = arith.index_cast %get3A_1603 : i32 to index
      %get3A_1606 = arith.index_cast %and3A_1569 : i32 to index
      %get3A_1607 = arith.constant 32 : index
      %get3A_1608 = tpu.vector_load %arg6[%get3A_1604, %get3A_1605, %get3A_1606, %get3A_1607] {strides = array<i32>} : memref<2x20x8x50xf32, #tpu.memory_space<vmem>>, vector<1x1x1x16xf32>,
      %get3A_1609 = vector.shape_cast %get3A_1608 : vector<1x1x1x16xf32> to vector<16xf32>
      %swap3A_1610 = arith.constant 4 : i32
      %swap3A_1611 = arith.constant 1 : i32
      %swap3A_1612 = arith.index_cast %swap3A_1610 : i32 to index
      %swap3A_1613 = arith.index_cast %swap3A_1611 : i32 to index
      %swap3A_1614 = arith.constant 32 : index
      %swap3A_1615 = tpu.vector_load %arg7[%swap3A_1612, %swap3A_1613, %swap3A_1614] {strides = array<i32>} : memref<5x8x50xf32, #tpu.memory_space<vmem>>, vector<1x1x16xf32>,
      %swap3A_1616 = vector.shape_cast %swap3A_1615 : vector<1x1x16xf32> to vector<16xf32>
      %swap3A_1617 = vector.shape_cast %get3A_1609 : vector<16xf32> to vector<1x1x16xf32>
      tpu.vector_store %arg7[%swap3A_1612, %swap3A_1613, %swap3A_1614], %swap3A_1617 {strides = array<i32>} : memref<5x8x50xf32, #tpu.memory_space<vmem>>, vector<1x1x16xf32>,
      %get3A_1618 = arith.constant 0 : i32
      %get3A_1619 = arith.constant 9 : i32
      %get3A_1620 = arith.index_cast %get3A_1618 : i32 to index
      %get3A_1621 = arith.index_cast %get3A_1619 : i32 to index
      %get3A_1622 = arith.index_cast %and3A_1569 : i32 to index
      %get3A_1623 = arith.constant 34 : index
      %get3A_1624 = tpu.vector_load %arg6[%get3A_1620, %get3A_1621, %get3A_1622, %get3A_1623] {strides = array<i32>} : memref<2x20x8x50xf32, #tpu.memory_space<vmem>>, vector<1x1x1x16xf32>,
      %get3A_1625 = vector.shape_cast %get3A_1624 : vector<1x1x1x16xf32> to vector<16xf32>
      %swap3A_1626 = arith.constant 4 : i32
      %swap3A_1627 = arith.constant 1 : i32
      %swap3A_1628 = arith.index_cast %swap3A_1626 : i32 to index
      %swap3A_1629 = arith.index_cast %swap3A_1627 : i32 to index
      %swap3A_1630 = arith.constant 34 : index
      %swap3A_1631 = tpu.vector_load %arg7[%swap3A_1628, %swap3A_1629, %swap3A_1630] {strides = array<i32>} : memref<5x8x50xf32, #tpu.memory_space<vmem>>, vector<1x1x16xf32>,
      %swap3A_1632 = vector.shape_cast %swap3A_1631 : vector<1x1x16xf32> to vector<16xf32>
      %swap3A_1633 = vector.shape_cast %get3A_1625 : vector<16xf32> to vector<1x1x16xf32>
      tpu.vector_store %arg7[%swap3A_1628, %swap3A_1629, %swap3A_1630], %swap3A_1633 {strides = array<i32>} : memref<5x8x50xf32, #tpu.memory_space<vmem>>, vector<1x1x16xf32>,
      %and3A_1634 = arith.constant 7 : i32
      %and3A_1635 = arith.andi %squeeze3A_939, %and3A_1634 : i32
      %get3A_1636 = arith.constant 0 : i32
      %get3A_1637 = arith.constant 10 : i32
      %get3A_1638 = arith.index_cast %get3A_1636 : i32 to index
      %get3A_1639 = arith.index_cast %get3A_1637 : i32 to index
      %get3A_1640 = arith.index_cast %and3A_1635 : i32 to index
      %get3A_1641 = arith.constant 0 : index
      %get3A_1642 = tpu.vector_load %arg6[%get3A_1638, %get3A_1639, %get3A_1640, %get3A_1641] {strides = array<i32>} : memref<2x20x8x50xf32, #tpu.memory_space<vmem>>, vector<1x1x1x16xf32>,
      %get3A_1643 = vector.shape_cast %get3A_1642 : vector<1x1x1x16xf32> to vector<16xf32>
      %swap3A_1644 = arith.constant 0 : i32
      %swap3A_1645 = arith.constant 2 : i32
      %swap3A_1646 = arith.index_cast %swap3A_1644 : i32 to index
      %swap3A_1647 = arith.index_cast %swap3A_1645 : i32 to index
      %swap3A_1648 = arith.constant 0 : index
      %swap3A_1649 = tpu.vector_load %arg7[%swap3A_1646, %swap3A_1647, %swap3A_1648] {strides = array<i32>} : memref<5x8x50xf32, #tpu.memory_space<vmem>>, vector<1x1x16xf32>,
      %swap3A_1650 = vector.shape_cast %swap3A_1649 : vector<1x1x16xf32> to vector<16xf32>
      %swap3A_1651 = vector.shape_cast %get3A_1643 : vector<16xf32> to vector<1x1x16xf32>
      tpu.vector_store %arg7[%swap3A_1646, %swap3A_1647, %swap3A_1648], %swap3A_1651 {strides = array<i32>} : memref<5x8x50xf32, #tpu.memory_space<vmem>>, vector<1x1x16xf32>,
      %get3A_1652 = arith.constant 0 : i32
      %get3A_1653 = arith.constant 10 : i32
      %get3A_1654 = arith.index_cast %get3A_1652 : i32 to index
      %get3A_1655 = arith.index_cast %get3A_1653 : i32 to index
      %get3A_1656 = arith.index_cast %and3A_1635 : i32 to index
      %get3A_1657 = arith.constant 16 : index
      %get3A_1658 = tpu.vector_load %arg6[%get3A_1654, %get3A_1655, %get3A_1656, %get3A_1657] {strides = array<i32>} : memref<2x20x8x50xf32, #tpu.memory_space<vmem>>, vector<1x1x1x16xf32>,
      %get3A_1659 = vector.shape_cast %get3A_1658 : vector<1x1x1x16xf32> to vector<16xf32>
      %swap3A_1660 = arith.constant 0 : i32
      %swap3A_1661 = arith.constant 2 : i32
      %swap3A_1662 = arith.index_cast %swap3A_1660 : i32 to index
      %swap3A_1663 = arith.index_cast %swap3A_1661 : i32 to index
      %swap3A_1664 = arith.constant 16 : index
      %swap3A_1665 = tpu.vector_load %arg7[%swap3A_1662, %swap3A_1663, %swap3A_1664] {strides = array<i32>} : memref<5x8x50xf32, #tpu.memory_space<vmem>>, vector<1x1x16xf32>,
      %swap3A_1666 = vector.shape_cast %swap3A_1665 : vector<1x1x16xf32> to vector<16xf32>
      %swap3A_1667 = vector.shape_cast %get3A_1659 : vector<16xf32> to vector<1x1x16xf32>
      tpu.vector_store %arg7[%swap3A_1662, %swap3A_1663, %swap3A_1664], %swap3A_1667 {strides = array<i32>} : memref<5x8x50xf32, #tpu.memory_space<vmem>>, vector<1x1x16xf32>,
      %get3A_1668 = arith.constant 0 : i32
      %get3A_1669 = arith.constant 10 : i32
      %get3A_1670 = arith.index_cast %get3A_1668 : i32 to index
      %get3A_1671 = arith.index_cast %get3A_1669 : i32 to index
      %get3A_1672 = arith.index_cast %and3A_1635 : i32 to index
      %get3A_1673 = arith.constant 32 : index
      %get3A_1674 = tpu.vector_load %arg6[%get3A_1670, %get3A_1671, %get3A_1672, %get3A_1673] {strides = array<i32>} : memref<2x20x8x50xf32, #tpu.memory_space<vmem>>, vector<1x1x1x16xf32>,
      %get3A_1675 = vector.shape_cast %get3A_1674 : vector<1x1x1x16xf32> to vector<16xf32>
      %swap3A_1676 = arith.constant 0 : i32
      %swap3A_1677 = arith.constant 2 : i32
      %swap3A_1678 = arith.index_cast %swap3A_1676 : i32 to index
      %swap3A_1679 = arith.index_cast %swap3A_1677 : i32 to index
      %swap3A_1680 = arith.constant 32 : index
      %swap3A_1681 = tpu.vector_load %arg7[%swap3A_1678, %swap3A_1679, %swap3A_1680] {strides = array<i32>} : memref<5x8x50xf32, #tpu.memory_space<vmem>>, vector<1x1x16xf32>,
      %swap3A_1682 = vector.shape_cast %swap3A_1681 : vector<1x1x16xf32> to vector<16xf32>
      %swap3A_1683 = vector.shape_cast %get3A_1675 : vector<16xf32> to vector<1x1x16xf32>
      tpu.vector_store %arg7[%swap3A_1678, %swap3A_1679, %swap3A_1680], %swap3A_1683 {strides = array<i32>} : memref<5x8x50xf32, #tpu.memory_space<vmem>>, vector<1x1x16xf32>,
      %get3A_1684 = arith.constant 0 : i32
      %get3A_1685 = arith.constant 10 : i32
      %get3A_1686 = arith.index_cast %get3A_1684 : i32 to index
      %get3A_1687 = arith.index_cast %get3A_1685 : i32 to index
      %get3A_1688 = arith.index_cast %and3A_1635 : i32 to index
      %get3A_1689 = arith.constant 34 : index
      %get3A_1690 = tpu.vector_load %arg6[%get3A_1686, %get3A_1687, %get3A_1688, %get3A_1689] {strides = array<i32>} : memref<2x20x8x50xf32, #tpu.memory_space<vmem>>, vector<1x1x1x16xf32>,
      %get3A_1691 = vector.shape_cast %get3A_1690 : vector<1x1x1x16xf32> to vector<16xf32>
      %swap3A_1692 = arith.constant 0 : i32
      %swap3A_1693 = arith.constant 2 : i32
      %swap3A_1694 = arith.index_cast %swap3A_1692 : i32 to index
      %swap3A_1695 = arith.index_cast %swap3A_1693 : i32 to index
      %swap3A_1696 = arith.constant 34 : index
      %swap3A_1697 = tpu.vector_load %arg7[%swap3A_1694, %swap3A_1695, %swap3A_1696] {strides = array<i32>} : memref<5x8x50xf32, #tpu.memory_space<vmem>>, vector<1x1x16xf32>,
      %swap3A_1698 = vector.shape_cast %swap3A_1697 : vector<1x1x16xf32> to vector<16xf32>
      %swap3A_1699 = vector.shape_cast %get3A_1691 : vector<16xf32> to vector<1x1x16xf32>
      tpu.vector_store %arg7[%swap3A_1694, %swap3A_1695, %swap3A_1696], %swap3A_1699 {strides = array<i32>} : memref<5x8x50xf32, #tpu.memory_space<vmem>>, vector<1x1x16xf32>,
      %and3A_1700 = arith.constant 7 : i32
      %and3A_1701 = arith.andi %squeeze3A_941, %and3A_1700 : i32
      %get3A_1702 = arith.constant 0 : i32
      %get3A_1703 = arith.constant 11 : i32
      %get3A_1704 = arith.index_cast %get3A_1702 : i32 to index
      %get3A_1705 = arith.index_cast %get3A_1703 : i32 to index
      %get3A_1706 = arith.index_cast %and3A_1701 : i32 to index
      %get3A_1707 = arith.constant 0 : index
      %get3A_1708 = tpu.vector_load %arg6[%get3A_1704, %get3A_1705, %get3A_1706, %get3A_1707] {strides = array<i32>} : memref<2x20x8x50xf32, #tpu.memory_space<vmem>>, vector<1x1x1x16xf32>,
      %get3A_1709 = vector.shape_cast %get3A_1708 : vector<1x1x1x16xf32> to vector<16xf32>
      %swap3A_1710 = arith.constant 1 : i32
      %swap3A_1711 = arith.constant 2 : i32
      %swap3A_1712 = arith.index_cast %swap3A_1710 : i32 to index
      %swap3A_1713 = arith.index_cast %swap3A_1711 : i32 to index
      %swap3A_1714 = arith.constant 0 : index
      %swap3A_1715 = tpu.vector_load %arg7[%swap3A_1712, %swap3A_1713, %swap3A_1714] {strides = array<i32>} : memref<5x8x50xf32, #tpu.memory_space<vmem>>, vector<1x1x16xf32>,
      %swap3A_1716 = vector.shape_cast %swap3A_1715 : vector<1x1x16xf32> to vector<16xf32>
      %swap3A_1717 = vector.shape_cast %get3A_1709 : vector<16xf32> to vector<1x1x16xf32>
      tpu.vector_store %arg7[%swap3A_1712, %swap3A_1713, %swap3A_1714], %swap3A_1717 {strides = array<i32>} : memref<5x8x50xf32, #tpu.memory_space<vmem>>, vector<1x1x16xf32>,
      %get3A_1718 = arith.constant 0 : i32
      %get3A_1719 = arith.constant 11 : i32
      %get3A_1720 = arith.index_cast %get3A_1718 : i32 to index
      %get3A_1721 = arith.index_cast %get3A_1719 : i32 to index
      %get3A_1722 = arith.index_cast %and3A_1701 : i32 to index
      %get3A_1723 = arith.constant 16 : index
      %get3A_1724 = tpu.vector_load %arg6[%get3A_1720, %get3A_1721, %get3A_1722, %get3A_1723] {strides = array<i32>} : memref<2x20x8x50xf32, #tpu.memory_space<vmem>>, vector<1x1x1x16xf32>,
      %get3A_1725 = vector.shape_cast %get3A_1724 : vector<1x1x1x16xf32> to vector<16xf32>
      %swap3A_1726 = arith.constant 1 : i32
      %swap3A_1727 = arith.constant 2 : i32
      %swap3A_1728 = arith.index_cast %swap3A_1726 : i32 to index
      %swap3A_1729 = arith.index_cast %swap3A_1727 : i32 to index
      %swap3A_1730 = arith.constant 16 : index
      %swap3A_1731 = tpu.vector_load %arg7[%swap3A_1728, %swap3A_1729, %swap3A_1730] {strides = array<i32>} : memref<5x8x50xf32, #tpu.memory_space<vmem>>, vector<1x1x16xf32>,
      %swap3A_1732 = vector.shape_cast %swap3A_1731 : vector<1x1x16xf32> to vector<16xf32>
      %swap3A_1733 = vector.shape_cast %get3A_1725 : vector<16xf32> to vector<1x1x16xf32>
      tpu.vector_store %arg7[%swap3A_1728, %swap3A_1729, %swap3A_1730], %swap3A_1733 {strides = array<i32>} : memref<5x8x50xf32, #tpu.memory_space<vmem>>, vector<1x1x16xf32>,
      %get3A_1734 = arith.constant 0 : i32
      %get3A_1735 = arith.constant 11 : i32
      %get3A_1736 = arith.index_cast %get3A_1734 : i32 to index
      %get3A_1737 = arith.index_cast %get3A_1735 : i32 to index
      %get3A_1738 = arith.index_cast %and3A_1701 : i32 to index
      %get3A_1739 = arith.constant 32 : index
      %get3A_1740 = tpu.vector_load %arg6[%get3A_1736, %get3A_1737, %get3A_1738, %get3A_1739] {strides = array<i32>} : memref<2x20x8x50xf32, #tpu.memory_space<vmem>>, vector<1x1x1x16xf32>,
      %get3A_1741 = vector.shape_cast %get3A_1740 : vector<1x1x1x16xf32> to vector<16xf32>
      %swap3A_1742 = arith.constant 1 : i32
      %swap3A_1743 = arith.constant 2 : i32
      %swap3A_1744 = arith.index_cast %swap3A_1742 : i32 to index
      %swap3A_1745 = arith.index_cast %swap3A_1743 : i32 to index
      %swap3A_1746 = arith.constant 32 : index
      %swap3A_1747 = tpu.vector_load %arg7[%swap3A_1744, %swap3A_1745, %swap3A_1746] {strides = array<i32>} : memref<5x8x50xf32, #tpu.memory_space<vmem>>, vector<1x1x16xf32>,
      %swap3A_1748 = vector.shape_cast %swap3A_1747 : vector<1x1x16xf32> to vector<16xf32>
      %swap3A_1749 = vector.shape_cast %get3A_1741 : vector<16xf32> to vector<1x1x16xf32>
      tpu.vector_store %arg7[%swap3A_1744, %swap3A_1745, %swap3A_1746], %swap3A_1749 {strides = array<i32>} : memref<5x8x50xf32, #tpu.memory_space<vmem>>, vector<1x1x16xf32>,
      %get3A_1750 = arith.constant 0 : i32
      %get3A_1751 = arith.constant 11 : i32
      %get3A_1752 = arith.index_cast %get3A_1750 : i32 to index
      %get3A_1753 = arith.index_cast %get3A_1751 : i32 to index
      %get3A_1754 = arith.index_cast %and3A_1701 : i32 to index
      %get3A_1755 = arith.constant 34 : index
      %get3A_1756 = tpu.vector_load %arg6[%get3A_1752, %get3A_1753, %get3A_1754, %get3A_1755] {strides = array<i32>} : memref<2x20x8x50xf32, #tpu.memory_space<vmem>>, vector<1x1x1x16xf32>,
      %get3A_1757 = vector.shape_cast %get3A_1756 : vector<1x1x1x16xf32> to vector<16xf32>
      %swap3A_1758 = arith.constant 1 : i32
      %swap3A_1759 = arith.constant 2 : i32
      %swap3A_1760 = arith.index_cast %swap3A_1758 : i32 to index
      %swap3A_1761 = arith.index_cast %swap3A_1759 : i32 to index
      %swap3A_1762 = arith.constant 34 : index
      %swap3A_1763 = tpu.vector_load %arg7[%swap3A_1760, %swap3A_1761, %swap3A_1762] {strides = array<i32>} : memref<5x8x50xf32, #tpu.memory_space<vmem>>, vector<1x1x16xf32>,
      %swap3A_1764 = vector.shape_cast %swap3A_1763 : vector<1x1x16xf32> to vector<16xf32>
      %swap3A_1765 = vector.shape_cast %get3A_1757 : vector<16xf32> to vector<1x1x16xf32>
      tpu.vector_store %arg7[%swap3A_1760, %swap3A_1761, %swap3A_1762], %swap3A_1765 {strides = array<i32>} : memref<5x8x50xf32, #tpu.memory_space<vmem>>, vector<1x1x16xf32>,
      %and3A_1766 = arith.constant 7 : i32
      %and3A_1767 = arith.andi %squeeze3A_943, %and3A_1766 : i32
      %get3A_1768 = arith.constant 0 : i32
      %get3A_1769 = arith.constant 12 : i32
      %get3A_1770 = arith.index_cast %get3A_1768 : i32 to index
      %get3A_1771 = arith.index_cast %get3A_1769 : i32 to index
      %get3A_1772 = arith.index_cast %and3A_1767 : i32 to index
      %get3A_1773 = arith.constant 0 : index
      %get3A_1774 = tpu.vector_load %arg6[%get3A_1770, %get3A_1771, %get3A_1772, %get3A_1773] {strides = array<i32>} : memref<2x20x8x50xf32, #tpu.memory_space<vmem>>, vector<1x1x1x16xf32>,
      %get3A_1775 = vector.shape_cast %get3A_1774 : vector<1x1x1x16xf32> to vector<16xf32>
      %swap3A_1776 = arith.constant 2 : i32
      %swap3A_1777 = arith.constant 2 : i32
      %swap3A_1778 = arith.index_cast %swap3A_1776 : i32 to index
      %swap3A_1779 = arith.index_cast %swap3A_1777 : i32 to index
      %swap3A_1780 = arith.constant 0 : index
      %swap3A_1781 = tpu.vector_load %arg7[%swap3A_1778, %swap3A_1779, %swap3A_1780] {strides = array<i32>} : memref<5x8x50xf32, #tpu.memory_space<vmem>>, vector<1x1x16xf32>,
      %swap3A_1782 = vector.shape_cast %swap3A_1781 : vector<1x1x16xf32> to vector<16xf32>
      %swap3A_1783 = vector.shape_cast %get3A_1775 : vector<16xf32> to vector<1x1x16xf32>
      tpu.vector_store %arg7[%swap3A_1778, %swap3A_1779, %swap3A_1780], %swap3A_1783 {strides = array<i32>} : memref<5x8x50xf32, #tpu.memory_space<vmem>>, vector<1x1x16xf32>,
      %get3A_1784 = arith.constant 0 : i32
      %get3A_1785 = arith.constant 12 : i32
      %get3A_1786 = arith.index_cast %get3A_1784 : i32 to index
      %get3A_1787 = arith.index_cast %get3A_1785 : i32 to index
      %get3A_1788 = arith.index_cast %and3A_1767 : i32 to index
      %get3A_1789 = arith.constant 16 : index
      %get3A_1790 = tpu.vector_load %arg6[%get3A_1786, %get3A_1787, %get3A_1788, %get3A_1789] {strides = array<i32>} : memref<2x20x8x50xf32, #tpu.memory_space<vmem>>, vector<1x1x1x16xf32>,
      %get3A_1791 = vector.shape_cast %get3A_1790 : vector<1x1x1x16xf32> to vector<16xf32>
      %swap3A_1792 = arith.constant 2 : i32
      %swap3A_1793 = arith.constant 2 : i32
      %swap3A_1794 = arith.index_cast %swap3A_1792 : i32 to index
      %swap3A_1795 = arith.index_cast %swap3A_1793 : i32 to index
      %swap3A_1796 = arith.constant 16 : index
      %swap3A_1797 = tpu.vector_load %arg7[%swap3A_1794, %swap3A_1795, %swap3A_1796] {strides = array<i32>} : memref<5x8x50xf32, #tpu.memory_space<vmem>>, vector<1x1x16xf32>,
      %swap3A_1798 = vector.shape_cast %swap3A_1797 : vector<1x1x16xf32> to vector<16xf32>
      %swap3A_1799 = vector.shape_cast %get3A_1791 : vector<16xf32> to vector<1x1x16xf32>
      tpu.vector_store %arg7[%swap3A_1794, %swap3A_1795, %swap3A_1796], %swap3A_1799 {strides = array<i32>} : memref<5x8x50xf32, #tpu.memory_space<vmem>>, vector<1x1x16xf32>,
      %get3A_1800 = arith.constant 0 : i32
      %get3A_1801 = arith.constant 12 : i32
      %get3A_1802 = arith.index_cast %get3A_1800 : i32 to index
      %get3A_1803 = arith.index_cast %get3A_1801 : i32 to index
      %get3A_1804 = arith.index_cast %and3A_1767 : i32 to index
      %get3A_1805 = arith.constant 32 : index
      %get3A_1806 = tpu.vector_load %arg6[%get3A_1802, %get3A_1803, %get3A_1804, %get3A_1805] {strides = array<i32>} : memref<2x20x8x50xf32, #tpu.memory_space<vmem>>, vector<1x1x1x16xf32>,
      %get3A_1807 = vector.shape_cast %get3A_1806 : vector<1x1x1x16xf32> to vector<16xf32>
      %swap3A_1808 = arith.constant 2 : i32
      %swap3A_1809 = arith.constant 2 : i32
      %swap3A_1810 = arith.index_cast %swap3A_1808 : i32 to index
      %swap3A_1811 = arith.index_cast %swap3A_1809 : i32 to index
      %swap3A_1812 = arith.constant 32 : index
      %swap3A_1813 = tpu.vector_load %arg7[%swap3A_1810, %swap3A_1811, %swap3A_1812] {strides = array<i32>} : memref<5x8x50xf32, #tpu.memory_space<vmem>>, vector<1x1x16xf32>,
      %swap3A_1814 = vector.shape_cast %swap3A_1813 : vector<1x1x16xf32> to vector<16xf32>
      %swap3A_1815 = vector.shape_cast %get3A_1807 : vector<16xf32> to vector<1x1x16xf32>
      tpu.vector_store %arg7[%swap3A_1810, %swap3A_1811, %swap3A_1812], %swap3A_1815 {strides = array<i32>} : memref<5x8x50xf32, #tpu.memory_space<vmem>>, vector<1x1x16xf32>,
      %get3A_1816 = arith.constant 0 : i32
      %get3A_1817 = arith.constant 12 : i32
      %get3A_1818 = arith.index_cast %get3A_1816 : i32 to index
      %get3A_1819 = arith.index_cast %get3A_1817 : i32 to index
      %get3A_1820 = arith.index_cast %and3A_1767 : i32 to index
      %get3A_1821 = arith.constant 34 : index
      %get3A_1822 = tpu.vector_load %arg6[%get3A_1818, %get3A_1819, %get3A_1820, %get3A_1821] {strides = array<i32>} : memref<2x20x8x50xf32, #tpu.memory_space<vmem>>, vector<1x1x1x16xf32>,
      %get3A_1823 = vector.shape_cast %get3A_1822 : vector<1x1x1x16xf32> to vector<16xf32>
      %swap3A_1824 = arith.constant 2 : i32
      %swap3A_1825 = arith.constant 2 : i32
      %swap3A_1826 = arith.index_cast %swap3A_1824 : i32 to index
      %swap3A_1827 = arith.index_cast %swap3A_1825 : i32 to index
      %swap3A_1828 = arith.constant 34 : index
      %swap3A_1829 = tpu.vector_load %arg7[%swap3A_1826, %swap3A_1827, %swap3A_1828] {strides = array<i32>} : memref<5x8x50xf32, #tpu.memory_space<vmem>>, vector<1x1x16xf32>,
      %swap3A_1830 = vector.shape_cast %swap3A_1829 : vector<1x1x16xf32> to vector<16xf32>
      %swap3A_1831 = vector.shape_cast %get3A_1823 : vector<16xf32> to vector<1x1x16xf32>
      tpu.vector_store %arg7[%swap3A_1826, %swap3A_1827, %swap3A_1828], %swap3A_1831 {strides = array<i32>} : memref<5x8x50xf32, #tpu.memory_space<vmem>>, vector<1x1x16xf32>,
      %and3A_1832 = arith.constant 7 : i32
      %and3A_1833 = arith.andi %squeeze3A_945, %and3A_1832 : i32
      %get3A_1834 = arith.constant 0 : i32
      %get3A_1835 = arith.constant 13 : i32
      %get3A_1836 = arith.index_cast %get3A_1834 : i32 to index
      %get3A_1837 = arith.index_cast %get3A_1835 : i32 to index
      %get3A_1838 = arith.index_cast %and3A_1833 : i32 to index
      %get3A_1839 = arith.constant 0 : index
      %get3A_1840 = tpu.vector_load %arg6[%get3A_1836, %get3A_1837, %get3A_1838, %get3A_1839] {strides = array<i32>} : memref<2x20x8x50xf32, #tpu.memory_space<vmem>>, vector<1x1x1x16xf32>,
      %get3A_1841 = vector.shape_cast %get3A_1840 : vector<1x1x1x16xf32> to vector<16xf32>
      %swap3A_1842 = arith.constant 3 : i32
      %swap3A_1843 = arith.constant 2 : i32
      %swap3A_1844 = arith.index_cast %swap3A_1842 : i32 to index
      %swap3A_1845 = arith.index_cast %swap3A_1843 : i32 to index
      %swap3A_1846 = arith.constant 0 : index
      %swap3A_1847 = tpu.vector_load %arg7[%swap3A_1844, %swap3A_1845, %swap3A_1846] {strides = array<i32>} : memref<5x8x50xf32, #tpu.memory_space<vmem>>, vector<1x1x16xf32>,
      %swap3A_1848 = vector.shape_cast %swap3A_1847 : vector<1x1x16xf32> to vector<16xf32>
      %swap3A_1849 = vector.shape_cast %get3A_1841 : vector<16xf32> to vector<1x1x16xf32>
      tpu.vector_store %arg7[%swap3A_1844, %swap3A_1845, %swap3A_1846], %swap3A_1849 {strides = array<i32>} : memref<5x8x50xf32, #tpu.memory_space<vmem>>, vector<1x1x16xf32>,
      %get3A_1850 = arith.constant 0 : i32
      %get3A_1851 = arith.constant 13 : i32
      %get3A_1852 = arith.index_cast %get3A_1850 : i32 to index
      %get3A_1853 = arith.index_cast %get3A_1851 : i32 to index
      %get3A_1854 = arith.index_cast %and3A_1833 : i32 to index
      %get3A_1855 = arith.constant 16 : index
      %get3A_1856 = tpu.vector_load %arg6[%get3A_1852, %get3A_1853, %get3A_1854, %get3A_1855] {strides = array<i32>} : memref<2x20x8x50xf32, #tpu.memory_space<vmem>>, vector<1x1x1x16xf32>,
      %get3A_1857 = vector.shape_cast %get3A_1856 : vector<1x1x1x16xf32> to vector<16xf32>
      %swap3A_1858 = arith.constant 3 : i32
      %swap3A_1859 = arith.constant 2 : i32
      %swap3A_1860 = arith.index_cast %swap3A_1858 : i32 to index
      %swap3A_1861 = arith.index_cast %swap3A_1859 : i32 to index
      %swap3A_1862 = arith.constant 16 : index
      %swap3A_1863 = tpu.vector_load %arg7[%swap3A_1860, %swap3A_1861, %swap3A_1862] {strides = array<i32>} : memref<5x8x50xf32, #tpu.memory_space<vmem>>, vector<1x1x16xf32>,
      %swap3A_1864 = vector.shape_cast %swap3A_1863 : vector<1x1x16xf32> to vector<16xf32>
      %swap3A_1865 = vector.shape_cast %get3A_1857 : vector<16xf32> to vector<1x1x16xf32>
      tpu.vector_store %arg7[%swap3A_1860, %swap3A_1861, %swap3A_1862], %swap3A_1865 {strides = array<i32>} : memref<5x8x50xf32, #tpu.memory_space<vmem>>, vector<1x1x16xf32>,
      %get3A_1866 = arith.constant 0 : i32
      %get3A_1867 = arith.constant 13 : i32
      %get3A_1868 = arith.index_cast %get3A_1866 : i32 to index
      %get3A_1869 = arith.index_cast %get3A_1867 : i32 to index
      %get3A_1870 = arith.index_cast %and3A_1833 : i32 to index
      %get3A_1871 = arith.constant 32 : index
      %get3A_1872 = tpu.vector_load %arg6[%get3A_1868, %get3A_1869, %get3A_1870, %get3A_1871] {strides = array<i32>} : memref<2x20x8x50xf32, #tpu.memory_space<vmem>>, vector<1x1x1x16xf32>,
      %get3A_1873 = vector.shape_cast %get3A_1872 : vector<1x1x1x16xf32> to vector<16xf32>
      %swap3A_1874 = arith.constant 3 : i32
      %swap3A_1875 = arith.constant 2 : i32
      %swap3A_1876 = arith.index_cast %swap3A_1874 : i32 to index
      %swap3A_1877 = arith.index_cast %swap3A_1875 : i32 to index
      %swap3A_1878 = arith.constant 32 : index
      %swap3A_1879 = tpu.vector_load %arg7[%swap3A_1876, %swap3A_1877, %swap3A_1878] {strides = array<i32>} : memref<5x8x50xf32, #tpu.memory_space<vmem>>, vector<1x1x16xf32>,
      %swap3A_1880 = vector.shape_cast %swap3A_1879 : vector<1x1x16xf32> to vector<16xf32>
      %swap3A_1881 = vector.shape_cast %get3A_1873 : vector<16xf32> to vector<1x1x16xf32>
      tpu.vector_store %arg7[%swap3A_1876, %swap3A_1877, %swap3A_1878], %swap3A_1881 {strides = array<i32>} : memref<5x8x50xf32, #tpu.memory_space<vmem>>, vector<1x1x16xf32>,
      %get3A_1882 = arith.constant 0 : i32
      %get3A_1883 = arith.constant 13 : i32
      %get3A_1884 = arith.index_cast %get3A_1882 : i32 to index
      %get3A_1885 = arith.index_cast %get3A_1883 : i32 to index
      %get3A_1886 = arith.index_cast %and3A_1833 : i32 to index
      %get3A_1887 = arith.constant 34 : index
      %get3A_1888 = tpu.vector_load %arg6[%get3A_1884, %get3A_1885, %get3A_1886, %get3A_1887] {strides = array<i32>} : memref<2x20x8x50xf32, #tpu.memory_space<vmem>>, vector<1x1x1x16xf32>,
      %get3A_1889 = vector.shape_cast %get3A_1888 : vector<1x1x1x16xf32> to vector<16xf32>
      %swap3A_1890 = arith.constant 3 : i32
      %swap3A_1891 = arith.constant 2 : i32
      %swap3A_1892 = arith.index_cast %swap3A_1890 : i32 to index
      %swap3A_1893 = arith.index_cast %swap3A_1891 : i32 to index
      %swap3A_1894 = arith.constant 34 : index
      %swap3A_1895 = tpu.vector_load %arg7[%swap3A_1892, %swap3A_1893, %swap3A_1894] {strides = array<i32>} : memref<5x8x50xf32, #tpu.memory_space<vmem>>, vector<1x1x16xf32>,
      %swap3A_1896 = vector.shape_cast %swap3A_1895 : vector<1x1x16xf32> to vector<16xf32>
      %swap3A_1897 = vector.shape_cast %get3A_1889 : vector<16xf32> to vector<1x1x16xf32>
      tpu.vector_store %arg7[%swap3A_1892, %swap3A_1893, %swap3A_1894], %swap3A_1897 {strides = array<i32>} : memref<5x8x50xf32, #tpu.memory_space<vmem>>, vector<1x1x16xf32>,
      %and3A_1898 = arith.constant 7 : i32
      %and3A_1899 = arith.andi %squeeze3A_947, %and3A_1898 : i32
      %get3A_1900 = arith.constant 0 : i32
      %get3A_1901 = arith.constant 14 : i32
      %get3A_1902 = arith.index_cast %get3A_1900 : i32 to index
      %get3A_1903 = arith.index_cast %get3A_1901 : i32 to index
      %get3A_1904 = arith.index_cast %and3A_1899 : i32 to index
      %get3A_1905 = arith.constant 0 : index
      %get3A_1906 = tpu.vector_load %arg6[%get3A_1902, %get3A_1903, %get3A_1904, %get3A_1905] {strides = array<i32>} : memref<2x20x8x50xf32, #tpu.memory_space<vmem>>, vector<1x1x1x16xf32>,
      %get3A_1907 = vector.shape_cast %get3A_1906 : vector<1x1x1x16xf32> to vector<16xf32>
      %swap3A_1908 = arith.constant 4 : i32
      %swap3A_1909 = arith.constant 2 : i32
      %swap3A_1910 = arith.index_cast %swap3A_1908 : i32 to index
      %swap3A_1911 = arith.index_cast %swap3A_1909 : i32 to index
      %swap3A_1912 = arith.constant 0 : index
      %swap3A_1913 = tpu.vector_load %arg7[%swap3A_1910, %swap3A_1911, %swap3A_1912] {strides = array<i32>} : memref<5x8x50xf32, #tpu.memory_space<vmem>>, vector<1x1x16xf32>,
      %swap3A_1914 = vector.shape_cast %swap3A_1913 : vector<1x1x16xf32> to vector<16xf32>
      %swap3A_1915 = vector.shape_cast %get3A_1907 : vector<16xf32> to vector<1x1x16xf32>
      tpu.vector_store %arg7[%swap3A_1910, %swap3A_1911, %swap3A_1912], %swap3A_1915 {strides = array<i32>} : memref<5x8x50xf32, #tpu.memory_space<vmem>>, vector<1x1x16xf32>,
      %get3A_1916 = arith.constant 0 : i32
      %get3A_1917 = arith.constant 14 : i32
      %get3A_1918 = arith.index_cast %get3A_1916 : i32 to index
      %get3A_1919 = arith.index_cast %get3A_1917 : i32 to index
      %get3A_1920 = arith.index_cast %and3A_1899 : i32 to index
      %get3A_1921 = arith.constant 16 : index
      %get3A_1922 = tpu.vector_load %arg6[%get3A_1918, %get3A_1919, %get3A_1920, %get3A_1921] {strides = array<i32>} : memref<2x20x8x50xf32, #tpu.memory_space<vmem>>, vector<1x1x1x16xf32>,
      %get3A_1923 = vector.shape_cast %get3A_1922 : vector<1x1x1x16xf32> to vector<16xf32>
      %swap3A_1924 = arith.constant 4 : i32
      %swap3A_1925 = arith.constant 2 : i32
      %swap3A_1926 = arith.index_cast %swap3A_1924 : i32 to index
      %swap3A_1927 = arith.index_cast %swap3A_1925 : i32 to index
      %swap3A_1928 = arith.constant 16 : index
      %swap3A_1929 = tpu.vector_load %arg7[%swap3A_1926, %swap3A_1927, %swap3A_1928] {strides = array<i32>} : memref<5x8x50xf32, #tpu.memory_space<vmem>>, vector<1x1x16xf32>,
      %swap3A_1930 = vector.shape_cast %swap3A_1929 : vector<1x1x16xf32> to vector<16xf32>
      %swap3A_1931 = vector.shape_cast %get3A_1923 : vector<16xf32> to vector<1x1x16xf32>
      tpu.vector_store %arg7[%swap3A_1926, %swap3A_1927, %swap3A_1928], %swap3A_1931 {strides = array<i32>} : memref<5x8x50xf32, #tpu.memory_space<vmem>>, vector<1x1x16xf32>,
      %get3A_1932 = arith.constant 0 : i32
      %get3A_1933 = arith.constant 14 : i32
      %get3A_1934 = arith.index_cast %get3A_1932 : i32 to index
      %get3A_1935 = arith.index_cast %get3A_1933 : i32 to index
      %get3A_1936 = arith.index_cast %and3A_1899 : i32 to index
      %get3A_1937 = arith.constant 32 : index
      %get3A_1938 = tpu.vector_load %arg6[%get3A_1934, %get3A_1935, %get3A_1936, %get3A_1937] {strides = array<i32>} : memref<2x20x8x50xf32, #tpu.memory_space<vmem>>, vector<1x1x1x16xf32>,
      %get3A_1939 = vector.shape_cast %get3A_1938 : vector<1x1x1x16xf32> to vector<16xf32>
      %swap3A_1940 = arith.constant 4 : i32
      %swap3A_1941 = arith.constant 2 : i32
      %swap3A_1942 = arith.index_cast %swap3A_1940 : i32 to index
      %swap3A_1943 = arith.index_cast %swap3A_1941 : i32 to index
      %swap3A_1944 = arith.constant 32 : index
      %swap3A_1945 = tpu.vector_load %arg7[%swap3A_1942, %swap3A_1943, %swap3A_1944] {strides = array<i32>} : memref<5x8x50xf32, #tpu.memory_space<vmem>>, vector<1x1x16xf32>,
      %swap3A_1946 = vector.shape_cast %swap3A_1945 : vector<1x1x16xf32> to vector<16xf32>
      %swap3A_1947 = vector.shape_cast %get3A_1939 : vector<16xf32> to vector<1x1x16xf32>
      tpu.vector_store %arg7[%swap3A_1942, %swap3A_1943, %swap3A_1944], %swap3A_1947 {strides = array<i32>} : memref<5x8x50xf32, #tpu.memory_space<vmem>>, vector<1x1x16xf32>,
      %get3A_1948 = arith.constant 0 : i32
      %get3A_1949 = arith.constant 14 : i32
      %get3A_1950 = arith.index_cast %get3A_1948 : i32 to index
      %get3A_1951 = arith.index_cast %get3A_1949 : i32 to index
      %get3A_1952 = arith.index_cast %and3A_1899 : i32 to index
      %get3A_1953 = arith.constant 34 : index
      %get3A_1954 = tpu.vector_load %arg6[%get3A_1950, %get3A_1951, %get3A_1952, %get3A_1953] {strides = array<i32>} : memref<2x20x8x50xf32, #tpu.memory_space<vmem>>, vector<1x1x1x16xf32>,
      %get3A_1955 = vector.shape_cast %get3A_1954 : vector<1x1x1x16xf32> to vector<16xf32>
      %swap3A_1956 = arith.constant 4 : i32
      %swap3A_1957 = arith.constant 2 : i32
      %swap3A_1958 = arith.index_cast %swap3A_1956 : i32 to index
      %swap3A_1959 = arith.index_cast %swap3A_1957 : i32 to index
      %swap3A_1960 = arith.constant 34 : index
      %swap3A_1961 = tpu.vector_load %arg7[%swap3A_1958, %swap3A_1959, %swap3A_1960] {strides = array<i32>} : memref<5x8x50xf32, #tpu.memory_space<vmem>>, vector<1x1x16xf32>,
      %swap3A_1962 = vector.shape_cast %swap3A_1961 : vector<1x1x16xf32> to vector<16xf32>
      %swap3A_1963 = vector.shape_cast %get3A_1955 : vector<16xf32> to vector<1x1x16xf32>
      tpu.vector_store %arg7[%swap3A_1958, %swap3A_1959, %swap3A_1960], %swap3A_1963 {strides = array<i32>} : memref<5x8x50xf32, #tpu.memory_space<vmem>>, vector<1x1x16xf32>,
      %and3A_1964 = arith.constant 7 : i32
      %and3A_1965 = arith.andi %squeeze3A_949, %and3A_1964 : i32
      %get3A_1966 = arith.constant 0 : i32
      %get3A_1967 = arith.constant 15 : i32
      %get3A_1968 = arith.index_cast %get3A_1966 : i32 to index
      %get3A_1969 = arith.index_cast %get3A_1967 : i32 to index
      %get3A_1970 = arith.index_cast %and3A_1965 : i32 to index
      %get3A_1971 = arith.constant 0 : index
      %get3A_1972 = tpu.vector_load %arg6[%get3A_1968, %get3A_1969, %get3A_1970, %get3A_1971] {strides = array<i32>} : memref<2x20x8x50xf32, #tpu.memory_space<vmem>>, vector<1x1x1x16xf32>,
      %get3A_1973 = vector.shape_cast %get3A_1972 : vector<1x1x1x16xf32> to vector<16xf32>
      %swap3A_1974 = arith.constant 0 : i32
      %swap3A_1975 = arith.constant 3 : i32
      %swap3A_1976 = arith.index_cast %swap3A_1974 : i32 to index
      %swap3A_1977 = arith.index_cast %swap3A_1975 : i32 to index
      %swap3A_1978 = arith.constant 0 : index
      %swap3A_1979 = tpu.vector_load %arg7[%swap3A_1976, %swap3A_1977, %swap3A_1978] {strides = array<i32>} : memref<5x8x50xf32, #tpu.memory_space<vmem>>, vector<1x1x16xf32>,
      %swap3A_1980 = vector.shape_cast %swap3A_1979 : vector<1x1x16xf32> to vector<16xf32>
      %swap3A_1981 = vector.shape_cast %get3A_1973 : vector<16xf32> to vector<1x1x16xf32>
      tpu.vector_store %arg7[%swap3A_1976, %swap3A_1977, %swap3A_1978], %swap3A_1981 {strides = array<i32>} : memref<5x8x50xf32, #tpu.memory_space<vmem>>, vector<1x1x16xf32>,
      %get3A_1982 = arith.constant 0 : i32
      %get3A_1983 = arith.constant 15 : i32
      %get3A_1984 = arith.index_cast %get3A_1982 : i32 to index
      %get3A_1985 = arith.index_cast %get3A_1983 : i32 to index
      %get3A_1986 = arith.index_cast %and3A_1965 : i32 to index
      %get3A_1987 = arith.constant 16 : index
      %get3A_1988 = tpu.vector_load %arg6[%get3A_1984, %get3A_1985, %get3A_1986, %get3A_1987] {strides = array<i32>} : memref<2x20x8x50xf32, #tpu.memory_space<vmem>>, vector<1x1x1x16xf32>,
      %get3A_1989 = vector.shape_cast %get3A_1988 : vector<1x1x1x16xf32> to vector<16xf32>
      %swap3A_1990 = arith.constant 0 : i32
      %swap3A_1991 = arith.constant 3 : i32
      %swap3A_1992 = arith.index_cast %swap3A_1990 : i32 to index
      %swap3A_1993 = arith.index_cast %swap3A_1991 : i32 to index
      %swap3A_1994 = arith.constant 16 : index
      %swap3A_1995 = tpu.vector_load %arg7[%swap3A_1992, %swap3A_1993, %swap3A_1994] {strides = array<i32>} : memref<5x8x50xf32, #tpu.memory_space<vmem>>, vector<1x1x16xf32>,
      %swap3A_1996 = vector.shape_cast %swap3A_1995 : vector<1x1x16xf32> to vector<16xf32>
      %swap3A_1997 = vector.shape_cast %get3A_1989 : vector<16xf32> to vector<1x1x16xf32>
      tpu.vector_store %arg7[%swap3A_1992, %swap3A_1993, %swap3A_1994], %swap3A_1997 {strides = array<i32>} : memref<5x8x50xf32, #tpu.memory_space<vmem>>, vector<1x1x16xf32>,
      %get3A_1998 = arith.constant 0 : i32
      %get3A_1999 = arith.constant 15 : i32
      %get3A_2000 = arith.index_cast %get3A_1998 : i32 to index
      %get3A_2001 = arith.index_cast %get3A_1999 : i32 to index
      %get3A_2002 = arith.index_cast %and3A_1965 : i32 to index
      %get3A_2003 = arith.constant 32 : index
      %get3A_2004 = tpu.vector_load %arg6[%get3A_2000, %get3A_2001, %get3A_2002, %get3A_2003] {strides = array<i32>} : memref<2x20x8x50xf32, #tpu.memory_space<vmem>>, vector<1x1x1x16xf32>,
      %get3A_2005 = vector.shape_cast %get3A_2004 : vector<1x1x1x16xf32> to vector<16xf32>
      %swap3A_2006 = arith.constant 0 : i32
      %swap3A_2007 = arith.constant 3 : i32
      %swap3A_2008 = arith.index_cast %swap3A_2006 : i32 to index
      %swap3A_2009 = arith.index_cast %swap3A_2007 : i32 to index
      %swap3A_2010 = arith.constant 32 : index
      %swap3A_2011 = tpu.vector_load %arg7[%swap3A_2008, %swap3A_2009, %swap3A_2010] {strides = array<i32>} : memref<5x8x50xf32, #tpu.memory_space<vmem>>, vector<1x1x16xf32>,
      %swap3A_2012 = vector.shape_cast %swap3A_2011 : vector<1x1x16xf32> to vector<16xf32>
      %swap3A_2013 = vector.shape_cast %get3A_2005 : vector<16xf32> to vector<1x1x16xf32>
      tpu.vector_store %arg7[%swap3A_2008, %swap3A_2009, %swap3A_2010], %swap3A_2013 {strides = array<i32>} : memref<5x8x50xf32, #tpu.memory_space<vmem>>, vector<1x1x16xf32>,
      %get3A_2014 = arith.constant 0 : i32
      %get3A_2015 = arith.constant 15 : i32
      %get3A_2016 = arith.index_cast %get3A_2014 : i32 to index
      %get3A_2017 = arith.index_cast %get3A_2015 : i32 to index
      %get3A_2018 = arith.index_cast %and3A_1965 : i32 to index
      %get3A_2019 = arith.constant 34 : index
      %get3A_2020 = tpu.vector_load %arg6[%get3A_2016, %get3A_2017, %get3A_2018, %get3A_2019] {strides = array<i32>} : memref<2x20x8x50xf32, #tpu.memory_space<vmem>>, vector<1x1x1x16xf32>,
      %get3A_2021 = vector.shape_cast %get3A_2020 : vector<1x1x1x16xf32> to vector<16xf32>
      %swap3A_2022 = arith.constant 0 : i32
      %swap3A_2023 = arith.constant 3 : i32
      %swap3A_2024 = arith.index_cast %swap3A_2022 : i32 to index
      %swap3A_2025 = arith.index_cast %swap3A_2023 : i32 to index
      %swap3A_2026 = arith.constant 34 : index
      %swap3A_2027 = tpu.vector_load %arg7[%swap3A_2024, %swap3A_2025, %swap3A_2026] {strides = array<i32>} : memref<5x8x50xf32, #tpu.memory_space<vmem>>, vector<1x1x16xf32>,
      %swap3A_2028 = vector.shape_cast %swap3A_2027 : vector<1x1x16xf32> to vector<16xf32>
      %swap3A_2029 = vector.shape_cast %get3A_2021 : vector<16xf32> to vector<1x1x16xf32>
      tpu.vector_store %arg7[%swap3A_2024, %swap3A_2025, %swap3A_2026], %swap3A_2029 {strides = array<i32>} : memref<5x8x50xf32, #tpu.memory_space<vmem>>, vector<1x1x16xf32>,
      %and3A_2030 = arith.constant 7 : i32
      %and3A_2031 = arith.andi %squeeze3A_951, %and3A_2030 : i32
      %get3A_2032 = arith.constant 0 : i32
      %get3A_2033 = arith.constant 16 : i32
      %get3A_2034 = arith.index_cast %get3A_2032 : i32 to index
      %get3A_2035 = arith.index_cast %get3A_2033 : i32 to index
      %get3A_2036 = arith.index_cast %and3A_2031 : i32 to index
      %get3A_2037 = arith.constant 0 : index
      %get3A_2038 = tpu.vector_load %arg6[%get3A_2034, %get3A_2035, %get3A_2036, %get3A_2037] {strides = array<i32>} : memref<2x20x8x50xf32, #tpu.memory_space<vmem>>, vector<1x1x1x16xf32>,
      %get3A_2039 = vector.shape_cast %get3A_2038 : vector<1x1x1x16xf32> to vector<16xf32>
      %swap3A_2040 = arith.constant 1 : i32
      %swap3A_2041 = arith.constant 3 : i32
      %swap3A_2042 = arith.index_cast %swap3A_2040 : i32 to index
      %swap3A_2043 = arith.index_cast %swap3A_2041 : i32 to index
      %swap3A_2044 = arith.constant 0 : index
      %swap3A_2045 = tpu.vector_load %arg7[%swap3A_2042, %swap3A_2043, %swap3A_2044] {strides = array<i32>} : memref<5x8x50xf32, #tpu.memory_space<vmem>>, vector<1x1x16xf32>,
      %swap3A_2046 = vector.shape_cast %swap3A_2045 : vector<1x1x16xf32> to vector<16xf32>
      %swap3A_2047 = vector.shape_cast %get3A_2039 : vector<16xf32> to vector<1x1x16xf32>
      tpu.vector_store %arg7[%swap3A_2042, %swap3A_2043, %swap3A_2044], %swap3A_2047 {strides = array<i32>} : memref<5x8x50xf32, #tpu.memory_space<vmem>>, vector<1x1x16xf32>,
      %get3A_2048 = arith.constant 0 : i32
      %get3A_2049 = arith.constant 16 : i32
      %get3A_2050 = arith.index_cast %get3A_2048 : i32 to index
      %get3A_2051 = arith.index_cast %get3A_2049 : i32 to index
      %get3A_2052 = arith.index_cast %and3A_2031 : i32 to index
      %get3A_2053 = arith.constant 16 : index
      %get3A_2054 = tpu.vector_load %arg6[%get3A_2050, %get3A_2051, %get3A_2052, %get3A_2053] {strides = array<i32>} : memref<2x20x8x50xf32, #tpu.memory_space<vmem>>, vector<1x1x1x16xf32>,
      %get3A_2055 = vector.shape_cast %get3A_2054 : vector<1x1x1x16xf32> to vector<16xf32>
      %swap3A_2056 = arith.constant 1 : i32
      %swap3A_2057 = arith.constant 3 : i32
      %swap3A_2058 = arith.index_cast %swap3A_2056 : i32 to index
      %swap3A_2059 = arith.index_cast %swap3A_2057 : i32 to index
      %swap3A_2060 = arith.constant 16 : index
      %swap3A_2061 = tpu.vector_load %arg7[%swap3A_2058, %swap3A_2059, %swap3A_2060] {strides = array<i32>} : memref<5x8x50xf32, #tpu.memory_space<vmem>>, vector<1x1x16xf32>,
      %swap3A_2062 = vector.shape_cast %swap3A_2061 : vector<1x1x16xf32> to vector<16xf32>
      %swap3A_2063 = vector.shape_cast %get3A_2055 : vector<16xf32> to vector<1x1x16xf32>
      tpu.vector_store %arg7[%swap3A_2058, %swap3A_2059, %swap3A_2060], %swap3A_2063 {strides = array<i32>} : memref<5x8x50xf32, #tpu.memory_space<vmem>>, vector<1x1x16xf32>,
      %get3A_2064 = arith.constant 0 : i32
      %get3A_2065 = arith.constant 16 : i32
      %get3A_2066 = arith.index_cast %get3A_2064 : i32 to index
      %get3A_2067 = arith.index_cast %get3A_2065 : i32 to index
      %get3A_2068 = arith.index_cast %and3A_2031 : i32 to index
      %get3A_2069 = arith.constant 32 : index
      %get3A_2070 = tpu.vector_load %arg6[%get3A_2066, %get3A_2067, %get3A_2068, %get3A_2069] {strides = array<i32>} : memref<2x20x8x50xf32, #tpu.memory_space<vmem>>, vector<1x1x1x16xf32>,
      %get3A_2071 = vector.shape_cast %get3A_2070 : vector<1x1x1x16xf32> to vector<16xf32>
      %swap3A_2072 = arith.constant 1 : i32
      %swap3A_2073 = arith.constant 3 : i32
      %swap3A_2074 = arith.index_cast %swap3A_2072 : i32 to index
      %swap3A_2075 = arith.index_cast %swap3A_2073 : i32 to index
      %swap3A_2076 = arith.constant 32 : index
      %swap3A_2077 = tpu.vector_load %arg7[%swap3A_2074, %swap3A_2075, %swap3A_2076] {strides = array<i32>} : memref<5x8x50xf32, #tpu.memory_space<vmem>>, vector<1x1x16xf32>,
      %swap3A_2078 = vector.shape_cast %swap3A_2077 : vector<1x1x16xf32> to vector<16xf32>
      %swap3A_2079 = vector.shape_cast %get3A_2071 : vector<16xf32> to vector<1x1x16xf32>
      tpu.vector_store %arg7[%swap3A_2074, %swap3A_2075, %swap3A_2076], %swap3A_2079 {strides = array<i32>} : memref<5x8x50xf32, #tpu.memory_space<vmem>>, vector<1x1x16xf32>,
      %get3A_2080 = arith.constant 0 : i32
      %get3A_2081 = arith.constant 16 : i32
      %get3A_2082 = arith.index_cast %get3A_2080 : i32 to index
      %get3A_2083 = arith.index_cast %get3A_2081 : i32 to index
      %get3A_2084 = arith.index_cast %and3A_2031 : i32 to index
      %get3A_2085 = arith.constant 34 : index
      %get3A_2086 = tpu.vector_load %arg6[%get3A_2082, %get3A_2083, %get3A_2084, %get3A_2085] {strides = array<i32>} : memref<2x20x8x50xf32, #tpu.memory_space<vmem>>, vector<1x1x1x16xf32>,
      %get3A_2087 = vector.shape_cast %get3A_2086 : vector<1x1x1x16xf32> to vector<16xf32>
      %swap3A_2088 = arith.constant 1 : i32
      %swap3A_2089 = arith.constant 3 : i32
      %swap3A_2090 = arith.index_cast %swap3A_2088 : i32 to index
      %swap3A_2091 = arith.index_cast %swap3A_2089 : i32 to index
      %swap3A_2092 = arith.constant 34 : index
      %swap3A_2093 = tpu.vector_load %arg7[%swap3A_2090, %swap3A_2091, %swap3A_2092] {strides = array<i32>} : memref<5x8x50xf32, #tpu.memory_space<vmem>>, vector<1x1x16xf32>,
      %swap3A_2094 = vector.shape_cast %swap3A_2093 : vector<1x1x16xf32> to vector<16xf32>
      %swap3A_2095 = vector.shape_cast %get3A_2087 : vector<16xf32> to vector<1x1x16xf32>
      tpu.vector_store %arg7[%swap3A_2090, %swap3A_2091, %swap3A_2092], %swap3A_2095 {strides = array<i32>} : memref<5x8x50xf32, #tpu.memory_space<vmem>>, vector<1x1x16xf32>,
      %and3A_2096 = arith.constant 7 : i32
      %and3A_2097 = arith.andi %squeeze3A_953, %and3A_2096 : i32
      %get3A_2098 = arith.constant 0 : i32
      %get3A_2099 = arith.constant 17 : i32
      %get3A_2100 = arith.index_cast %get3A_2098 : i32 to index
      %get3A_2101 = arith.index_cast %get3A_2099 : i32 to index
      %get3A_2102 = arith.index_cast %and3A_2097 : i32 to index
      %get3A_2103 = arith.constant 0 : index
      %get3A_2104 = tpu.vector_load %arg6[%get3A_2100, %get3A_2101, %get3A_2102, %get3A_2103] {strides = array<i32>} : memref<2x20x8x50xf32, #tpu.memory_space<vmem>>, vector<1x1x1x16xf32>,
      %get3A_2105 = vector.shape_cast %get3A_2104 : vector<1x1x1x16xf32> to vector<16xf32>
      %swap3A_2106 = arith.constant 2 : i32
      %swap3A_2107 = arith.constant 3 : i32
      %swap3A_2108 = arith.index_cast %swap3A_2106 : i32 to index
      %swap3A_2109 = arith.index_cast %swap3A_2107 : i32 to index
      %swap3A_2110 = arith.constant 0 : index
      %swap3A_2111 = tpu.vector_load %arg7[%swap3A_2108, %swap3A_2109, %swap3A_2110] {strides = array<i32>} : memref<5x8x50xf32, #tpu.memory_space<vmem>>, vector<1x1x16xf32>,
      %swap3A_2112 = vector.shape_cast %swap3A_2111 : vector<1x1x16xf32> to vector<16xf32>
      %swap3A_2113 = vector.shape_cast %get3A_2105 : vector<16xf32> to vector<1x1x16xf32>
      tpu.vector_store %arg7[%swap3A_2108, %swap3A_2109, %swap3A_2110], %swap3A_2113 {strides = array<i32>} : memref<5x8x50xf32, #tpu.memory_space<vmem>>, vector<1x1x16xf32>,
      %get3A_2114 = arith.constant 0 : i32
      %get3A_2115 = arith.constant 17 : i32
      %get3A_2116 = arith.index_cast %get3A_2114 : i32 to index
      %get3A_2117 = arith.index_cast %get3A_2115 : i32 to index
      %get3A_2118 = arith.index_cast %and3A_2097 : i32 to index
      %get3A_2119 = arith.constant 16 : index
      %get3A_2120 = tpu.vector_load %arg6[%get3A_2116, %get3A_2117, %get3A_2118, %get3A_2119] {strides = array<i32>} : memref<2x20x8x50xf32, #tpu.memory_space<vmem>>, vector<1x1x1x16xf32>,
      %get3A_2121 = vector.shape_cast %get3A_2120 : vector<1x1x1x16xf32> to vector<16xf32>
      %swap3A_2122 = arith.constant 2 : i32
      %swap3A_2123 = arith.constant 3 : i32
      %swap3A_2124 = arith.index_cast %swap3A_2122 : i32 to index
      %swap3A_2125 = arith.index_cast %swap3A_2123 : i32 to index
      %swap3A_2126 = arith.constant 16 : index
      %swap3A_2127 = tpu.vector_load %arg7[%swap3A_2124, %swap3A_2125, %swap3A_2126] {strides = array<i32>} : memref<5x8x50xf32, #tpu.memory_space<vmem>>, vector<1x1x16xf32>,
      %swap3A_2128 = vector.shape_cast %swap3A_2127 : vector<1x1x16xf32> to vector<16xf32>
      %swap3A_2129 = vector.shape_cast %get3A_2121 : vector<16xf32> to vector<1x1x16xf32>
      tpu.vector_store %arg7[%swap3A_2124, %swap3A_2125, %swap3A_2126], %swap3A_2129 {strides = array<i32>} : memref<5x8x50xf32, #tpu.memory_space<vmem>>, vector<1x1x16xf32>,
      %get3A_2130 = arith.constant 0 : i32
      %get3A_2131 = arith.constant 17 : i32
      %get3A_2132 = arith.index_cast %get3A_2130 : i32 to index
      %get3A_2133 = arith.index_cast %get3A_2131 : i32 to index
      %get3A_2134 = arith.index_cast %and3A_2097 : i32 to index
      %get3A_2135 = arith.constant 32 : index
      %get3A_2136 = tpu.vector_load %arg6[%get3A_2132, %get3A_2133, %get3A_2134, %get3A_2135] {strides = array<i32>} : memref<2x20x8x50xf32, #tpu.memory_space<vmem>>, vector<1x1x1x16xf32>,
      %get3A_2137 = vector.shape_cast %get3A_2136 : vector<1x1x1x16xf32> to vector<16xf32>
      %swap3A_2138 = arith.constant 2 : i32
      %swap3A_2139 = arith.constant 3 : i32
      %swap3A_2140 = arith.index_cast %swap3A_2138 : i32 to index
      %swap3A_2141 = arith.index_cast %swap3A_2139 : i32 to index
      %swap3A_2142 = arith.constant 32 : index
      %swap3A_2143 = tpu.vector_load %arg7[%swap3A_2140, %swap3A_2141, %swap3A_2142] {strides = array<i32>} : memref<5x8x50xf32, #tpu.memory_space<vmem>>, vector<1x1x16xf32>,
      %swap3A_2144 = vector.shape_cast %swap3A_2143 : vector<1x1x16xf32> to vector<16xf32>
      %swap3A_2145 = vector.shape_cast %get3A_2137 : vector<16xf32> to vector<1x1x16xf32>
      tpu.vector_store %arg7[%swap3A_2140, %swap3A_2141, %swap3A_2142], %swap3A_2145 {strides = array<i32>} : memref<5x8x50xf32, #tpu.memory_space<vmem>>, vector<1x1x16xf32>,
      %get3A_2146 = arith.constant 0 : i32
      %get3A_2147 = arith.constant 17 : i32
      %get3A_2148 = arith.index_cast %get3A_2146 : i32 to index
      %get3A_2149 = arith.index_cast %get3A_2147 : i32 to index
      %get3A_2150 = arith.index_cast %and3A_2097 : i32 to index
      %get3A_2151 = arith.constant 34 : index
      %get3A_2152 = tpu.vector_load %arg6[%get3A_2148, %get3A_2149, %get3A_2150, %get3A_2151] {strides = array<i32>} : memref<2x20x8x50xf32, #tpu.memory_space<vmem>>, vector<1x1x1x16xf32>,
      %get3A_2153 = vector.shape_cast %get3A_2152 : vector<1x1x1x16xf32> to vector<16xf32>
      %swap3A_2154 = arith.constant 2 : i32
      %swap3A_2155 = arith.constant 3 : i32
      %swap3A_2156 = arith.index_cast %swap3A_2154 : i32 to index
      %swap3A_2157 = arith.index_cast %swap3A_2155 : i32 to index
      %swap3A_2158 = arith.constant 34 : index
      %swap3A_2159 = tpu.vector_load %arg7[%swap3A_2156, %swap3A_2157, %swap3A_2158] {strides = array<i32>} : memref<5x8x50xf32, #tpu.memory_space<vmem>>, vector<1x1x16xf32>,
      %swap3A_2160 = vector.shape_cast %swap3A_2159 : vector<1x1x16xf32> to vector<16xf32>
      %swap3A_2161 = vector.shape_cast %get3A_2153 : vector<16xf32> to vector<1x1x16xf32>
      tpu.vector_store %arg7[%swap3A_2156, %swap3A_2157, %swap3A_2158], %swap3A_2161 {strides = array<i32>} : memref<5x8x50xf32, #tpu.memory_space<vmem>>, vector<1x1x16xf32>,
      %and3A_2162 = arith.constant 7 : i32
      %and3A_2163 = arith.andi %squeeze3A_955, %and3A_2162 : i32
      %get3A_2164 = arith.constant 0 : i32
      %get3A_2165 = arith.constant 18 : i32
      %get3A_2166 = arith.index_cast %get3A_2164 : i32 to index
      %get3A_2167 = arith.index_cast %get3A_2165 : i32 to index
      %get3A_2168 = arith.index_cast %and3A_2163 : i32 to index
      %get3A_2169 = arith.constant 0 : index
      %get3A_2170 = tpu.vector_load %arg6[%get3A_2166, %get3A_2167, %get3A_2168, %get3A_2169] {strides = array<i32>} : memref<2x20x8x50xf32, #tpu.memory_space<vmem>>, vector<1x1x1x16xf32>,
      %get3A_2171 = vector.shape_cast %get3A_2170 : vector<1x1x1x16xf32> to vector<16xf32>
      %swap3A_2172 = arith.constant 3 : i32
      %swap3A_2173 = arith.constant 3 : i32
      %swap3A_2174 = arith.index_cast %swap3A_2172 : i32 to index
      %swap3A_2175 = arith.index_cast %swap3A_2173 : i32 to index
      %swap3A_2176 = arith.constant 0 : index
      %swap3A_2177 = tpu.vector_load %arg7[%swap3A_2174, %swap3A_2175, %swap3A_2176] {strides = array<i32>} : memref<5x8x50xf32, #tpu.memory_space<vmem>>, vector<1x1x16xf32>,
      %swap3A_2178 = vector.shape_cast %swap3A_2177 : vector<1x1x16xf32> to vector<16xf32>
      %swap3A_2179 = vector.shape_cast %get3A_2171 : vector<16xf32> to vector<1x1x16xf32>
      tpu.vector_store %arg7[%swap3A_2174, %swap3A_2175, %swap3A_2176], %swap3A_2179 {strides = array<i32>} : memref<5x8x50xf32, #tpu.memory_space<vmem>>, vector<1x1x16xf32>,
      %get3A_2180 = arith.constant 0 : i32
      %get3A_2181 = arith.constant 18 : i32
      %get3A_2182 = arith.index_cast %get3A_2180 : i32 to index
      %get3A_2183 = arith.index_cast %get3A_2181 : i32 to index
      %get3A_2184 = arith.index_cast %and3A_2163 : i32 to index
      %get3A_2185 = arith.constant 16 : index
      %get3A_2186 = tpu.vector_load %arg6[%get3A_2182, %get3A_2183, %get3A_2184, %get3A_2185] {strides = array<i32>} : memref<2x20x8x50xf32, #tpu.memory_space<vmem>>, vector<1x1x1x16xf32>,
      %get3A_2187 = vector.shape_cast %get3A_2186 : vector<1x1x1x16xf32> to vector<16xf32>
      %swap3A_2188 = arith.constant 3 : i32
      %swap3A_2189 = arith.constant 3 : i32
      %swap3A_2190 = arith.index_cast %swap3A_2188 : i32 to index
      %swap3A_2191 = arith.index_cast %swap3A_2189 : i32 to index
      %swap3A_2192 = arith.constant 16 : index
      %swap3A_2193 = tpu.vector_load %arg7[%swap3A_2190, %swap3A_2191, %swap3A_2192] {strides = array<i32>} : memref<5x8x50xf32, #tpu.memory_space<vmem>>, vector<1x1x16xf32>,
      %swap3A_2194 = vector.shape_cast %swap3A_2193 : vector<1x1x16xf32> to vector<16xf32>
      %swap3A_2195 = vector.shape_cast %get3A_2187 : vector<16xf32> to vector<1x1x16xf32>
      tpu.vector_store %arg7[%swap3A_2190, %swap3A_2191, %swap3A_2192], %swap3A_2195 {strides = array<i32>} : memref<5x8x50xf32, #tpu.memory_space<vmem>>, vector<1x1x16xf32>,
      %get3A_2196 = arith.constant 0 : i32
      %get3A_2197 = arith.constant 18 : i32
      %get3A_2198 = arith.index_cast %get3A_2196 : i32 to index
      %get3A_2199 = arith.index_cast %get3A_2197 : i32 to index
      %get3A_2200 = arith.index_cast %and3A_2163 : i32 to index
      %get3A_2201 = arith.constant 32 : index
      %get3A_2202 = tpu.vector_load %arg6[%get3A_2198, %get3A_2199, %get3A_2200, %get3A_2201] {strides = array<i32>} : memref<2x20x8x50xf32, #tpu.memory_space<vmem>>, vector<1x1x1x16xf32>,
      %get3A_2203 = vector.shape_cast %get3A_2202 : vector<1x1x1x16xf32> to vector<16xf32>
      %swap3A_2204 = arith.constant 3 : i32
      %swap3A_2205 = arith.constant 3 : i32
      %swap3A_2206 = arith.index_cast %swap3A_2204 : i32 to index
      %swap3A_2207 = arith.index_cast %swap3A_2205 : i32 to index
      %swap3A_2208 = arith.constant 32 : index
      %swap3A_2209 = tpu.vector_load %arg7[%swap3A_2206, %swap3A_2207, %swap3A_2208] {strides = array<i32>} : memref<5x8x50xf32, #tpu.memory_space<vmem>>, vector<1x1x16xf32>,
      %swap3A_2210 = vector.shape_cast %swap3A_2209 : vector<1x1x16xf32> to vector<16xf32>
      %swap3A_2211 = vector.shape_cast %get3A_2203 : vector<16xf32> to vector<1x1x16xf32>
      tpu.vector_store %arg7[%swap3A_2206, %swap3A_2207, %swap3A_2208], %swap3A_2211 {strides = array<i32>} : memref<5x8x50xf32, #tpu.memory_space<vmem>>, vector<1x1x16xf32>,
      %get3A_2212 = arith.constant 0 : i32
      %get3A_2213 = arith.constant 18 : i32
      %get3A_2214 = arith.index_cast %get3A_2212 : i32 to index
      %get3A_2215 = arith.index_cast %get3A_2213 : i32 to index
      %get3A_2216 = arith.index_cast %and3A_2163 : i32 to index
      %get3A_2217 = arith.constant 34 : index
      %get3A_2218 = tpu.vector_load %arg6[%get3A_2214, %get3A_2215, %get3A_2216, %get3A_2217] {strides = array<i32>} : memref<2x20x8x50xf32, #tpu.memory_space<vmem>>, vector<1x1x1x16xf32>,
      %get3A_2219 = vector.shape_cast %get3A_2218 : vector<1x1x1x16xf32> to vector<16xf32>
      %swap3A_2220 = arith.constant 3 : i32
      %swap3A_2221 = arith.constant 3 : i32
      %swap3A_2222 = arith.index_cast %swap3A_2220 : i32 to index
      %swap3A_2223 = arith.index_cast %swap3A_2221 : i32 to index
      %swap3A_2224 = arith.constant 34 : index
      %swap3A_2225 = tpu.vector_load %arg7[%swap3A_2222, %swap3A_2223, %swap3A_2224] {strides = array<i32>} : memref<5x8x50xf32, #tpu.memory_space<vmem>>, vector<1x1x16xf32>,
      %swap3A_2226 = vector.shape_cast %swap3A_2225 : vector<1x1x16xf32> to vector<16xf32>
      %swap3A_2227 = vector.shape_cast %get3A_2219 : vector<16xf32> to vector<1x1x16xf32>
      tpu.vector_store %arg7[%swap3A_2222, %swap3A_2223, %swap3A_2224], %swap3A_2227 {strides = array<i32>} : memref<5x8x50xf32, #tpu.memory_space<vmem>>, vector<1x1x16xf32>,
      %and3A_2228 = arith.constant 7 : i32
      %and3A_2229 = arith.andi %squeeze3A_957, %and3A_2228 : i32
      %get3A_2230 = arith.constant 0 : i32
      %get3A_2231 = arith.constant 19 : i32
      %get3A_2232 = arith.index_cast %get3A_2230 : i32 to index
      %get3A_2233 = arith.index_cast %get3A_2231 : i32 to index
      %get3A_2234 = arith.index_cast %and3A_2229 : i32 to index
      %get3A_2235 = arith.constant 0 : index
      %get3A_2236 = tpu.vector_load %arg6[%get3A_2232, %get3A_2233, %get3A_2234, %get3A_2235] {strides = array<i32>} : memref<2x20x8x50xf32, #tpu.memory_space<vmem>>, vector<1x1x1x16xf32>,
      %get3A_2237 = vector.shape_cast %get3A_2236 : vector<1x1x1x16xf32> to vector<16xf32>
      %swap3A_2238 = arith.constant 4 : i32
      %swap3A_2239 = arith.constant 3 : i32
      %swap3A_2240 = arith.index_cast %swap3A_2238 : i32 to index
      %swap3A_2241 = arith.index_cast %swap3A_2239 : i32 to index
      %swap3A_2242 = arith.constant 0 : index
      %swap3A_2243 = tpu.vector_load %arg7[%swap3A_2240, %swap3A_2241, %swap3A_2242] {strides = array<i32>} : memref<5x8x50xf32, #tpu.memory_space<vmem>>, vector<1x1x16xf32>,
      %swap3A_2244 = vector.shape_cast %swap3A_2243 : vector<1x1x16xf32> to vector<16xf32>
      %swap3A_2245 = vector.shape_cast %get3A_2237 : vector<16xf32> to vector<1x1x16xf32>
      tpu.vector_store %arg7[%swap3A_2240, %swap3A_2241, %swap3A_2242], %swap3A_2245 {strides = array<i32>} : memref<5x8x50xf32, #tpu.memory_space<vmem>>, vector<1x1x16xf32>,
      %get3A_2246 = arith.constant 0 : i32
      %get3A_2247 = arith.constant 19 : i32
      %get3A_2248 = arith.index_cast %get3A_2246 : i32 to index
      %get3A_2249 = arith.index_cast %get3A_2247 : i32 to index
      %get3A_2250 = arith.index_cast %and3A_2229 : i32 to index
      %get3A_2251 = arith.constant 16 : index
      %get3A_2252 = tpu.vector_load %arg6[%get3A_2248, %get3A_2249, %get3A_2250, %get3A_2251] {strides = array<i32>} : memref<2x20x8x50xf32, #tpu.memory_space<vmem>>, vector<1x1x1x16xf32>,
      %get3A_2253 = vector.shape_cast %get3A_2252 : vector<1x1x1x16xf32> to vector<16xf32>
      %swap3A_2254 = arith.constant 4 : i32
      %swap3A_2255 = arith.constant 3 : i32
      %swap3A_2256 = arith.index_cast %swap3A_2254 : i32 to index
      %swap3A_2257 = arith.index_cast %swap3A_2255 : i32 to index
      %swap3A_2258 = arith.constant 16 : index
      %swap3A_2259 = tpu.vector_load %arg7[%swap3A_2256, %swap3A_2257, %swap3A_2258] {strides = array<i32>} : memref<5x8x50xf32, #tpu.memory_space<vmem>>, vector<1x1x16xf32>,
      %swap3A_2260 = vector.shape_cast %swap3A_2259 : vector<1x1x16xf32> to vector<16xf32>
      %swap3A_2261 = vector.shape_cast %get3A_2253 : vector<16xf32> to vector<1x1x16xf32>
      tpu.vector_store %arg7[%swap3A_2256, %swap3A_2257, %swap3A_2258], %swap3A_2261 {strides = array<i32>} : memref<5x8x50xf32, #tpu.memory_space<vmem>>, vector<1x1x16xf32>,
      %get3A_2262 = arith.constant 0 : i32
      %get3A_2263 = arith.constant 19 : i32
      %get3A_2264 = arith.index_cast %get3A_2262 : i32 to index
      %get3A_2265 = arith.index_cast %get3A_2263 : i32 to index
      %get3A_2266 = arith.index_cast %and3A_2229 : i32 to index
      %get3A_2267 = arith.constant 32 : index
      %get3A_2268 = tpu.vector_load %arg6[%get3A_2264, %get3A_2265, %get3A_2266, %get3A_2267] {strides = array<i32>} : memref<2x20x8x50xf32, #tpu.memory_space<vmem>>, vector<1x1x1x16xf32>,
      %get3A_2269 = vector.shape_cast %get3A_2268 : vector<1x1x1x16xf32> to vector<16xf32>
      %swap3A_2270 = arith.constant 4 : i32
      %swap3A_2271 = arith.constant 3 : i32
      %swap3A_2272 = arith.index_cast %swap3A_2270 : i32 to index
      %swap3A_2273 = arith.index_cast %swap3A_2271 : i32 to index
      %swap3A_2274 = arith.constant 32 : index
      %swap3A_2275 = tpu.vector_load %arg7[%swap3A_2272, %swap3A_2273, %swap3A_2274] {strides = array<i32>} : memref<5x8x50xf32, #tpu.memory_space<vmem>>, vector<1x1x16xf32>,
      %swap3A_2276 = vector.shape_cast %swap3A_2275 : vector<1x1x16xf32> to vector<16xf32>
      %swap3A_2277 = vector.shape_cast %get3A_2269 : vector<16xf32> to vector<1x1x16xf32>
      tpu.vector_store %arg7[%swap3A_2272, %swap3A_2273, %swap3A_2274], %swap3A_2277 {strides = array<i32>} : memref<5x8x50xf32, #tpu.memory_space<vmem>>, vector<1x1x16xf32>,
      %get3A_2278 = arith.constant 0 : i32
      %get3A_2279 = arith.constant 19 : i32
      %get3A_2280 = arith.index_cast %get3A_2278 : i32 to index
      %get3A_2281 = arith.index_cast %get3A_2279 : i32 to index
      %get3A_2282 = arith.index_cast %and3A_2229 : i32 to index
      %get3A_2283 = arith.constant 34 : index
      %get3A_2284 = tpu.vector_load %arg6[%get3A_2280, %get3A_2281, %get3A_2282, %get3A_2283] {strides = array<i32>} : memref<2x20x8x50xf32, #tpu.memory_space<vmem>>, vector<1x1x1x16xf32>,
      %get3A_2285 = vector.shape_cast %get3A_2284 : vector<1x1x1x16xf32> to vector<16xf32>
      %swap3A_2286 = arith.constant 4 : i32
      %swap3A_2287 = arith.constant 3 : i32
      %swap3A_2288 = arith.index_cast %swap3A_2286 : i32 to index
      %swap3A_2289 = arith.index_cast %swap3A_2287 : i32 to index
      %swap3A_2290 = arith.constant 34 : index
      %swap3A_2291 = tpu.vector_load %arg7[%swap3A_2288, %swap3A_2289, %swap3A_2290] {strides = array<i32>} : memref<5x8x50xf32, #tpu.memory_space<vmem>>, vector<1x1x16xf32>,
      %swap3A_2292 = vector.shape_cast %swap3A_2291 : vector<1x1x16xf32> to vector<16xf32>
      %swap3A_2293 = vector.shape_cast %get3A_2285 : vector<16xf32> to vector<1x1x16xf32>
      tpu.vector_store %arg7[%swap3A_2288, %swap3A_2289, %swap3A_2290], %swap3A_2293 {strides = array<i32>} : memref<5x8x50xf32, #tpu.memory_space<vmem>>, vector<1x1x16xf32>,
      %lt3A = arith.constant 63 : i32
      %lt3A_2294 = arith.cmpi slt, %scan3A_455, %lt3A : i32
      %convert_element_type3A = arith.extui %lt3A_2294 : i1 to i32
      %cond3A = arith.constant 0 : i32
      %cond3A_2295 = arith.cmpi ne, %convert_element_type3A, %cond3A : i32
      scf.if %cond3A_2295 {
        %mul3A_3648 = arith.constant 2 : i32
        %mul3A_3649 = arith.muli %mul3A_3648, %scan3A_455 : i32
        %add3A_3650 = arith.constant 2 : i32
        %add3A_3651 = arith.addi %mul3A_3649, %add3A_3650 : i32
        %get3A_3652 = arith.index_cast %add3A_3651 : i32 to index
        %get3A_3653 = arith.constant 0 : index
        %get3A_3654 = tpu.vector_load %arg5[%get3A_3652, %get3A_3653] {strides = array<i32>} : memref<128x20xi32, #tpu.memory_space<vmem>>, vector<1x16xi32>,
        %get3A_3655 = vector.shape_cast %get3A_3654 : vector<1x16xi32> to vector<16xi32>
        %get3A_3656 = arith.index_cast %add3A_3651 : i32 to index
        %get3A_3657 = arith.constant 4 : index
        %get3A_3658 = tpu.vector_load %arg5[%get3A_3656, %get3A_3657] {strides = array<i32>} : memref<128x20xi32, #tpu.memory_space<vmem>>, vector<1x16xi32>,
        %get3A_3659 = vector.shape_cast %get3A_3658 : vector<1x16xi32> to vector<16xi32>
        %slice3A_3660 = vector.extract_strided_slice %get3A_3655 {offsets = [0], sizes = [1], strides = [1]} : vector<16xi32> to vector<1xi32>
        %squeeze3A_3661 = vector.extract %slice3A_3660[0] : i32 from vector<1xi32>
        %slice3A_3662 = vector.extract_strided_slice %get3A_3655 {offsets = [1], sizes = [1], strides = [1]} : vector<16xi32> to vector<1xi32>
        %squeeze3A_3663 = vector.extract %slice3A_3662[0] : i32 from vector<1xi32>
        %slice3A_3664 = vector.extract_strided_slice %get3A_3655 {offsets = [2], sizes = [1], strides = [1]} : vector<16xi32> to vector<1xi32>
        %squeeze3A_3665 = vector.extract %slice3A_3664[0] : i32 from vector<1xi32>
        %slice3A_3666 = vector.extract_strided_slice %get3A_3655 {offsets = [3], sizes = [1], strides = [1]} : vector<16xi32> to vector<1xi32>
        %squeeze3A_3667 = vector.extract %slice3A_3666[0] : i32 from vector<1xi32>
        %slice3A_3668 = vector.extract_strided_slice %get3A_3655 {offsets = [4], sizes = [1], strides = [1]} : vector<16xi32> to vector<1xi32>
        %squeeze3A_3669 = vector.extract %slice3A_3668[0] : i32 from vector<1xi32>
        %slice3A_3670 = vector.extract_strided_slice %get3A_3655 {offsets = [5], sizes = [1], strides = [1]} : vector<16xi32> to vector<1xi32>
        %squeeze3A_3671 = vector.extract %slice3A_3670[0] : i32 from vector<1xi32>
        %slice3A_3672 = vector.extract_strided_slice %get3A_3655 {offsets = [6], sizes = [1], strides = [1]} : vector<16xi32> to vector<1xi32>
        %squeeze3A_3673 = vector.extract %slice3A_3672[0] : i32 from vector<1xi32>
        %slice3A_3674 = vector.extract_strided_slice %get3A_3655 {offsets = [7], sizes = [1], strides = [1]} : vector<16xi32> to vector<1xi32>
        %squeeze3A_3675 = vector.extract %slice3A_3674[0] : i32 from vector<1xi32>
        %slice3A_3676 = vector.extract_strided_slice %get3A_3655 {offsets = [8], sizes = [1], strides = [1]} : vector<16xi32> to vector<1xi32>
        %squeeze3A_3677 = vector.extract %slice3A_3676[0] : i32 from vector<1xi32>
        %slice3A_3678 = vector.extract_strided_slice %get3A_3655 {offsets = [9], sizes = [1], strides = [1]} : vector<16xi32> to vector<1xi32>
        %squeeze3A_3679 = vector.extract %slice3A_3678[0] : i32 from vector<1xi32>
        %slice3A_3680 = vector.extract_strided_slice %get3A_3655 {offsets = [10], sizes = [1], strides = [1]} : vector<16xi32> to vector<1xi32>
        %squeeze3A_3681 = vector.extract %slice3A_3680[0] : i32 from vector<1xi32>
        %slice3A_3682 = vector.extract_strided_slice %get3A_3655 {offsets = [11], sizes = [1], strides = [1]} : vector<16xi32> to vector<1xi32>
        %squeeze3A_3683 = vector.extract %slice3A_3682[0] : i32 from vector<1xi32>
        %slice3A_3684 = vector.extract_strided_slice %get3A_3655 {offsets = [12], sizes = [1], strides = [1]} : vector<16xi32> to vector<1xi32>
        %squeeze3A_3685 = vector.extract %slice3A_3684[0] : i32 from vector<1xi32>
        %slice3A_3686 = vector.extract_strided_slice %get3A_3655 {offsets = [13], sizes = [1], strides = [1]} : vector<16xi32> to vector<1xi32>
        %squeeze3A_3687 = vector.extract %slice3A_3686[0] : i32 from vector<1xi32>
        %slice3A_3688 = vector.extract_strided_slice %get3A_3655 {offsets = [14], sizes = [1], strides = [1]} : vector<16xi32> to vector<1xi32>
        %squeeze3A_3689 = vector.extract %slice3A_3688[0] : i32 from vector<1xi32>
        %slice3A_3690 = vector.extract_strided_slice %get3A_3655 {offsets = [15], sizes = [1], strides = [1]} : vector<16xi32> to vector<1xi32>
        %squeeze3A_3691 = vector.extract %slice3A_3690[0] : i32 from vector<1xi32>
        %slice3A_3692 = vector.extract_strided_slice %get3A_3659 {offsets = [12], sizes = [1], strides = [1]} : vector<16xi32> to vector<1xi32>
        %squeeze3A_3693 = vector.extract %slice3A_3692[0] : i32 from vector<1xi32>
        %slice3A_3694 = vector.extract_strided_slice %get3A_3659 {offsets = [13], sizes = [1], strides = [1]} : vector<16xi32> to vector<1xi32>
        %squeeze3A_3695 = vector.extract %slice3A_3694[0] : i32 from vector<1xi32>
        %slice3A_3696 = vector.extract_strided_slice %get3A_3659 {offsets = [14], sizes = [1], strides = [1]} : vector<16xi32> to vector<1xi32>
        %squeeze3A_3697 = vector.extract %slice3A_3696[0] : i32 from vector<1xi32>
        %slice3A_3698 = vector.extract_strided_slice %get3A_3659 {offsets = [15], sizes = [1], strides = [1]} : vector<16xi32> to vector<1xi32>
        %squeeze3A_3699 = vector.extract %slice3A_3698[0] : i32 from vector<1xi32>
        %shift_right_logical3A_3700 = arith.constant 3 : i32
        %shift_right_logical3A_3701 = arith.shrui %squeeze3A_3661, %shift_right_logical3A_3700 : i32
        %dma_start3A_3702 = arith.constant 0 : i32
        %dma_start3A_3703 = arith.constant 0 : i32
        %dma_start3A_3704 = arith.constant 0 : i32
        %dma_start3A_3705 = arith.constant 0 : i32
        %dma_start3A_3706 = tpu.memref_slice %arg6[%dma_start3A_3702, %dma_start3A_3703, %dma_start3A_3704, %dma_start3A_3705] : memref<2x20x8x50xf32, #tpu.memory_space<vmem>> -> memref<1x1x8x50xf32, #tpu.memory_space<vmem>>
        %dma_start3A_3707 = tpu.memref_squeeze %dma_start3A_3706 : memref<1x1x8x50xf32, #tpu.memory_space<vmem>> -> memref<8x50xf32, #tpu.memory_space<vmem>>
        %dma_start3A_3708 = arith.constant 0 : i32
        %dma_start3A_3709 = arith.constant 0 : i32
        %dma_start3A_3710 = tpu.memref_slice %arg3[%shift_right_logical3A_3701, %dma_start3A_3708, %dma_start3A_3709] : memref<125000x8x50xf32, #tpu.memory_space<hbm>> -> memref<1x8x50xf32, #tpu.memory_space<hbm>>
        %dma_start3A_3711 = tpu.memref_squeeze %dma_start3A_3710 : memref<1x8x50xf32, #tpu.memory_space<hbm>> -> memref<8x50xf32, #tpu.memory_space<hbm>>
        %dma_start3A_3712 = arith.constant 0 : i32
        %dma_start3A_3713 = arith.constant 0 : i32
        %dma_start3A_3714 = tpu.memref_slice %arg6[%dma_start3A_3702, %dma_start3A_3703, %dma_start3A_3712, %dma_start3A_3713] : memref<2x20x8x50xf32, #tpu.memory_space<vmem>> -> memref<1x1x8x50xf32, #tpu.memory_space<vmem>>
        %dma_start3A_3715 = tpu.memref_squeeze %dma_start3A_3714 : memref<1x1x8x50xf32, #tpu.memory_space<vmem>> -> memref<8x50xf32, #tpu.memory_space<vmem>>
        %dma_start3A_3716 = arith.constant 0 : i32
        %dma_start3A_3717 = arith.constant 0 : i32
        %dma_start3A_3718 = tpu.memref_slice %arg3[%shift_right_logical3A_3701, %dma_start3A_3716, %dma_start3A_3717] : memref<125000x8x50xf32, #tpu.memory_space<hbm>> -> memref<1x8x50xf32, #tpu.memory_space<hbm>>
        %dma_start3A_3719 = tpu.memref_squeeze %dma_start3A_3718 : memref<1x8x50xf32, #tpu.memory_space<hbm>> -> memref<8x50xf32, #tpu.memory_space<hbm>>
        tpu.enqueue_dma source(%dma_start3A_3719 : memref<8x50xf32, #tpu.memory_space<hbm>>) target(%dma_start3A_3715 : memref<8x50xf32, #tpu.memory_space<vmem>>) target_semaphore(%arg8 : memref<!tpu.dma_semaphore, #tpu.memory_space<semaphore_mem>>)
        %shift_right_logical3A_3720 = arith.constant 3 : i32
        %shift_right_logical3A_3721 = arith.shrui %squeeze3A_3663, %shift_right_logical3A_3720 : i32
        %dma_start3A_3722 = arith.constant 0 : i32
        %dma_start3A_3723 = arith.constant 1 : i32
        %dma_start3A_3724 = arith.constant 0 : i32
        %dma_start3A_3725 = arith.constant 0 : i32
        %dma_start3A_3726 = tpu.memref_slice %arg6[%dma_start3A_3722, %dma_start3A_3723, %dma_start3A_3724, %dma_start3A_3725] : memref<2x20x8x50xf32, #tpu.memory_space<vmem>> -> memref<1x1x8x50xf32, #tpu.memory_space<vmem>>
        %dma_start3A_3727 = tpu.memref_squeeze %dma_start3A_3726 : memref<1x1x8x50xf32, #tpu.memory_space<vmem>> -> memref<8x50xf32, #tpu.memory_space<vmem>>
        %dma_start3A_3728 = arith.constant 0 : i32
        %dma_start3A_3729 = arith.constant 0 : i32
        %dma_start3A_3730 = tpu.memref_slice %arg3[%shift_right_logical3A_3721, %dma_start3A_3728, %dma_start3A_3729] : memref<125000x8x50xf32, #tpu.memory_space<hbm>> -> memref<1x8x50xf32, #tpu.memory_space<hbm>>
        %dma_start3A_3731 = tpu.memref_squeeze %dma_start3A_3730 : memref<1x8x50xf32, #tpu.memory_space<hbm>> -> memref<8x50xf32, #tpu.memory_space<hbm>>
        %dma_start3A_3732 = arith.constant 0 : i32
        %dma_start3A_3733 = arith.constant 0 : i32
        %dma_start3A_3734 = tpu.memref_slice %arg6[%dma_start3A_3722, %dma_start3A_3723, %dma_start3A_3732, %dma_start3A_3733] : memref<2x20x8x50xf32, #tpu.memory_space<vmem>> -> memref<1x1x8x50xf32, #tpu.memory_space<vmem>>
        %dma_start3A_3735 = tpu.memref_squeeze %dma_start3A_3734 : memref<1x1x8x50xf32, #tpu.memory_space<vmem>> -> memref<8x50xf32, #tpu.memory_space<vmem>>
        %dma_start3A_3736 = arith.constant 0 : i32
        %dma_start3A_3737 = arith.constant 0 : i32
        %dma_start3A_3738 = tpu.memref_slice %arg3[%shift_right_logical3A_3721, %dma_start3A_3736, %dma_start3A_3737] : memref<125000x8x50xf32, #tpu.memory_space<hbm>> -> memref<1x8x50xf32, #tpu.memory_space<hbm>>
        %dma_start3A_3739 = tpu.memref_squeeze %dma_start3A_3738 : memref<1x8x50xf32, #tpu.memory_space<hbm>> -> memref<8x50xf32, #tpu.memory_space<hbm>>
        tpu.enqueue_dma source(%dma_start3A_3739 : memref<8x50xf32, #tpu.memory_space<hbm>>) target(%dma_start3A_3735 : memref<8x50xf32, #tpu.memory_space<vmem>>) target_semaphore(%arg8 : memref<!tpu.dma_semaphore, #tpu.memory_space<semaphore_mem>>)
        %shift_right_logical3A_3740 = arith.constant 3 : i32
        %shift_right_logical3A_3741 = arith.shrui %squeeze3A_3665, %shift_right_logical3A_3740 : i32
        %dma_start3A_3742 = arith.constant 0 : i32
        %dma_start3A_3743 = arith.constant 2 : i32
        %dma_start3A_3744 = arith.constant 0 : i32
        %dma_start3A_3745 = arith.constant 0 : i32
        %dma_start3A_3746 = tpu.memref_slice %arg6[%dma_start3A_3742, %dma_start3A_3743, %dma_start3A_3744, %dma_start3A_3745] : memref<2x20x8x50xf32, #tpu.memory_space<vmem>> -> memref<1x1x8x50xf32, #tpu.memory_space<vmem>>
        %dma_start3A_3747 = tpu.memref_squeeze %dma_start3A_3746 : memref<1x1x8x50xf32, #tpu.memory_space<vmem>> -> memref<8x50xf32, #tpu.memory_space<vmem>>
        %dma_start3A_3748 = arith.constant 0 : i32
        %dma_start3A_3749 = arith.constant 0 : i32
        %dma_start3A_3750 = tpu.memref_slice %arg3[%shift_right_logical3A_3741, %dma_start3A_3748, %dma_start3A_3749] : memref<125000x8x50xf32, #tpu.memory_space<hbm>> -> memref<1x8x50xf32, #tpu.memory_space<hbm>>
        %dma_start3A_3751 = tpu.memref_squeeze %dma_start3A_3750 : memref<1x8x50xf32, #tpu.memory_space<hbm>> -> memref<8x50xf32, #tpu.memory_space<hbm>>
        %dma_start3A_3752 = arith.constant 0 : i32
        %dma_start3A_3753 = arith.constant 0 : i32
        %dma_start3A_3754 = tpu.memref_slice %arg6[%dma_start3A_3742, %dma_start3A_3743, %dma_start3A_3752, %dma_start3A_3753] : memref<2x20x8x50xf32, #tpu.memory_space<vmem>> -> memref<1x1x8x50xf32, #tpu.memory_space<vmem>>
        %dma_start3A_3755 = tpu.memref_squeeze %dma_start3A_3754 : memref<1x1x8x50xf32, #tpu.memory_space<vmem>> -> memref<8x50xf32, #tpu.memory_space<vmem>>
        %dma_start3A_3756 = arith.constant 0 : i32
        %dma_start3A_3757 = arith.constant 0 : i32
        %dma_start3A_3758 = tpu.memref_slice %arg3[%shift_right_logical3A_3741, %dma_start3A_3756, %dma_start3A_3757] : memref<125000x8x50xf32, #tpu.memory_space<hbm>> -> memref<1x8x50xf32, #tpu.memory_space<hbm>>
        %dma_start3A_3759 = tpu.memref_squeeze %dma_start3A_3758 : memref<1x8x50xf32, #tpu.memory_space<hbm>> -> memref<8x50xf32, #tpu.memory_space<hbm>>
        tpu.enqueue_dma source(%dma_start3A_3759 : memref<8x50xf32, #tpu.memory_space<hbm>>) target(%dma_start3A_3755 : memref<8x50xf32, #tpu.memory_space<vmem>>) target_semaphore(%arg8 : memref<!tpu.dma_semaphore, #tpu.memory_space<semaphore_mem>>)
        %shift_right_logical3A_3760 = arith.constant 3 : i32
        %shift_right_logical3A_3761 = arith.shrui %squeeze3A_3667, %shift_right_logical3A_3760 : i32
        %dma_start3A_3762 = arith.constant 0 : i32
        %dma_start3A_3763 = arith.constant 3 : i32
        %dma_start3A_3764 = arith.constant 0 : i32
        %dma_start3A_3765 = arith.constant 0 : i32
        %dma_start3A_3766 = tpu.memref_slice %arg6[%dma_start3A_3762, %dma_start3A_3763, %dma_start3A_3764, %dma_start3A_3765] : memref<2x20x8x50xf32, #tpu.memory_space<vmem>> -> memref<1x1x8x50xf32, #tpu.memory_space<vmem>>
        %dma_start3A_3767 = tpu.memref_squeeze %dma_start3A_3766 : memref<1x1x8x50xf32, #tpu.memory_space<vmem>> -> memref<8x50xf32, #tpu.memory_space<vmem>>
        %dma_start3A_3768 = arith.constant 0 : i32
        %dma_start3A_3769 = arith.constant 0 : i32
        %dma_start3A_3770 = tpu.memref_slice %arg3[%shift_right_logical3A_3761, %dma_start3A_3768, %dma_start3A_3769] : memref<125000x8x50xf32, #tpu.memory_space<hbm>> -> memref<1x8x50xf32, #tpu.memory_space<hbm>>
        %dma_start3A_3771 = tpu.memref_squeeze %dma_start3A_3770 : memref<1x8x50xf32, #tpu.memory_space<hbm>> -> memref<8x50xf32, #tpu.memory_space<hbm>>
        %dma_start3A_3772 = arith.constant 0 : i32
        %dma_start3A_3773 = arith.constant 0 : i32
        %dma_start3A_3774 = tpu.memref_slice %arg6[%dma_start3A_3762, %dma_start3A_3763, %dma_start3A_3772, %dma_start3A_3773] : memref<2x20x8x50xf32, #tpu.memory_space<vmem>> -> memref<1x1x8x50xf32, #tpu.memory_space<vmem>>
        %dma_start3A_3775 = tpu.memref_squeeze %dma_start3A_3774 : memref<1x1x8x50xf32, #tpu.memory_space<vmem>> -> memref<8x50xf32, #tpu.memory_space<vmem>>
        %dma_start3A_3776 = arith.constant 0 : i32
        %dma_start3A_3777 = arith.constant 0 : i32
        %dma_start3A_3778 = tpu.memref_slice %arg3[%shift_right_logical3A_3761, %dma_start3A_3776, %dma_start3A_3777] : memref<125000x8x50xf32, #tpu.memory_space<hbm>> -> memref<1x8x50xf32, #tpu.memory_space<hbm>>
        %dma_start3A_3779 = tpu.memref_squeeze %dma_start3A_3778 : memref<1x8x50xf32, #tpu.memory_space<hbm>> -> memref<8x50xf32, #tpu.memory_space<hbm>>
        tpu.enqueue_dma source(%dma_start3A_3779 : memref<8x50xf32, #tpu.memory_space<hbm>>) target(%dma_start3A_3775 : memref<8x50xf32, #tpu.memory_space<vmem>>) target_semaphore(%arg8 : memref<!tpu.dma_semaphore, #tpu.memory_space<semaphore_mem>>)
        %shift_right_logical3A_3780 = arith.constant 3 : i32
        %shift_right_logical3A_3781 = arith.shrui %squeeze3A_3669, %shift_right_logical3A_3780 : i32
        %dma_start3A_3782 = arith.constant 0 : i32
        %dma_start3A_3783 = arith.constant 4 : i32
        %dma_start3A_3784 = arith.constant 0 : i32
        %dma_start3A_3785 = arith.constant 0 : i32
        %dma_start3A_3786 = tpu.memref_slice %arg6[%dma_start3A_3782, %dma_start3A_3783, %dma_start3A_3784, %dma_start3A_3785] : memref<2x20x8x50xf32, #tpu.memory_space<vmem>> -> memref<1x1x8x50xf32, #tpu.memory_space<vmem>>
        %dma_start3A_3787 = tpu.memref_squeeze %dma_start3A_3786 : memref<1x1x8x50xf32, #tpu.memory_space<vmem>> -> memref<8x50xf32, #tpu.memory_space<vmem>>
        %dma_start3A_3788 = arith.constant 0 : i32
        %dma_start3A_3789 = arith.constant 0 : i32
        %dma_start3A_3790 = tpu.memref_slice %arg3[%shift_right_logical3A_3781, %dma_start3A_3788, %dma_start3A_3789] : memref<125000x8x50xf32, #tpu.memory_space<hbm>> -> memref<1x8x50xf32, #tpu.memory_space<hbm>>
        %dma_start3A_3791 = tpu.memref_squeeze %dma_start3A_3790 : memref<1x8x50xf32, #tpu.memory_space<hbm>> -> memref<8x50xf32, #tpu.memory_space<hbm>>
        %dma_start3A_3792 = arith.constant 0 : i32
        %dma_start3A_3793 = arith.constant 0 : i32
        %dma_start3A_3794 = tpu.memref_slice %arg6[%dma_start3A_3782, %dma_start3A_3783, %dma_start3A_3792, %dma_start3A_3793] : memref<2x20x8x50xf32, #tpu.memory_space<vmem>> -> memref<1x1x8x50xf32, #tpu.memory_space<vmem>>
        %dma_start3A_3795 = tpu.memref_squeeze %dma_start3A_3794 : memref<1x1x8x50xf32, #tpu.memory_space<vmem>> -> memref<8x50xf32, #tpu.memory_space<vmem>>
        %dma_start3A_3796 = arith.constant 0 : i32
        %dma_start3A_3797 = arith.constant 0 : i32
        %dma_start3A_3798 = tpu.memref_slice %arg3[%shift_right_logical3A_3781, %dma_start3A_3796, %dma_start3A_3797] : memref<125000x8x50xf32, #tpu.memory_space<hbm>> -> memref<1x8x50xf32, #tpu.memory_space<hbm>>
        %dma_start3A_3799 = tpu.memref_squeeze %dma_start3A_3798 : memref<1x8x50xf32, #tpu.memory_space<hbm>> -> memref<8x50xf32, #tpu.memory_space<hbm>>
        tpu.enqueue_dma source(%dma_start3A_3799 : memref<8x50xf32, #tpu.memory_space<hbm>>) target(%dma_start3A_3795 : memref<8x50xf32, #tpu.memory_space<vmem>>) target_semaphore(%arg8 : memref<!tpu.dma_semaphore, #tpu.memory_space<semaphore_mem>>)
        %shift_right_logical3A_3800 = arith.constant 3 : i32
        %shift_right_logical3A_3801 = arith.shrui %squeeze3A_3671, %shift_right_logical3A_3800 : i32
        %dma_start3A_3802 = arith.constant 0 : i32
        %dma_start3A_3803 = arith.constant 5 : i32
        %dma_start3A_3804 = arith.constant 0 : i32
        %dma_start3A_3805 = arith.constant 0 : i32
        %dma_start3A_3806 = tpu.memref_slice %arg6[%dma_start3A_3802, %dma_start3A_3803, %dma_start3A_3804, %dma_start3A_3805] : memref<2x20x8x50xf32, #tpu.memory_space<vmem>> -> memref<1x1x8x50xf32, #tpu.memory_space<vmem>>
        %dma_start3A_3807 = tpu.memref_squeeze %dma_start3A_3806 : memref<1x1x8x50xf32, #tpu.memory_space<vmem>> -> memref<8x50xf32, #tpu.memory_space<vmem>>
        %dma_start3A_3808 = arith.constant 0 : i32
        %dma_start3A_3809 = arith.constant 0 : i32
        %dma_start3A_3810 = tpu.memref_slice %arg3[%shift_right_logical3A_3801, %dma_start3A_3808, %dma_start3A_3809] : memref<125000x8x50xf32, #tpu.memory_space<hbm>> -> memref<1x8x50xf32, #tpu.memory_space<hbm>>
        %dma_start3A_3811 = tpu.memref_squeeze %dma_start3A_3810 : memref<1x8x50xf32, #tpu.memory_space<hbm>> -> memref<8x50xf32, #tpu.memory_space<hbm>>
        %dma_start3A_3812 = arith.constant 0 : i32
        %dma_start3A_3813 = arith.constant 0 : i32
        %dma_start3A_3814 = tpu.memref_slice %arg6[%dma_start3A_3802, %dma_start3A_3803, %dma_start3A_3812, %dma_start3A_3813] : memref<2x20x8x50xf32, #tpu.memory_space<vmem>> -> memref<1x1x8x50xf32, #tpu.memory_space<vmem>>
        %dma_start3A_3815 = tpu.memref_squeeze %dma_start3A_3814 : memref<1x1x8x50xf32, #tpu.memory_space<vmem>> -> memref<8x50xf32, #tpu.memory_space<vmem>>
        %dma_start3A_3816 = arith.constant 0 : i32
        %dma_start3A_3817 = arith.constant 0 : i32
        %dma_start3A_3818 = tpu.memref_slice %arg3[%shift_right_logical3A_3801, %dma_start3A_3816, %dma_start3A_3817] : memref<125000x8x50xf32, #tpu.memory_space<hbm>> -> memref<1x8x50xf32, #tpu.memory_space<hbm>>
        %dma_start3A_3819 = tpu.memref_squeeze %dma_start3A_3818 : memref<1x8x50xf32, #tpu.memory_space<hbm>> -> memref<8x50xf32, #tpu.memory_space<hbm>>
        tpu.enqueue_dma source(%dma_start3A_3819 : memref<8x50xf32, #tpu.memory_space<hbm>>) target(%dma_start3A_3815 : memref<8x50xf32, #tpu.memory_space<vmem>>) target_semaphore(%arg8 : memref<!tpu.dma_semaphore, #tpu.memory_space<semaphore_mem>>)
        %shift_right_logical3A_3820 = arith.constant 3 : i32
        %shift_right_logical3A_3821 = arith.shrui %squeeze3A_3673, %shift_right_logical3A_3820 : i32
        %dma_start3A_3822 = arith.constant 0 : i32
        %dma_start3A_3823 = arith.constant 6 : i32
        %dma_start3A_3824 = arith.constant 0 : i32
        %dma_start3A_3825 = arith.constant 0 : i32
        %dma_start3A_3826 = tpu.memref_slice %arg6[%dma_start3A_3822, %dma_start3A_3823, %dma_start3A_3824, %dma_start3A_3825] : memref<2x20x8x50xf32, #tpu.memory_space<vmem>> -> memref<1x1x8x50xf32, #tpu.memory_space<vmem>>
        %dma_start3A_3827 = tpu.memref_squeeze %dma_start3A_3826 : memref<1x1x8x50xf32, #tpu.memory_space<vmem>> -> memref<8x50xf32, #tpu.memory_space<vmem>>
        %dma_start3A_3828 = arith.constant 0 : i32
        %dma_start3A_3829 = arith.constant 0 : i32
        %dma_start3A_3830 = tpu.memref_slice %arg3[%shift_right_logical3A_3821, %dma_start3A_3828, %dma_start3A_3829] : memref<125000x8x50xf32, #tpu.memory_space<hbm>> -> memref<1x8x50xf32, #tpu.memory_space<hbm>>
        %dma_start3A_3831 = tpu.memref_squeeze %dma_start3A_3830 : memref<1x8x50xf32, #tpu.memory_space<hbm>> -> memref<8x50xf32, #tpu.memory_space<hbm>>
        %dma_start3A_3832 = arith.constant 0 : i32
        %dma_start3A_3833 = arith.constant 0 : i32
        %dma_start3A_3834 = tpu.memref_slice %arg6[%dma_start3A_3822, %dma_start3A_3823, %dma_start3A_3832, %dma_start3A_3833] : memref<2x20x8x50xf32, #tpu.memory_space<vmem>> -> memref<1x1x8x50xf32, #tpu.memory_space<vmem>>
        %dma_start3A_3835 = tpu.memref_squeeze %dma_start3A_3834 : memref<1x1x8x50xf32, #tpu.memory_space<vmem>> -> memref<8x50xf32, #tpu.memory_space<vmem>>
        %dma_start3A_3836 = arith.constant 0 : i32
        %dma_start3A_3837 = arith.constant 0 : i32
        %dma_start3A_3838 = tpu.memref_slice %arg3[%shift_right_logical3A_3821, %dma_start3A_3836, %dma_start3A_3837] : memref<125000x8x50xf32, #tpu.memory_space<hbm>> -> memref<1x8x50xf32, #tpu.memory_space<hbm>>
        %dma_start3A_3839 = tpu.memref_squeeze %dma_start3A_3838 : memref<1x8x50xf32, #tpu.memory_space<hbm>> -> memref<8x50xf32, #tpu.memory_space<hbm>>
        tpu.enqueue_dma source(%dma_start3A_3839 : memref<8x50xf32, #tpu.memory_space<hbm>>) target(%dma_start3A_3835 : memref<8x50xf32, #tpu.memory_space<vmem>>) target_semaphore(%arg8 : memref<!tpu.dma_semaphore, #tpu.memory_space<semaphore_mem>>)
        %shift_right_logical3A_3840 = arith.constant 3 : i32
        %shift_right_logical3A_3841 = arith.shrui %squeeze3A_3675, %shift_right_logical3A_3840 : i32
        %dma_start3A_3842 = arith.constant 0 : i32
        %dma_start3A_3843 = arith.constant 7 : i32
        %dma_start3A_3844 = arith.constant 0 : i32
        %dma_start3A_3845 = arith.constant 0 : i32
        %dma_start3A_3846 = tpu.memref_slice %arg6[%dma_start3A_3842, %dma_start3A_3843, %dma_start3A_3844, %dma_start3A_3845] : memref<2x20x8x50xf32, #tpu.memory_space<vmem>> -> memref<1x1x8x50xf32, #tpu.memory_space<vmem>>
        %dma_start3A_3847 = tpu.memref_squeeze %dma_start3A_3846 : memref<1x1x8x50xf32, #tpu.memory_space<vmem>> -> memref<8x50xf32, #tpu.memory_space<vmem>>
        %dma_start3A_3848 = arith.constant 0 : i32
        %dma_start3A_3849 = arith.constant 0 : i32
        %dma_start3A_3850 = tpu.memref_slice %arg3[%shift_right_logical3A_3841, %dma_start3A_3848, %dma_start3A_3849] : memref<125000x8x50xf32, #tpu.memory_space<hbm>> -> memref<1x8x50xf32, #tpu.memory_space<hbm>>
        %dma_start3A_3851 = tpu.memref_squeeze %dma_start3A_3850 : memref<1x8x50xf32, #tpu.memory_space<hbm>> -> memref<8x50xf32, #tpu.memory_space<hbm>>
        %dma_start3A_3852 = arith.constant 0 : i32
        %dma_start3A_3853 = arith.constant 0 : i32
        %dma_start3A_3854 = tpu.memref_slice %arg6[%dma_start3A_3842, %dma_start3A_3843, %dma_start3A_3852, %dma_start3A_3853] : memref<2x20x8x50xf32, #tpu.memory_space<vmem>> -> memref<1x1x8x50xf32, #tpu.memory_space<vmem>>
        %dma_start3A_3855 = tpu.memref_squeeze %dma_start3A_3854 : memref<1x1x8x50xf32, #tpu.memory_space<vmem>> -> memref<8x50xf32, #tpu.memory_space<vmem>>
        %dma_start3A_3856 = arith.constant 0 : i32
        %dma_start3A_3857 = arith.constant 0 : i32
        %dma_start3A_3858 = tpu.memref_slice %arg3[%shift_right_logical3A_3841, %dma_start3A_3856, %dma_start3A_3857] : memref<125000x8x50xf32, #tpu.memory_space<hbm>> -> memref<1x8x50xf32, #tpu.memory_space<hbm>>
        %dma_start3A_3859 = tpu.memref_squeeze %dma_start3A_3858 : memref<1x8x50xf32, #tpu.memory_space<hbm>> -> memref<8x50xf32, #tpu.memory_space<hbm>>
        tpu.enqueue_dma source(%dma_start3A_3859 : memref<8x50xf32, #tpu.memory_space<hbm>>) target(%dma_start3A_3855 : memref<8x50xf32, #tpu.memory_space<vmem>>) target_semaphore(%arg8 : memref<!tpu.dma_semaphore, #tpu.memory_space<semaphore_mem>>)
        %shift_right_logical3A_3860 = arith.constant 3 : i32
        %shift_right_logical3A_3861 = arith.shrui %squeeze3A_3677, %shift_right_logical3A_3860 : i32
        %dma_start3A_3862 = arith.constant 0 : i32
        %dma_start3A_3863 = arith.constant 8 : i32
        %dma_start3A_3864 = arith.constant 0 : i32
        %dma_start3A_3865 = arith.constant 0 : i32
        %dma_start3A_3866 = tpu.memref_slice %arg6[%dma_start3A_3862, %dma_start3A_3863, %dma_start3A_3864, %dma_start3A_3865] : memref<2x20x8x50xf32, #tpu.memory_space<vmem>> -> memref<1x1x8x50xf32, #tpu.memory_space<vmem>>
        %dma_start3A_3867 = tpu.memref_squeeze %dma_start3A_3866 : memref<1x1x8x50xf32, #tpu.memory_space<vmem>> -> memref<8x50xf32, #tpu.memory_space<vmem>>
        %dma_start3A_3868 = arith.constant 0 : i32
        %dma_start3A_3869 = arith.constant 0 : i32
        %dma_start3A_3870 = tpu.memref_slice %arg3[%shift_right_logical3A_3861, %dma_start3A_3868, %dma_start3A_3869] : memref<125000x8x50xf32, #tpu.memory_space<hbm>> -> memref<1x8x50xf32, #tpu.memory_space<hbm>>
        %dma_start3A_3871 = tpu.memref_squeeze %dma_start3A_3870 : memref<1x8x50xf32, #tpu.memory_space<hbm>> -> memref<8x50xf32, #tpu.memory_space<hbm>>
        %dma_start3A_3872 = arith.constant 0 : i32
        %dma_start3A_3873 = arith.constant 0 : i32
        %dma_start3A_3874 = tpu.memref_slice %arg6[%dma_start3A_3862, %dma_start3A_3863, %dma_start3A_3872, %dma_start3A_3873] : memref<2x20x8x50xf32, #tpu.memory_space<vmem>> -> memref<1x1x8x50xf32, #tpu.memory_space<vmem>>
        %dma_start3A_3875 = tpu.memref_squeeze %dma_start3A_3874 : memref<1x1x8x50xf32, #tpu.memory_space<vmem>> -> memref<8x50xf32, #tpu.memory_space<vmem>>
        %dma_start3A_3876 = arith.constant 0 : i32
        %dma_start3A_3877 = arith.constant 0 : i32
        %dma_start3A_3878 = tpu.memref_slice %arg3[%shift_right_logical3A_3861, %dma_start3A_3876, %dma_start3A_3877] : memref<125000x8x50xf32, #tpu.memory_space<hbm>> -> memref<1x8x50xf32, #tpu.memory_space<hbm>>
        %dma_start3A_3879 = tpu.memref_squeeze %dma_start3A_3878 : memref<1x8x50xf32, #tpu.memory_space<hbm>> -> memref<8x50xf32, #tpu.memory_space<hbm>>
        tpu.enqueue_dma source(%dma_start3A_3879 : memref<8x50xf32, #tpu.memory_space<hbm>>) target(%dma_start3A_3875 : memref<8x50xf32, #tpu.memory_space<vmem>>) target_semaphore(%arg8 : memref<!tpu.dma_semaphore, #tpu.memory_space<semaphore_mem>>)
        %shift_right_logical3A_3880 = arith.constant 3 : i32
        %shift_right_logical3A_3881 = arith.shrui %squeeze3A_3679, %shift_right_logical3A_3880 : i32
        %dma_start3A_3882 = arith.constant 0 : i32
        %dma_start3A_3883 = arith.constant 9 : i32
        %dma_start3A_3884 = arith.constant 0 : i32
        %dma_start3A_3885 = arith.constant 0 : i32
        %dma_start3A_3886 = tpu.memref_slice %arg6[%dma_start3A_3882, %dma_start3A_3883, %dma_start3A_3884, %dma_start3A_3885] : memref<2x20x8x50xf32, #tpu.memory_space<vmem>> -> memref<1x1x8x50xf32, #tpu.memory_space<vmem>>
        %dma_start3A_3887 = tpu.memref_squeeze %dma_start3A_3886 : memref<1x1x8x50xf32, #tpu.memory_space<vmem>> -> memref<8x50xf32, #tpu.memory_space<vmem>>
        %dma_start3A_3888 = arith.constant 0 : i32
        %dma_start3A_3889 = arith.constant 0 : i32
        %dma_start3A_3890 = tpu.memref_slice %arg3[%shift_right_logical3A_3881, %dma_start3A_3888, %dma_start3A_3889] : memref<125000x8x50xf32, #tpu.memory_space<hbm>> -> memref<1x8x50xf32, #tpu.memory_space<hbm>>
        %dma_start3A_3891 = tpu.memref_squeeze %dma_start3A_3890 : memref<1x8x50xf32, #tpu.memory_space<hbm>> -> memref<8x50xf32, #tpu.memory_space<hbm>>
        %dma_start3A_3892 = arith.constant 0 : i32
        %dma_start3A_3893 = arith.constant 0 : i32
        %dma_start3A_3894 = tpu.memref_slice %arg6[%dma_start3A_3882, %dma_start3A_3883, %dma_start3A_3892, %dma_start3A_3893] : memref<2x20x8x50xf32, #tpu.memory_space<vmem>> -> memref<1x1x8x50xf32, #tpu.memory_space<vmem>>
        %dma_start3A_3895 = tpu.memref_squeeze %dma_start3A_3894 : memref<1x1x8x50xf32, #tpu.memory_space<vmem>> -> memref<8x50xf32, #tpu.memory_space<vmem>>
        %dma_start3A_3896 = arith.constant 0 : i32
        %dma_start3A_3897 = arith.constant 0 : i32
        %dma_start3A_3898 = tpu.memref_slice %arg3[%shift_right_logical3A_3881, %dma_start3A_3896, %dma_start3A_3897] : memref<125000x8x50xf32, #tpu.memory_space<hbm>> -> memref<1x8x50xf32, #tpu.memory_space<hbm>>
        %dma_start3A_3899 = tpu.memref_squeeze %dma_start3A_3898 : memref<1x8x50xf32, #tpu.memory_space<hbm>> -> memref<8x50xf32, #tpu.memory_space<hbm>>
        tpu.enqueue_dma source(%dma_start3A_3899 : memref<8x50xf32, #tpu.memory_space<hbm>>) target(%dma_start3A_3895 : memref<8x50xf32, #tpu.memory_space<vmem>>) target_semaphore(%arg8 : memref<!tpu.dma_semaphore, #tpu.memory_space<semaphore_mem>>)
        %shift_right_logical3A_3900 = arith.constant 3 : i32
        %shift_right_logical3A_3901 = arith.shrui %squeeze3A_3681, %shift_right_logical3A_3900 : i32
        %dma_start3A_3902 = arith.constant 0 : i32
        %dma_start3A_3903 = arith.constant 10 : i32
        %dma_start3A_3904 = arith.constant 0 : i32
        %dma_start3A_3905 = arith.constant 0 : i32
        %dma_start3A_3906 = tpu.memref_slice %arg6[%dma_start3A_3902, %dma_start3A_3903, %dma_start3A_3904, %dma_start3A_3905] : memref<2x20x8x50xf32, #tpu.memory_space<vmem>> -> memref<1x1x8x50xf32, #tpu.memory_space<vmem>>
        %dma_start3A_3907 = tpu.memref_squeeze %dma_start3A_3906 : memref<1x1x8x50xf32, #tpu.memory_space<vmem>> -> memref<8x50xf32, #tpu.memory_space<vmem>>
        %dma_start3A_3908 = arith.constant 0 : i32
        %dma_start3A_3909 = arith.constant 0 : i32
        %dma_start3A_3910 = tpu.memref_slice %arg3[%shift_right_logical3A_3901, %dma_start3A_3908, %dma_start3A_3909] : memref<125000x8x50xf32, #tpu.memory_space<hbm>> -> memref<1x8x50xf32, #tpu.memory_space<hbm>>
        %dma_start3A_3911 = tpu.memref_squeeze %dma_start3A_3910 : memref<1x8x50xf32, #tpu.memory_space<hbm>> -> memref<8x50xf32, #tpu.memory_space<hbm>>
        %dma_start3A_3912 = arith.constant 0 : i32
        %dma_start3A_3913 = arith.constant 0 : i32
        %dma_start3A_3914 = tpu.memref_slice %arg6[%dma_start3A_3902, %dma_start3A_3903, %dma_start3A_3912, %dma_start3A_3913] : memref<2x20x8x50xf32, #tpu.memory_space<vmem>> -> memref<1x1x8x50xf32, #tpu.memory_space<vmem>>
        %dma_start3A_3915 = tpu.memref_squeeze %dma_start3A_3914 : memref<1x1x8x50xf32, #tpu.memory_space<vmem>> -> memref<8x50xf32, #tpu.memory_space<vmem>>
        %dma_start3A_3916 = arith.constant 0 : i32
        %dma_start3A_3917 = arith.constant 0 : i32
        %dma_start3A_3918 = tpu.memref_slice %arg3[%shift_right_logical3A_3901, %dma_start3A_3916, %dma_start3A_3917] : memref<125000x8x50xf32, #tpu.memory_space<hbm>> -> memref<1x8x50xf32, #tpu.memory_space<hbm>>
        %dma_start3A_3919 = tpu.memref_squeeze %dma_start3A_3918 : memref<1x8x50xf32, #tpu.memory_space<hbm>> -> memref<8x50xf32, #tpu.memory_space<hbm>>
        tpu.enqueue_dma source(%dma_start3A_3919 : memref<8x50xf32, #tpu.memory_space<hbm>>) target(%dma_start3A_3915 : memref<8x50xf32, #tpu.memory_space<vmem>>) target_semaphore(%arg8 : memref<!tpu.dma_semaphore, #tpu.memory_space<semaphore_mem>>)
        %shift_right_logical3A_3920 = arith.constant 3 : i32
        %shift_right_logical3A_3921 = arith.shrui %squeeze3A_3683, %shift_right_logical3A_3920 : i32
        %dma_start3A_3922 = arith.constant 0 : i32
        %dma_start3A_3923 = arith.constant 11 : i32
        %dma_start3A_3924 = arith.constant 0 : i32
        %dma_start3A_3925 = arith.constant 0 : i32
        %dma_start3A_3926 = tpu.memref_slice %arg6[%dma_start3A_3922, %dma_start3A_3923, %dma_start3A_3924, %dma_start3A_3925] : memref<2x20x8x50xf32, #tpu.memory_space<vmem>> -> memref<1x1x8x50xf32, #tpu.memory_space<vmem>>
        %dma_start3A_3927 = tpu.memref_squeeze %dma_start3A_3926 : memref<1x1x8x50xf32, #tpu.memory_space<vmem>> -> memref<8x50xf32, #tpu.memory_space<vmem>>
        %dma_start3A_3928 = arith.constant 0 : i32
        %dma_start3A_3929 = arith.constant 0 : i32
        %dma_start3A_3930 = tpu.memref_slice %arg3[%shift_right_logical3A_3921, %dma_start3A_3928, %dma_start3A_3929] : memref<125000x8x50xf32, #tpu.memory_space<hbm>> -> memref<1x8x50xf32, #tpu.memory_space<hbm>>
        %dma_start3A_3931 = tpu.memref_squeeze %dma_start3A_3930 : memref<1x8x50xf32, #tpu.memory_space<hbm>> -> memref<8x50xf32, #tpu.memory_space<hbm>>
        %dma_start3A_3932 = arith.constant 0 : i32
        %dma_start3A_3933 = arith.constant 0 : i32
        %dma_start3A_3934 = tpu.memref_slice %arg6[%dma_start3A_3922, %dma_start3A_3923, %dma_start3A_3932, %dma_start3A_3933] : memref<2x20x8x50xf32, #tpu.memory_space<vmem>> -> memref<1x1x8x50xf32, #tpu.memory_space<vmem>>
        %dma_start3A_3935 = tpu.memref_squeeze %dma_start3A_3934 : memref<1x1x8x50xf32, #tpu.memory_space<vmem>> -> memref<8x50xf32, #tpu.memory_space<vmem>>
        %dma_start3A_3936 = arith.constant 0 : i32
        %dma_start3A_3937 = arith.constant 0 : i32
        %dma_start3A_3938 = tpu.memref_slice %arg3[%shift_right_logical3A_3921, %dma_start3A_3936, %dma_start3A_3937] : memref<125000x8x50xf32, #tpu.memory_space<hbm>> -> memref<1x8x50xf32, #tpu.memory_space<hbm>>
        %dma_start3A_3939 = tpu.memref_squeeze %dma_start3A_3938 : memref<1x8x50xf32, #tpu.memory_space<hbm>> -> memref<8x50xf32, #tpu.memory_space<hbm>>
        tpu.enqueue_dma source(%dma_start3A_3939 : memref<8x50xf32, #tpu.memory_space<hbm>>) target(%dma_start3A_3935 : memref<8x50xf32, #tpu.memory_space<vmem>>) target_semaphore(%arg8 : memref<!tpu.dma_semaphore, #tpu.memory_space<semaphore_mem>>)
        %shift_right_logical3A_3940 = arith.constant 3 : i32
        %shift_right_logical3A_3941 = arith.shrui %squeeze3A_3685, %shift_right_logical3A_3940 : i32
        %dma_start3A_3942 = arith.constant 0 : i32
        %dma_start3A_3943 = arith.constant 12 : i32
        %dma_start3A_3944 = arith.constant 0 : i32
        %dma_start3A_3945 = arith.constant 0 : i32
        %dma_start3A_3946 = tpu.memref_slice %arg6[%dma_start3A_3942, %dma_start3A_3943, %dma_start3A_3944, %dma_start3A_3945] : memref<2x20x8x50xf32, #tpu.memory_space<vmem>> -> memref<1x1x8x50xf32, #tpu.memory_space<vmem>>
        %dma_start3A_3947 = tpu.memref_squeeze %dma_start3A_3946 : memref<1x1x8x50xf32, #tpu.memory_space<vmem>> -> memref<8x50xf32, #tpu.memory_space<vmem>>
        %dma_start3A_3948 = arith.constant 0 : i32
        %dma_start3A_3949 = arith.constant 0 : i32
        %dma_start3A_3950 = tpu.memref_slice %arg3[%shift_right_logical3A_3941, %dma_start3A_3948, %dma_start3A_3949] : memref<125000x8x50xf32, #tpu.memory_space<hbm>> -> memref<1x8x50xf32, #tpu.memory_space<hbm>>
        %dma_start3A_3951 = tpu.memref_squeeze %dma_start3A_3950 : memref<1x8x50xf32, #tpu.memory_space<hbm>> -> memref<8x50xf32, #tpu.memory_space<hbm>>
        %dma_start3A_3952 = arith.constant 0 : i32
        %dma_start3A_3953 = arith.constant 0 : i32
        %dma_start3A_3954 = tpu.memref_slice %arg6[%dma_start3A_3942, %dma_start3A_3943, %dma_start3A_3952, %dma_start3A_3953] : memref<2x20x8x50xf32, #tpu.memory_space<vmem>> -> memref<1x1x8x50xf32, #tpu.memory_space<vmem>>
        %dma_start3A_3955 = tpu.memref_squeeze %dma_start3A_3954 : memref<1x1x8x50xf32, #tpu.memory_space<vmem>> -> memref<8x50xf32, #tpu.memory_space<vmem>>
        %dma_start3A_3956 = arith.constant 0 : i32
        %dma_start3A_3957 = arith.constant 0 : i32
        %dma_start3A_3958 = tpu.memref_slice %arg3[%shift_right_logical3A_3941, %dma_start3A_3956, %dma_start3A_3957] : memref<125000x8x50xf32, #tpu.memory_space<hbm>> -> memref<1x8x50xf32, #tpu.memory_space<hbm>>
        %dma_start3A_3959 = tpu.memref_squeeze %dma_start3A_3958 : memref<1x8x50xf32, #tpu.memory_space<hbm>> -> memref<8x50xf32, #tpu.memory_space<hbm>>
        tpu.enqueue_dma source(%dma_start3A_3959 : memref<8x50xf32, #tpu.memory_space<hbm>>) target(%dma_start3A_3955 : memref<8x50xf32, #tpu.memory_space<vmem>>) target_semaphore(%arg8 : memref<!tpu.dma_semaphore, #tpu.memory_space<semaphore_mem>>)
        %shift_right_logical3A_3960 = arith.constant 3 : i32
        %shift_right_logical3A_3961 = arith.shrui %squeeze3A_3687, %shift_right_logical3A_3960 : i32
        %dma_start3A_3962 = arith.constant 0 : i32
        %dma_start3A_3963 = arith.constant 13 : i32
        %dma_start3A_3964 = arith.constant 0 : i32
        %dma_start3A_3965 = arith.constant 0 : i32
        %dma_start3A_3966 = tpu.memref_slice %arg6[%dma_start3A_3962, %dma_start3A_3963, %dma_start3A_3964, %dma_start3A_3965] : memref<2x20x8x50xf32, #tpu.memory_space<vmem>> -> memref<1x1x8x50xf32, #tpu.memory_space<vmem>>
        %dma_start3A_3967 = tpu.memref_squeeze %dma_start3A_3966 : memref<1x1x8x50xf32, #tpu.memory_space<vmem>> -> memref<8x50xf32, #tpu.memory_space<vmem>>
        %dma_start3A_3968 = arith.constant 0 : i32
        %dma_start3A_3969 = arith.constant 0 : i32
        %dma_start3A_3970 = tpu.memref_slice %arg3[%shift_right_logical3A_3961, %dma_start3A_3968, %dma_start3A_3969] : memref<125000x8x50xf32, #tpu.memory_space<hbm>> -> memref<1x8x50xf32, #tpu.memory_space<hbm>>
        %dma_start3A_3971 = tpu.memref_squeeze %dma_start3A_3970 : memref<1x8x50xf32, #tpu.memory_space<hbm>> -> memref<8x50xf32, #tpu.memory_space<hbm>>
        %dma_start3A_3972 = arith.constant 0 : i32
        %dma_start3A_3973 = arith.constant 0 : i32
        %dma_start3A_3974 = tpu.memref_slice %arg6[%dma_start3A_3962, %dma_start3A_3963, %dma_start3A_3972, %dma_start3A_3973] : memref<2x20x8x50xf32, #tpu.memory_space<vmem>> -> memref<1x1x8x50xf32, #tpu.memory_space<vmem>>
        %dma_start3A_3975 = tpu.memref_squeeze %dma_start3A_3974 : memref<1x1x8x50xf32, #tpu.memory_space<vmem>> -> memref<8x50xf32, #tpu.memory_space<vmem>>
        %dma_start3A_3976 = arith.constant 0 : i32
        %dma_start3A_3977 = arith.constant 0 : i32
        %dma_start3A_3978 = tpu.memref_slice %arg3[%shift_right_logical3A_3961, %dma_start3A_3976, %dma_start3A_3977] : memref<125000x8x50xf32, #tpu.memory_space<hbm>> -> memref<1x8x50xf32, #tpu.memory_space<hbm>>
        %dma_start3A_3979 = tpu.memref_squeeze %dma_start3A_3978 : memref<1x8x50xf32, #tpu.memory_space<hbm>> -> memref<8x50xf32, #tpu.memory_space<hbm>>
        tpu.enqueue_dma source(%dma_start3A_3979 : memref<8x50xf32, #tpu.memory_space<hbm>>) target(%dma_start3A_3975 : memref<8x50xf32, #tpu.memory_space<vmem>>) target_semaphore(%arg8 : memref<!tpu.dma_semaphore, #tpu.memory_space<semaphore_mem>>)
        %shift_right_logical3A_3980 = arith.constant 3 : i32
        %shift_right_logical3A_3981 = arith.shrui %squeeze3A_3689, %shift_right_logical3A_3980 : i32
        %dma_start3A_3982 = arith.constant 0 : i32
        %dma_start3A_3983 = arith.constant 14 : i32
        %dma_start3A_3984 = arith.constant 0 : i32
        %dma_start3A_3985 = arith.constant 0 : i32
        %dma_start3A_3986 = tpu.memref_slice %arg6[%dma_start3A_3982, %dma_start3A_3983, %dma_start3A_3984, %dma_start3A_3985] : memref<2x20x8x50xf32, #tpu.memory_space<vmem>> -> memref<1x1x8x50xf32, #tpu.memory_space<vmem>>
        %dma_start3A_3987 = tpu.memref_squeeze %dma_start3A_3986 : memref<1x1x8x50xf32, #tpu.memory_space<vmem>> -> memref<8x50xf32, #tpu.memory_space<vmem>>
        %dma_start3A_3988 = arith.constant 0 : i32
        %dma_start3A_3989 = arith.constant 0 : i32
        %dma_start3A_3990 = tpu.memref_slice %arg3[%shift_right_logical3A_3981, %dma_start3A_3988, %dma_start3A_3989] : memref<125000x8x50xf32, #tpu.memory_space<hbm>> -> memref<1x8x50xf32, #tpu.memory_space<hbm>>
        %dma_start3A_3991 = tpu.memref_squeeze %dma_start3A_3990 : memref<1x8x50xf32, #tpu.memory_space<hbm>> -> memref<8x50xf32, #tpu.memory_space<hbm>>
        %dma_start3A_3992 = arith.constant 0 : i32
        %dma_start3A_3993 = arith.constant 0 : i32
        %dma_start3A_3994 = tpu.memref_slice %arg6[%dma_start3A_3982, %dma_start3A_3983, %dma_start3A_3992, %dma_start3A_3993] : memref<2x20x8x50xf32, #tpu.memory_space<vmem>> -> memref<1x1x8x50xf32, #tpu.memory_space<vmem>>
        %dma_start3A_3995 = tpu.memref_squeeze %dma_start3A_3994 : memref<1x1x8x50xf32, #tpu.memory_space<vmem>> -> memref<8x50xf32, #tpu.memory_space<vmem>>
        %dma_start3A_3996 = arith.constant 0 : i32
        %dma_start3A_3997 = arith.constant 0 : i32
        %dma_start3A_3998 = tpu.memref_slice %arg3[%shift_right_logical3A_3981, %dma_start3A_3996, %dma_start3A_3997] : memref<125000x8x50xf32, #tpu.memory_space<hbm>> -> memref<1x8x50xf32, #tpu.memory_space<hbm>>
        %dma_start3A_3999 = tpu.memref_squeeze %dma_start3A_3998 : memref<1x8x50xf32, #tpu.memory_space<hbm>> -> memref<8x50xf32, #tpu.memory_space<hbm>>
        tpu.enqueue_dma source(%dma_start3A_3999 : memref<8x50xf32, #tpu.memory_space<hbm>>) target(%dma_start3A_3995 : memref<8x50xf32, #tpu.memory_space<vmem>>) target_semaphore(%arg8 : memref<!tpu.dma_semaphore, #tpu.memory_space<semaphore_mem>>)
        %shift_right_logical3A_4000 = arith.constant 3 : i32
        %shift_right_logical3A_4001 = arith.shrui %squeeze3A_3691, %shift_right_logical3A_4000 : i32
        %dma_start3A_4002 = arith.constant 0 : i32
        %dma_start3A_4003 = arith.constant 15 : i32
        %dma_start3A_4004 = arith.constant 0 : i32
        %dma_start3A_4005 = arith.constant 0 : i32
        %dma_start3A_4006 = tpu.memref_slice %arg6[%dma_start3A_4002, %dma_start3A_4003, %dma_start3A_4004, %dma_start3A_4005] : memref<2x20x8x50xf32, #tpu.memory_space<vmem>> -> memref<1x1x8x50xf32, #tpu.memory_space<vmem>>
        %dma_start3A_4007 = tpu.memref_squeeze %dma_start3A_4006 : memref<1x1x8x50xf32, #tpu.memory_space<vmem>> -> memref<8x50xf32, #tpu.memory_space<vmem>>
        %dma_start3A_4008 = arith.constant 0 : i32
        %dma_start3A_4009 = arith.constant 0 : i32
        %dma_start3A_4010 = tpu.memref_slice %arg3[%shift_right_logical3A_4001, %dma_start3A_4008, %dma_start3A_4009] : memref<125000x8x50xf32, #tpu.memory_space<hbm>> -> memref<1x8x50xf32, #tpu.memory_space<hbm>>
        %dma_start3A_4011 = tpu.memref_squeeze %dma_start3A_4010 : memref<1x8x50xf32, #tpu.memory_space<hbm>> -> memref<8x50xf32, #tpu.memory_space<hbm>>
        %dma_start3A_4012 = arith.constant 0 : i32
        %dma_start3A_4013 = arith.constant 0 : i32
        %dma_start3A_4014 = tpu.memref_slice %arg6[%dma_start3A_4002, %dma_start3A_4003, %dma_start3A_4012, %dma_start3A_4013] : memref<2x20x8x50xf32, #tpu.memory_space<vmem>> -> memref<1x1x8x50xf32, #tpu.memory_space<vmem>>
        %dma_start3A_4015 = tpu.memref_squeeze %dma_start3A_4014 : memref<1x1x8x50xf32, #tpu.memory_space<vmem>> -> memref<8x50xf32, #tpu.memory_space<vmem>>
        %dma_start3A_4016 = arith.constant 0 : i32
        %dma_start3A_4017 = arith.constant 0 : i32
        %dma_start3A_4018 = tpu.memref_slice %arg3[%shift_right_logical3A_4001, %dma_start3A_4016, %dma_start3A_4017] : memref<125000x8x50xf32, #tpu.memory_space<hbm>> -> memref<1x8x50xf32, #tpu.memory_space<hbm>>
        %dma_start3A_4019 = tpu.memref_squeeze %dma_start3A_4018 : memref<1x8x50xf32, #tpu.memory_space<hbm>> -> memref<8x50xf32, #tpu.memory_space<hbm>>
        tpu.enqueue_dma source(%dma_start3A_4019 : memref<8x50xf32, #tpu.memory_space<hbm>>) target(%dma_start3A_4015 : memref<8x50xf32, #tpu.memory_space<vmem>>) target_semaphore(%arg8 : memref<!tpu.dma_semaphore, #tpu.memory_space<semaphore_mem>>)
        %shift_right_logical3A_4020 = arith.constant 3 : i32
        %shift_right_logical3A_4021 = arith.shrui %squeeze3A_3693, %shift_right_logical3A_4020 : i32
        %dma_start3A_4022 = arith.constant 0 : i32
        %dma_start3A_4023 = arith.constant 16 : i32
        %dma_start3A_4024 = arith.constant 0 : i32
        %dma_start3A_4025 = arith.constant 0 : i32
        %dma_start3A_4026 = tpu.memref_slice %arg6[%dma_start3A_4022, %dma_start3A_4023, %dma_start3A_4024, %dma_start3A_4025] : memref<2x20x8x50xf32, #tpu.memory_space<vmem>> -> memref<1x1x8x50xf32, #tpu.memory_space<vmem>>
        %dma_start3A_4027 = tpu.memref_squeeze %dma_start3A_4026 : memref<1x1x8x50xf32, #tpu.memory_space<vmem>> -> memref<8x50xf32, #tpu.memory_space<vmem>>
        %dma_start3A_4028 = arith.constant 0 : i32
        %dma_start3A_4029 = arith.constant 0 : i32
        %dma_start3A_4030 = tpu.memref_slice %arg3[%shift_right_logical3A_4021, %dma_start3A_4028, %dma_start3A_4029] : memref<125000x8x50xf32, #tpu.memory_space<hbm>> -> memref<1x8x50xf32, #tpu.memory_space<hbm>>
        %dma_start3A_4031 = tpu.memref_squeeze %dma_start3A_4030 : memref<1x8x50xf32, #tpu.memory_space<hbm>> -> memref<8x50xf32, #tpu.memory_space<hbm>>
        %dma_start3A_4032 = arith.constant 0 : i32
        %dma_start3A_4033 = arith.constant 0 : i32
        %dma_start3A_4034 = tpu.memref_slice %arg6[%dma_start3A_4022, %dma_start3A_4023, %dma_start3A_4032, %dma_start3A_4033] : memref<2x20x8x50xf32, #tpu.memory_space<vmem>> -> memref<1x1x8x50xf32, #tpu.memory_space<vmem>>
        %dma_start3A_4035 = tpu.memref_squeeze %dma_start3A_4034 : memref<1x1x8x50xf32, #tpu.memory_space<vmem>> -> memref<8x50xf32, #tpu.memory_space<vmem>>
        %dma_start3A_4036 = arith.constant 0 : i32
        %dma_start3A_4037 = arith.constant 0 : i32
        %dma_start3A_4038 = tpu.memref_slice %arg3[%shift_right_logical3A_4021, %dma_start3A_4036, %dma_start3A_4037] : memref<125000x8x50xf32, #tpu.memory_space<hbm>> -> memref<1x8x50xf32, #tpu.memory_space<hbm>>
        %dma_start3A_4039 = tpu.memref_squeeze %dma_start3A_4038 : memref<1x8x50xf32, #tpu.memory_space<hbm>> -> memref<8x50xf32, #tpu.memory_space<hbm>>
        tpu.enqueue_dma source(%dma_start3A_4039 : memref<8x50xf32, #tpu.memory_space<hbm>>) target(%dma_start3A_4035 : memref<8x50xf32, #tpu.memory_space<vmem>>) target_semaphore(%arg8 : memref<!tpu.dma_semaphore, #tpu.memory_space<semaphore_mem>>)
        %shift_right_logical3A_4040 = arith.constant 3 : i32
        %shift_right_logical3A_4041 = arith.shrui %squeeze3A_3695, %shift_right_logical3A_4040 : i32
        %dma_start3A_4042 = arith.constant 0 : i32
        %dma_start3A_4043 = arith.constant 17 : i32
        %dma_start3A_4044 = arith.constant 0 : i32
        %dma_start3A_4045 = arith.constant 0 : i32
        %dma_start3A_4046 = tpu.memref_slice %arg6[%dma_start3A_4042, %dma_start3A_4043, %dma_start3A_4044, %dma_start3A_4045] : memref<2x20x8x50xf32, #tpu.memory_space<vmem>> -> memref<1x1x8x50xf32, #tpu.memory_space<vmem>>
        %dma_start3A_4047 = tpu.memref_squeeze %dma_start3A_4046 : memref<1x1x8x50xf32, #tpu.memory_space<vmem>> -> memref<8x50xf32, #tpu.memory_space<vmem>>
        %dma_start3A_4048 = arith.constant 0 : i32
        %dma_start3A_4049 = arith.constant 0 : i32
        %dma_start3A_4050 = tpu.memref_slice %arg3[%shift_right_logical3A_4041, %dma_start3A_4048, %dma_start3A_4049] : memref<125000x8x50xf32, #tpu.memory_space<hbm>> -> memref<1x8x50xf32, #tpu.memory_space<hbm>>
        %dma_start3A_4051 = tpu.memref_squeeze %dma_start3A_4050 : memref<1x8x50xf32, #tpu.memory_space<hbm>> -> memref<8x50xf32, #tpu.memory_space<hbm>>
        %dma_start3A_4052 = arith.constant 0 : i32
        %dma_start3A_4053 = arith.constant 0 : i32
        %dma_start3A_4054 = tpu.memref_slice %arg6[%dma_start3A_4042, %dma_start3A_4043, %dma_start3A_4052, %dma_start3A_4053] : memref<2x20x8x50xf32, #tpu.memory_space<vmem>> -> memref<1x1x8x50xf32, #tpu.memory_space<vmem>>
        %dma_start3A_4055 = tpu.memref_squeeze %dma_start3A_4054 : memref<1x1x8x50xf32, #tpu.memory_space<vmem>> -> memref<8x50xf32, #tpu.memory_space<vmem>>
        %dma_start3A_4056 = arith.constant 0 : i32
        %dma_start3A_4057 = arith.constant 0 : i32
        %dma_start3A_4058 = tpu.memref_slice %arg3[%shift_right_logical3A_4041, %dma_start3A_4056, %dma_start3A_4057] : memref<125000x8x50xf32, #tpu.memory_space<hbm>> -> memref<1x8x50xf32, #tpu.memory_space<hbm>>
        %dma_start3A_4059 = tpu.memref_squeeze %dma_start3A_4058 : memref<1x8x50xf32, #tpu.memory_space<hbm>> -> memref<8x50xf32, #tpu.memory_space<hbm>>
        tpu.enqueue_dma source(%dma_start3A_4059 : memref<8x50xf32, #tpu.memory_space<hbm>>) target(%dma_start3A_4055 : memref<8x50xf32, #tpu.memory_space<vmem>>) target_semaphore(%arg8 : memref<!tpu.dma_semaphore, #tpu.memory_space<semaphore_mem>>)
        %shift_right_logical3A_4060 = arith.constant 3 : i32
        %shift_right_logical3A_4061 = arith.shrui %squeeze3A_3697, %shift_right_logical3A_4060 : i32
        %dma_start3A_4062 = arith.constant 0 : i32
        %dma_start3A_4063 = arith.constant 18 : i32
        %dma_start3A_4064 = arith.constant 0 : i32
        %dma_start3A_4065 = arith.constant 0 : i32
        %dma_start3A_4066 = tpu.memref_slice %arg6[%dma_start3A_4062, %dma_start3A_4063, %dma_start3A_4064, %dma_start3A_4065] : memref<2x20x8x50xf32, #tpu.memory_space<vmem>> -> memref<1x1x8x50xf32, #tpu.memory_space<vmem>>
        %dma_start3A_4067 = tpu.memref_squeeze %dma_start3A_4066 : memref<1x1x8x50xf32, #tpu.memory_space<vmem>> -> memref<8x50xf32, #tpu.memory_space<vmem>>
        %dma_start3A_4068 = arith.constant 0 : i32
        %dma_start3A_4069 = arith.constant 0 : i32
        %dma_start3A_4070 = tpu.memref_slice %arg3[%shift_right_logical3A_4061, %dma_start3A_4068, %dma_start3A_4069] : memref<125000x8x50xf32, #tpu.memory_space<hbm>> -> memref<1x8x50xf32, #tpu.memory_space<hbm>>
        %dma_start3A_4071 = tpu.memref_squeeze %dma_start3A_4070 : memref<1x8x50xf32, #tpu.memory_space<hbm>> -> memref<8x50xf32, #tpu.memory_space<hbm>>
        %dma_start3A_4072 = arith.constant 0 : i32
        %dma_start3A_4073 = arith.constant 0 : i32
        %dma_start3A_4074 = tpu.memref_slice %arg6[%dma_start3A_4062, %dma_start3A_4063, %dma_start3A_4072, %dma_start3A_4073] : memref<2x20x8x50xf32, #tpu.memory_space<vmem>> -> memref<1x1x8x50xf32, #tpu.memory_space<vmem>>
        %dma_start3A_4075 = tpu.memref_squeeze %dma_start3A_4074 : memref<1x1x8x50xf32, #tpu.memory_space<vmem>> -> memref<8x50xf32, #tpu.memory_space<vmem>>
        %dma_start3A_4076 = arith.constant 0 : i32
        %dma_start3A_4077 = arith.constant 0 : i32
        %dma_start3A_4078 = tpu.memref_slice %arg3[%shift_right_logical3A_4061, %dma_start3A_4076, %dma_start3A_4077] : memref<125000x8x50xf32, #tpu.memory_space<hbm>> -> memref<1x8x50xf32, #tpu.memory_space<hbm>>
        %dma_start3A_4079 = tpu.memref_squeeze %dma_start3A_4078 : memref<1x8x50xf32, #tpu.memory_space<hbm>> -> memref<8x50xf32, #tpu.memory_space<hbm>>
        tpu.enqueue_dma source(%dma_start3A_4079 : memref<8x50xf32, #tpu.memory_space<hbm>>) target(%dma_start3A_4075 : memref<8x50xf32, #tpu.memory_space<vmem>>) target_semaphore(%arg8 : memref<!tpu.dma_semaphore, #tpu.memory_space<semaphore_mem>>)
        %shift_right_logical3A_4080 = arith.constant 3 : i32
        %shift_right_logical3A_4081 = arith.shrui %squeeze3A_3699, %shift_right_logical3A_4080 : i32
        %dma_start3A_4082 = arith.constant 0 : i32
        %dma_start3A_4083 = arith.constant 19 : i32
        %dma_start3A_4084 = arith.constant 0 : i32
        %dma_start3A_4085 = arith.constant 0 : i32
        %dma_start3A_4086 = tpu.memref_slice %arg6[%dma_start3A_4082, %dma_start3A_4083, %dma_start3A_4084, %dma_start3A_4085] : memref<2x20x8x50xf32, #tpu.memory_space<vmem>> -> memref<1x1x8x50xf32, #tpu.memory_space<vmem>>
        %dma_start3A_4087 = tpu.memref_squeeze %dma_start3A_4086 : memref<1x1x8x50xf32, #tpu.memory_space<vmem>> -> memref<8x50xf32, #tpu.memory_space<vmem>>
        %dma_start3A_4088 = arith.constant 0 : i32
        %dma_start3A_4089 = arith.constant 0 : i32
        %dma_start3A_4090 = tpu.memref_slice %arg3[%shift_right_logical3A_4081, %dma_start3A_4088, %dma_start3A_4089] : memref<125000x8x50xf32, #tpu.memory_space<hbm>> -> memref<1x8x50xf32, #tpu.memory_space<hbm>>
        %dma_start3A_4091 = tpu.memref_squeeze %dma_start3A_4090 : memref<1x8x50xf32, #tpu.memory_space<hbm>> -> memref<8x50xf32, #tpu.memory_space<hbm>>
        %dma_start3A_4092 = arith.constant 0 : i32
        %dma_start3A_4093 = arith.constant 0 : i32
        %dma_start3A_4094 = tpu.memref_slice %arg6[%dma_start3A_4082, %dma_start3A_4083, %dma_start3A_4092, %dma_start3A_4093] : memref<2x20x8x50xf32, #tpu.memory_space<vmem>> -> memref<1x1x8x50xf32, #tpu.memory_space<vmem>>
        %dma_start3A_4095 = tpu.memref_squeeze %dma_start3A_4094 : memref<1x1x8x50xf32, #tpu.memory_space<vmem>> -> memref<8x50xf32, #tpu.memory_space<vmem>>
        %dma_start3A_4096 = arith.constant 0 : i32
        %dma_start3A_4097 = arith.constant 0 : i32
        %dma_start3A_4098 = tpu.memref_slice %arg3[%shift_right_logical3A_4081, %dma_start3A_4096, %dma_start3A_4097] : memref<125000x8x50xf32, #tpu.memory_space<hbm>> -> memref<1x8x50xf32, #tpu.memory_space<hbm>>
        %dma_start3A_4099 = tpu.memref_squeeze %dma_start3A_4098 : memref<1x8x50xf32, #tpu.memory_space<hbm>> -> memref<8x50xf32, #tpu.memory_space<hbm>>
        tpu.enqueue_dma source(%dma_start3A_4099 : memref<8x50xf32, #tpu.memory_space<hbm>>) target(%dma_start3A_4095 : memref<8x50xf32, #tpu.memory_space<vmem>>) target_semaphore(%arg8 : memref<!tpu.dma_semaphore, #tpu.memory_space<semaphore_mem>>)
      } else {
      }
      %dma_wait3A_2296 = arith.constant 1 : i32
      %dma_wait3A_2297 = arith.constant 0 : i32
      %dma_wait3A_2298 = arith.constant 0 : i32
      %dma_wait3A_2299 = arith.constant 0 : i32
      %dma_wait3A_2300 = tpu.memref_slice %arg6[%dma_wait3A_2296, %dma_wait3A_2297, %dma_wait3A_2298, %dma_wait3A_2299] : memref<2x20x8x50xf32, #tpu.memory_space<vmem>> -> memref<1x20x8x50xf32, #tpu.memory_space<vmem>>
      %dma_wait3A_2301 = tpu.memref_squeeze %dma_wait3A_2300 : memref<1x20x8x50xf32, #tpu.memory_space<vmem>> -> memref<20x8x50xf32, #tpu.memory_space<vmem>>
      %dma_wait3A_2302 = arith.constant 0 : i32
      %dma_wait3A_2303 = arith.constant 0 : i32
      %dma_wait3A_2304 = arith.constant 0 : i32
      %dma_wait3A_2305 = tpu.memref_slice %arg3[%dma_wait3A_2302, %dma_wait3A_2303, %dma_wait3A_2304] : memref<125000x8x50xf32, #tpu.memory_space<hbm>> -> memref<20x8x50xf32, #tpu.memory_space<hbm>>
      %dma_wait3A_2306 = arith.constant 0 : i32
      %dma_wait3A_2307 = arith.constant 0 : i32
      %dma_wait3A_2308 = arith.constant 0 : i32
      %dma_wait3A_2309 = tpu.memref_slice %arg6[%dma_wait3A_2296, %dma_wait3A_2306, %dma_wait3A_2307, %dma_wait3A_2308] : memref<2x20x8x50xf32, #tpu.memory_space<vmem>> -> memref<1x20x8x50xf32, #tpu.memory_space<vmem>>
      %dma_wait3A_2310 = tpu.memref_squeeze %dma_wait3A_2309 : memref<1x20x8x50xf32, #tpu.memory_space<vmem>> -> memref<20x8x50xf32, #tpu.memory_space<vmem>>
      %dma_wait3A_2311 = arith.constant 0 : i32
      %dma_wait3A_2312 = arith.constant 0 : i32
      %dma_wait3A_2313 = arith.constant 0 : i32
      %dma_wait3A_2314 = tpu.memref_slice %arg3[%dma_wait3A_2311, %dma_wait3A_2312, %dma_wait3A_2313] : memref<125000x8x50xf32, #tpu.memory_space<hbm>> -> memref<20x8x50xf32, #tpu.memory_space<hbm>>
      tpu.wait_dma2 semaphore(%arg9 : memref<!tpu.dma_semaphore, #tpu.memory_space<semaphore_mem>>) src(%dma_wait3A_2314 : memref<20x8x50xf32, #tpu.memory_space<hbm>>) dst(%dma_wait3A_2310 : memref<20x8x50xf32, #tpu.memory_space<vmem>>)
      %and3A_2315 = arith.constant 7 : i32
      %and3A_2316 = arith.andi %squeeze3A_469, %and3A_2315 : i32
      %get3A_2317 = arith.constant 1 : i32
      %get3A_2318 = arith.constant 0 : i32
      %get3A_2319 = arith.index_cast %get3A_2317 : i32 to index
      %get3A_2320 = arith.index_cast %get3A_2318 : i32 to index
      %get3A_2321 = arith.index_cast %and3A_2316 : i32 to index
      %get3A_2322 = arith.constant 0 : index
      %get3A_2323 = tpu.vector_load %arg6[%get3A_2319, %get3A_2320, %get3A_2321, %get3A_2322] {strides = array<i32>} : memref<2x20x8x50xf32, #tpu.memory_space<vmem>>, vector<1x1x1x16xf32>,
      %get3A_2324 = vector.shape_cast %get3A_2323 : vector<1x1x1x16xf32> to vector<16xf32>
      %swap3A_2325 = arith.constant 0 : i32
      %swap3A_2326 = arith.constant 4 : i32
      %swap3A_2327 = arith.index_cast %swap3A_2325 : i32 to index
      %swap3A_2328 = arith.index_cast %swap3A_2326 : i32 to index
      %swap3A_2329 = arith.constant 0 : index
      %swap3A_2330 = tpu.vector_load %arg7[%swap3A_2327, %swap3A_2328, %swap3A_2329] {strides = array<i32>} : memref<5x8x50xf32, #tpu.memory_space<vmem>>, vector<1x1x16xf32>,
      %swap3A_2331 = vector.shape_cast %swap3A_2330 : vector<1x1x16xf32> to vector<16xf32>
      %swap3A_2332 = vector.shape_cast %get3A_2324 : vector<16xf32> to vector<1x1x16xf32>
      tpu.vector_store %arg7[%swap3A_2327, %swap3A_2328, %swap3A_2329], %swap3A_2332 {strides = array<i32>} : memref<5x8x50xf32, #tpu.memory_space<vmem>>, vector<1x1x16xf32>,
      %get3A_2333 = arith.constant 1 : i32
      %get3A_2334 = arith.constant 0 : i32
      %get3A_2335 = arith.index_cast %get3A_2333 : i32 to index
      %get3A_2336 = arith.index_cast %get3A_2334 : i32 to index
      %get3A_2337 = arith.index_cast %and3A_2316 : i32 to index
      %get3A_2338 = arith.constant 16 : index
      %get3A_2339 = tpu.vector_load %arg6[%get3A_2335, %get3A_2336, %get3A_2337, %get3A_2338] {strides = array<i32>} : memref<2x20x8x50xf32, #tpu.memory_space<vmem>>, vector<1x1x1x16xf32>,
      %get3A_2340 = vector.shape_cast %get3A_2339 : vector<1x1x1x16xf32> to vector<16xf32>
      %swap3A_2341 = arith.constant 0 : i32
      %swap3A_2342 = arith.constant 4 : i32
      %swap3A_2343 = arith.index_cast %swap3A_2341 : i32 to index
      %swap3A_2344 = arith.index_cast %swap3A_2342 : i32 to index
      %swap3A_2345 = arith.constant 16 : index
      %swap3A_2346 = tpu.vector_load %arg7[%swap3A_2343, %swap3A_2344, %swap3A_2345] {strides = array<i32>} : memref<5x8x50xf32, #tpu.memory_space<vmem>>, vector<1x1x16xf32>,
      %swap3A_2347 = vector.shape_cast %swap3A_2346 : vector<1x1x16xf32> to vector<16xf32>
      %swap3A_2348 = vector.shape_cast %get3A_2340 : vector<16xf32> to vector<1x1x16xf32>
      tpu.vector_store %arg7[%swap3A_2343, %swap3A_2344, %swap3A_2345], %swap3A_2348 {strides = array<i32>} : memref<5x8x50xf32, #tpu.memory_space<vmem>>, vector<1x1x16xf32>,
      %get3A_2349 = arith.constant 1 : i32
      %get3A_2350 = arith.constant 0 : i32
      %get3A_2351 = arith.index_cast %get3A_2349 : i32 to index
      %get3A_2352 = arith.index_cast %get3A_2350 : i32 to index
      %get3A_2353 = arith.index_cast %and3A_2316 : i32 to index
      %get3A_2354 = arith.constant 32 : index
      %get3A_2355 = tpu.vector_load %arg6[%get3A_2351, %get3A_2352, %get3A_2353, %get3A_2354] {strides = array<i32>} : memref<2x20x8x50xf32, #tpu.memory_space<vmem>>, vector<1x1x1x16xf32>,
      %get3A_2356 = vector.shape_cast %get3A_2355 : vector<1x1x1x16xf32> to vector<16xf32>
      %swap3A_2357 = arith.constant 0 : i32
      %swap3A_2358 = arith.constant 4 : i32
      %swap3A_2359 = arith.index_cast %swap3A_2357 : i32 to index
      %swap3A_2360 = arith.index_cast %swap3A_2358 : i32 to index
      %swap3A_2361 = arith.constant 32 : index
      %swap3A_2362 = tpu.vector_load %arg7[%swap3A_2359, %swap3A_2360, %swap3A_2361] {strides = array<i32>} : memref<5x8x50xf32, #tpu.memory_space<vmem>>, vector<1x1x16xf32>,
      %swap3A_2363 = vector.shape_cast %swap3A_2362 : vector<1x1x16xf32> to vector<16xf32>
      %swap3A_2364 = vector.shape_cast %get3A_2356 : vector<16xf32> to vector<1x1x16xf32>
      tpu.vector_store %arg7[%swap3A_2359, %swap3A_2360, %swap3A_2361], %swap3A_2364 {strides = array<i32>} : memref<5x8x50xf32, #tpu.memory_space<vmem>>, vector<1x1x16xf32>,
      %get3A_2365 = arith.constant 1 : i32
      %get3A_2366 = arith.constant 0 : i32
      %get3A_2367 = arith.index_cast %get3A_2365 : i32 to index
      %get3A_2368 = arith.index_cast %get3A_2366 : i32 to index
      %get3A_2369 = arith.index_cast %and3A_2316 : i32 to index
      %get3A_2370 = arith.constant 34 : index
      %get3A_2371 = tpu.vector_load %arg6[%get3A_2367, %get3A_2368, %get3A_2369, %get3A_2370] {strides = array<i32>} : memref<2x20x8x50xf32, #tpu.memory_space<vmem>>, vector<1x1x1x16xf32>,
      %get3A_2372 = vector.shape_cast %get3A_2371 : vector<1x1x1x16xf32> to vector<16xf32>
      %swap3A_2373 = arith.constant 0 : i32
      %swap3A_2374 = arith.constant 4 : i32
      %swap3A_2375 = arith.index_cast %swap3A_2373 : i32 to index
      %swap3A_2376 = arith.index_cast %swap3A_2374 : i32 to index
      %swap3A_2377 = arith.constant 34 : index
      %swap3A_2378 = tpu.vector_load %arg7[%swap3A_2375, %swap3A_2376, %swap3A_2377] {strides = array<i32>} : memref<5x8x50xf32, #tpu.memory_space<vmem>>, vector<1x1x16xf32>,
      %swap3A_2379 = vector.shape_cast %swap3A_2378 : vector<1x1x16xf32> to vector<16xf32>
      %swap3A_2380 = vector.shape_cast %get3A_2372 : vector<16xf32> to vector<1x1x16xf32>
      tpu.vector_store %arg7[%swap3A_2375, %swap3A_2376, %swap3A_2377], %swap3A_2380 {strides = array<i32>} : memref<5x8x50xf32, #tpu.memory_space<vmem>>, vector<1x1x16xf32>,
      %and3A_2381 = arith.constant 7 : i32
      %and3A_2382 = arith.andi %squeeze3A_471, %and3A_2381 : i32
      %get3A_2383 = arith.constant 1 : i32
      %get3A_2384 = arith.constant 1 : i32
      %get3A_2385 = arith.index_cast %get3A_2383 : i32 to index
      %get3A_2386 = arith.index_cast %get3A_2384 : i32 to index
      %get3A_2387 = arith.index_cast %and3A_2382 : i32 to index
      %get3A_2388 = arith.constant 0 : index
      %get3A_2389 = tpu.vector_load %arg6[%get3A_2385, %get3A_2386, %get3A_2387, %get3A_2388] {strides = array<i32>} : memref<2x20x8x50xf32, #tpu.memory_space<vmem>>, vector<1x1x1x16xf32>,
      %get3A_2390 = vector.shape_cast %get3A_2389 : vector<1x1x1x16xf32> to vector<16xf32>
      %swap3A_2391 = arith.constant 1 : i32
      %swap3A_2392 = arith.constant 4 : i32
      %swap3A_2393 = arith.index_cast %swap3A_2391 : i32 to index
      %swap3A_2394 = arith.index_cast %swap3A_2392 : i32 to index
      %swap3A_2395 = arith.constant 0 : index
      %swap3A_2396 = tpu.vector_load %arg7[%swap3A_2393, %swap3A_2394, %swap3A_2395] {strides = array<i32>} : memref<5x8x50xf32, #tpu.memory_space<vmem>>, vector<1x1x16xf32>,
      %swap3A_2397 = vector.shape_cast %swap3A_2396 : vector<1x1x16xf32> to vector<16xf32>
      %swap3A_2398 = vector.shape_cast %get3A_2390 : vector<16xf32> to vector<1x1x16xf32>
      tpu.vector_store %arg7[%swap3A_2393, %swap3A_2394, %swap3A_2395], %swap3A_2398 {strides = array<i32>} : memref<5x8x50xf32, #tpu.memory_space<vmem>>, vector<1x1x16xf32>,
      %get3A_2399 = arith.constant 1 : i32
      %get3A_2400 = arith.constant 1 : i32
      %get3A_2401 = arith.index_cast %get3A_2399 : i32 to index
      %get3A_2402 = arith.index_cast %get3A_2400 : i32 to index
      %get3A_2403 = arith.index_cast %and3A_2382 : i32 to index
      %get3A_2404 = arith.constant 16 : index
      %get3A_2405 = tpu.vector_load %arg6[%get3A_2401, %get3A_2402, %get3A_2403, %get3A_2404] {strides = array<i32>} : memref<2x20x8x50xf32, #tpu.memory_space<vmem>>, vector<1x1x1x16xf32>,
      %get3A_2406 = vector.shape_cast %get3A_2405 : vector<1x1x1x16xf32> to vector<16xf32>
      %swap3A_2407 = arith.constant 1 : i32
      %swap3A_2408 = arith.constant 4 : i32
      %swap3A_2409 = arith.index_cast %swap3A_2407 : i32 to index
      %swap3A_2410 = arith.index_cast %swap3A_2408 : i32 to index
      %swap3A_2411 = arith.constant 16 : index
      %swap3A_2412 = tpu.vector_load %arg7[%swap3A_2409, %swap3A_2410, %swap3A_2411] {strides = array<i32>} : memref<5x8x50xf32, #tpu.memory_space<vmem>>, vector<1x1x16xf32>,
      %swap3A_2413 = vector.shape_cast %swap3A_2412 : vector<1x1x16xf32> to vector<16xf32>
      %swap3A_2414 = vector.shape_cast %get3A_2406 : vector<16xf32> to vector<1x1x16xf32>
      tpu.vector_store %arg7[%swap3A_2409, %swap3A_2410, %swap3A_2411], %swap3A_2414 {strides = array<i32>} : memref<5x8x50xf32, #tpu.memory_space<vmem>>, vector<1x1x16xf32>,
      %get3A_2415 = arith.constant 1 : i32
      %get3A_2416 = arith.constant 1 : i32
      %get3A_2417 = arith.index_cast %get3A_2415 : i32 to index
      %get3A_2418 = arith.index_cast %get3A_2416 : i32 to index
      %get3A_2419 = arith.index_cast %and3A_2382 : i32 to index
      %get3A_2420 = arith.constant 32 : index
      %get3A_2421 = tpu.vector_load %arg6[%get3A_2417, %get3A_2418, %get3A_2419, %get3A_2420] {strides = array<i32>} : memref<2x20x8x50xf32, #tpu.memory_space<vmem>>, vector<1x1x1x16xf32>,
      %get3A_2422 = vector.shape_cast %get3A_2421 : vector<1x1x1x16xf32> to vector<16xf32>
      %swap3A_2423 = arith.constant 1 : i32
      %swap3A_2424 = arith.constant 4 : i32
      %swap3A_2425 = arith.index_cast %swap3A_2423 : i32 to index
      %swap3A_2426 = arith.index_cast %swap3A_2424 : i32 to index
      %swap3A_2427 = arith.constant 32 : index
      %swap3A_2428 = tpu.vector_load %arg7[%swap3A_2425, %swap3A_2426, %swap3A_2427] {strides = array<i32>} : memref<5x8x50xf32, #tpu.memory_space<vmem>>, vector<1x1x16xf32>,
      %swap3A_2429 = vector.shape_cast %swap3A_2428 : vector<1x1x16xf32> to vector<16xf32>
      %swap3A_2430 = vector.shape_cast %get3A_2422 : vector<16xf32> to vector<1x1x16xf32>
      tpu.vector_store %arg7[%swap3A_2425, %swap3A_2426, %swap3A_2427], %swap3A_2430 {strides = array<i32>} : memref<5x8x50xf32, #tpu.memory_space<vmem>>, vector<1x1x16xf32>,
      %get3A_2431 = arith.constant 1 : i32
      %get3A_2432 = arith.constant 1 : i32
      %get3A_2433 = arith.index_cast %get3A_2431 : i32 to index
      %get3A_2434 = arith.index_cast %get3A_2432 : i32 to index
      %get3A_2435 = arith.index_cast %and3A_2382 : i32 to index
      %get3A_2436 = arith.constant 34 : index
      %get3A_2437 = tpu.vector_load %arg6[%get3A_2433, %get3A_2434, %get3A_2435, %get3A_2436] {strides = array<i32>} : memref<2x20x8x50xf32, #tpu.memory_space<vmem>>, vector<1x1x1x16xf32>,
      %get3A_2438 = vector.shape_cast %get3A_2437 : vector<1x1x1x16xf32> to vector<16xf32>
      %swap3A_2439 = arith.constant 1 : i32
      %swap3A_2440 = arith.constant 4 : i32
      %swap3A_2441 = arith.index_cast %swap3A_2439 : i32 to index
      %swap3A_2442 = arith.index_cast %swap3A_2440 : i32 to index
      %swap3A_2443 = arith.constant 34 : index
      %swap3A_2444 = tpu.vector_load %arg7[%swap3A_2441, %swap3A_2442, %swap3A_2443] {strides = array<i32>} : memref<5x8x50xf32, #tpu.memory_space<vmem>>, vector<1x1x16xf32>,
      %swap3A_2445 = vector.shape_cast %swap3A_2444 : vector<1x1x16xf32> to vector<16xf32>
      %swap3A_2446 = vector.shape_cast %get3A_2438 : vector<16xf32> to vector<1x1x16xf32>
      tpu.vector_store %arg7[%swap3A_2441, %swap3A_2442, %swap3A_2443], %swap3A_2446 {strides = array<i32>} : memref<5x8x50xf32, #tpu.memory_space<vmem>>, vector<1x1x16xf32>,
      %and3A_2447 = arith.constant 7 : i32
      %and3A_2448 = arith.andi %squeeze3A_473, %and3A_2447 : i32
      %get3A_2449 = arith.constant 1 : i32
      %get3A_2450 = arith.constant 2 : i32
      %get3A_2451 = arith.index_cast %get3A_2449 : i32 to index
      %get3A_2452 = arith.index_cast %get3A_2450 : i32 to index
      %get3A_2453 = arith.index_cast %and3A_2448 : i32 to index
      %get3A_2454 = arith.constant 0 : index
      %get3A_2455 = tpu.vector_load %arg6[%get3A_2451, %get3A_2452, %get3A_2453, %get3A_2454] {strides = array<i32>} : memref<2x20x8x50xf32, #tpu.memory_space<vmem>>, vector<1x1x1x16xf32>,
      %get3A_2456 = vector.shape_cast %get3A_2455 : vector<1x1x1x16xf32> to vector<16xf32>
      %swap3A_2457 = arith.constant 2 : i32
      %swap3A_2458 = arith.constant 4 : i32
      %swap3A_2459 = arith.index_cast %swap3A_2457 : i32 to index
      %swap3A_2460 = arith.index_cast %swap3A_2458 : i32 to index
      %swap3A_2461 = arith.constant 0 : index
      %swap3A_2462 = tpu.vector_load %arg7[%swap3A_2459, %swap3A_2460, %swap3A_2461] {strides = array<i32>} : memref<5x8x50xf32, #tpu.memory_space<vmem>>, vector<1x1x16xf32>,
      %swap3A_2463 = vector.shape_cast %swap3A_2462 : vector<1x1x16xf32> to vector<16xf32>
      %swap3A_2464 = vector.shape_cast %get3A_2456 : vector<16xf32> to vector<1x1x16xf32>
      tpu.vector_store %arg7[%swap3A_2459, %swap3A_2460, %swap3A_2461], %swap3A_2464 {strides = array<i32>} : memref<5x8x50xf32, #tpu.memory_space<vmem>>, vector<1x1x16xf32>,
      %get3A_2465 = arith.constant 1 : i32
      %get3A_2466 = arith.constant 2 : i32
      %get3A_2467 = arith.index_cast %get3A_2465 : i32 to index
      %get3A_2468 = arith.index_cast %get3A_2466 : i32 to index
      %get3A_2469 = arith.index_cast %and3A_2448 : i32 to index
      %get3A_2470 = arith.constant 16 : index
      %get3A_2471 = tpu.vector_load %arg6[%get3A_2467, %get3A_2468, %get3A_2469, %get3A_2470] {strides = array<i32>} : memref<2x20x8x50xf32, #tpu.memory_space<vmem>>, vector<1x1x1x16xf32>,
      %get3A_2472 = vector.shape_cast %get3A_2471 : vector<1x1x1x16xf32> to vector<16xf32>
      %swap3A_2473 = arith.constant 2 : i32
      %swap3A_2474 = arith.constant 4 : i32
      %swap3A_2475 = arith.index_cast %swap3A_2473 : i32 to index
      %swap3A_2476 = arith.index_cast %swap3A_2474 : i32 to index
      %swap3A_2477 = arith.constant 16 : index
      %swap3A_2478 = tpu.vector_load %arg7[%swap3A_2475, %swap3A_2476, %swap3A_2477] {strides = array<i32>} : memref<5x8x50xf32, #tpu.memory_space<vmem>>, vector<1x1x16xf32>,
      %swap3A_2479 = vector.shape_cast %swap3A_2478 : vector<1x1x16xf32> to vector<16xf32>
      %swap3A_2480 = vector.shape_cast %get3A_2472 : vector<16xf32> to vector<1x1x16xf32>
      tpu.vector_store %arg7[%swap3A_2475, %swap3A_2476, %swap3A_2477], %swap3A_2480 {strides = array<i32>} : memref<5x8x50xf32, #tpu.memory_space<vmem>>, vector<1x1x16xf32>,
      %get3A_2481 = arith.constant 1 : i32
      %get3A_2482 = arith.constant 2 : i32
      %get3A_2483 = arith.index_cast %get3A_2481 : i32 to index
      %get3A_2484 = arith.index_cast %get3A_2482 : i32 to index
      %get3A_2485 = arith.index_cast %and3A_2448 : i32 to index
      %get3A_2486 = arith.constant 32 : index
      %get3A_2487 = tpu.vector_load %arg6[%get3A_2483, %get3A_2484, %get3A_2485, %get3A_2486] {strides = array<i32>} : memref<2x20x8x50xf32, #tpu.memory_space<vmem>>, vector<1x1x1x16xf32>,
      %get3A_2488 = vector.shape_cast %get3A_2487 : vector<1x1x1x16xf32> to vector<16xf32>
      %swap3A_2489 = arith.constant 2 : i32
      %swap3A_2490 = arith.constant 4 : i32
      %swap3A_2491 = arith.index_cast %swap3A_2489 : i32 to index
      %swap3A_2492 = arith.index_cast %swap3A_2490 : i32 to index
      %swap3A_2493 = arith.constant 32 : index
      %swap3A_2494 = tpu.vector_load %arg7[%swap3A_2491, %swap3A_2492, %swap3A_2493] {strides = array<i32>} : memref<5x8x50xf32, #tpu.memory_space<vmem>>, vector<1x1x16xf32>,
      %swap3A_2495 = vector.shape_cast %swap3A_2494 : vector<1x1x16xf32> to vector<16xf32>
      %swap3A_2496 = vector.shape_cast %get3A_2488 : vector<16xf32> to vector<1x1x16xf32>
      tpu.vector_store %arg7[%swap3A_2491, %swap3A_2492, %swap3A_2493], %swap3A_2496 {strides = array<i32>} : memref<5x8x50xf32, #tpu.memory_space<vmem>>, vector<1x1x16xf32>,
      %get3A_2497 = arith.constant 1 : i32
      %get3A_2498 = arith.constant 2 : i32
      %get3A_2499 = arith.index_cast %get3A_2497 : i32 to index
      %get3A_2500 = arith.index_cast %get3A_2498 : i32 to index
      %get3A_2501 = arith.index_cast %and3A_2448 : i32 to index
      %get3A_2502 = arith.constant 34 : index
      %get3A_2503 = tpu.vector_load %arg6[%get3A_2499, %get3A_2500, %get3A_2501, %get3A_2502] {strides = array<i32>} : memref<2x20x8x50xf32, #tpu.memory_space<vmem>>, vector<1x1x1x16xf32>,
      %get3A_2504 = vector.shape_cast %get3A_2503 : vector<1x1x1x16xf32> to vector<16xf32>
      %swap3A_2505 = arith.constant 2 : i32
      %swap3A_2506 = arith.constant 4 : i32
      %swap3A_2507 = arith.index_cast %swap3A_2505 : i32 to index
      %swap3A_2508 = arith.index_cast %swap3A_2506 : i32 to index
      %swap3A_2509 = arith.constant 34 : index
      %swap3A_2510 = tpu.vector_load %arg7[%swap3A_2507, %swap3A_2508, %swap3A_2509] {strides = array<i32>} : memref<5x8x50xf32, #tpu.memory_space<vmem>>, vector<1x1x16xf32>,
      %swap3A_2511 = vector.shape_cast %swap3A_2510 : vector<1x1x16xf32> to vector<16xf32>
      %swap3A_2512 = vector.shape_cast %get3A_2504 : vector<16xf32> to vector<1x1x16xf32>
      tpu.vector_store %arg7[%swap3A_2507, %swap3A_2508, %swap3A_2509], %swap3A_2512 {strides = array<i32>} : memref<5x8x50xf32, #tpu.memory_space<vmem>>, vector<1x1x16xf32>,
      %and3A_2513 = arith.constant 7 : i32
      %and3A_2514 = arith.andi %squeeze3A_475, %and3A_2513 : i32
      %get3A_2515 = arith.constant 1 : i32
      %get3A_2516 = arith.constant 3 : i32
      %get3A_2517 = arith.index_cast %get3A_2515 : i32 to index
      %get3A_2518 = arith.index_cast %get3A_2516 : i32 to index
      %get3A_2519 = arith.index_cast %and3A_2514 : i32 to index
      %get3A_2520 = arith.constant 0 : index
      %get3A_2521 = tpu.vector_load %arg6[%get3A_2517, %get3A_2518, %get3A_2519, %get3A_2520] {strides = array<i32>} : memref<2x20x8x50xf32, #tpu.memory_space<vmem>>, vector<1x1x1x16xf32>,
      %get3A_2522 = vector.shape_cast %get3A_2521 : vector<1x1x1x16xf32> to vector<16xf32>
      %swap3A_2523 = arith.constant 3 : i32
      %swap3A_2524 = arith.constant 4 : i32
      %swap3A_2525 = arith.index_cast %swap3A_2523 : i32 to index
      %swap3A_2526 = arith.index_cast %swap3A_2524 : i32 to index
      %swap3A_2527 = arith.constant 0 : index
      %swap3A_2528 = tpu.vector_load %arg7[%swap3A_2525, %swap3A_2526, %swap3A_2527] {strides = array<i32>} : memref<5x8x50xf32, #tpu.memory_space<vmem>>, vector<1x1x16xf32>,
      %swap3A_2529 = vector.shape_cast %swap3A_2528 : vector<1x1x16xf32> to vector<16xf32>
      %swap3A_2530 = vector.shape_cast %get3A_2522 : vector<16xf32> to vector<1x1x16xf32>
      tpu.vector_store %arg7[%swap3A_2525, %swap3A_2526, %swap3A_2527], %swap3A_2530 {strides = array<i32>} : memref<5x8x50xf32, #tpu.memory_space<vmem>>, vector<1x1x16xf32>,
      %get3A_2531 = arith.constant 1 : i32
      %get3A_2532 = arith.constant 3 : i32
      %get3A_2533 = arith.index_cast %get3A_2531 : i32 to index
      %get3A_2534 = arith.index_cast %get3A_2532 : i32 to index
      %get3A_2535 = arith.index_cast %and3A_2514 : i32 to index
      %get3A_2536 = arith.constant 16 : index
      %get3A_2537 = tpu.vector_load %arg6[%get3A_2533, %get3A_2534, %get3A_2535, %get3A_2536] {strides = array<i32>} : memref<2x20x8x50xf32, #tpu.memory_space<vmem>>, vector<1x1x1x16xf32>,
      %get3A_2538 = vector.shape_cast %get3A_2537 : vector<1x1x1x16xf32> to vector<16xf32>
      %swap3A_2539 = arith.constant 3 : i32
      %swap3A_2540 = arith.constant 4 : i32
      %swap3A_2541 = arith.index_cast %swap3A_2539 : i32 to index
      %swap3A_2542 = arith.index_cast %swap3A_2540 : i32 to index
      %swap3A_2543 = arith.constant 16 : index
      %swap3A_2544 = tpu.vector_load %arg7[%swap3A_2541, %swap3A_2542, %swap3A_2543] {strides = array<i32>} : memref<5x8x50xf32, #tpu.memory_space<vmem>>, vector<1x1x16xf32>,
      %swap3A_2545 = vector.shape_cast %swap3A_2544 : vector<1x1x16xf32> to vector<16xf32>
      %swap3A_2546 = vector.shape_cast %get3A_2538 : vector<16xf32> to vector<1x1x16xf32>
      tpu.vector_store %arg7[%swap3A_2541, %swap3A_2542, %swap3A_2543], %swap3A_2546 {strides = array<i32>} : memref<5x8x50xf32, #tpu.memory_space<vmem>>, vector<1x1x16xf32>,
      %get3A_2547 = arith.constant 1 : i32
      %get3A_2548 = arith.constant 3 : i32
      %get3A_2549 = arith.index_cast %get3A_2547 : i32 to index
      %get3A_2550 = arith.index_cast %get3A_2548 : i32 to index
      %get3A_2551 = arith.index_cast %and3A_2514 : i32 to index
      %get3A_2552 = arith.constant 32 : index
      %get3A_2553 = tpu.vector_load %arg6[%get3A_2549, %get3A_2550, %get3A_2551, %get3A_2552] {strides = array<i32>} : memref<2x20x8x50xf32, #tpu.memory_space<vmem>>, vector<1x1x1x16xf32>,
      %get3A_2554 = vector.shape_cast %get3A_2553 : vector<1x1x1x16xf32> to vector<16xf32>
      %swap3A_2555 = arith.constant 3 : i32
      %swap3A_2556 = arith.constant 4 : i32
      %swap3A_2557 = arith.index_cast %swap3A_2555 : i32 to index
      %swap3A_2558 = arith.index_cast %swap3A_2556 : i32 to index
      %swap3A_2559 = arith.constant 32 : index
      %swap3A_2560 = tpu.vector_load %arg7[%swap3A_2557, %swap3A_2558, %swap3A_2559] {strides = array<i32>} : memref<5x8x50xf32, #tpu.memory_space<vmem>>, vector<1x1x16xf32>,
      %swap3A_2561 = vector.shape_cast %swap3A_2560 : vector<1x1x16xf32> to vector<16xf32>
      %swap3A_2562 = vector.shape_cast %get3A_2554 : vector<16xf32> to vector<1x1x16xf32>
      tpu.vector_store %arg7[%swap3A_2557, %swap3A_2558, %swap3A_2559], %swap3A_2562 {strides = array<i32>} : memref<5x8x50xf32, #tpu.memory_space<vmem>>, vector<1x1x16xf32>,
      %get3A_2563 = arith.constant 1 : i32
      %get3A_2564 = arith.constant 3 : i32
      %get3A_2565 = arith.index_cast %get3A_2563 : i32 to index
      %get3A_2566 = arith.index_cast %get3A_2564 : i32 to index
      %get3A_2567 = arith.index_cast %and3A_2514 : i32 to index
      %get3A_2568 = arith.constant 34 : index
      %get3A_2569 = tpu.vector_load %arg6[%get3A_2565, %get3A_2566, %get3A_2567, %get3A_2568] {strides = array<i32>} : memref<2x20x8x50xf32, #tpu.memory_space<vmem>>, vector<1x1x1x16xf32>,
      %get3A_2570 = vector.shape_cast %get3A_2569 : vector<1x1x1x16xf32> to vector<16xf32>
      %swap3A_2571 = arith.constant 3 : i32
      %swap3A_2572 = arith.constant 4 : i32
      %swap3A_2573 = arith.index_cast %swap3A_2571 : i32 to index
      %swap3A_2574 = arith.index_cast %swap3A_2572 : i32 to index
      %swap3A_2575 = arith.constant 34 : index
      %swap3A_2576 = tpu.vector_load %arg7[%swap3A_2573, %swap3A_2574, %swap3A_2575] {strides = array<i32>} : memref<5x8x50xf32, #tpu.memory_space<vmem>>, vector<1x1x16xf32>,
      %swap3A_2577 = vector.shape_cast %swap3A_2576 : vector<1x1x16xf32> to vector<16xf32>
      %swap3A_2578 = vector.shape_cast %get3A_2570 : vector<16xf32> to vector<1x1x16xf32>
      tpu.vector_store %arg7[%swap3A_2573, %swap3A_2574, %swap3A_2575], %swap3A_2578 {strides = array<i32>} : memref<5x8x50xf32, #tpu.memory_space<vmem>>, vector<1x1x16xf32>,
      %and3A_2579 = arith.constant 7 : i32
      %and3A_2580 = arith.andi %squeeze3A_477, %and3A_2579 : i32
      %get3A_2581 = arith.constant 1 : i32
      %get3A_2582 = arith.constant 4 : i32
      %get3A_2583 = arith.index_cast %get3A_2581 : i32 to index
      %get3A_2584 = arith.index_cast %get3A_2582 : i32 to index
      %get3A_2585 = arith.index_cast %and3A_2580 : i32 to index
      %get3A_2586 = arith.constant 0 : index
      %get3A_2587 = tpu.vector_load %arg6[%get3A_2583, %get3A_2584, %get3A_2585, %get3A_2586] {strides = array<i32>} : memref<2x20x8x50xf32, #tpu.memory_space<vmem>>, vector<1x1x1x16xf32>,
      %get3A_2588 = vector.shape_cast %get3A_2587 : vector<1x1x1x16xf32> to vector<16xf32>
      %swap3A_2589 = arith.constant 4 : i32
      %swap3A_2590 = arith.constant 4 : i32
      %swap3A_2591 = arith.index_cast %swap3A_2589 : i32 to index
      %swap3A_2592 = arith.index_cast %swap3A_2590 : i32 to index
      %swap3A_2593 = arith.constant 0 : index
      %swap3A_2594 = tpu.vector_load %arg7[%swap3A_2591, %swap3A_2592, %swap3A_2593] {strides = array<i32>} : memref<5x8x50xf32, #tpu.memory_space<vmem>>, vector<1x1x16xf32>,
      %swap3A_2595 = vector.shape_cast %swap3A_2594 : vector<1x1x16xf32> to vector<16xf32>
      %swap3A_2596 = vector.shape_cast %get3A_2588 : vector<16xf32> to vector<1x1x16xf32>
      tpu.vector_store %arg7[%swap3A_2591, %swap3A_2592, %swap3A_2593], %swap3A_2596 {strides = array<i32>} : memref<5x8x50xf32, #tpu.memory_space<vmem>>, vector<1x1x16xf32>,
      %get3A_2597 = arith.constant 1 : i32
      %get3A_2598 = arith.constant 4 : i32
      %get3A_2599 = arith.index_cast %get3A_2597 : i32 to index
      %get3A_2600 = arith.index_cast %get3A_2598 : i32 to index
      %get3A_2601 = arith.index_cast %and3A_2580 : i32 to index
      %get3A_2602 = arith.constant 16 : index
      %get3A_2603 = tpu.vector_load %arg6[%get3A_2599, %get3A_2600, %get3A_2601, %get3A_2602] {strides = array<i32>} : memref<2x20x8x50xf32, #tpu.memory_space<vmem>>, vector<1x1x1x16xf32>,
      %get3A_2604 = vector.shape_cast %get3A_2603 : vector<1x1x1x16xf32> to vector<16xf32>
      %swap3A_2605 = arith.constant 4 : i32
      %swap3A_2606 = arith.constant 4 : i32
      %swap3A_2607 = arith.index_cast %swap3A_2605 : i32 to index
      %swap3A_2608 = arith.index_cast %swap3A_2606 : i32 to index
      %swap3A_2609 = arith.constant 16 : index
      %swap3A_2610 = tpu.vector_load %arg7[%swap3A_2607, %swap3A_2608, %swap3A_2609] {strides = array<i32>} : memref<5x8x50xf32, #tpu.memory_space<vmem>>, vector<1x1x16xf32>,
      %swap3A_2611 = vector.shape_cast %swap3A_2610 : vector<1x1x16xf32> to vector<16xf32>
      %swap3A_2612 = vector.shape_cast %get3A_2604 : vector<16xf32> to vector<1x1x16xf32>
      tpu.vector_store %arg7[%swap3A_2607, %swap3A_2608, %swap3A_2609], %swap3A_2612 {strides = array<i32>} : memref<5x8x50xf32, #tpu.memory_space<vmem>>, vector<1x1x16xf32>,
      %get3A_2613 = arith.constant 1 : i32
      %get3A_2614 = arith.constant 4 : i32
      %get3A_2615 = arith.index_cast %get3A_2613 : i32 to index
      %get3A_2616 = arith.index_cast %get3A_2614 : i32 to index
      %get3A_2617 = arith.index_cast %and3A_2580 : i32 to index
      %get3A_2618 = arith.constant 32 : index
      %get3A_2619 = tpu.vector_load %arg6[%get3A_2615, %get3A_2616, %get3A_2617, %get3A_2618] {strides = array<i32>} : memref<2x20x8x50xf32, #tpu.memory_space<vmem>>, vector<1x1x1x16xf32>,
      %get3A_2620 = vector.shape_cast %get3A_2619 : vector<1x1x1x16xf32> to vector<16xf32>
      %swap3A_2621 = arith.constant 4 : i32
      %swap3A_2622 = arith.constant 4 : i32
      %swap3A_2623 = arith.index_cast %swap3A_2621 : i32 to index
      %swap3A_2624 = arith.index_cast %swap3A_2622 : i32 to index
      %swap3A_2625 = arith.constant 32 : index
      %swap3A_2626 = tpu.vector_load %arg7[%swap3A_2623, %swap3A_2624, %swap3A_2625] {strides = array<i32>} : memref<5x8x50xf32, #tpu.memory_space<vmem>>, vector<1x1x16xf32>,
      %swap3A_2627 = vector.shape_cast %swap3A_2626 : vector<1x1x16xf32> to vector<16xf32>
      %swap3A_2628 = vector.shape_cast %get3A_2620 : vector<16xf32> to vector<1x1x16xf32>
      tpu.vector_store %arg7[%swap3A_2623, %swap3A_2624, %swap3A_2625], %swap3A_2628 {strides = array<i32>} : memref<5x8x50xf32, #tpu.memory_space<vmem>>, vector<1x1x16xf32>,
      %get3A_2629 = arith.constant 1 : i32
      %get3A_2630 = arith.constant 4 : i32
      %get3A_2631 = arith.index_cast %get3A_2629 : i32 to index
      %get3A_2632 = arith.index_cast %get3A_2630 : i32 to index
      %get3A_2633 = arith.index_cast %and3A_2580 : i32 to index
      %get3A_2634 = arith.constant 34 : index
      %get3A_2635 = tpu.vector_load %arg6[%get3A_2631, %get3A_2632, %get3A_2633, %get3A_2634] {strides = array<i32>} : memref<2x20x8x50xf32, #tpu.memory_space<vmem>>, vector<1x1x1x16xf32>,
      %get3A_2636 = vector.shape_cast %get3A_2635 : vector<1x1x1x16xf32> to vector<16xf32>
      %swap3A_2637 = arith.constant 4 : i32
      %swap3A_2638 = arith.constant 4 : i32
      %swap3A_2639 = arith.index_cast %swap3A_2637 : i32 to index
      %swap3A_2640 = arith.index_cast %swap3A_2638 : i32 to index
      %swap3A_2641 = arith.constant 34 : index
      %swap3A_2642 = tpu.vector_load %arg7[%swap3A_2639, %swap3A_2640, %swap3A_2641] {strides = array<i32>} : memref<5x8x50xf32, #tpu.memory_space<vmem>>, vector<1x1x16xf32>,
      %swap3A_2643 = vector.shape_cast %swap3A_2642 : vector<1x1x16xf32> to vector<16xf32>
      %swap3A_2644 = vector.shape_cast %get3A_2636 : vector<16xf32> to vector<1x1x16xf32>
      tpu.vector_store %arg7[%swap3A_2639, %swap3A_2640, %swap3A_2641], %swap3A_2644 {strides = array<i32>} : memref<5x8x50xf32, #tpu.memory_space<vmem>>, vector<1x1x16xf32>,
      %and3A_2645 = arith.constant 7 : i32
      %and3A_2646 = arith.andi %squeeze3A_479, %and3A_2645 : i32
      %get3A_2647 = arith.constant 1 : i32
      %get3A_2648 = arith.constant 5 : i32
      %get3A_2649 = arith.index_cast %get3A_2647 : i32 to index
      %get3A_2650 = arith.index_cast %get3A_2648 : i32 to index
      %get3A_2651 = arith.index_cast %and3A_2646 : i32 to index
      %get3A_2652 = arith.constant 0 : index
      %get3A_2653 = tpu.vector_load %arg6[%get3A_2649, %get3A_2650, %get3A_2651, %get3A_2652] {strides = array<i32>} : memref<2x20x8x50xf32, #tpu.memory_space<vmem>>, vector<1x1x1x16xf32>,
      %get3A_2654 = vector.shape_cast %get3A_2653 : vector<1x1x1x16xf32> to vector<16xf32>
      %swap3A_2655 = arith.constant 0 : i32
      %swap3A_2656 = arith.constant 5 : i32
      %swap3A_2657 = arith.index_cast %swap3A_2655 : i32 to index
      %swap3A_2658 = arith.index_cast %swap3A_2656 : i32 to index
      %swap3A_2659 = arith.constant 0 : index
      %swap3A_2660 = tpu.vector_load %arg7[%swap3A_2657, %swap3A_2658, %swap3A_2659] {strides = array<i32>} : memref<5x8x50xf32, #tpu.memory_space<vmem>>, vector<1x1x16xf32>,
      %swap3A_2661 = vector.shape_cast %swap3A_2660 : vector<1x1x16xf32> to vector<16xf32>
      %swap3A_2662 = vector.shape_cast %get3A_2654 : vector<16xf32> to vector<1x1x16xf32>
      tpu.vector_store %arg7[%swap3A_2657, %swap3A_2658, %swap3A_2659], %swap3A_2662 {strides = array<i32>} : memref<5x8x50xf32, #tpu.memory_space<vmem>>, vector<1x1x16xf32>,
      %get3A_2663 = arith.constant 1 : i32
      %get3A_2664 = arith.constant 5 : i32
      %get3A_2665 = arith.index_cast %get3A_2663 : i32 to index
      %get3A_2666 = arith.index_cast %get3A_2664 : i32 to index
      %get3A_2667 = arith.index_cast %and3A_2646 : i32 to index
      %get3A_2668 = arith.constant 16 : index
      %get3A_2669 = tpu.vector_load %arg6[%get3A_2665, %get3A_2666, %get3A_2667, %get3A_2668] {strides = array<i32>} : memref<2x20x8x50xf32, #tpu.memory_space<vmem>>, vector<1x1x1x16xf32>,
      %get3A_2670 = vector.shape_cast %get3A_2669 : vector<1x1x1x16xf32> to vector<16xf32>
      %swap3A_2671 = arith.constant 0 : i32
      %swap3A_2672 = arith.constant 5 : i32
      %swap3A_2673 = arith.index_cast %swap3A_2671 : i32 to index
      %swap3A_2674 = arith.index_cast %swap3A_2672 : i32 to index
      %swap3A_2675 = arith.constant 16 : index
      %swap3A_2676 = tpu.vector_load %arg7[%swap3A_2673, %swap3A_2674, %swap3A_2675] {strides = array<i32>} : memref<5x8x50xf32, #tpu.memory_space<vmem>>, vector<1x1x16xf32>,
      %swap3A_2677 = vector.shape_cast %swap3A_2676 : vector<1x1x16xf32> to vector<16xf32>
      %swap3A_2678 = vector.shape_cast %get3A_2670 : vector<16xf32> to vector<1x1x16xf32>
      tpu.vector_store %arg7[%swap3A_2673, %swap3A_2674, %swap3A_2675], %swap3A_2678 {strides = array<i32>} : memref<5x8x50xf32, #tpu.memory_space<vmem>>, vector<1x1x16xf32>,
      %get3A_2679 = arith.constant 1 : i32
      %get3A_2680 = arith.constant 5 : i32
      %get3A_2681 = arith.index_cast %get3A_2679 : i32 to index
      %get3A_2682 = arith.index_cast %get3A_2680 : i32 to index
      %get3A_2683 = arith.index_cast %and3A_2646 : i32 to index
      %get3A_2684 = arith.constant 32 : index
      %get3A_2685 = tpu.vector_load %arg6[%get3A_2681, %get3A_2682, %get3A_2683, %get3A_2684] {strides = array<i32>} : memref<2x20x8x50xf32, #tpu.memory_space<vmem>>, vector<1x1x1x16xf32>,
      %get3A_2686 = vector.shape_cast %get3A_2685 : vector<1x1x1x16xf32> to vector<16xf32>
      %swap3A_2687 = arith.constant 0 : i32
      %swap3A_2688 = arith.constant 5 : i32
      %swap3A_2689 = arith.index_cast %swap3A_2687 : i32 to index
      %swap3A_2690 = arith.index_cast %swap3A_2688 : i32 to index
      %swap3A_2691 = arith.constant 32 : index
      %swap3A_2692 = tpu.vector_load %arg7[%swap3A_2689, %swap3A_2690, %swap3A_2691] {strides = array<i32>} : memref<5x8x50xf32, #tpu.memory_space<vmem>>, vector<1x1x16xf32>,
      %swap3A_2693 = vector.shape_cast %swap3A_2692 : vector<1x1x16xf32> to vector<16xf32>
      %swap3A_2694 = vector.shape_cast %get3A_2686 : vector<16xf32> to vector<1x1x16xf32>
      tpu.vector_store %arg7[%swap3A_2689, %swap3A_2690, %swap3A_2691], %swap3A_2694 {strides = array<i32>} : memref<5x8x50xf32, #tpu.memory_space<vmem>>, vector<1x1x16xf32>,
      %get3A_2695 = arith.constant 1 : i32
      %get3A_2696 = arith.constant 5 : i32
      %get3A_2697 = arith.index_cast %get3A_2695 : i32 to index
      %get3A_2698 = arith.index_cast %get3A_2696 : i32 to index
      %get3A_2699 = arith.index_cast %and3A_2646 : i32 to index
      %get3A_2700 = arith.constant 34 : index
      %get3A_2701 = tpu.vector_load %arg6[%get3A_2697, %get3A_2698, %get3A_2699, %get3A_2700] {strides = array<i32>} : memref<2x20x8x50xf32, #tpu.memory_space<vmem>>, vector<1x1x1x16xf32>,
      %get3A_2702 = vector.shape_cast %get3A_2701 : vector<1x1x1x16xf32> to vector<16xf32>
      %swap3A_2703 = arith.constant 0 : i32
      %swap3A_2704 = arith.constant 5 : i32
      %swap3A_2705 = arith.index_cast %swap3A_2703 : i32 to index
      %swap3A_2706 = arith.index_cast %swap3A_2704 : i32 to index
      %swap3A_2707 = arith.constant 34 : index
      %swap3A_2708 = tpu.vector_load %arg7[%swap3A_2705, %swap3A_2706, %swap3A_2707] {strides = array<i32>} : memref<5x8x50xf32, #tpu.memory_space<vmem>>, vector<1x1x16xf32>,
      %swap3A_2709 = vector.shape_cast %swap3A_2708 : vector<1x1x16xf32> to vector<16xf32>
      %swap3A_2710 = vector.shape_cast %get3A_2702 : vector<16xf32> to vector<1x1x16xf32>
      tpu.vector_store %arg7[%swap3A_2705, %swap3A_2706, %swap3A_2707], %swap3A_2710 {strides = array<i32>} : memref<5x8x50xf32, #tpu.memory_space<vmem>>, vector<1x1x16xf32>,
      %and3A_2711 = arith.constant 7 : i32
      %and3A_2712 = arith.andi %squeeze3A_481, %and3A_2711 : i32
      %get3A_2713 = arith.constant 1 : i32
      %get3A_2714 = arith.constant 6 : i32
      %get3A_2715 = arith.index_cast %get3A_2713 : i32 to index
      %get3A_2716 = arith.index_cast %get3A_2714 : i32 to index
      %get3A_2717 = arith.index_cast %and3A_2712 : i32 to index
      %get3A_2718 = arith.constant 0 : index
      %get3A_2719 = tpu.vector_load %arg6[%get3A_2715, %get3A_2716, %get3A_2717, %get3A_2718] {strides = array<i32>} : memref<2x20x8x50xf32, #tpu.memory_space<vmem>>, vector<1x1x1x16xf32>,
      %get3A_2720 = vector.shape_cast %get3A_2719 : vector<1x1x1x16xf32> to vector<16xf32>
      %swap3A_2721 = arith.constant 1 : i32
      %swap3A_2722 = arith.constant 5 : i32
      %swap3A_2723 = arith.index_cast %swap3A_2721 : i32 to index
      %swap3A_2724 = arith.index_cast %swap3A_2722 : i32 to index
      %swap3A_2725 = arith.constant 0 : index
      %swap3A_2726 = tpu.vector_load %arg7[%swap3A_2723, %swap3A_2724, %swap3A_2725] {strides = array<i32>} : memref<5x8x50xf32, #tpu.memory_space<vmem>>, vector<1x1x16xf32>,
      %swap3A_2727 = vector.shape_cast %swap3A_2726 : vector<1x1x16xf32> to vector<16xf32>
      %swap3A_2728 = vector.shape_cast %get3A_2720 : vector<16xf32> to vector<1x1x16xf32>
      tpu.vector_store %arg7[%swap3A_2723, %swap3A_2724, %swap3A_2725], %swap3A_2728 {strides = array<i32>} : memref<5x8x50xf32, #tpu.memory_space<vmem>>, vector<1x1x16xf32>,
      %get3A_2729 = arith.constant 1 : i32
      %get3A_2730 = arith.constant 6 : i32
      %get3A_2731 = arith.index_cast %get3A_2729 : i32 to index
      %get3A_2732 = arith.index_cast %get3A_2730 : i32 to index
      %get3A_2733 = arith.index_cast %and3A_2712 : i32 to index
      %get3A_2734 = arith.constant 16 : index
      %get3A_2735 = tpu.vector_load %arg6[%get3A_2731, %get3A_2732, %get3A_2733, %get3A_2734] {strides = array<i32>} : memref<2x20x8x50xf32, #tpu.memory_space<vmem>>, vector<1x1x1x16xf32>,
      %get3A_2736 = vector.shape_cast %get3A_2735 : vector<1x1x1x16xf32> to vector<16xf32>
      %swap3A_2737 = arith.constant 1 : i32
      %swap3A_2738 = arith.constant 5 : i32
      %swap3A_2739 = arith.index_cast %swap3A_2737 : i32 to index
      %swap3A_2740 = arith.index_cast %swap3A_2738 : i32 to index
      %swap3A_2741 = arith.constant 16 : index
      %swap3A_2742 = tpu.vector_load %arg7[%swap3A_2739, %swap3A_2740, %swap3A_2741] {strides = array<i32>} : memref<5x8x50xf32, #tpu.memory_space<vmem>>, vector<1x1x16xf32>,
      %swap3A_2743 = vector.shape_cast %swap3A_2742 : vector<1x1x16xf32> to vector<16xf32>
      %swap3A_2744 = vector.shape_cast %get3A_2736 : vector<16xf32> to vector<1x1x16xf32>
      tpu.vector_store %arg7[%swap3A_2739, %swap3A_2740, %swap3A_2741], %swap3A_2744 {strides = array<i32>} : memref<5x8x50xf32, #tpu.memory_space<vmem>>, vector<1x1x16xf32>,
      %get3A_2745 = arith.constant 1 : i32
      %get3A_2746 = arith.constant 6 : i32
      %get3A_2747 = arith.index_cast %get3A_2745 : i32 to index
      %get3A_2748 = arith.index_cast %get3A_2746 : i32 to index
      %get3A_2749 = arith.index_cast %and3A_2712 : i32 to index
      %get3A_2750 = arith.constant 32 : index
      %get3A_2751 = tpu.vector_load %arg6[%get3A_2747, %get3A_2748, %get3A_2749, %get3A_2750] {strides = array<i32>} : memref<2x20x8x50xf32, #tpu.memory_space<vmem>>, vector<1x1x1x16xf32>,
      %get3A_2752 = vector.shape_cast %get3A_2751 : vector<1x1x1x16xf32> to vector<16xf32>
      %swap3A_2753 = arith.constant 1 : i32
      %swap3A_2754 = arith.constant 5 : i32
      %swap3A_2755 = arith.index_cast %swap3A_2753 : i32 to index
      %swap3A_2756 = arith.index_cast %swap3A_2754 : i32 to index
      %swap3A_2757 = arith.constant 32 : index
      %swap3A_2758 = tpu.vector_load %arg7[%swap3A_2755, %swap3A_2756, %swap3A_2757] {strides = array<i32>} : memref<5x8x50xf32, #tpu.memory_space<vmem>>, vector<1x1x16xf32>,
      %swap3A_2759 = vector.shape_cast %swap3A_2758 : vector<1x1x16xf32> to vector<16xf32>
      %swap3A_2760 = vector.shape_cast %get3A_2752 : vector<16xf32> to vector<1x1x16xf32>
      tpu.vector_store %arg7[%swap3A_2755, %swap3A_2756, %swap3A_2757], %swap3A_2760 {strides = array<i32>} : memref<5x8x50xf32, #tpu.memory_space<vmem>>, vector<1x1x16xf32>,
      %get3A_2761 = arith.constant 1 : i32
      %get3A_2762 = arith.constant 6 : i32
      %get3A_2763 = arith.index_cast %get3A_2761 : i32 to index
      %get3A_2764 = arith.index_cast %get3A_2762 : i32 to index
      %get3A_2765 = arith.index_cast %and3A_2712 : i32 to index
      %get3A_2766 = arith.constant 34 : index
      %get3A_2767 = tpu.vector_load %arg6[%get3A_2763, %get3A_2764, %get3A_2765, %get3A_2766] {strides = array<i32>} : memref<2x20x8x50xf32, #tpu.memory_space<vmem>>, vector<1x1x1x16xf32>,
      %get3A_2768 = vector.shape_cast %get3A_2767 : vector<1x1x1x16xf32> to vector<16xf32>
      %swap3A_2769 = arith.constant 1 : i32
      %swap3A_2770 = arith.constant 5 : i32
      %swap3A_2771 = arith.index_cast %swap3A_2769 : i32 to index
      %swap3A_2772 = arith.index_cast %swap3A_2770 : i32 to index
      %swap3A_2773 = arith.constant 34 : index
      %swap3A_2774 = tpu.vector_load %arg7[%swap3A_2771, %swap3A_2772, %swap3A_2773] {strides = array<i32>} : memref<5x8x50xf32, #tpu.memory_space<vmem>>, vector<1x1x16xf32>,
      %swap3A_2775 = vector.shape_cast %swap3A_2774 : vector<1x1x16xf32> to vector<16xf32>
      %swap3A_2776 = vector.shape_cast %get3A_2768 : vector<16xf32> to vector<1x1x16xf32>
      tpu.vector_store %arg7[%swap3A_2771, %swap3A_2772, %swap3A_2773], %swap3A_2776 {strides = array<i32>} : memref<5x8x50xf32, #tpu.memory_space<vmem>>, vector<1x1x16xf32>,
      %and3A_2777 = arith.constant 7 : i32
      %and3A_2778 = arith.andi %squeeze3A_483, %and3A_2777 : i32
      %get3A_2779 = arith.constant 1 : i32
      %get3A_2780 = arith.constant 7 : i32
      %get3A_2781 = arith.index_cast %get3A_2779 : i32 to index
      %get3A_2782 = arith.index_cast %get3A_2780 : i32 to index
      %get3A_2783 = arith.index_cast %and3A_2778 : i32 to index
      %get3A_2784 = arith.constant 0 : index
      %get3A_2785 = tpu.vector_load %arg6[%get3A_2781, %get3A_2782, %get3A_2783, %get3A_2784] {strides = array<i32>} : memref<2x20x8x50xf32, #tpu.memory_space<vmem>>, vector<1x1x1x16xf32>,
      %get3A_2786 = vector.shape_cast %get3A_2785 : vector<1x1x1x16xf32> to vector<16xf32>
      %swap3A_2787 = arith.constant 2 : i32
      %swap3A_2788 = arith.constant 5 : i32
      %swap3A_2789 = arith.index_cast %swap3A_2787 : i32 to index
      %swap3A_2790 = arith.index_cast %swap3A_2788 : i32 to index
      %swap3A_2791 = arith.constant 0 : index
      %swap3A_2792 = tpu.vector_load %arg7[%swap3A_2789, %swap3A_2790, %swap3A_2791] {strides = array<i32>} : memref<5x8x50xf32, #tpu.memory_space<vmem>>, vector<1x1x16xf32>,
      %swap3A_2793 = vector.shape_cast %swap3A_2792 : vector<1x1x16xf32> to vector<16xf32>
      %swap3A_2794 = vector.shape_cast %get3A_2786 : vector<16xf32> to vector<1x1x16xf32>
      tpu.vector_store %arg7[%swap3A_2789, %swap3A_2790, %swap3A_2791], %swap3A_2794 {strides = array<i32>} : memref<5x8x50xf32, #tpu.memory_space<vmem>>, vector<1x1x16xf32>,
      %get3A_2795 = arith.constant 1 : i32
      %get3A_2796 = arith.constant 7 : i32
      %get3A_2797 = arith.index_cast %get3A_2795 : i32 to index
      %get3A_2798 = arith.index_cast %get3A_2796 : i32 to index
      %get3A_2799 = arith.index_cast %and3A_2778 : i32 to index
      %get3A_2800 = arith.constant 16 : index
      %get3A_2801 = tpu.vector_load %arg6[%get3A_2797, %get3A_2798, %get3A_2799, %get3A_2800] {strides = array<i32>} : memref<2x20x8x50xf32, #tpu.memory_space<vmem>>, vector<1x1x1x16xf32>,
      %get3A_2802 = vector.shape_cast %get3A_2801 : vector<1x1x1x16xf32> to vector<16xf32>
      %swap3A_2803 = arith.constant 2 : i32
      %swap3A_2804 = arith.constant 5 : i32
      %swap3A_2805 = arith.index_cast %swap3A_2803 : i32 to index
      %swap3A_2806 = arith.index_cast %swap3A_2804 : i32 to index
      %swap3A_2807 = arith.constant 16 : index
      %swap3A_2808 = tpu.vector_load %arg7[%swap3A_2805, %swap3A_2806, %swap3A_2807] {strides = array<i32>} : memref<5x8x50xf32, #tpu.memory_space<vmem>>, vector<1x1x16xf32>,
      %swap3A_2809 = vector.shape_cast %swap3A_2808 : vector<1x1x16xf32> to vector<16xf32>
      %swap3A_2810 = vector.shape_cast %get3A_2802 : vector<16xf32> to vector<1x1x16xf32>
      tpu.vector_store %arg7[%swap3A_2805, %swap3A_2806, %swap3A_2807], %swap3A_2810 {strides = array<i32>} : memref<5x8x50xf32, #tpu.memory_space<vmem>>, vector<1x1x16xf32>,
      %get3A_2811 = arith.constant 1 : i32
      %get3A_2812 = arith.constant 7 : i32
      %get3A_2813 = arith.index_cast %get3A_2811 : i32 to index
      %get3A_2814 = arith.index_cast %get3A_2812 : i32 to index
      %get3A_2815 = arith.index_cast %and3A_2778 : i32 to index
      %get3A_2816 = arith.constant 32 : index
      %get3A_2817 = tpu.vector_load %arg6[%get3A_2813, %get3A_2814, %get3A_2815, %get3A_2816] {strides = array<i32>} : memref<2x20x8x50xf32, #tpu.memory_space<vmem>>, vector<1x1x1x16xf32>,
      %get3A_2818 = vector.shape_cast %get3A_2817 : vector<1x1x1x16xf32> to vector<16xf32>
      %swap3A_2819 = arith.constant 2 : i32
      %swap3A_2820 = arith.constant 5 : i32
      %swap3A_2821 = arith.index_cast %swap3A_2819 : i32 to index
      %swap3A_2822 = arith.index_cast %swap3A_2820 : i32 to index
      %swap3A_2823 = arith.constant 32 : index
      %swap3A_2824 = tpu.vector_load %arg7[%swap3A_2821, %swap3A_2822, %swap3A_2823] {strides = array<i32>} : memref<5x8x50xf32, #tpu.memory_space<vmem>>, vector<1x1x16xf32>,
      %swap3A_2825 = vector.shape_cast %swap3A_2824 : vector<1x1x16xf32> to vector<16xf32>
      %swap3A_2826 = vector.shape_cast %get3A_2818 : vector<16xf32> to vector<1x1x16xf32>
      tpu.vector_store %arg7[%swap3A_2821, %swap3A_2822, %swap3A_2823], %swap3A_2826 {strides = array<i32>} : memref<5x8x50xf32, #tpu.memory_space<vmem>>, vector<1x1x16xf32>,
      %get3A_2827 = arith.constant 1 : i32
      %get3A_2828 = arith.constant 7 : i32
      %get3A_2829 = arith.index_cast %get3A_2827 : i32 to index
      %get3A_2830 = arith.index_cast %get3A_2828 : i32 to index
      %get3A_2831 = arith.index_cast %and3A_2778 : i32 to index
      %get3A_2832 = arith.constant 34 : index
      %get3A_2833 = tpu.vector_load %arg6[%get3A_2829, %get3A_2830, %get3A_2831, %get3A_2832] {strides = array<i32>} : memref<2x20x8x50xf32, #tpu.memory_space<vmem>>, vector<1x1x1x16xf32>,
      %get3A_2834 = vector.shape_cast %get3A_2833 : vector<1x1x1x16xf32> to vector<16xf32>
      %swap3A_2835 = arith.constant 2 : i32
      %swap3A_2836 = arith.constant 5 : i32
      %swap3A_2837 = arith.index_cast %swap3A_2835 : i32 to index
      %swap3A_2838 = arith.index_cast %swap3A_2836 : i32 to index
      %swap3A_2839 = arith.constant 34 : index
      %swap3A_2840 = tpu.vector_load %arg7[%swap3A_2837, %swap3A_2838, %swap3A_2839] {strides = array<i32>} : memref<5x8x50xf32, #tpu.memory_space<vmem>>, vector<1x1x16xf32>,
      %swap3A_2841 = vector.shape_cast %swap3A_2840 : vector<1x1x16xf32> to vector<16xf32>
      %swap3A_2842 = vector.shape_cast %get3A_2834 : vector<16xf32> to vector<1x1x16xf32>
      tpu.vector_store %arg7[%swap3A_2837, %swap3A_2838, %swap3A_2839], %swap3A_2842 {strides = array<i32>} : memref<5x8x50xf32, #tpu.memory_space<vmem>>, vector<1x1x16xf32>,
      %and3A_2843 = arith.constant 7 : i32
      %and3A_2844 = arith.andi %squeeze3A_485, %and3A_2843 : i32
      %get3A_2845 = arith.constant 1 : i32
      %get3A_2846 = arith.constant 8 : i32
      %get3A_2847 = arith.index_cast %get3A_2845 : i32 to index
      %get3A_2848 = arith.index_cast %get3A_2846 : i32 to index
      %get3A_2849 = arith.index_cast %and3A_2844 : i32 to index
      %get3A_2850 = arith.constant 0 : index
      %get3A_2851 = tpu.vector_load %arg6[%get3A_2847, %get3A_2848, %get3A_2849, %get3A_2850] {strides = array<i32>} : memref<2x20x8x50xf32, #tpu.memory_space<vmem>>, vector<1x1x1x16xf32>,
      %get3A_2852 = vector.shape_cast %get3A_2851 : vector<1x1x1x16xf32> to vector<16xf32>
      %swap3A_2853 = arith.constant 3 : i32
      %swap3A_2854 = arith.constant 5 : i32
      %swap3A_2855 = arith.index_cast %swap3A_2853 : i32 to index
      %swap3A_2856 = arith.index_cast %swap3A_2854 : i32 to index
      %swap3A_2857 = arith.constant 0 : index
      %swap3A_2858 = tpu.vector_load %arg7[%swap3A_2855, %swap3A_2856, %swap3A_2857] {strides = array<i32>} : memref<5x8x50xf32, #tpu.memory_space<vmem>>, vector<1x1x16xf32>,
      %swap3A_2859 = vector.shape_cast %swap3A_2858 : vector<1x1x16xf32> to vector<16xf32>
      %swap3A_2860 = vector.shape_cast %get3A_2852 : vector<16xf32> to vector<1x1x16xf32>
      tpu.vector_store %arg7[%swap3A_2855, %swap3A_2856, %swap3A_2857], %swap3A_2860 {strides = array<i32>} : memref<5x8x50xf32, #tpu.memory_space<vmem>>, vector<1x1x16xf32>,
      %get3A_2861 = arith.constant 1 : i32
      %get3A_2862 = arith.constant 8 : i32
      %get3A_2863 = arith.index_cast %get3A_2861 : i32 to index
      %get3A_2864 = arith.index_cast %get3A_2862 : i32 to index
      %get3A_2865 = arith.index_cast %and3A_2844 : i32 to index
      %get3A_2866 = arith.constant 16 : index
      %get3A_2867 = tpu.vector_load %arg6[%get3A_2863, %get3A_2864, %get3A_2865, %get3A_2866] {strides = array<i32>} : memref<2x20x8x50xf32, #tpu.memory_space<vmem>>, vector<1x1x1x16xf32>,
      %get3A_2868 = vector.shape_cast %get3A_2867 : vector<1x1x1x16xf32> to vector<16xf32>
      %swap3A_2869 = arith.constant 3 : i32
      %swap3A_2870 = arith.constant 5 : i32
      %swap3A_2871 = arith.index_cast %swap3A_2869 : i32 to index
      %swap3A_2872 = arith.index_cast %swap3A_2870 : i32 to index
      %swap3A_2873 = arith.constant 16 : index
      %swap3A_2874 = tpu.vector_load %arg7[%swap3A_2871, %swap3A_2872, %swap3A_2873] {strides = array<i32>} : memref<5x8x50xf32, #tpu.memory_space<vmem>>, vector<1x1x16xf32>,
      %swap3A_2875 = vector.shape_cast %swap3A_2874 : vector<1x1x16xf32> to vector<16xf32>
      %swap3A_2876 = vector.shape_cast %get3A_2868 : vector<16xf32> to vector<1x1x16xf32>
      tpu.vector_store %arg7[%swap3A_2871, %swap3A_2872, %swap3A_2873], %swap3A_2876 {strides = array<i32>} : memref<5x8x50xf32, #tpu.memory_space<vmem>>, vector<1x1x16xf32>,
      %get3A_2877 = arith.constant 1 : i32
      %get3A_2878 = arith.constant 8 : i32
      %get3A_2879 = arith.index_cast %get3A_2877 : i32 to index
      %get3A_2880 = arith.index_cast %get3A_2878 : i32 to index
      %get3A_2881 = arith.index_cast %and3A_2844 : i32 to index
      %get3A_2882 = arith.constant 32 : index
      %get3A_2883 = tpu.vector_load %arg6[%get3A_2879, %get3A_2880, %get3A_2881, %get3A_2882] {strides = array<i32>} : memref<2x20x8x50xf32, #tpu.memory_space<vmem>>, vector<1x1x1x16xf32>,
      %get3A_2884 = vector.shape_cast %get3A_2883 : vector<1x1x1x16xf32> to vector<16xf32>
      %swap3A_2885 = arith.constant 3 : i32
      %swap3A_2886 = arith.constant 5 : i32
      %swap3A_2887 = arith.index_cast %swap3A_2885 : i32 to index
      %swap3A_2888 = arith.index_cast %swap3A_2886 : i32 to index
      %swap3A_2889 = arith.constant 32 : index
      %swap3A_2890 = tpu.vector_load %arg7[%swap3A_2887, %swap3A_2888, %swap3A_2889] {strides = array<i32>} : memref<5x8x50xf32, #tpu.memory_space<vmem>>, vector<1x1x16xf32>,
      %swap3A_2891 = vector.shape_cast %swap3A_2890 : vector<1x1x16xf32> to vector<16xf32>
      %swap3A_2892 = vector.shape_cast %get3A_2884 : vector<16xf32> to vector<1x1x16xf32>
      tpu.vector_store %arg7[%swap3A_2887, %swap3A_2888, %swap3A_2889], %swap3A_2892 {strides = array<i32>} : memref<5x8x50xf32, #tpu.memory_space<vmem>>, vector<1x1x16xf32>,
      %get3A_2893 = arith.constant 1 : i32
      %get3A_2894 = arith.constant 8 : i32
      %get3A_2895 = arith.index_cast %get3A_2893 : i32 to index
      %get3A_2896 = arith.index_cast %get3A_2894 : i32 to index
      %get3A_2897 = arith.index_cast %and3A_2844 : i32 to index
      %get3A_2898 = arith.constant 34 : index
      %get3A_2899 = tpu.vector_load %arg6[%get3A_2895, %get3A_2896, %get3A_2897, %get3A_2898] {strides = array<i32>} : memref<2x20x8x50xf32, #tpu.memory_space<vmem>>, vector<1x1x1x16xf32>,
      %get3A_2900 = vector.shape_cast %get3A_2899 : vector<1x1x1x16xf32> to vector<16xf32>
      %swap3A_2901 = arith.constant 3 : i32
      %swap3A_2902 = arith.constant 5 : i32
      %swap3A_2903 = arith.index_cast %swap3A_2901 : i32 to index
      %swap3A_2904 = arith.index_cast %swap3A_2902 : i32 to index
      %swap3A_2905 = arith.constant 34 : index
      %swap3A_2906 = tpu.vector_load %arg7[%swap3A_2903, %swap3A_2904, %swap3A_2905] {strides = array<i32>} : memref<5x8x50xf32, #tpu.memory_space<vmem>>, vector<1x1x16xf32>,
      %swap3A_2907 = vector.shape_cast %swap3A_2906 : vector<1x1x16xf32> to vector<16xf32>
      %swap3A_2908 = vector.shape_cast %get3A_2900 : vector<16xf32> to vector<1x1x16xf32>
      tpu.vector_store %arg7[%swap3A_2903, %swap3A_2904, %swap3A_2905], %swap3A_2908 {strides = array<i32>} : memref<5x8x50xf32, #tpu.memory_space<vmem>>, vector<1x1x16xf32>,
      %and3A_2909 = arith.constant 7 : i32
      %and3A_2910 = arith.andi %squeeze3A_487, %and3A_2909 : i32
      %get3A_2911 = arith.constant 1 : i32
      %get3A_2912 = arith.constant 9 : i32
      %get3A_2913 = arith.index_cast %get3A_2911 : i32 to index
      %get3A_2914 = arith.index_cast %get3A_2912 : i32 to index
      %get3A_2915 = arith.index_cast %and3A_2910 : i32 to index
      %get3A_2916 = arith.constant 0 : index
      %get3A_2917 = tpu.vector_load %arg6[%get3A_2913, %get3A_2914, %get3A_2915, %get3A_2916] {strides = array<i32>} : memref<2x20x8x50xf32, #tpu.memory_space<vmem>>, vector<1x1x1x16xf32>,
      %get3A_2918 = vector.shape_cast %get3A_2917 : vector<1x1x1x16xf32> to vector<16xf32>
      %swap3A_2919 = arith.constant 4 : i32
      %swap3A_2920 = arith.constant 5 : i32
      %swap3A_2921 = arith.index_cast %swap3A_2919 : i32 to index
      %swap3A_2922 = arith.index_cast %swap3A_2920 : i32 to index
      %swap3A_2923 = arith.constant 0 : index
      %swap3A_2924 = tpu.vector_load %arg7[%swap3A_2921, %swap3A_2922, %swap3A_2923] {strides = array<i32>} : memref<5x8x50xf32, #tpu.memory_space<vmem>>, vector<1x1x16xf32>,
      %swap3A_2925 = vector.shape_cast %swap3A_2924 : vector<1x1x16xf32> to vector<16xf32>
      %swap3A_2926 = vector.shape_cast %get3A_2918 : vector<16xf32> to vector<1x1x16xf32>
      tpu.vector_store %arg7[%swap3A_2921, %swap3A_2922, %swap3A_2923], %swap3A_2926 {strides = array<i32>} : memref<5x8x50xf32, #tpu.memory_space<vmem>>, vector<1x1x16xf32>,
      %get3A_2927 = arith.constant 1 : i32
      %get3A_2928 = arith.constant 9 : i32
      %get3A_2929 = arith.index_cast %get3A_2927 : i32 to index
      %get3A_2930 = arith.index_cast %get3A_2928 : i32 to index
      %get3A_2931 = arith.index_cast %and3A_2910 : i32 to index
      %get3A_2932 = arith.constant 16 : index
      %get3A_2933 = tpu.vector_load %arg6[%get3A_2929, %get3A_2930, %get3A_2931, %get3A_2932] {strides = array<i32>} : memref<2x20x8x50xf32, #tpu.memory_space<vmem>>, vector<1x1x1x16xf32>,
      %get3A_2934 = vector.shape_cast %get3A_2933 : vector<1x1x1x16xf32> to vector<16xf32>
      %swap3A_2935 = arith.constant 4 : i32
      %swap3A_2936 = arith.constant 5 : i32
      %swap3A_2937 = arith.index_cast %swap3A_2935 : i32 to index
      %swap3A_2938 = arith.index_cast %swap3A_2936 : i32 to index
      %swap3A_2939 = arith.constant 16 : index
      %swap3A_2940 = tpu.vector_load %arg7[%swap3A_2937, %swap3A_2938, %swap3A_2939] {strides = array<i32>} : memref<5x8x50xf32, #tpu.memory_space<vmem>>, vector<1x1x16xf32>,
      %swap3A_2941 = vector.shape_cast %swap3A_2940 : vector<1x1x16xf32> to vector<16xf32>
      %swap3A_2942 = vector.shape_cast %get3A_2934 : vector<16xf32> to vector<1x1x16xf32>
      tpu.vector_store %arg7[%swap3A_2937, %swap3A_2938, %swap3A_2939], %swap3A_2942 {strides = array<i32>} : memref<5x8x50xf32, #tpu.memory_space<vmem>>, vector<1x1x16xf32>,
      %get3A_2943 = arith.constant 1 : i32
      %get3A_2944 = arith.constant 9 : i32
      %get3A_2945 = arith.index_cast %get3A_2943 : i32 to index
      %get3A_2946 = arith.index_cast %get3A_2944 : i32 to index
      %get3A_2947 = arith.index_cast %and3A_2910 : i32 to index
      %get3A_2948 = arith.constant 32 : index
      %get3A_2949 = tpu.vector_load %arg6[%get3A_2945, %get3A_2946, %get3A_2947, %get3A_2948] {strides = array<i32>} : memref<2x20x8x50xf32, #tpu.memory_space<vmem>>, vector<1x1x1x16xf32>,
      %get3A_2950 = vector.shape_cast %get3A_2949 : vector<1x1x1x16xf32> to vector<16xf32>
      %swap3A_2951 = arith.constant 4 : i32
      %swap3A_2952 = arith.constant 5 : i32
      %swap3A_2953 = arith.index_cast %swap3A_2951 : i32 to index
      %swap3A_2954 = arith.index_cast %swap3A_2952 : i32 to index
      %swap3A_2955 = arith.constant 32 : index
      %swap3A_2956 = tpu.vector_load %arg7[%swap3A_2953, %swap3A_2954, %swap3A_2955] {strides = array<i32>} : memref<5x8x50xf32, #tpu.memory_space<vmem>>, vector<1x1x16xf32>,
      %swap3A_2957 = vector.shape_cast %swap3A_2956 : vector<1x1x16xf32> to vector<16xf32>
      %swap3A_2958 = vector.shape_cast %get3A_2950 : vector<16xf32> to vector<1x1x16xf32>
      tpu.vector_store %arg7[%swap3A_2953, %swap3A_2954, %swap3A_2955], %swap3A_2958 {strides = array<i32>} : memref<5x8x50xf32, #tpu.memory_space<vmem>>, vector<1x1x16xf32>,
      %get3A_2959 = arith.constant 1 : i32
      %get3A_2960 = arith.constant 9 : i32
      %get3A_2961 = arith.index_cast %get3A_2959 : i32 to index
      %get3A_2962 = arith.index_cast %get3A_2960 : i32 to index
      %get3A_2963 = arith.index_cast %and3A_2910 : i32 to index
      %get3A_2964 = arith.constant 34 : index
      %get3A_2965 = tpu.vector_load %arg6[%get3A_2961, %get3A_2962, %get3A_2963, %get3A_2964] {strides = array<i32>} : memref<2x20x8x50xf32, #tpu.memory_space<vmem>>, vector<1x1x1x16xf32>,
      %get3A_2966 = vector.shape_cast %get3A_2965 : vector<1x1x1x16xf32> to vector<16xf32>
      %swap3A_2967 = arith.constant 4 : i32
      %swap3A_2968 = arith.constant 5 : i32
      %swap3A_2969 = arith.index_cast %swap3A_2967 : i32 to index
      %swap3A_2970 = arith.index_cast %swap3A_2968 : i32 to index
      %swap3A_2971 = arith.constant 34 : index
      %swap3A_2972 = tpu.vector_load %arg7[%swap3A_2969, %swap3A_2970, %swap3A_2971] {strides = array<i32>} : memref<5x8x50xf32, #tpu.memory_space<vmem>>, vector<1x1x16xf32>,
      %swap3A_2973 = vector.shape_cast %swap3A_2972 : vector<1x1x16xf32> to vector<16xf32>
      %swap3A_2974 = vector.shape_cast %get3A_2966 : vector<16xf32> to vector<1x1x16xf32>
      tpu.vector_store %arg7[%swap3A_2969, %swap3A_2970, %swap3A_2971], %swap3A_2974 {strides = array<i32>} : memref<5x8x50xf32, #tpu.memory_space<vmem>>, vector<1x1x16xf32>,
      %and3A_2975 = arith.constant 7 : i32
      %and3A_2976 = arith.andi %squeeze3A_489, %and3A_2975 : i32
      %get3A_2977 = arith.constant 1 : i32
      %get3A_2978 = arith.constant 10 : i32
      %get3A_2979 = arith.index_cast %get3A_2977 : i32 to index
      %get3A_2980 = arith.index_cast %get3A_2978 : i32 to index
      %get3A_2981 = arith.index_cast %and3A_2976 : i32 to index
      %get3A_2982 = arith.constant 0 : index
      %get3A_2983 = tpu.vector_load %arg6[%get3A_2979, %get3A_2980, %get3A_2981, %get3A_2982] {strides = array<i32>} : memref<2x20x8x50xf32, #tpu.memory_space<vmem>>, vector<1x1x1x16xf32>,
      %get3A_2984 = vector.shape_cast %get3A_2983 : vector<1x1x1x16xf32> to vector<16xf32>
      %swap3A_2985 = arith.constant 0 : i32
      %swap3A_2986 = arith.constant 6 : i32
      %swap3A_2987 = arith.index_cast %swap3A_2985 : i32 to index
      %swap3A_2988 = arith.index_cast %swap3A_2986 : i32 to index
      %swap3A_2989 = arith.constant 0 : index
      %swap3A_2990 = tpu.vector_load %arg7[%swap3A_2987, %swap3A_2988, %swap3A_2989] {strides = array<i32>} : memref<5x8x50xf32, #tpu.memory_space<vmem>>, vector<1x1x16xf32>,
      %swap3A_2991 = vector.shape_cast %swap3A_2990 : vector<1x1x16xf32> to vector<16xf32>
      %swap3A_2992 = vector.shape_cast %get3A_2984 : vector<16xf32> to vector<1x1x16xf32>
      tpu.vector_store %arg7[%swap3A_2987, %swap3A_2988, %swap3A_2989], %swap3A_2992 {strides = array<i32>} : memref<5x8x50xf32, #tpu.memory_space<vmem>>, vector<1x1x16xf32>,
      %get3A_2993 = arith.constant 1 : i32
      %get3A_2994 = arith.constant 10 : i32
      %get3A_2995 = arith.index_cast %get3A_2993 : i32 to index
      %get3A_2996 = arith.index_cast %get3A_2994 : i32 to index
      %get3A_2997 = arith.index_cast %and3A_2976 : i32 to index
      %get3A_2998 = arith.constant 16 : index
      %get3A_2999 = tpu.vector_load %arg6[%get3A_2995, %get3A_2996, %get3A_2997, %get3A_2998] {strides = array<i32>} : memref<2x20x8x50xf32, #tpu.memory_space<vmem>>, vector<1x1x1x16xf32>,
      %get3A_3000 = vector.shape_cast %get3A_2999 : vector<1x1x1x16xf32> to vector<16xf32>
      %swap3A_3001 = arith.constant 0 : i32
      %swap3A_3002 = arith.constant 6 : i32
      %swap3A_3003 = arith.index_cast %swap3A_3001 : i32 to index
      %swap3A_3004 = arith.index_cast %swap3A_3002 : i32 to index
      %swap3A_3005 = arith.constant 16 : index
      %swap3A_3006 = tpu.vector_load %arg7[%swap3A_3003, %swap3A_3004, %swap3A_3005] {strides = array<i32>} : memref<5x8x50xf32, #tpu.memory_space<vmem>>, vector<1x1x16xf32>,
      %swap3A_3007 = vector.shape_cast %swap3A_3006 : vector<1x1x16xf32> to vector<16xf32>
      %swap3A_3008 = vector.shape_cast %get3A_3000 : vector<16xf32> to vector<1x1x16xf32>
      tpu.vector_store %arg7[%swap3A_3003, %swap3A_3004, %swap3A_3005], %swap3A_3008 {strides = array<i32>} : memref<5x8x50xf32, #tpu.memory_space<vmem>>, vector<1x1x16xf32>,
      %get3A_3009 = arith.constant 1 : i32
      %get3A_3010 = arith.constant 10 : i32
      %get3A_3011 = arith.index_cast %get3A_3009 : i32 to index
      %get3A_3012 = arith.index_cast %get3A_3010 : i32 to index
      %get3A_3013 = arith.index_cast %and3A_2976 : i32 to index
      %get3A_3014 = arith.constant 32 : index
      %get3A_3015 = tpu.vector_load %arg6[%get3A_3011, %get3A_3012, %get3A_3013, %get3A_3014] {strides = array<i32>} : memref<2x20x8x50xf32, #tpu.memory_space<vmem>>, vector<1x1x1x16xf32>,
      %get3A_3016 = vector.shape_cast %get3A_3015 : vector<1x1x1x16xf32> to vector<16xf32>
      %swap3A_3017 = arith.constant 0 : i32
      %swap3A_3018 = arith.constant 6 : i32
      %swap3A_3019 = arith.index_cast %swap3A_3017 : i32 to index
      %swap3A_3020 = arith.index_cast %swap3A_3018 : i32 to index
      %swap3A_3021 = arith.constant 32 : index
      %swap3A_3022 = tpu.vector_load %arg7[%swap3A_3019, %swap3A_3020, %swap3A_3021] {strides = array<i32>} : memref<5x8x50xf32, #tpu.memory_space<vmem>>, vector<1x1x16xf32>,
      %swap3A_3023 = vector.shape_cast %swap3A_3022 : vector<1x1x16xf32> to vector<16xf32>
      %swap3A_3024 = vector.shape_cast %get3A_3016 : vector<16xf32> to vector<1x1x16xf32>
      tpu.vector_store %arg7[%swap3A_3019, %swap3A_3020, %swap3A_3021], %swap3A_3024 {strides = array<i32>} : memref<5x8x50xf32, #tpu.memory_space<vmem>>, vector<1x1x16xf32>,
      %get3A_3025 = arith.constant 1 : i32
      %get3A_3026 = arith.constant 10 : i32
      %get3A_3027 = arith.index_cast %get3A_3025 : i32 to index
      %get3A_3028 = arith.index_cast %get3A_3026 : i32 to index
      %get3A_3029 = arith.index_cast %and3A_2976 : i32 to index
      %get3A_3030 = arith.constant 34 : index
      %get3A_3031 = tpu.vector_load %arg6[%get3A_3027, %get3A_3028, %get3A_3029, %get3A_3030] {strides = array<i32>} : memref<2x20x8x50xf32, #tpu.memory_space<vmem>>, vector<1x1x1x16xf32>,
      %get3A_3032 = vector.shape_cast %get3A_3031 : vector<1x1x1x16xf32> to vector<16xf32>
      %swap3A_3033 = arith.constant 0 : i32
      %swap3A_3034 = arith.constant 6 : i32
      %swap3A_3035 = arith.index_cast %swap3A_3033 : i32 to index
      %swap3A_3036 = arith.index_cast %swap3A_3034 : i32 to index
      %swap3A_3037 = arith.constant 34 : index
      %swap3A_3038 = tpu.vector_load %arg7[%swap3A_3035, %swap3A_3036, %swap3A_3037] {strides = array<i32>} : memref<5x8x50xf32, #tpu.memory_space<vmem>>, vector<1x1x16xf32>,
      %swap3A_3039 = vector.shape_cast %swap3A_3038 : vector<1x1x16xf32> to vector<16xf32>
      %swap3A_3040 = vector.shape_cast %get3A_3032 : vector<16xf32> to vector<1x1x16xf32>
      tpu.vector_store %arg7[%swap3A_3035, %swap3A_3036, %swap3A_3037], %swap3A_3040 {strides = array<i32>} : memref<5x8x50xf32, #tpu.memory_space<vmem>>, vector<1x1x16xf32>,
      %and3A_3041 = arith.constant 7 : i32
      %and3A_3042 = arith.andi %squeeze3A_491, %and3A_3041 : i32
      %get3A_3043 = arith.constant 1 : i32
      %get3A_3044 = arith.constant 11 : i32
      %get3A_3045 = arith.index_cast %get3A_3043 : i32 to index
      %get3A_3046 = arith.index_cast %get3A_3044 : i32 to index
      %get3A_3047 = arith.index_cast %and3A_3042 : i32 to index
      %get3A_3048 = arith.constant 0 : index
      %get3A_3049 = tpu.vector_load %arg6[%get3A_3045, %get3A_3046, %get3A_3047, %get3A_3048] {strides = array<i32>} : memref<2x20x8x50xf32, #tpu.memory_space<vmem>>, vector<1x1x1x16xf32>,
      %get3A_3050 = vector.shape_cast %get3A_3049 : vector<1x1x1x16xf32> to vector<16xf32>
      %swap3A_3051 = arith.constant 1 : i32
      %swap3A_3052 = arith.constant 6 : i32
      %swap3A_3053 = arith.index_cast %swap3A_3051 : i32 to index
      %swap3A_3054 = arith.index_cast %swap3A_3052 : i32 to index
      %swap3A_3055 = arith.constant 0 : index
      %swap3A_3056 = tpu.vector_load %arg7[%swap3A_3053, %swap3A_3054, %swap3A_3055] {strides = array<i32>} : memref<5x8x50xf32, #tpu.memory_space<vmem>>, vector<1x1x16xf32>,
      %swap3A_3057 = vector.shape_cast %swap3A_3056 : vector<1x1x16xf32> to vector<16xf32>
      %swap3A_3058 = vector.shape_cast %get3A_3050 : vector<16xf32> to vector<1x1x16xf32>
      tpu.vector_store %arg7[%swap3A_3053, %swap3A_3054, %swap3A_3055], %swap3A_3058 {strides = array<i32>} : memref<5x8x50xf32, #tpu.memory_space<vmem>>, vector<1x1x16xf32>,
      %get3A_3059 = arith.constant 1 : i32
      %get3A_3060 = arith.constant 11 : i32
      %get3A_3061 = arith.index_cast %get3A_3059 : i32 to index
      %get3A_3062 = arith.index_cast %get3A_3060 : i32 to index
      %get3A_3063 = arith.index_cast %and3A_3042 : i32 to index
      %get3A_3064 = arith.constant 16 : index
      %get3A_3065 = tpu.vector_load %arg6[%get3A_3061, %get3A_3062, %get3A_3063, %get3A_3064] {strides = array<i32>} : memref<2x20x8x50xf32, #tpu.memory_space<vmem>>, vector<1x1x1x16xf32>,
      %get3A_3066 = vector.shape_cast %get3A_3065 : vector<1x1x1x16xf32> to vector<16xf32>
      %swap3A_3067 = arith.constant 1 : i32
      %swap3A_3068 = arith.constant 6 : i32
      %swap3A_3069 = arith.index_cast %swap3A_3067 : i32 to index
      %swap3A_3070 = arith.index_cast %swap3A_3068 : i32 to index
      %swap3A_3071 = arith.constant 16 : index
      %swap3A_3072 = tpu.vector_load %arg7[%swap3A_3069, %swap3A_3070, %swap3A_3071] {strides = array<i32>} : memref<5x8x50xf32, #tpu.memory_space<vmem>>, vector<1x1x16xf32>,
      %swap3A_3073 = vector.shape_cast %swap3A_3072 : vector<1x1x16xf32> to vector<16xf32>
      %swap3A_3074 = vector.shape_cast %get3A_3066 : vector<16xf32> to vector<1x1x16xf32>
      tpu.vector_store %arg7[%swap3A_3069, %swap3A_3070, %swap3A_3071], %swap3A_3074 {strides = array<i32>} : memref<5x8x50xf32, #tpu.memory_space<vmem>>, vector<1x1x16xf32>,
      %get3A_3075 = arith.constant 1 : i32
      %get3A_3076 = arith.constant 11 : i32
      %get3A_3077 = arith.index_cast %get3A_3075 : i32 to index
      %get3A_3078 = arith.index_cast %get3A_3076 : i32 to index
      %get3A_3079 = arith.index_cast %and3A_3042 : i32 to index
      %get3A_3080 = arith.constant 32 : index
      %get3A_3081 = tpu.vector_load %arg6[%get3A_3077, %get3A_3078, %get3A_3079, %get3A_3080] {strides = array<i32>} : memref<2x20x8x50xf32, #tpu.memory_space<vmem>>, vector<1x1x1x16xf32>,
      %get3A_3082 = vector.shape_cast %get3A_3081 : vector<1x1x1x16xf32> to vector<16xf32>
      %swap3A_3083 = arith.constant 1 : i32
      %swap3A_3084 = arith.constant 6 : i32
      %swap3A_3085 = arith.index_cast %swap3A_3083 : i32 to index
      %swap3A_3086 = arith.index_cast %swap3A_3084 : i32 to index
      %swap3A_3087 = arith.constant 32 : index
      %swap3A_3088 = tpu.vector_load %arg7[%swap3A_3085, %swap3A_3086, %swap3A_3087] {strides = array<i32>} : memref<5x8x50xf32, #tpu.memory_space<vmem>>, vector<1x1x16xf32>,
      %swap3A_3089 = vector.shape_cast %swap3A_3088 : vector<1x1x16xf32> to vector<16xf32>
      %swap3A_3090 = vector.shape_cast %get3A_3082 : vector<16xf32> to vector<1x1x16xf32>
      tpu.vector_store %arg7[%swap3A_3085, %swap3A_3086, %swap3A_3087], %swap3A_3090 {strides = array<i32>} : memref<5x8x50xf32, #tpu.memory_space<vmem>>, vector<1x1x16xf32>,
      %get3A_3091 = arith.constant 1 : i32
      %get3A_3092 = arith.constant 11 : i32
      %get3A_3093 = arith.index_cast %get3A_3091 : i32 to index
      %get3A_3094 = arith.index_cast %get3A_3092 : i32 to index
      %get3A_3095 = arith.index_cast %and3A_3042 : i32 to index
      %get3A_3096 = arith.constant 34 : index
      %get3A_3097 = tpu.vector_load %arg6[%get3A_3093, %get3A_3094, %get3A_3095, %get3A_3096] {strides = array<i32>} : memref<2x20x8x50xf32, #tpu.memory_space<vmem>>, vector<1x1x1x16xf32>,
      %get3A_3098 = vector.shape_cast %get3A_3097 : vector<1x1x1x16xf32> to vector<16xf32>
      %swap3A_3099 = arith.constant 1 : i32
      %swap3A_3100 = arith.constant 6 : i32
      %swap3A_3101 = arith.index_cast %swap3A_3099 : i32 to index
      %swap3A_3102 = arith.index_cast %swap3A_3100 : i32 to index
      %swap3A_3103 = arith.constant 34 : index
      %swap3A_3104 = tpu.vector_load %arg7[%swap3A_3101, %swap3A_3102, %swap3A_3103] {strides = array<i32>} : memref<5x8x50xf32, #tpu.memory_space<vmem>>, vector<1x1x16xf32>,
      %swap3A_3105 = vector.shape_cast %swap3A_3104 : vector<1x1x16xf32> to vector<16xf32>
      %swap3A_3106 = vector.shape_cast %get3A_3098 : vector<16xf32> to vector<1x1x16xf32>
      tpu.vector_store %arg7[%swap3A_3101, %swap3A_3102, %swap3A_3103], %swap3A_3106 {strides = array<i32>} : memref<5x8x50xf32, #tpu.memory_space<vmem>>, vector<1x1x16xf32>,
      %and3A_3107 = arith.constant 7 : i32
      %and3A_3108 = arith.andi %squeeze3A_493, %and3A_3107 : i32
      %get3A_3109 = arith.constant 1 : i32
      %get3A_3110 = arith.constant 12 : i32
      %get3A_3111 = arith.index_cast %get3A_3109 : i32 to index
      %get3A_3112 = arith.index_cast %get3A_3110 : i32 to index
      %get3A_3113 = arith.index_cast %and3A_3108 : i32 to index
      %get3A_3114 = arith.constant 0 : index
      %get3A_3115 = tpu.vector_load %arg6[%get3A_3111, %get3A_3112, %get3A_3113, %get3A_3114] {strides = array<i32>} : memref<2x20x8x50xf32, #tpu.memory_space<vmem>>, vector<1x1x1x16xf32>,
      %get3A_3116 = vector.shape_cast %get3A_3115 : vector<1x1x1x16xf32> to vector<16xf32>
      %swap3A_3117 = arith.constant 2 : i32
      %swap3A_3118 = arith.constant 6 : i32
      %swap3A_3119 = arith.index_cast %swap3A_3117 : i32 to index
      %swap3A_3120 = arith.index_cast %swap3A_3118 : i32 to index
      %swap3A_3121 = arith.constant 0 : index
      %swap3A_3122 = tpu.vector_load %arg7[%swap3A_3119, %swap3A_3120, %swap3A_3121] {strides = array<i32>} : memref<5x8x50xf32, #tpu.memory_space<vmem>>, vector<1x1x16xf32>,
      %swap3A_3123 = vector.shape_cast %swap3A_3122 : vector<1x1x16xf32> to vector<16xf32>
      %swap3A_3124 = vector.shape_cast %get3A_3116 : vector<16xf32> to vector<1x1x16xf32>
      tpu.vector_store %arg7[%swap3A_3119, %swap3A_3120, %swap3A_3121], %swap3A_3124 {strides = array<i32>} : memref<5x8x50xf32, #tpu.memory_space<vmem>>, vector<1x1x16xf32>,
      %get3A_3125 = arith.constant 1 : i32
      %get3A_3126 = arith.constant 12 : i32
      %get3A_3127 = arith.index_cast %get3A_3125 : i32 to index
      %get3A_3128 = arith.index_cast %get3A_3126 : i32 to index
      %get3A_3129 = arith.index_cast %and3A_3108 : i32 to index
      %get3A_3130 = arith.constant 16 : index
      %get3A_3131 = tpu.vector_load %arg6[%get3A_3127, %get3A_3128, %get3A_3129, %get3A_3130] {strides = array<i32>} : memref<2x20x8x50xf32, #tpu.memory_space<vmem>>, vector<1x1x1x16xf32>,
      %get3A_3132 = vector.shape_cast %get3A_3131 : vector<1x1x1x16xf32> to vector<16xf32>
      %swap3A_3133 = arith.constant 2 : i32
      %swap3A_3134 = arith.constant 6 : i32
      %swap3A_3135 = arith.index_cast %swap3A_3133 : i32 to index
      %swap3A_3136 = arith.index_cast %swap3A_3134 : i32 to index
      %swap3A_3137 = arith.constant 16 : index
      %swap3A_3138 = tpu.vector_load %arg7[%swap3A_3135, %swap3A_3136, %swap3A_3137] {strides = array<i32>} : memref<5x8x50xf32, #tpu.memory_space<vmem>>, vector<1x1x16xf32>,
      %swap3A_3139 = vector.shape_cast %swap3A_3138 : vector<1x1x16xf32> to vector<16xf32>
      %swap3A_3140 = vector.shape_cast %get3A_3132 : vector<16xf32> to vector<1x1x16xf32>
      tpu.vector_store %arg7[%swap3A_3135, %swap3A_3136, %swap3A_3137], %swap3A_3140 {strides = array<i32>} : memref<5x8x50xf32, #tpu.memory_space<vmem>>, vector<1x1x16xf32>,
      %get3A_3141 = arith.constant 1 : i32
      %get3A_3142 = arith.constant 12 : i32
      %get3A_3143 = arith.index_cast %get3A_3141 : i32 to index
      %get3A_3144 = arith.index_cast %get3A_3142 : i32 to index
      %get3A_3145 = arith.index_cast %and3A_3108 : i32 to index
      %get3A_3146 = arith.constant 32 : index
      %get3A_3147 = tpu.vector_load %arg6[%get3A_3143, %get3A_3144, %get3A_3145, %get3A_3146] {strides = array<i32>} : memref<2x20x8x50xf32, #tpu.memory_space<vmem>>, vector<1x1x1x16xf32>,
      %get3A_3148 = vector.shape_cast %get3A_3147 : vector<1x1x1x16xf32> to vector<16xf32>
      %swap3A_3149 = arith.constant 2 : i32
      %swap3A_3150 = arith.constant 6 : i32
      %swap3A_3151 = arith.index_cast %swap3A_3149 : i32 to index
      %swap3A_3152 = arith.index_cast %swap3A_3150 : i32 to index
      %swap3A_3153 = arith.constant 32 : index
      %swap3A_3154 = tpu.vector_load %arg7[%swap3A_3151, %swap3A_3152, %swap3A_3153] {strides = array<i32>} : memref<5x8x50xf32, #tpu.memory_space<vmem>>, vector<1x1x16xf32>,
      %swap3A_3155 = vector.shape_cast %swap3A_3154 : vector<1x1x16xf32> to vector<16xf32>
      %swap3A_3156 = vector.shape_cast %get3A_3148 : vector<16xf32> to vector<1x1x16xf32>
      tpu.vector_store %arg7[%swap3A_3151, %swap3A_3152, %swap3A_3153], %swap3A_3156 {strides = array<i32>} : memref<5x8x50xf32, #tpu.memory_space<vmem>>, vector<1x1x16xf32>,
      %get3A_3157 = arith.constant 1 : i32
      %get3A_3158 = arith.constant 12 : i32
      %get3A_3159 = arith.index_cast %get3A_3157 : i32 to index
      %get3A_3160 = arith.index_cast %get3A_3158 : i32 to index
      %get3A_3161 = arith.index_cast %and3A_3108 : i32 to index
      %get3A_3162 = arith.constant 34 : index
      %get3A_3163 = tpu.vector_load %arg6[%get3A_3159, %get3A_3160, %get3A_3161, %get3A_3162] {strides = array<i32>} : memref<2x20x8x50xf32, #tpu.memory_space<vmem>>, vector<1x1x1x16xf32>,
      %get3A_3164 = vector.shape_cast %get3A_3163 : vector<1x1x1x16xf32> to vector<16xf32>
      %swap3A_3165 = arith.constant 2 : i32
      %swap3A_3166 = arith.constant 6 : i32
      %swap3A_3167 = arith.index_cast %swap3A_3165 : i32 to index
      %swap3A_3168 = arith.index_cast %swap3A_3166 : i32 to index
      %swap3A_3169 = arith.constant 34 : index
      %swap3A_3170 = tpu.vector_load %arg7[%swap3A_3167, %swap3A_3168, %swap3A_3169] {strides = array<i32>} : memref<5x8x50xf32, #tpu.memory_space<vmem>>, vector<1x1x16xf32>,
      %swap3A_3171 = vector.shape_cast %swap3A_3170 : vector<1x1x16xf32> to vector<16xf32>
      %swap3A_3172 = vector.shape_cast %get3A_3164 : vector<16xf32> to vector<1x1x16xf32>
      tpu.vector_store %arg7[%swap3A_3167, %swap3A_3168, %swap3A_3169], %swap3A_3172 {strides = array<i32>} : memref<5x8x50xf32, #tpu.memory_space<vmem>>, vector<1x1x16xf32>,
      %and3A_3173 = arith.constant 7 : i32
      %and3A_3174 = arith.andi %squeeze3A_495, %and3A_3173 : i32
      %get3A_3175 = arith.constant 1 : i32
      %get3A_3176 = arith.constant 13 : i32
      %get3A_3177 = arith.index_cast %get3A_3175 : i32 to index
      %get3A_3178 = arith.index_cast %get3A_3176 : i32 to index
      %get3A_3179 = arith.index_cast %and3A_3174 : i32 to index
      %get3A_3180 = arith.constant 0 : index
      %get3A_3181 = tpu.vector_load %arg6[%get3A_3177, %get3A_3178, %get3A_3179, %get3A_3180] {strides = array<i32>} : memref<2x20x8x50xf32, #tpu.memory_space<vmem>>, vector<1x1x1x16xf32>,
      %get3A_3182 = vector.shape_cast %get3A_3181 : vector<1x1x1x16xf32> to vector<16xf32>
      %swap3A_3183 = arith.constant 3 : i32
      %swap3A_3184 = arith.constant 6 : i32
      %swap3A_3185 = arith.index_cast %swap3A_3183 : i32 to index
      %swap3A_3186 = arith.index_cast %swap3A_3184 : i32 to index
      %swap3A_3187 = arith.constant 0 : index
      %swap3A_3188 = tpu.vector_load %arg7[%swap3A_3185, %swap3A_3186, %swap3A_3187] {strides = array<i32>} : memref<5x8x50xf32, #tpu.memory_space<vmem>>, vector<1x1x16xf32>,
      %swap3A_3189 = vector.shape_cast %swap3A_3188 : vector<1x1x16xf32> to vector<16xf32>
      %swap3A_3190 = vector.shape_cast %get3A_3182 : vector<16xf32> to vector<1x1x16xf32>
      tpu.vector_store %arg7[%swap3A_3185, %swap3A_3186, %swap3A_3187], %swap3A_3190 {strides = array<i32>} : memref<5x8x50xf32, #tpu.memory_space<vmem>>, vector<1x1x16xf32>,
      %get3A_3191 = arith.constant 1 : i32
      %get3A_3192 = arith.constant 13 : i32
      %get3A_3193 = arith.index_cast %get3A_3191 : i32 to index
      %get3A_3194 = arith.index_cast %get3A_3192 : i32 to index
      %get3A_3195 = arith.index_cast %and3A_3174 : i32 to index
      %get3A_3196 = arith.constant 16 : index
      %get3A_3197 = tpu.vector_load %arg6[%get3A_3193, %get3A_3194, %get3A_3195, %get3A_3196] {strides = array<i32>} : memref<2x20x8x50xf32, #tpu.memory_space<vmem>>, vector<1x1x1x16xf32>,
      %get3A_3198 = vector.shape_cast %get3A_3197 : vector<1x1x1x16xf32> to vector<16xf32>
      %swap3A_3199 = arith.constant 3 : i32
      %swap3A_3200 = arith.constant 6 : i32
      %swap3A_3201 = arith.index_cast %swap3A_3199 : i32 to index
      %swap3A_3202 = arith.index_cast %swap3A_3200 : i32 to index
      %swap3A_3203 = arith.constant 16 : index
      %swap3A_3204 = tpu.vector_load %arg7[%swap3A_3201, %swap3A_3202, %swap3A_3203] {strides = array<i32>} : memref<5x8x50xf32, #tpu.memory_space<vmem>>, vector<1x1x16xf32>,
      %swap3A_3205 = vector.shape_cast %swap3A_3204 : vector<1x1x16xf32> to vector<16xf32>
      %swap3A_3206 = vector.shape_cast %get3A_3198 : vector<16xf32> to vector<1x1x16xf32>
      tpu.vector_store %arg7[%swap3A_3201, %swap3A_3202, %swap3A_3203], %swap3A_3206 {strides = array<i32>} : memref<5x8x50xf32, #tpu.memory_space<vmem>>, vector<1x1x16xf32>,
      %get3A_3207 = arith.constant 1 : i32
      %get3A_3208 = arith.constant 13 : i32
      %get3A_3209 = arith.index_cast %get3A_3207 : i32 to index
      %get3A_3210 = arith.index_cast %get3A_3208 : i32 to index
      %get3A_3211 = arith.index_cast %and3A_3174 : i32 to index
      %get3A_3212 = arith.constant 32 : index
      %get3A_3213 = tpu.vector_load %arg6[%get3A_3209, %get3A_3210, %get3A_3211, %get3A_3212] {strides = array<i32>} : memref<2x20x8x50xf32, #tpu.memory_space<vmem>>, vector<1x1x1x16xf32>,
      %get3A_3214 = vector.shape_cast %get3A_3213 : vector<1x1x1x16xf32> to vector<16xf32>
      %swap3A_3215 = arith.constant 3 : i32
      %swap3A_3216 = arith.constant 6 : i32
      %swap3A_3217 = arith.index_cast %swap3A_3215 : i32 to index
      %swap3A_3218 = arith.index_cast %swap3A_3216 : i32 to index
      %swap3A_3219 = arith.constant 32 : index
      %swap3A_3220 = tpu.vector_load %arg7[%swap3A_3217, %swap3A_3218, %swap3A_3219] {strides = array<i32>} : memref<5x8x50xf32, #tpu.memory_space<vmem>>, vector<1x1x16xf32>,
      %swap3A_3221 = vector.shape_cast %swap3A_3220 : vector<1x1x16xf32> to vector<16xf32>
      %swap3A_3222 = vector.shape_cast %get3A_3214 : vector<16xf32> to vector<1x1x16xf32>
      tpu.vector_store %arg7[%swap3A_3217, %swap3A_3218, %swap3A_3219], %swap3A_3222 {strides = array<i32>} : memref<5x8x50xf32, #tpu.memory_space<vmem>>, vector<1x1x16xf32>,
      %get3A_3223 = arith.constant 1 : i32
      %get3A_3224 = arith.constant 13 : i32
      %get3A_3225 = arith.index_cast %get3A_3223 : i32 to index
      %get3A_3226 = arith.index_cast %get3A_3224 : i32 to index
      %get3A_3227 = arith.index_cast %and3A_3174 : i32 to index
      %get3A_3228 = arith.constant 34 : index
      %get3A_3229 = tpu.vector_load %arg6[%get3A_3225, %get3A_3226, %get3A_3227, %get3A_3228] {strides = array<i32>} : memref<2x20x8x50xf32, #tpu.memory_space<vmem>>, vector<1x1x1x16xf32>,
      %get3A_3230 = vector.shape_cast %get3A_3229 : vector<1x1x1x16xf32> to vector<16xf32>
      %swap3A_3231 = arith.constant 3 : i32
      %swap3A_3232 = arith.constant 6 : i32
      %swap3A_3233 = arith.index_cast %swap3A_3231 : i32 to index
      %swap3A_3234 = arith.index_cast %swap3A_3232 : i32 to index
      %swap3A_3235 = arith.constant 34 : index
      %swap3A_3236 = tpu.vector_load %arg7[%swap3A_3233, %swap3A_3234, %swap3A_3235] {strides = array<i32>} : memref<5x8x50xf32, #tpu.memory_space<vmem>>, vector<1x1x16xf32>,
      %swap3A_3237 = vector.shape_cast %swap3A_3236 : vector<1x1x16xf32> to vector<16xf32>
      %swap3A_3238 = vector.shape_cast %get3A_3230 : vector<16xf32> to vector<1x1x16xf32>
      tpu.vector_store %arg7[%swap3A_3233, %swap3A_3234, %swap3A_3235], %swap3A_3238 {strides = array<i32>} : memref<5x8x50xf32, #tpu.memory_space<vmem>>, vector<1x1x16xf32>,
      %and3A_3239 = arith.constant 7 : i32
      %and3A_3240 = arith.andi %squeeze3A_497, %and3A_3239 : i32
      %get3A_3241 = arith.constant 1 : i32
      %get3A_3242 = arith.constant 14 : i32
      %get3A_3243 = arith.index_cast %get3A_3241 : i32 to index
      %get3A_3244 = arith.index_cast %get3A_3242 : i32 to index
      %get3A_3245 = arith.index_cast %and3A_3240 : i32 to index
      %get3A_3246 = arith.constant 0 : index
      %get3A_3247 = tpu.vector_load %arg6[%get3A_3243, %get3A_3244, %get3A_3245, %get3A_3246] {strides = array<i32>} : memref<2x20x8x50xf32, #tpu.memory_space<vmem>>, vector<1x1x1x16xf32>,
      %get3A_3248 = vector.shape_cast %get3A_3247 : vector<1x1x1x16xf32> to vector<16xf32>
      %swap3A_3249 = arith.constant 4 : i32
      %swap3A_3250 = arith.constant 6 : i32
      %swap3A_3251 = arith.index_cast %swap3A_3249 : i32 to index
      %swap3A_3252 = arith.index_cast %swap3A_3250 : i32 to index
      %swap3A_3253 = arith.constant 0 : index
      %swap3A_3254 = tpu.vector_load %arg7[%swap3A_3251, %swap3A_3252, %swap3A_3253] {strides = array<i32>} : memref<5x8x50xf32, #tpu.memory_space<vmem>>, vector<1x1x16xf32>,
      %swap3A_3255 = vector.shape_cast %swap3A_3254 : vector<1x1x16xf32> to vector<16xf32>
      %swap3A_3256 = vector.shape_cast %get3A_3248 : vector<16xf32> to vector<1x1x16xf32>
      tpu.vector_store %arg7[%swap3A_3251, %swap3A_3252, %swap3A_3253], %swap3A_3256 {strides = array<i32>} : memref<5x8x50xf32, #tpu.memory_space<vmem>>, vector<1x1x16xf32>,
      %get3A_3257 = arith.constant 1 : i32
      %get3A_3258 = arith.constant 14 : i32
      %get3A_3259 = arith.index_cast %get3A_3257 : i32 to index
      %get3A_3260 = arith.index_cast %get3A_3258 : i32 to index
      %get3A_3261 = arith.index_cast %and3A_3240 : i32 to index
      %get3A_3262 = arith.constant 16 : index
      %get3A_3263 = tpu.vector_load %arg6[%get3A_3259, %get3A_3260, %get3A_3261, %get3A_3262] {strides = array<i32>} : memref<2x20x8x50xf32, #tpu.memory_space<vmem>>, vector<1x1x1x16xf32>,
      %get3A_3264 = vector.shape_cast %get3A_3263 : vector<1x1x1x16xf32> to vector<16xf32>
      %swap3A_3265 = arith.constant 4 : i32
      %swap3A_3266 = arith.constant 6 : i32
      %swap3A_3267 = arith.index_cast %swap3A_3265 : i32 to index
      %swap3A_3268 = arith.index_cast %swap3A_3266 : i32 to index
      %swap3A_3269 = arith.constant 16 : index
      %swap3A_3270 = tpu.vector_load %arg7[%swap3A_3267, %swap3A_3268, %swap3A_3269] {strides = array<i32>} : memref<5x8x50xf32, #tpu.memory_space<vmem>>, vector<1x1x16xf32>,
      %swap3A_3271 = vector.shape_cast %swap3A_3270 : vector<1x1x16xf32> to vector<16xf32>
      %swap3A_3272 = vector.shape_cast %get3A_3264 : vector<16xf32> to vector<1x1x16xf32>
      tpu.vector_store %arg7[%swap3A_3267, %swap3A_3268, %swap3A_3269], %swap3A_3272 {strides = array<i32>} : memref<5x8x50xf32, #tpu.memory_space<vmem>>, vector<1x1x16xf32>,
      %get3A_3273 = arith.constant 1 : i32
      %get3A_3274 = arith.constant 14 : i32
      %get3A_3275 = arith.index_cast %get3A_3273 : i32 to index
      %get3A_3276 = arith.index_cast %get3A_3274 : i32 to index
      %get3A_3277 = arith.index_cast %and3A_3240 : i32 to index
      %get3A_3278 = arith.constant 32 : index
      %get3A_3279 = tpu.vector_load %arg6[%get3A_3275, %get3A_3276, %get3A_3277, %get3A_3278] {strides = array<i32>} : memref<2x20x8x50xf32, #tpu.memory_space<vmem>>, vector<1x1x1x16xf32>,
      %get3A_3280 = vector.shape_cast %get3A_3279 : vector<1x1x1x16xf32> to vector<16xf32>
      %swap3A_3281 = arith.constant 4 : i32
      %swap3A_3282 = arith.constant 6 : i32
      %swap3A_3283 = arith.index_cast %swap3A_3281 : i32 to index
      %swap3A_3284 = arith.index_cast %swap3A_3282 : i32 to index
      %swap3A_3285 = arith.constant 32 : index
      %swap3A_3286 = tpu.vector_load %arg7[%swap3A_3283, %swap3A_3284, %swap3A_3285] {strides = array<i32>} : memref<5x8x50xf32, #tpu.memory_space<vmem>>, vector<1x1x16xf32>,
      %swap3A_3287 = vector.shape_cast %swap3A_3286 : vector<1x1x16xf32> to vector<16xf32>
      %swap3A_3288 = vector.shape_cast %get3A_3280 : vector<16xf32> to vector<1x1x16xf32>
      tpu.vector_store %arg7[%swap3A_3283, %swap3A_3284, %swap3A_3285], %swap3A_3288 {strides = array<i32>} : memref<5x8x50xf32, #tpu.memory_space<vmem>>, vector<1x1x16xf32>,
      %get3A_3289 = arith.constant 1 : i32
      %get3A_3290 = arith.constant 14 : i32
      %get3A_3291 = arith.index_cast %get3A_3289 : i32 to index
      %get3A_3292 = arith.index_cast %get3A_3290 : i32 to index
      %get3A_3293 = arith.index_cast %and3A_3240 : i32 to index
      %get3A_3294 = arith.constant 34 : index
      %get3A_3295 = tpu.vector_load %arg6[%get3A_3291, %get3A_3292, %get3A_3293, %get3A_3294] {strides = array<i32>} : memref<2x20x8x50xf32, #tpu.memory_space<vmem>>, vector<1x1x1x16xf32>,
      %get3A_3296 = vector.shape_cast %get3A_3295 : vector<1x1x1x16xf32> to vector<16xf32>
      %swap3A_3297 = arith.constant 4 : i32
      %swap3A_3298 = arith.constant 6 : i32
      %swap3A_3299 = arith.index_cast %swap3A_3297 : i32 to index
      %swap3A_3300 = arith.index_cast %swap3A_3298 : i32 to index
      %swap3A_3301 = arith.constant 34 : index
      %swap3A_3302 = tpu.vector_load %arg7[%swap3A_3299, %swap3A_3300, %swap3A_3301] {strides = array<i32>} : memref<5x8x50xf32, #tpu.memory_space<vmem>>, vector<1x1x16xf32>,
      %swap3A_3303 = vector.shape_cast %swap3A_3302 : vector<1x1x16xf32> to vector<16xf32>
      %swap3A_3304 = vector.shape_cast %get3A_3296 : vector<16xf32> to vector<1x1x16xf32>
      tpu.vector_store %arg7[%swap3A_3299, %swap3A_3300, %swap3A_3301], %swap3A_3304 {strides = array<i32>} : memref<5x8x50xf32, #tpu.memory_space<vmem>>, vector<1x1x16xf32>,
      %and3A_3305 = arith.constant 7 : i32
      %and3A_3306 = arith.andi %squeeze3A_499, %and3A_3305 : i32
      %get3A_3307 = arith.constant 1 : i32
      %get3A_3308 = arith.constant 15 : i32
      %get3A_3309 = arith.index_cast %get3A_3307 : i32 to index
      %get3A_3310 = arith.index_cast %get3A_3308 : i32 to index
      %get3A_3311 = arith.index_cast %and3A_3306 : i32 to index
      %get3A_3312 = arith.constant 0 : index
      %get3A_3313 = tpu.vector_load %arg6[%get3A_3309, %get3A_3310, %get3A_3311, %get3A_3312] {strides = array<i32>} : memref<2x20x8x50xf32, #tpu.memory_space<vmem>>, vector<1x1x1x16xf32>,
      %get3A_3314 = vector.shape_cast %get3A_3313 : vector<1x1x1x16xf32> to vector<16xf32>
      %swap3A_3315 = arith.constant 0 : i32
      %swap3A_3316 = arith.constant 7 : i32
      %swap3A_3317 = arith.index_cast %swap3A_3315 : i32 to index
      %swap3A_3318 = arith.index_cast %swap3A_3316 : i32 to index
      %swap3A_3319 = arith.constant 0 : index
      %swap3A_3320 = tpu.vector_load %arg7[%swap3A_3317, %swap3A_3318, %swap3A_3319] {strides = array<i32>} : memref<5x8x50xf32, #tpu.memory_space<vmem>>, vector<1x1x16xf32>,
      %swap3A_3321 = vector.shape_cast %swap3A_3320 : vector<1x1x16xf32> to vector<16xf32>
      %swap3A_3322 = vector.shape_cast %get3A_3314 : vector<16xf32> to vector<1x1x16xf32>
      tpu.vector_store %arg7[%swap3A_3317, %swap3A_3318, %swap3A_3319], %swap3A_3322 {strides = array<i32>} : memref<5x8x50xf32, #tpu.memory_space<vmem>>, vector<1x1x16xf32>,
      %get3A_3323 = arith.constant 1 : i32
      %get3A_3324 = arith.constant 15 : i32
      %get3A_3325 = arith.index_cast %get3A_3323 : i32 to index
      %get3A_3326 = arith.index_cast %get3A_3324 : i32 to index
      %get3A_3327 = arith.index_cast %and3A_3306 : i32 to index
      %get3A_3328 = arith.constant 16 : index
      %get3A_3329 = tpu.vector_load %arg6[%get3A_3325, %get3A_3326, %get3A_3327, %get3A_3328] {strides = array<i32>} : memref<2x20x8x50xf32, #tpu.memory_space<vmem>>, vector<1x1x1x16xf32>,
      %get3A_3330 = vector.shape_cast %get3A_3329 : vector<1x1x1x16xf32> to vector<16xf32>
      %swap3A_3331 = arith.constant 0 : i32
      %swap3A_3332 = arith.constant 7 : i32
      %swap3A_3333 = arith.index_cast %swap3A_3331 : i32 to index
      %swap3A_3334 = arith.index_cast %swap3A_3332 : i32 to index
      %swap3A_3335 = arith.constant 16 : index
      %swap3A_3336 = tpu.vector_load %arg7[%swap3A_3333, %swap3A_3334, %swap3A_3335] {strides = array<i32>} : memref<5x8x50xf32, #tpu.memory_space<vmem>>, vector<1x1x16xf32>,
      %swap3A_3337 = vector.shape_cast %swap3A_3336 : vector<1x1x16xf32> to vector<16xf32>
      %swap3A_3338 = vector.shape_cast %get3A_3330 : vector<16xf32> to vector<1x1x16xf32>
      tpu.vector_store %arg7[%swap3A_3333, %swap3A_3334, %swap3A_3335], %swap3A_3338 {strides = array<i32>} : memref<5x8x50xf32, #tpu.memory_space<vmem>>, vector<1x1x16xf32>,
      %get3A_3339 = arith.constant 1 : i32
      %get3A_3340 = arith.constant 15 : i32
      %get3A_3341 = arith.index_cast %get3A_3339 : i32 to index
      %get3A_3342 = arith.index_cast %get3A_3340 : i32 to index
      %get3A_3343 = arith.index_cast %and3A_3306 : i32 to index
      %get3A_3344 = arith.constant 32 : index
      %get3A_3345 = tpu.vector_load %arg6[%get3A_3341, %get3A_3342, %get3A_3343, %get3A_3344] {strides = array<i32>} : memref<2x20x8x50xf32, #tpu.memory_space<vmem>>, vector<1x1x1x16xf32>,
      %get3A_3346 = vector.shape_cast %get3A_3345 : vector<1x1x1x16xf32> to vector<16xf32>
      %swap3A_3347 = arith.constant 0 : i32
      %swap3A_3348 = arith.constant 7 : i32
      %swap3A_3349 = arith.index_cast %swap3A_3347 : i32 to index
      %swap3A_3350 = arith.index_cast %swap3A_3348 : i32 to index
      %swap3A_3351 = arith.constant 32 : index
      %swap3A_3352 = tpu.vector_load %arg7[%swap3A_3349, %swap3A_3350, %swap3A_3351] {strides = array<i32>} : memref<5x8x50xf32, #tpu.memory_space<vmem>>, vector<1x1x16xf32>,
      %swap3A_3353 = vector.shape_cast %swap3A_3352 : vector<1x1x16xf32> to vector<16xf32>
      %swap3A_3354 = vector.shape_cast %get3A_3346 : vector<16xf32> to vector<1x1x16xf32>
      tpu.vector_store %arg7[%swap3A_3349, %swap3A_3350, %swap3A_3351], %swap3A_3354 {strides = array<i32>} : memref<5x8x50xf32, #tpu.memory_space<vmem>>, vector<1x1x16xf32>,
      %get3A_3355 = arith.constant 1 : i32
      %get3A_3356 = arith.constant 15 : i32
      %get3A_3357 = arith.index_cast %get3A_3355 : i32 to index
      %get3A_3358 = arith.index_cast %get3A_3356 : i32 to index
      %get3A_3359 = arith.index_cast %and3A_3306 : i32 to index
      %get3A_3360 = arith.constant 34 : index
      %get3A_3361 = tpu.vector_load %arg6[%get3A_3357, %get3A_3358, %get3A_3359, %get3A_3360] {strides = array<i32>} : memref<2x20x8x50xf32, #tpu.memory_space<vmem>>, vector<1x1x1x16xf32>,
      %get3A_3362 = vector.shape_cast %get3A_3361 : vector<1x1x1x16xf32> to vector<16xf32>
      %swap3A_3363 = arith.constant 0 : i32
      %swap3A_3364 = arith.constant 7 : i32
      %swap3A_3365 = arith.index_cast %swap3A_3363 : i32 to index
      %swap3A_3366 = arith.index_cast %swap3A_3364 : i32 to index
      %swap3A_3367 = arith.constant 34 : index
      %swap3A_3368 = tpu.vector_load %arg7[%swap3A_3365, %swap3A_3366, %swap3A_3367] {strides = array<i32>} : memref<5x8x50xf32, #tpu.memory_space<vmem>>, vector<1x1x16xf32>,
      %swap3A_3369 = vector.shape_cast %swap3A_3368 : vector<1x1x16xf32> to vector<16xf32>
      %swap3A_3370 = vector.shape_cast %get3A_3362 : vector<16xf32> to vector<1x1x16xf32>
      tpu.vector_store %arg7[%swap3A_3365, %swap3A_3366, %swap3A_3367], %swap3A_3370 {strides = array<i32>} : memref<5x8x50xf32, #tpu.memory_space<vmem>>, vector<1x1x16xf32>,
      %and3A_3371 = arith.constant 7 : i32
      %and3A_3372 = arith.andi %squeeze3A_501, %and3A_3371 : i32
      %get3A_3373 = arith.constant 1 : i32
      %get3A_3374 = arith.constant 16 : i32
      %get3A_3375 = arith.index_cast %get3A_3373 : i32 to index
      %get3A_3376 = arith.index_cast %get3A_3374 : i32 to index
      %get3A_3377 = arith.index_cast %and3A_3372 : i32 to index
      %get3A_3378 = arith.constant 0 : index
      %get3A_3379 = tpu.vector_load %arg6[%get3A_3375, %get3A_3376, %get3A_3377, %get3A_3378] {strides = array<i32>} : memref<2x20x8x50xf32, #tpu.memory_space<vmem>>, vector<1x1x1x16xf32>,
      %get3A_3380 = vector.shape_cast %get3A_3379 : vector<1x1x1x16xf32> to vector<16xf32>
      %swap3A_3381 = arith.constant 1 : i32
      %swap3A_3382 = arith.constant 7 : i32
      %swap3A_3383 = arith.index_cast %swap3A_3381 : i32 to index
      %swap3A_3384 = arith.index_cast %swap3A_3382 : i32 to index
      %swap3A_3385 = arith.constant 0 : index
      %swap3A_3386 = tpu.vector_load %arg7[%swap3A_3383, %swap3A_3384, %swap3A_3385] {strides = array<i32>} : memref<5x8x50xf32, #tpu.memory_space<vmem>>, vector<1x1x16xf32>,
      %swap3A_3387 = vector.shape_cast %swap3A_3386 : vector<1x1x16xf32> to vector<16xf32>
      %swap3A_3388 = vector.shape_cast %get3A_3380 : vector<16xf32> to vector<1x1x16xf32>
      tpu.vector_store %arg7[%swap3A_3383, %swap3A_3384, %swap3A_3385], %swap3A_3388 {strides = array<i32>} : memref<5x8x50xf32, #tpu.memory_space<vmem>>, vector<1x1x16xf32>,
      %get3A_3389 = arith.constant 1 : i32
      %get3A_3390 = arith.constant 16 : i32
      %get3A_3391 = arith.index_cast %get3A_3389 : i32 to index
      %get3A_3392 = arith.index_cast %get3A_3390 : i32 to index
      %get3A_3393 = arith.index_cast %and3A_3372 : i32 to index
      %get3A_3394 = arith.constant 16 : index
      %get3A_3395 = tpu.vector_load %arg6[%get3A_3391, %get3A_3392, %get3A_3393, %get3A_3394] {strides = array<i32>} : memref<2x20x8x50xf32, #tpu.memory_space<vmem>>, vector<1x1x1x16xf32>,
      %get3A_3396 = vector.shape_cast %get3A_3395 : vector<1x1x1x16xf32> to vector<16xf32>
      %swap3A_3397 = arith.constant 1 : i32
      %swap3A_3398 = arith.constant 7 : i32
      %swap3A_3399 = arith.index_cast %swap3A_3397 : i32 to index
      %swap3A_3400 = arith.index_cast %swap3A_3398 : i32 to index
      %swap3A_3401 = arith.constant 16 : index
      %swap3A_3402 = tpu.vector_load %arg7[%swap3A_3399, %swap3A_3400, %swap3A_3401] {strides = array<i32>} : memref<5x8x50xf32, #tpu.memory_space<vmem>>, vector<1x1x16xf32>,
      %swap3A_3403 = vector.shape_cast %swap3A_3402 : vector<1x1x16xf32> to vector<16xf32>
      %swap3A_3404 = vector.shape_cast %get3A_3396 : vector<16xf32> to vector<1x1x16xf32>
      tpu.vector_store %arg7[%swap3A_3399, %swap3A_3400, %swap3A_3401], %swap3A_3404 {strides = array<i32>} : memref<5x8x50xf32, #tpu.memory_space<vmem>>, vector<1x1x16xf32>,
      %get3A_3405 = arith.constant 1 : i32
      %get3A_3406 = arith.constant 16 : i32
      %get3A_3407 = arith.index_cast %get3A_3405 : i32 to index
      %get3A_3408 = arith.index_cast %get3A_3406 : i32 to index
      %get3A_3409 = arith.index_cast %and3A_3372 : i32 to index
      %get3A_3410 = arith.constant 32 : index
      %get3A_3411 = tpu.vector_load %arg6[%get3A_3407, %get3A_3408, %get3A_3409, %get3A_3410] {strides = array<i32>} : memref<2x20x8x50xf32, #tpu.memory_space<vmem>>, vector<1x1x1x16xf32>,
      %get3A_3412 = vector.shape_cast %get3A_3411 : vector<1x1x1x16xf32> to vector<16xf32>
      %swap3A_3413 = arith.constant 1 : i32
      %swap3A_3414 = arith.constant 7 : i32
      %swap3A_3415 = arith.index_cast %swap3A_3413 : i32 to index
      %swap3A_3416 = arith.index_cast %swap3A_3414 : i32 to index
      %swap3A_3417 = arith.constant 32 : index
      %swap3A_3418 = tpu.vector_load %arg7[%swap3A_3415, %swap3A_3416, %swap3A_3417] {strides = array<i32>} : memref<5x8x50xf32, #tpu.memory_space<vmem>>, vector<1x1x16xf32>,
      %swap3A_3419 = vector.shape_cast %swap3A_3418 : vector<1x1x16xf32> to vector<16xf32>
      %swap3A_3420 = vector.shape_cast %get3A_3412 : vector<16xf32> to vector<1x1x16xf32>
      tpu.vector_store %arg7[%swap3A_3415, %swap3A_3416, %swap3A_3417], %swap3A_3420 {strides = array<i32>} : memref<5x8x50xf32, #tpu.memory_space<vmem>>, vector<1x1x16xf32>,
      %get3A_3421 = arith.constant 1 : i32
      %get3A_3422 = arith.constant 16 : i32
      %get3A_3423 = arith.index_cast %get3A_3421 : i32 to index
      %get3A_3424 = arith.index_cast %get3A_3422 : i32 to index
      %get3A_3425 = arith.index_cast %and3A_3372 : i32 to index
      %get3A_3426 = arith.constant 34 : index
      %get3A_3427 = tpu.vector_load %arg6[%get3A_3423, %get3A_3424, %get3A_3425, %get3A_3426] {strides = array<i32>} : memref<2x20x8x50xf32, #tpu.memory_space<vmem>>, vector<1x1x1x16xf32>,
      %get3A_3428 = vector.shape_cast %get3A_3427 : vector<1x1x1x16xf32> to vector<16xf32>
      %swap3A_3429 = arith.constant 1 : i32
      %swap3A_3430 = arith.constant 7 : i32
      %swap3A_3431 = arith.index_cast %swap3A_3429 : i32 to index
      %swap3A_3432 = arith.index_cast %swap3A_3430 : i32 to index
      %swap3A_3433 = arith.constant 34 : index
      %swap3A_3434 = tpu.vector_load %arg7[%swap3A_3431, %swap3A_3432, %swap3A_3433] {strides = array<i32>} : memref<5x8x50xf32, #tpu.memory_space<vmem>>, vector<1x1x16xf32>,
      %swap3A_3435 = vector.shape_cast %swap3A_3434 : vector<1x1x16xf32> to vector<16xf32>
      %swap3A_3436 = vector.shape_cast %get3A_3428 : vector<16xf32> to vector<1x1x16xf32>
      tpu.vector_store %arg7[%swap3A_3431, %swap3A_3432, %swap3A_3433], %swap3A_3436 {strides = array<i32>} : memref<5x8x50xf32, #tpu.memory_space<vmem>>, vector<1x1x16xf32>,
      %and3A_3437 = arith.constant 7 : i32
      %and3A_3438 = arith.andi %squeeze3A_503, %and3A_3437 : i32
      %get3A_3439 = arith.constant 1 : i32
      %get3A_3440 = arith.constant 17 : i32
      %get3A_3441 = arith.index_cast %get3A_3439 : i32 to index
      %get3A_3442 = arith.index_cast %get3A_3440 : i32 to index
      %get3A_3443 = arith.index_cast %and3A_3438 : i32 to index
      %get3A_3444 = arith.constant 0 : index
      %get3A_3445 = tpu.vector_load %arg6[%get3A_3441, %get3A_3442, %get3A_3443, %get3A_3444] {strides = array<i32>} : memref<2x20x8x50xf32, #tpu.memory_space<vmem>>, vector<1x1x1x16xf32>,
      %get3A_3446 = vector.shape_cast %get3A_3445 : vector<1x1x1x16xf32> to vector<16xf32>
      %swap3A_3447 = arith.constant 2 : i32
      %swap3A_3448 = arith.constant 7 : i32
      %swap3A_3449 = arith.index_cast %swap3A_3447 : i32 to index
      %swap3A_3450 = arith.index_cast %swap3A_3448 : i32 to index
      %swap3A_3451 = arith.constant 0 : index
      %swap3A_3452 = tpu.vector_load %arg7[%swap3A_3449, %swap3A_3450, %swap3A_3451] {strides = array<i32>} : memref<5x8x50xf32, #tpu.memory_space<vmem>>, vector<1x1x16xf32>,
      %swap3A_3453 = vector.shape_cast %swap3A_3452 : vector<1x1x16xf32> to vector<16xf32>
      %swap3A_3454 = vector.shape_cast %get3A_3446 : vector<16xf32> to vector<1x1x16xf32>
      tpu.vector_store %arg7[%swap3A_3449, %swap3A_3450, %swap3A_3451], %swap3A_3454 {strides = array<i32>} : memref<5x8x50xf32, #tpu.memory_space<vmem>>, vector<1x1x16xf32>,
      %get3A_3455 = arith.constant 1 : i32
      %get3A_3456 = arith.constant 17 : i32
      %get3A_3457 = arith.index_cast %get3A_3455 : i32 to index
      %get3A_3458 = arith.index_cast %get3A_3456 : i32 to index
      %get3A_3459 = arith.index_cast %and3A_3438 : i32 to index
      %get3A_3460 = arith.constant 16 : index
      %get3A_3461 = tpu.vector_load %arg6[%get3A_3457, %get3A_3458, %get3A_3459, %get3A_3460] {strides = array<i32>} : memref<2x20x8x50xf32, #tpu.memory_space<vmem>>, vector<1x1x1x16xf32>,
      %get3A_3462 = vector.shape_cast %get3A_3461 : vector<1x1x1x16xf32> to vector<16xf32>
      %swap3A_3463 = arith.constant 2 : i32
      %swap3A_3464 = arith.constant 7 : i32
      %swap3A_3465 = arith.index_cast %swap3A_3463 : i32 to index
      %swap3A_3466 = arith.index_cast %swap3A_3464 : i32 to index
      %swap3A_3467 = arith.constant 16 : index
      %swap3A_3468 = tpu.vector_load %arg7[%swap3A_3465, %swap3A_3466, %swap3A_3467] {strides = array<i32>} : memref<5x8x50xf32, #tpu.memory_space<vmem>>, vector<1x1x16xf32>,
      %swap3A_3469 = vector.shape_cast %swap3A_3468 : vector<1x1x16xf32> to vector<16xf32>
      %swap3A_3470 = vector.shape_cast %get3A_3462 : vector<16xf32> to vector<1x1x16xf32>
      tpu.vector_store %arg7[%swap3A_3465, %swap3A_3466, %swap3A_3467], %swap3A_3470 {strides = array<i32>} : memref<5x8x50xf32, #tpu.memory_space<vmem>>, vector<1x1x16xf32>,
      %get3A_3471 = arith.constant 1 : i32
      %get3A_3472 = arith.constant 17 : i32
      %get3A_3473 = arith.index_cast %get3A_3471 : i32 to index
      %get3A_3474 = arith.index_cast %get3A_3472 : i32 to index
      %get3A_3475 = arith.index_cast %and3A_3438 : i32 to index
      %get3A_3476 = arith.constant 32 : index
      %get3A_3477 = tpu.vector_load %arg6[%get3A_3473, %get3A_3474, %get3A_3475, %get3A_3476] {strides = array<i32>} : memref<2x20x8x50xf32, #tpu.memory_space<vmem>>, vector<1x1x1x16xf32>,
      %get3A_3478 = vector.shape_cast %get3A_3477 : vector<1x1x1x16xf32> to vector<16xf32>
      %swap3A_3479 = arith.constant 2 : i32
      %swap3A_3480 = arith.constant 7 : i32
      %swap3A_3481 = arith.index_cast %swap3A_3479 : i32 to index
      %swap3A_3482 = arith.index_cast %swap3A_3480 : i32 to index
      %swap3A_3483 = arith.constant 32 : index
      %swap3A_3484 = tpu.vector_load %arg7[%swap3A_3481, %swap3A_3482, %swap3A_3483] {strides = array<i32>} : memref<5x8x50xf32, #tpu.memory_space<vmem>>, vector<1x1x16xf32>,
      %swap3A_3485 = vector.shape_cast %swap3A_3484 : vector<1x1x16xf32> to vector<16xf32>
      %swap3A_3486 = vector.shape_cast %get3A_3478 : vector<16xf32> to vector<1x1x16xf32>
      tpu.vector_store %arg7[%swap3A_3481, %swap3A_3482, %swap3A_3483], %swap3A_3486 {strides = array<i32>} : memref<5x8x50xf32, #tpu.memory_space<vmem>>, vector<1x1x16xf32>,
      %get3A_3487 = arith.constant 1 : i32
      %get3A_3488 = arith.constant 17 : i32
      %get3A_3489 = arith.index_cast %get3A_3487 : i32 to index
      %get3A_3490 = arith.index_cast %get3A_3488 : i32 to index
      %get3A_3491 = arith.index_cast %and3A_3438 : i32 to index
      %get3A_3492 = arith.constant 34 : index
      %get3A_3493 = tpu.vector_load %arg6[%get3A_3489, %get3A_3490, %get3A_3491, %get3A_3492] {strides = array<i32>} : memref<2x20x8x50xf32, #tpu.memory_space<vmem>>, vector<1x1x1x16xf32>,
      %get3A_3494 = vector.shape_cast %get3A_3493 : vector<1x1x1x16xf32> to vector<16xf32>
      %swap3A_3495 = arith.constant 2 : i32
      %swap3A_3496 = arith.constant 7 : i32
      %swap3A_3497 = arith.index_cast %swap3A_3495 : i32 to index
      %swap3A_3498 = arith.index_cast %swap3A_3496 : i32 to index
      %swap3A_3499 = arith.constant 34 : index
      %swap3A_3500 = tpu.vector_load %arg7[%swap3A_3497, %swap3A_3498, %swap3A_3499] {strides = array<i32>} : memref<5x8x50xf32, #tpu.memory_space<vmem>>, vector<1x1x16xf32>,
      %swap3A_3501 = vector.shape_cast %swap3A_3500 : vector<1x1x16xf32> to vector<16xf32>
      %swap3A_3502 = vector.shape_cast %get3A_3494 : vector<16xf32> to vector<1x1x16xf32>
      tpu.vector_store %arg7[%swap3A_3497, %swap3A_3498, %swap3A_3499], %swap3A_3502 {strides = array<i32>} : memref<5x8x50xf32, #tpu.memory_space<vmem>>, vector<1x1x16xf32>,
      %and3A_3503 = arith.constant 7 : i32
      %and3A_3504 = arith.andi %squeeze3A_505, %and3A_3503 : i32
      %get3A_3505 = arith.constant 1 : i32
      %get3A_3506 = arith.constant 18 : i32
      %get3A_3507 = arith.index_cast %get3A_3505 : i32 to index
      %get3A_3508 = arith.index_cast %get3A_3506 : i32 to index
      %get3A_3509 = arith.index_cast %and3A_3504 : i32 to index
      %get3A_3510 = arith.constant 0 : index
      %get3A_3511 = tpu.vector_load %arg6[%get3A_3507, %get3A_3508, %get3A_3509, %get3A_3510] {strides = array<i32>} : memref<2x20x8x50xf32, #tpu.memory_space<vmem>>, vector<1x1x1x16xf32>,
      %get3A_3512 = vector.shape_cast %get3A_3511 : vector<1x1x1x16xf32> to vector<16xf32>
      %swap3A_3513 = arith.constant 3 : i32
      %swap3A_3514 = arith.constant 7 : i32
      %swap3A_3515 = arith.index_cast %swap3A_3513 : i32 to index
      %swap3A_3516 = arith.index_cast %swap3A_3514 : i32 to index
      %swap3A_3517 = arith.constant 0 : index
      %swap3A_3518 = tpu.vector_load %arg7[%swap3A_3515, %swap3A_3516, %swap3A_3517] {strides = array<i32>} : memref<5x8x50xf32, #tpu.memory_space<vmem>>, vector<1x1x16xf32>,
      %swap3A_3519 = vector.shape_cast %swap3A_3518 : vector<1x1x16xf32> to vector<16xf32>
      %swap3A_3520 = vector.shape_cast %get3A_3512 : vector<16xf32> to vector<1x1x16xf32>
      tpu.vector_store %arg7[%swap3A_3515, %swap3A_3516, %swap3A_3517], %swap3A_3520 {strides = array<i32>} : memref<5x8x50xf32, #tpu.memory_space<vmem>>, vector<1x1x16xf32>,
      %get3A_3521 = arith.constant 1 : i32
      %get3A_3522 = arith.constant 18 : i32
      %get3A_3523 = arith.index_cast %get3A_3521 : i32 to index
      %get3A_3524 = arith.index_cast %get3A_3522 : i32 to index
      %get3A_3525 = arith.index_cast %and3A_3504 : i32 to index
      %get3A_3526 = arith.constant 16 : index
      %get3A_3527 = tpu.vector_load %arg6[%get3A_3523, %get3A_3524, %get3A_3525, %get3A_3526] {strides = array<i32>} : memref<2x20x8x50xf32, #tpu.memory_space<vmem>>, vector<1x1x1x16xf32>,
      %get3A_3528 = vector.shape_cast %get3A_3527 : vector<1x1x1x16xf32> to vector<16xf32>
      %swap3A_3529 = arith.constant 3 : i32
      %swap3A_3530 = arith.constant 7 : i32
      %swap3A_3531 = arith.index_cast %swap3A_3529 : i32 to index
      %swap3A_3532 = arith.index_cast %swap3A_3530 : i32 to index
      %swap3A_3533 = arith.constant 16 : index
      %swap3A_3534 = tpu.vector_load %arg7[%swap3A_3531, %swap3A_3532, %swap3A_3533] {strides = array<i32>} : memref<5x8x50xf32, #tpu.memory_space<vmem>>, vector<1x1x16xf32>,
      %swap3A_3535 = vector.shape_cast %swap3A_3534 : vector<1x1x16xf32> to vector<16xf32>
      %swap3A_3536 = vector.shape_cast %get3A_3528 : vector<16xf32> to vector<1x1x16xf32>
      tpu.vector_store %arg7[%swap3A_3531, %swap3A_3532, %swap3A_3533], %swap3A_3536 {strides = array<i32>} : memref<5x8x50xf32, #tpu.memory_space<vmem>>, vector<1x1x16xf32>,
      %get3A_3537 = arith.constant 1 : i32
      %get3A_3538 = arith.constant 18 : i32
      %get3A_3539 = arith.index_cast %get3A_3537 : i32 to index
      %get3A_3540 = arith.index_cast %get3A_3538 : i32 to index
      %get3A_3541 = arith.index_cast %and3A_3504 : i32 to index
      %get3A_3542 = arith.constant 32 : index
      %get3A_3543 = tpu.vector_load %arg6[%get3A_3539, %get3A_3540, %get3A_3541, %get3A_3542] {strides = array<i32>} : memref<2x20x8x50xf32, #tpu.memory_space<vmem>>, vector<1x1x1x16xf32>,
      %get3A_3544 = vector.shape_cast %get3A_3543 : vector<1x1x1x16xf32> to vector<16xf32>
      %swap3A_3545 = arith.constant 3 : i32
      %swap3A_3546 = arith.constant 7 : i32
      %swap3A_3547 = arith.index_cast %swap3A_3545 : i32 to index
      %swap3A_3548 = arith.index_cast %swap3A_3546 : i32 to index
      %swap3A_3549 = arith.constant 32 : index
      %swap3A_3550 = tpu.vector_load %arg7[%swap3A_3547, %swap3A_3548, %swap3A_3549] {strides = array<i32>} : memref<5x8x50xf32, #tpu.memory_space<vmem>>, vector<1x1x16xf32>,
      %swap3A_3551 = vector.shape_cast %swap3A_3550 : vector<1x1x16xf32> to vector<16xf32>
      %swap3A_3552 = vector.shape_cast %get3A_3544 : vector<16xf32> to vector<1x1x16xf32>
      tpu.vector_store %arg7[%swap3A_3547, %swap3A_3548, %swap3A_3549], %swap3A_3552 {strides = array<i32>} : memref<5x8x50xf32, #tpu.memory_space<vmem>>, vector<1x1x16xf32>,
      %get3A_3553 = arith.constant 1 : i32
      %get3A_3554 = arith.constant 18 : i32
      %get3A_3555 = arith.index_cast %get3A_3553 : i32 to index
      %get3A_3556 = arith.index_cast %get3A_3554 : i32 to index
      %get3A_3557 = arith.index_cast %and3A_3504 : i32 to index
      %get3A_3558 = arith.constant 34 : index
      %get3A_3559 = tpu.vector_load %arg6[%get3A_3555, %get3A_3556, %get3A_3557, %get3A_3558] {strides = array<i32>} : memref<2x20x8x50xf32, #tpu.memory_space<vmem>>, vector<1x1x1x16xf32>,
      %get3A_3560 = vector.shape_cast %get3A_3559 : vector<1x1x1x16xf32> to vector<16xf32>
      %swap3A_3561 = arith.constant 3 : i32
      %swap3A_3562 = arith.constant 7 : i32
      %swap3A_3563 = arith.index_cast %swap3A_3561 : i32 to index
      %swap3A_3564 = arith.index_cast %swap3A_3562 : i32 to index
      %swap3A_3565 = arith.constant 34 : index
      %swap3A_3566 = tpu.vector_load %arg7[%swap3A_3563, %swap3A_3564, %swap3A_3565] {strides = array<i32>} : memref<5x8x50xf32, #tpu.memory_space<vmem>>, vector<1x1x16xf32>,
      %swap3A_3567 = vector.shape_cast %swap3A_3566 : vector<1x1x16xf32> to vector<16xf32>
      %swap3A_3568 = vector.shape_cast %get3A_3560 : vector<16xf32> to vector<1x1x16xf32>
      tpu.vector_store %arg7[%swap3A_3563, %swap3A_3564, %swap3A_3565], %swap3A_3568 {strides = array<i32>} : memref<5x8x50xf32, #tpu.memory_space<vmem>>, vector<1x1x16xf32>,
      %and3A_3569 = arith.constant 7 : i32
      %and3A_3570 = arith.andi %squeeze3A_507, %and3A_3569 : i32
      %get3A_3571 = arith.constant 1 : i32
      %get3A_3572 = arith.constant 19 : i32
      %get3A_3573 = arith.index_cast %get3A_3571 : i32 to index
      %get3A_3574 = arith.index_cast %get3A_3572 : i32 to index
      %get3A_3575 = arith.index_cast %and3A_3570 : i32 to index
      %get3A_3576 = arith.constant 0 : index
      %get3A_3577 = tpu.vector_load %arg6[%get3A_3573, %get3A_3574, %get3A_3575, %get3A_3576] {strides = array<i32>} : memref<2x20x8x50xf32, #tpu.memory_space<vmem>>, vector<1x1x1x16xf32>,
      %get3A_3578 = vector.shape_cast %get3A_3577 : vector<1x1x1x16xf32> to vector<16xf32>
      %swap3A_3579 = arith.constant 4 : i32
      %swap3A_3580 = arith.constant 7 : i32
      %swap3A_3581 = arith.index_cast %swap3A_3579 : i32 to index
      %swap3A_3582 = arith.index_cast %swap3A_3580 : i32 to index
      %swap3A_3583 = arith.constant 0 : index
      %swap3A_3584 = tpu.vector_load %arg7[%swap3A_3581, %swap3A_3582, %swap3A_3583] {strides = array<i32>} : memref<5x8x50xf32, #tpu.memory_space<vmem>>, vector<1x1x16xf32>,
      %swap3A_3585 = vector.shape_cast %swap3A_3584 : vector<1x1x16xf32> to vector<16xf32>
      %swap3A_3586 = vector.shape_cast %get3A_3578 : vector<16xf32> to vector<1x1x16xf32>
      tpu.vector_store %arg7[%swap3A_3581, %swap3A_3582, %swap3A_3583], %swap3A_3586 {strides = array<i32>} : memref<5x8x50xf32, #tpu.memory_space<vmem>>, vector<1x1x16xf32>,
      %get3A_3587 = arith.constant 1 : i32
      %get3A_3588 = arith.constant 19 : i32
      %get3A_3589 = arith.index_cast %get3A_3587 : i32 to index
      %get3A_3590 = arith.index_cast %get3A_3588 : i32 to index
      %get3A_3591 = arith.index_cast %and3A_3570 : i32 to index
      %get3A_3592 = arith.constant 16 : index
      %get3A_3593 = tpu.vector_load %arg6[%get3A_3589, %get3A_3590, %get3A_3591, %get3A_3592] {strides = array<i32>} : memref<2x20x8x50xf32, #tpu.memory_space<vmem>>, vector<1x1x1x16xf32>,
      %get3A_3594 = vector.shape_cast %get3A_3593 : vector<1x1x1x16xf32> to vector<16xf32>
      %swap3A_3595 = arith.constant 4 : i32
      %swap3A_3596 = arith.constant 7 : i32
      %swap3A_3597 = arith.index_cast %swap3A_3595 : i32 to index
      %swap3A_3598 = arith.index_cast %swap3A_3596 : i32 to index
      %swap3A_3599 = arith.constant 16 : index
      %swap3A_3600 = tpu.vector_load %arg7[%swap3A_3597, %swap3A_3598, %swap3A_3599] {strides = array<i32>} : memref<5x8x50xf32, #tpu.memory_space<vmem>>, vector<1x1x16xf32>,
      %swap3A_3601 = vector.shape_cast %swap3A_3600 : vector<1x1x16xf32> to vector<16xf32>
      %swap3A_3602 = vector.shape_cast %get3A_3594 : vector<16xf32> to vector<1x1x16xf32>
      tpu.vector_store %arg7[%swap3A_3597, %swap3A_3598, %swap3A_3599], %swap3A_3602 {strides = array<i32>} : memref<5x8x50xf32, #tpu.memory_space<vmem>>, vector<1x1x16xf32>,
      %get3A_3603 = arith.constant 1 : i32
      %get3A_3604 = arith.constant 19 : i32
      %get3A_3605 = arith.index_cast %get3A_3603 : i32 to index
      %get3A_3606 = arith.index_cast %get3A_3604 : i32 to index
      %get3A_3607 = arith.index_cast %and3A_3570 : i32 to index
      %get3A_3608 = arith.constant 32 : index
      %get3A_3609 = tpu.vector_load %arg6[%get3A_3605, %get3A_3606, %get3A_3607, %get3A_3608] {strides = array<i32>} : memref<2x20x8x50xf32, #tpu.memory_space<vmem>>, vector<1x1x1x16xf32>,
      %get3A_3610 = vector.shape_cast %get3A_3609 : vector<1x1x1x16xf32> to vector<16xf32>
      %swap3A_3611 = arith.constant 4 : i32
      %swap3A_3612 = arith.constant 7 : i32
      %swap3A_3613 = arith.index_cast %swap3A_3611 : i32 to index
      %swap3A_3614 = arith.index_cast %swap3A_3612 : i32 to index
      %swap3A_3615 = arith.constant 32 : index
      %swap3A_3616 = tpu.vector_load %arg7[%swap3A_3613, %swap3A_3614, %swap3A_3615] {strides = array<i32>} : memref<5x8x50xf32, #tpu.memory_space<vmem>>, vector<1x1x16xf32>,
      %swap3A_3617 = vector.shape_cast %swap3A_3616 : vector<1x1x16xf32> to vector<16xf32>
      %swap3A_3618 = vector.shape_cast %get3A_3610 : vector<16xf32> to vector<1x1x16xf32>
      tpu.vector_store %arg7[%swap3A_3613, %swap3A_3614, %swap3A_3615], %swap3A_3618 {strides = array<i32>} : memref<5x8x50xf32, #tpu.memory_space<vmem>>, vector<1x1x16xf32>,
      %get3A_3619 = arith.constant 1 : i32
      %get3A_3620 = arith.constant 19 : i32
      %get3A_3621 = arith.index_cast %get3A_3619 : i32 to index
      %get3A_3622 = arith.index_cast %get3A_3620 : i32 to index
      %get3A_3623 = arith.index_cast %and3A_3570 : i32 to index
      %get3A_3624 = arith.constant 34 : index
      %get3A_3625 = tpu.vector_load %arg6[%get3A_3621, %get3A_3622, %get3A_3623, %get3A_3624] {strides = array<i32>} : memref<2x20x8x50xf32, #tpu.memory_space<vmem>>, vector<1x1x1x16xf32>,
      %get3A_3626 = vector.shape_cast %get3A_3625 : vector<1x1x1x16xf32> to vector<16xf32>
      %swap3A_3627 = arith.constant 4 : i32
      %swap3A_3628 = arith.constant 7 : i32
      %swap3A_3629 = arith.index_cast %swap3A_3627 : i32 to index
      %swap3A_3630 = arith.index_cast %swap3A_3628 : i32 to index
      %swap3A_3631 = arith.constant 34 : index
      %swap3A_3632 = tpu.vector_load %arg7[%swap3A_3629, %swap3A_3630, %swap3A_3631] {strides = array<i32>} : memref<5x8x50xf32, #tpu.memory_space<vmem>>, vector<1x1x16xf32>,
      %swap3A_3633 = vector.shape_cast %swap3A_3632 : vector<1x1x16xf32> to vector<16xf32>
      %swap3A_3634 = vector.shape_cast %get3A_3626 : vector<16xf32> to vector<1x1x16xf32>
      tpu.vector_store %arg7[%swap3A_3629, %swap3A_3630, %swap3A_3631], %swap3A_3634 {strides = array<i32>} : memref<5x8x50xf32, #tpu.memory_space<vmem>>, vector<1x1x16xf32>,
      %mul3A_3635 = arith.constant 8 : i32
      %mul3A_3636 = arith.muli %scan3A_455, %mul3A_3635 : i32
      %add3A_3637 = arith.addi %mul3A_2, %mul3A_3636 : i32
      %multiple_of3A_3638 = tpu.assume_multiple %add3A_3637, 8 : i32
      %run_scoped3A = arith.constant 0 : i32
      %run_scoped3A_3639 = arith.constant 0 : i32
      "tpu.region"() ({
        %run_scoped3A_3648 = tpu.sem_alloc : memref<!tpu.dma_semaphore, #tpu.memory_space<semaphore_mem>>
        %dma_start3A_3649 = arith.constant 0 : i32
        %dma_start3A_3650 = arith.constant 0 : i32
        %dma_start3A_3651 = tpu.memref_slice %arg7[%run_scoped3A, %dma_start3A_3649, %dma_start3A_3650] : memref<5x8x50xf32, #tpu.memory_space<vmem>> -> memref<1x8x50xf32, #tpu.memory_space<vmem>>
        %dma_start3A_3652 = tpu.memref_squeeze %dma_start3A_3651 : memref<1x8x50xf32, #tpu.memory_space<vmem>> -> memref<8x50xf32, #tpu.memory_space<vmem>>
        %dma_start3A_3653 = arith.constant 0 : i32
        %dma_start3A_3654 = tpu.memref_slice %arg4[%run_scoped3A_3639, %multiple_of3A_3638, %dma_start3A_3653] : memref<5x16384x50xf32, #tpu.memory_space<hbm>> -> memref<1x8x50xf32, #tpu.memory_space<hbm>>
        %dma_start3A_3655 = tpu.memref_squeeze %dma_start3A_3654 : memref<1x8x50xf32, #tpu.memory_space<hbm>> -> memref<8x50xf32, #tpu.memory_space<hbm>>
        %dma_start3A_3656 = arith.constant 0 : i32
        %dma_start3A_3657 = tpu.memref_slice %arg4[%run_scoped3A_3639, %multiple_of3A_3638, %dma_start3A_3656] : memref<5x16384x50xf32, #tpu.memory_space<hbm>> -> memref<1x8x50xf32, #tpu.memory_space<hbm>>
        %dma_start3A_3658 = tpu.memref_squeeze %dma_start3A_3657 : memref<1x8x50xf32, #tpu.memory_space<hbm>> -> memref<8x50xf32, #tpu.memory_space<hbm>>
        %dma_start3A_3659 = arith.constant 0 : i32
        %dma_start3A_3660 = arith.constant 0 : i32
        %dma_start3A_3661 = tpu.memref_slice %arg7[%run_scoped3A, %dma_start3A_3659, %dma_start3A_3660] : memref<5x8x50xf32, #tpu.memory_space<vmem>> -> memref<1x8x50xf32, #tpu.memory_space<vmem>>
        %dma_start3A_3662 = tpu.memref_squeeze %dma_start3A_3661 : memref<1x8x50xf32, #tpu.memory_space<vmem>> -> memref<8x50xf32, #tpu.memory_space<vmem>>
        tpu.enqueue_dma source(%dma_start3A_3662 : memref<8x50xf32, #tpu.memory_space<vmem>>) target(%dma_start3A_3658 : memref<8x50xf32, #tpu.memory_space<hbm>>) target_semaphore(%run_scoped3A_3648 : memref<!tpu.dma_semaphore, #tpu.memory_space<semaphore_mem>>)
        %dma_wait3A_3663 = arith.constant 0 : i32
        %dma_wait3A_3664 = arith.constant 0 : i32
        %dma_wait3A_3665 = tpu.memref_slice %arg7[%run_scoped3A, %dma_wait3A_3663, %dma_wait3A_3664] : memref<5x8x50xf32, #tpu.memory_space<vmem>> -> memref<1x8x50xf32, #tpu.memory_space<vmem>>
        %dma_wait3A_3666 = tpu.memref_squeeze %dma_wait3A_3665 : memref<1x8x50xf32, #tpu.memory_space<vmem>> -> memref<8x50xf32, #tpu.memory_space<vmem>>
        %dma_wait3A_3667 = arith.constant 0 : i32
        %dma_wait3A_3668 = tpu.memref_slice %arg4[%run_scoped3A_3639, %multiple_of3A_3638, %dma_wait3A_3667] : memref<5x16384x50xf32, #tpu.memory_space<hbm>> -> memref<1x8x50xf32, #tpu.memory_space<hbm>>
        %dma_wait3A_3669 = tpu.memref_squeeze %dma_wait3A_3668 : memref<1x8x50xf32, #tpu.memory_space<hbm>> -> memref<8x50xf32, #tpu.memory_space<hbm>>
        %dma_wait3A_3670 = arith.constant 0 : i32
        %dma_wait3A_3671 = tpu.memref_slice %arg4[%run_scoped3A_3639, %multiple_of3A_3638, %dma_wait3A_3670] : memref<5x16384x50xf32, #tpu.memory_space<hbm>> -> memref<1x8x50xf32, #tpu.memory_space<hbm>>
        %dma_wait3A_3672 = tpu.memref_squeeze %dma_wait3A_3671 : memref<1x8x50xf32, #tpu.memory_space<hbm>> -> memref<8x50xf32, #tpu.memory_space<hbm>>
        %dma_wait3A_3673 = arith.constant 0 : i32
        %dma_wait3A_3674 = arith.constant 0 : i32
        %dma_wait3A_3675 = tpu.memref_slice %arg7[%run_scoped3A, %dma_wait3A_3673, %dma_wait3A_3674] : memref<5x8x50xf32, #tpu.memory_space<vmem>> -> memref<1x8x50xf32, #tpu.memory_space<vmem>>
        %dma_wait3A_3676 = tpu.memref_squeeze %dma_wait3A_3675 : memref<1x8x50xf32, #tpu.memory_space<vmem>> -> memref<8x50xf32, #tpu.memory_space<vmem>>
        tpu.wait_dma2 semaphore(%run_scoped3A_3648 : memref<!tpu.dma_semaphore, #tpu.memory_space<semaphore_mem>>) src(%dma_wait3A_3676 : memref<8x50xf32, #tpu.memory_space<vmem>>) dst(%dma_wait3A_3672 : memref<8x50xf32, #tpu.memory_space<hbm>>)
        tpu.yield
      }) : () -> ()
      %run_scoped3A_3640 = arith.constant 1 : i32
      %run_scoped3A_3641 = arith.constant 1 : i32
      "tpu.region"() ({
        %run_scoped3A_3648 = tpu.sem_alloc : memref<!tpu.dma_semaphore, #tpu.memory_space<semaphore_mem>>
        %dma_start3A_3649 = arith.constant 0 : i32
        %dma_start3A_3650 = arith.constant 0 : i32
        %dma_start3A_3651 = tpu.memref_slice %arg7[%run_scoped3A_3640, %dma_start3A_3649, %dma_start3A_3650] : memref<5x8x50xf32, #tpu.memory_space<vmem>> -> memref<1x8x50xf32, #tpu.memory_space<vmem>>
        %dma_start3A_3652 = tpu.memref_squeeze %dma_start3A_3651 : memref<1x8x50xf32, #tpu.memory_space<vmem>> -> memref<8x50xf32, #tpu.memory_space<vmem>>
        %dma_start3A_3653 = arith.constant 0 : i32
        %dma_start3A_3654 = tpu.memref_slice %arg4[%run_scoped3A_3641, %multiple_of3A_3638, %dma_start3A_3653] : memref<5x16384x50xf32, #tpu.memory_space<hbm>> -> memref<1x8x50xf32, #tpu.memory_space<hbm>>
        %dma_start3A_3655 = tpu.memref_squeeze %dma_start3A_3654 : memref<1x8x50xf32, #tpu.memory_space<hbm>> -> memref<8x50xf32, #tpu.memory_space<hbm>>
        %dma_start3A_3656 = arith.constant 0 : i32
        %dma_start3A_3657 = tpu.memref_slice %arg4[%run_scoped3A_3641, %multiple_of3A_3638, %dma_start3A_3656] : memref<5x16384x50xf32, #tpu.memory_space<hbm>> -> memref<1x8x50xf32, #tpu.memory_space<hbm>>
        %dma_start3A_3658 = tpu.memref_squeeze %dma_start3A_3657 : memref<1x8x50xf32, #tpu.memory_space<hbm>> -> memref<8x50xf32, #tpu.memory_space<hbm>>
        %dma_start3A_3659 = arith.constant 0 : i32
        %dma_start3A_3660 = arith.constant 0 : i32
        %dma_start3A_3661 = tpu.memref_slice %arg7[%run_scoped3A_3640, %dma_start3A_3659, %dma_start3A_3660] : memref<5x8x50xf32, #tpu.memory_space<vmem>> -> memref<1x8x50xf32, #tpu.memory_space<vmem>>
        %dma_start3A_3662 = tpu.memref_squeeze %dma_start3A_3661 : memref<1x8x50xf32, #tpu.memory_space<vmem>> -> memref<8x50xf32, #tpu.memory_space<vmem>>
        tpu.enqueue_dma source(%dma_start3A_3662 : memref<8x50xf32, #tpu.memory_space<vmem>>) target(%dma_start3A_3658 : memref<8x50xf32, #tpu.memory_space<hbm>>) target_semaphore(%run_scoped3A_3648 : memref<!tpu.dma_semaphore, #tpu.memory_space<semaphore_mem>>)
        %dma_wait3A_3663 = arith.constant 0 : i32
        %dma_wait3A_3664 = arith.constant 0 : i32
        %dma_wait3A_3665 = tpu.memref_slice %arg7[%run_scoped3A_3640, %dma_wait3A_3663, %dma_wait3A_3664] : memref<5x8x50xf32, #tpu.memory_space<vmem>> -> memref<1x8x50xf32, #tpu.memory_space<vmem>>
        %dma_wait3A_3666 = tpu.memref_squeeze %dma_wait3A_3665 : memref<1x8x50xf32, #tpu.memory_space<vmem>> -> memref<8x50xf32, #tpu.memory_space<vmem>>
        %dma_wait3A_3667 = arith.constant 0 : i32
        %dma_wait3A_3668 = tpu.memref_slice %arg4[%run_scoped3A_3641, %multiple_of3A_3638, %dma_wait3A_3667] : memref<5x16384x50xf32, #tpu.memory_space<hbm>> -> memref<1x8x50xf32, #tpu.memory_space<hbm>>
        %dma_wait3A_3669 = tpu.memref_squeeze %dma_wait3A_3668 : memref<1x8x50xf32, #tpu.memory_space<hbm>> -> memref<8x50xf32, #tpu.memory_space<hbm>>
        %dma_wait3A_3670 = arith.constant 0 : i32
        %dma_wait3A_3671 = tpu.memref_slice %arg4[%run_scoped3A_3641, %multiple_of3A_3638, %dma_wait3A_3670] : memref<5x16384x50xf32, #tpu.memory_space<hbm>> -> memref<1x8x50xf32, #tpu.memory_space<hbm>>
        %dma_wait3A_3672 = tpu.memref_squeeze %dma_wait3A_3671 : memref<1x8x50xf32, #tpu.memory_space<hbm>> -> memref<8x50xf32, #tpu.memory_space<hbm>>
        %dma_wait3A_3673 = arith.constant 0 : i32
        %dma_wait3A_3674 = arith.constant 0 : i32
        %dma_wait3A_3675 = tpu.memref_slice %arg7[%run_scoped3A_3640, %dma_wait3A_3673, %dma_wait3A_3674] : memref<5x8x50xf32, #tpu.memory_space<vmem>> -> memref<1x8x50xf32, #tpu.memory_space<vmem>>
        %dma_wait3A_3676 = tpu.memref_squeeze %dma_wait3A_3675 : memref<1x8x50xf32, #tpu.memory_space<vmem>> -> memref<8x50xf32, #tpu.memory_space<vmem>>
        tpu.wait_dma2 semaphore(%run_scoped3A_3648 : memref<!tpu.dma_semaphore, #tpu.memory_space<semaphore_mem>>) src(%dma_wait3A_3676 : memref<8x50xf32, #tpu.memory_space<vmem>>) dst(%dma_wait3A_3672 : memref<8x50xf32, #tpu.memory_space<hbm>>)
        tpu.yield
      }) : () -> ()
      %run_scoped3A_3642 = arith.constant 2 : i32
      %run_scoped3A_3643 = arith.constant 2 : i32
      "tpu.region"() ({
        %run_scoped3A_3648 = tpu.sem_alloc : memref<!tpu.dma_semaphore, #tpu.memory_space<semaphore_mem>>
        %dma_start3A_3649 = arith.constant 0 : i32
        %dma_start3A_3650 = arith.constant 0 : i32
        %dma_start3A_3651 = tpu.memref_slice %arg7[%run_scoped3A_3642, %dma_start3A_3649, %dma_start3A_3650] : memref<5x8x50xf32, #tpu.memory_space<vmem>> -> memref<1x8x50xf32, #tpu.memory_space<vmem>>
        %dma_start3A_3652 = tpu.memref_squeeze %dma_start3A_3651 : memref<1x8x50xf32, #tpu.memory_space<vmem>> -> memref<8x50xf32, #tpu.memory_space<vmem>>
        %dma_start3A_3653 = arith.constant 0 : i32
        %dma_start3A_3654 = tpu.memref_slice %arg4[%run_scoped3A_3643, %multiple_of3A_3638, %dma_start3A_3653] : memref<5x16384x50xf32, #tpu.memory_space<hbm>> -> memref<1x8x50xf32, #tpu.memory_space<hbm>>
        %dma_start3A_3655 = tpu.memref_squeeze %dma_start3A_3654 : memref<1x8x50xf32, #tpu.memory_space<hbm>> -> memref<8x50xf32, #tpu.memory_space<hbm>>
        %dma_start3A_3656 = arith.constant 0 : i32
        %dma_start3A_3657 = tpu.memref_slice %arg4[%run_scoped3A_3643, %multiple_of3A_3638, %dma_start3A_3656] : memref<5x16384x50xf32, #tpu.memory_space<hbm>> -> memref<1x8x50xf32, #tpu.memory_space<hbm>>
        %dma_start3A_3658 = tpu.memref_squeeze %dma_start3A_3657 : memref<1x8x50xf32, #tpu.memory_space<hbm>> -> memref<8x50xf32, #tpu.memory_space<hbm>>
        %dma_start3A_3659 = arith.constant 0 : i32
        %dma_start3A_3660 = arith.constant 0 : i32
        %dma_start3A_3661 = tpu.memref_slice %arg7[%run_scoped3A_3642, %dma_start3A_3659, %dma_start3A_3660] : memref<5x8x50xf32, #tpu.memory_space<vmem>> -> memref<1x8x50xf32, #tpu.memory_space<vmem>>
        %dma_start3A_3662 = tpu.memref_squeeze %dma_start3A_3661 : memref<1x8x50xf32, #tpu.memory_space<vmem>> -> memref<8x50xf32, #tpu.memory_space<vmem>>
        tpu.enqueue_dma source(%dma_start3A_3662 : memref<8x50xf32, #tpu.memory_space<vmem>>) target(%dma_start3A_3658 : memref<8x50xf32, #tpu.memory_space<hbm>>) target_semaphore(%run_scoped3A_3648 : memref<!tpu.dma_semaphore, #tpu.memory_space<semaphore_mem>>)
        %dma_wait3A_3663 = arith.constant 0 : i32
        %dma_wait3A_3664 = arith.constant 0 : i32
        %dma_wait3A_3665 = tpu.memref_slice %arg7[%run_scoped3A_3642, %dma_wait3A_3663, %dma_wait3A_3664] : memref<5x8x50xf32, #tpu.memory_space<vmem>> -> memref<1x8x50xf32, #tpu.memory_space<vmem>>
        %dma_wait3A_3666 = tpu.memref_squeeze %dma_wait3A_3665 : memref<1x8x50xf32, #tpu.memory_space<vmem>> -> memref<8x50xf32, #tpu.memory_space<vmem>>
        %dma_wait3A_3667 = arith.constant 0 : i32
        %dma_wait3A_3668 = tpu.memref_slice %arg4[%run_scoped3A_3643, %multiple_of3A_3638, %dma_wait3A_3667] : memref<5x16384x50xf32, #tpu.memory_space<hbm>> -> memref<1x8x50xf32, #tpu.memory_space<hbm>>
        %dma_wait3A_3669 = tpu.memref_squeeze %dma_wait3A_3668 : memref<1x8x50xf32, #tpu.memory_space<hbm>> -> memref<8x50xf32, #tpu.memory_space<hbm>>
        %dma_wait3A_3670 = arith.constant 0 : i32
        %dma_wait3A_3671 = tpu.memref_slice %arg4[%run_scoped3A_3643, %multiple_of3A_3638, %dma_wait3A_3670] : memref<5x16384x50xf32, #tpu.memory_space<hbm>> -> memref<1x8x50xf32, #tpu.memory_space<hbm>>
        %dma_wait3A_3672 = tpu.memref_squeeze %dma_wait3A_3671 : memref<1x8x50xf32, #tpu.memory_space<hbm>> -> memref<8x50xf32, #tpu.memory_space<hbm>>
        %dma_wait3A_3673 = arith.constant 0 : i32
        %dma_wait3A_3674 = arith.constant 0 : i32
        %dma_wait3A_3675 = tpu.memref_slice %arg7[%run_scoped3A_3642, %dma_wait3A_3673, %dma_wait3A_3674] : memref<5x8x50xf32, #tpu.memory_space<vmem>> -> memref<1x8x50xf32, #tpu.memory_space<vmem>>
        %dma_wait3A_3676 = tpu.memref_squeeze %dma_wait3A_3675 : memref<1x8x50xf32, #tpu.memory_space<vmem>> -> memref<8x50xf32, #tpu.memory_space<vmem>>
        tpu.wait_dma2 semaphore(%run_scoped3A_3648 : memref<!tpu.dma_semaphore, #tpu.memory_space<semaphore_mem>>) src(%dma_wait3A_3676 : memref<8x50xf32, #tpu.memory_space<vmem>>) dst(%dma_wait3A_3672 : memref<8x50xf32, #tpu.memory_space<hbm>>)
        tpu.yield
      }) : () -> ()
      %run_scoped3A_3644 = arith.constant 3 : i32
      %run_scoped3A_3645 = arith.constant 3 : i32
      "tpu.region"() ({
        %run_scoped3A_3648 = tpu.sem_alloc : memref<!tpu.dma_semaphore, #tpu.memory_space<semaphore_mem>>
        %dma_start3A_3649 = arith.constant 0 : i32
        %dma_start3A_3650 = arith.constant 0 : i32
        %dma_start3A_3651 = tpu.memref_slice %arg7[%run_scoped3A_3644, %dma_start3A_3649, %dma_start3A_3650] : memref<5x8x50xf32, #tpu.memory_space<vmem>> -> memref<1x8x50xf32, #tpu.memory_space<vmem>>
        %dma_start3A_3652 = tpu.memref_squeeze %dma_start3A_3651 : memref<1x8x50xf32, #tpu.memory_space<vmem>> -> memref<8x50xf32, #tpu.memory_space<vmem>>
        %dma_start3A_3653 = arith.constant 0 : i32
        %dma_start3A_3654 = tpu.memref_slice %arg4[%run_scoped3A_3645, %multiple_of3A_3638, %dma_start3A_3653] : memref<5x16384x50xf32, #tpu.memory_space<hbm>> -> memref<1x8x50xf32, #tpu.memory_space<hbm>>
        %dma_start3A_3655 = tpu.memref_squeeze %dma_start3A_3654 : memref<1x8x50xf32, #tpu.memory_space<hbm>> -> memref<8x50xf32, #tpu.memory_space<hbm>>
        %dma_start3A_3656 = arith.constant 0 : i32
        %dma_start3A_3657 = tpu.memref_slice %arg4[%run_scoped3A_3645, %multiple_of3A_3638, %dma_start3A_3656] : memref<5x16384x50xf32, #tpu.memory_space<hbm>> -> memref<1x8x50xf32, #tpu.memory_space<hbm>>
        %dma_start3A_3658 = tpu.memref_squeeze %dma_start3A_3657 : memref<1x8x50xf32, #tpu.memory_space<hbm>> -> memref<8x50xf32, #tpu.memory_space<hbm>>
        %dma_start3A_3659 = arith.constant 0 : i32
        %dma_start3A_3660 = arith.constant 0 : i32
        %dma_start3A_3661 = tpu.memref_slice %arg7[%run_scoped3A_3644, %dma_start3A_3659, %dma_start3A_3660] : memref<5x8x50xf32, #tpu.memory_space<vmem>> -> memref<1x8x50xf32, #tpu.memory_space<vmem>>
        %dma_start3A_3662 = tpu.memref_squeeze %dma_start3A_3661 : memref<1x8x50xf32, #tpu.memory_space<vmem>> -> memref<8x50xf32, #tpu.memory_space<vmem>>
        tpu.enqueue_dma source(%dma_start3A_3662 : memref<8x50xf32, #tpu.memory_space<vmem>>) target(%dma_start3A_3658 : memref<8x50xf32, #tpu.memory_space<hbm>>) target_semaphore(%run_scoped3A_3648 : memref<!tpu.dma_semaphore, #tpu.memory_space<semaphore_mem>>)
        %dma_wait3A_3663 = arith.constant 0 : i32
        %dma_wait3A_3664 = arith.constant 0 : i32
        %dma_wait3A_3665 = tpu.memref_slice %arg7[%run_scoped3A_3644, %dma_wait3A_3663, %dma_wait3A_3664] : memref<5x8x50xf32, #tpu.memory_space<vmem>> -> memref<1x8x50xf32, #tpu.memory_space<vmem>>
        %dma_wait3A_3666 = tpu.memref_squeeze %dma_wait3A_3665 : memref<1x8x50xf32, #tpu.memory_space<vmem>> -> memref<8x50xf32, #tpu.memory_space<vmem>>
        %dma_wait3A_3667 = arith.constant 0 : i32
        %dma_wait3A_3668 = tpu.memref_slice %arg4[%run_scoped3A_3645, %multiple_of3A_3638, %dma_wait3A_3667] : memref<5x16384x50xf32, #tpu.memory_space<hbm>> -> memref<1x8x50xf32, #tpu.memory_space<hbm>>
        %dma_wait3A_3669 = tpu.memref_squeeze %dma_wait3A_3668 : memref<1x8x50xf32, #tpu.memory_space<hbm>> -> memref<8x50xf32, #tpu.memory_space<hbm>>
        %dma_wait3A_3670 = arith.constant 0 : i32
        %dma_wait3A_3671 = tpu.memref_slice %arg4[%run_scoped3A_3645, %multiple_of3A_3638, %dma_wait3A_3670] : memref<5x16384x50xf32, #tpu.memory_space<hbm>> -> memref<1x8x50xf32, #tpu.memory_space<hbm>>
        %dma_wait3A_3672 = tpu.memref_squeeze %dma_wait3A_3671 : memref<1x8x50xf32, #tpu.memory_space<hbm>> -> memref<8x50xf32, #tpu.memory_space<hbm>>
        %dma_wait3A_3673 = arith.constant 0 : i32
        %dma_wait3A_3674 = arith.constant 0 : i32
        %dma_wait3A_3675 = tpu.memref_slice %arg7[%run_scoped3A_3644, %dma_wait3A_3673, %dma_wait3A_3674] : memref<5x8x50xf32, #tpu.memory_space<vmem>> -> memref<1x8x50xf32, #tpu.memory_space<vmem>>
        %dma_wait3A_3676 = tpu.memref_squeeze %dma_wait3A_3675 : memref<1x8x50xf32, #tpu.memory_space<vmem>> -> memref<8x50xf32, #tpu.memory_space<vmem>>
        tpu.wait_dma2 semaphore(%run_scoped3A_3648 : memref<!tpu.dma_semaphore, #tpu.memory_space<semaphore_mem>>) src(%dma_wait3A_3676 : memref<8x50xf32, #tpu.memory_space<vmem>>) dst(%dma_wait3A_3672 : memref<8x50xf32, #tpu.memory_space<hbm>>)
        tpu.yield
      }) : () -> ()
      %run_scoped3A_3646 = arith.constant 4 : i32
      %run_scoped3A_3647 = arith.constant 4 : i32
      "tpu.region"() ({
        %run_scoped3A_3648 = tpu.sem_alloc : memref<!tpu.dma_semaphore, #tpu.memory_space<semaphore_mem>>
        %dma_start3A_3649 = arith.constant 0 : i32
        %dma_start3A_3650 = arith.constant 0 : i32
        %dma_start3A_3651 = tpu.memref_slice %arg7[%run_scoped3A_3646, %dma_start3A_3649, %dma_start3A_3650] : memref<5x8x50xf32, #tpu.memory_space<vmem>> -> memref<1x8x50xf32, #tpu.memory_space<vmem>>
        %dma_start3A_3652 = tpu.memref_squeeze %dma_start3A_3651 : memref<1x8x50xf32, #tpu.memory_space<vmem>> -> memref<8x50xf32, #tpu.memory_space<vmem>>
        %dma_start3A_3653 = arith.constant 0 : i32
        %dma_start3A_3654 = tpu.memref_slice %arg4[%run_scoped3A_3647, %multiple_of3A_3638, %dma_start3A_3653] : memref<5x16384x50xf32, #tpu.memory_space<hbm>> -> memref<1x8x50xf32, #tpu.memory_space<hbm>>
        %dma_start3A_3655 = tpu.memref_squeeze %dma_start3A_3654 : memref<1x8x50xf32, #tpu.memory_space<hbm>> -> memref<8x50xf32, #tpu.memory_space<hbm>>
        %dma_start3A_3656 = arith.constant 0 : i32
        %dma_start3A_3657 = tpu.memref_slice %arg4[%run_scoped3A_3647, %multiple_of3A_3638, %dma_start3A_3656] : memref<5x16384x50xf32, #tpu.memory_space<hbm>> -> memref<1x8x50xf32, #tpu.memory_space<hbm>>
        %dma_start3A_3658 = tpu.memref_squeeze %dma_start3A_3657 : memref<1x8x50xf32, #tpu.memory_space<hbm>> -> memref<8x50xf32, #tpu.memory_space<hbm>>
        %dma_start3A_3659 = arith.constant 0 : i32
        %dma_start3A_3660 = arith.constant 0 : i32
        %dma_start3A_3661 = tpu.memref_slice %arg7[%run_scoped3A_3646, %dma_start3A_3659, %dma_start3A_3660] : memref<5x8x50xf32, #tpu.memory_space<vmem>> -> memref<1x8x50xf32, #tpu.memory_space<vmem>>
        %dma_start3A_3662 = tpu.memref_squeeze %dma_start3A_3661 : memref<1x8x50xf32, #tpu.memory_space<vmem>> -> memref<8x50xf32, #tpu.memory_space<vmem>>
        tpu.enqueue_dma source(%dma_start3A_3662 : memref<8x50xf32, #tpu.memory_space<vmem>>) target(%dma_start3A_3658 : memref<8x50xf32, #tpu.memory_space<hbm>>) target_semaphore(%run_scoped3A_3648 : memref<!tpu.dma_semaphore, #tpu.memory_space<semaphore_mem>>)
        %dma_wait3A_3663 = arith.constant 0 : i32
        %dma_wait3A_3664 = arith.constant 0 : i32
        %dma_wait3A_3665 = tpu.memref_slice %arg7[%run_scoped3A_3646, %dma_wait3A_3663, %dma_wait3A_3664] : memref<5x8x50xf32, #tpu.memory_space<vmem>> -> memref<1x8x50xf32, #tpu.memory_space<vmem>>
        %dma_wait3A_3666 = tpu.memref_squeeze %dma_wait3A_3665 : memref<1x8x50xf32, #tpu.memory_space<vmem>> -> memref<8x50xf32, #tpu.memory_space<vmem>>
        %dma_wait3A_3667 = arith.constant 0 : i32
        %dma_wait3A_3668 = tpu.memref_slice %arg4[%run_scoped3A_3647, %multiple_of3A_3638, %dma_wait3A_3667] : memref<5x16384x50xf32, #tpu.memory_space<hbm>> -> memref<1x8x50xf32, #tpu.memory_space<hbm>>
        %dma_wait3A_3669 = tpu.memref_squeeze %dma_wait3A_3668 : memref<1x8x50xf32, #tpu.memory_space<hbm>> -> memref<8x50xf32, #tpu.memory_space<hbm>>
        %dma_wait3A_3670 = arith.constant 0 : i32
        %dma_wait3A_3671 = tpu.memref_slice %arg4[%run_scoped3A_3647, %multiple_of3A_3638, %dma_wait3A_3670] : memref<5x16384x50xf32, #tpu.memory_space<hbm>> -> memref<1x8x50xf32, #tpu.memory_space<hbm>>
        %dma_wait3A_3672 = tpu.memref_squeeze %dma_wait3A_3671 : memref<1x8x50xf32, #tpu.memory_space<hbm>> -> memref<8x50xf32, #tpu.memory_space<hbm>>
        %dma_wait3A_3673 = arith.constant 0 : i32
        %dma_wait3A_3674 = arith.constant 0 : i32
        %dma_wait3A_3675 = tpu.memref_slice %arg7[%run_scoped3A_3646, %dma_wait3A_3673, %dma_wait3A_3674] : memref<5x8x50xf32, #tpu.memory_space<vmem>> -> memref<1x8x50xf32, #tpu.memory_space<vmem>>
        %dma_wait3A_3676 = tpu.memref_squeeze %dma_wait3A_3675 : memref<1x8x50xf32, #tpu.memory_space<vmem>> -> memref<8x50xf32, #tpu.memory_space<vmem>>
        tpu.wait_dma2 semaphore(%run_scoped3A_3648 : memref<!tpu.dma_semaphore, #tpu.memory_space<semaphore_mem>>) src(%dma_wait3A_3676 : memref<8x50xf32, #tpu.memory_space<vmem>>) dst(%dma_wait3A_3672 : memref<8x50xf32, #tpu.memory_space<hbm>>)
        tpu.yield
      }) : () -> ()
    }
    %scan3A_454 = arith.constant 64 : i32
    return
  }
}

module attributes {stable_mosaic.version = 14 : i64} {
  func.func @_mlp_body(%arg0: i32, %arg1: memref<2048x50xf32, #tpu.memory_space<vmem>>, %arg2: memref<2048x50xf32, #tpu.memory_space<vmem>>, %arg3: memref<2048x50xf32, #tpu.memory_space<vmem>>, %arg4: memref<2048x50xf32, #tpu.memory_space<vmem>>, %arg5: memref<2048x50xf32, #tpu.memory_space<vmem>>, %arg6: memref<250x100xf32, #tpu.memory_space<vmem>>, %arg7: memref<1x100xf32, #tpu.memory_space<vmem>>, %arg8: memref<100x64xf32, #tpu.memory_space<vmem>>, %arg9: memref<1x64xf32, #tpu.memory_space<vmem>>, %arg10: memref<2048x64xf32, #tpu.memory_space<vmem>>) attributes {dimension_semantics = [#tpu.dimension_semantics<arbitrary>], iteration_bounds = array<i64: 8>, scalar_prefetch = 0 : i64, scratch_operands = 0 : i64, tpu.core_type = #tpu.core_type<tc>, window_params = [{transform_indices = @transform_0, window_bounds = array<i64: 2048, 50>}, {transform_indices = @transform_1, window_bounds = array<i64: 2048, 50>}, {transform_indices = @transform_2, window_bounds = array<i64: 2048, 50>}, {transform_indices = @transform_3, window_bounds = array<i64: 2048, 50>}, {transform_indices = @transform_4, window_bounds = array<i64: 2048, 50>}, {pipeline_mode = #tpu.pipeline_mode<synchronous>, transform_indices = @transform_5, window_bounds = array<i64: 250, 100>}, {pipeline_mode = #tpu.pipeline_mode<synchronous>, transform_indices = @transform_6, window_bounds = array<i64: 1, 100>}, {pipeline_mode = #tpu.pipeline_mode<synchronous>, transform_indices = @transform_7, window_bounds = array<i64: 100, 64>}, {pipeline_mode = #tpu.pipeline_mode<synchronous>, transform_indices = @transform_8, window_bounds = array<i64: 1, 64>}, {transform_indices = @transform_9, window_bounds = array<i64: 2048, 64>}]} {
    %get3A = arith.constant 0 : index
    %get3A_0 = arith.constant 0 : index
    %get3A_1 = vector.load %arg7[%get3A, %get3A_0] : memref<1x100xf32, #tpu.memory_space<vmem>>, vector<1x100xf32>
    %get3A_2 = arith.constant 0 : index
    %get3A_3 = arith.constant 0 : index
    %get3A_4 = vector.load %arg1[%get3A_2, %get3A_3] : memref<2048x50xf32, #tpu.memory_space<vmem>>, vector<2048x50xf32>
    %get3A_5 = arith.constant 0 : index
    %get3A_6 = arith.constant 0 : index
    %get3A_7 = vector.load %arg6[%get3A_5, %get3A_6] : memref<250x100xf32, #tpu.memory_space<vmem>>, vector<50x100xf32>
    %dot_general3A = arith.constant dense<0.000000e+00> : vector<2048x100xf32>
    %dot_general3A_8 = tpu.matmul %get3A_4, %get3A_7, %dot_general3A {dimension_numbers = #tpu.dot_dimension_numbers<[1], [0], [0], [1], [0, 0, 1, 1], [], []>, transpose_lhs_hint = false} : vector<2048x50xf32>, vector<50x100xf32>, vector<2048x100xf32> -> vector<2048x100xf32>
    %add3A = vector.broadcast %get3A_1 : vector<1x100xf32> to vector<2048x100xf32>
    %add3A_9 = arith.addf %add3A, %dot_general3A_8 : vector<2048x100xf32>
    %get3A_10 = arith.constant 0 : index
    %get3A_11 = arith.constant 0 : index
    %get3A_12 = vector.load %arg2[%get3A_10, %get3A_11] : memref<2048x50xf32, #tpu.memory_space<vmem>>, vector<2048x50xf32>
    %get3A_13 = arith.constant 50 : index
    %get3A_14 = arith.constant 0 : index
    %get3A_15 = vector.load %arg6[%get3A_13, %get3A_14] : memref<250x100xf32, #tpu.memory_space<vmem>>, vector<50x100xf32>
    %dot_general3A_16 = arith.constant dense<0.000000e+00> : vector<2048x100xf32>
    %dot_general3A_17 = tpu.matmul %get3A_12, %get3A_15, %dot_general3A_16 {dimension_numbers = #tpu.dot_dimension_numbers<[1], [0], [0], [1], [0, 0, 1, 1], [], []>, transpose_lhs_hint = false} : vector<2048x50xf32>, vector<50x100xf32>, vector<2048x100xf32> -> vector<2048x100xf32>
    %add3A_18 = arith.addf %add3A_9, %dot_general3A_17 : vector<2048x100xf32>
    %get3A_19 = arith.constant 0 : index
    %get3A_20 = arith.constant 0 : index
    %get3A_21 = vector.load %arg3[%get3A_19, %get3A_20] : memref<2048x50xf32, #tpu.memory_space<vmem>>, vector<2048x50xf32>
    %get3A_22 = arith.constant 100 : index
    %get3A_23 = arith.constant 0 : index
    %get3A_24 = vector.load %arg6[%get3A_22, %get3A_23] : memref<250x100xf32, #tpu.memory_space<vmem>>, vector<50x100xf32>
    %dot_general3A_25 = arith.constant dense<0.000000e+00> : vector<2048x100xf32>
    %dot_general3A_26 = tpu.matmul %get3A_21, %get3A_24, %dot_general3A_25 {dimension_numbers = #tpu.dot_dimension_numbers<[1], [0], [0], [1], [0, 0, 1, 1], [], []>, transpose_lhs_hint = false} : vector<2048x50xf32>, vector<50x100xf32>, vector<2048x100xf32> -> vector<2048x100xf32>
    %add3A_27 = arith.addf %add3A_18, %dot_general3A_26 : vector<2048x100xf32>
    %get3A_28 = arith.constant 0 : index
    %get3A_29 = arith.constant 0 : index
    %get3A_30 = vector.load %arg4[%get3A_28, %get3A_29] : memref<2048x50xf32, #tpu.memory_space<vmem>>, vector<2048x50xf32>
    %get3A_31 = arith.constant 150 : index
    %get3A_32 = arith.constant 0 : index
    %get3A_33 = vector.load %arg6[%get3A_31, %get3A_32] : memref<250x100xf32, #tpu.memory_space<vmem>>, vector<50x100xf32>
    %dot_general3A_34 = arith.constant dense<0.000000e+00> : vector<2048x100xf32>
    %dot_general3A_35 = tpu.matmul %get3A_30, %get3A_33, %dot_general3A_34 {dimension_numbers = #tpu.dot_dimension_numbers<[1], [0], [0], [1], [0, 0, 1, 1], [], []>, transpose_lhs_hint = false} : vector<2048x50xf32>, vector<50x100xf32>, vector<2048x100xf32> -> vector<2048x100xf32>
    %add3A_36 = arith.addf %add3A_27, %dot_general3A_35 : vector<2048x100xf32>
    %get3A_37 = arith.constant 0 : index
    %get3A_38 = arith.constant 0 : index
    %get3A_39 = vector.load %arg5[%get3A_37, %get3A_38] : memref<2048x50xf32, #tpu.memory_space<vmem>>, vector<2048x50xf32>
    %get3A_40 = arith.constant 200 : index
    %get3A_41 = arith.constant 0 : index
    %get3A_42 = vector.load %arg6[%get3A_40, %get3A_41] : memref<250x100xf32, #tpu.memory_space<vmem>>, vector<50x100xf32>
    %dot_general3A_43 = arith.constant dense<0.000000e+00> : vector<2048x100xf32>
    %dot_general3A_44 = tpu.matmul %get3A_39, %get3A_42, %dot_general3A_43 {dimension_numbers = #tpu.dot_dimension_numbers<[1], [0], [0], [1], [0, 0, 1, 1], [], []>, transpose_lhs_hint = false} : vector<2048x50xf32>, vector<50x100xf32>, vector<2048x100xf32> -> vector<2048x100xf32>
    %add3A_45 = arith.addf %add3A_36, %dot_general3A_44 : vector<2048x100xf32>
    %tanh3A = math.tanh %add3A_45 : vector<2048x100xf32>
    %get3A_46 = arith.constant 0 : index
    %get3A_47 = arith.constant 0 : index
    %get3A_48 = vector.load %arg8[%get3A_46, %get3A_47] : memref<100x64xf32, #tpu.memory_space<vmem>>, vector<100x64xf32>
    %dot_general3A_49 = arith.constant dense<0.000000e+00> : vector<2048x64xf32>
    %dot_general3A_50 = tpu.matmul %tanh3A, %get3A_48, %dot_general3A_49 {dimension_numbers = #tpu.dot_dimension_numbers<[1], [0], [0], [1], [0, 0, 1, 1], [], []>, transpose_lhs_hint = false} : vector<2048x100xf32>, vector<100x64xf32>, vector<2048x64xf32> -> vector<2048x64xf32>
    %get3A_51 = arith.constant 0 : index
    %get3A_52 = arith.constant 0 : index
    %get3A_53 = vector.load %arg9[%get3A_51, %get3A_52] : memref<1x64xf32, #tpu.memory_space<vmem>>, vector<1x64xf32>
    %add3A_54 = vector.broadcast %get3A_53 : vector<1x64xf32> to vector<2048x64xf32>
    %add3A_55 = arith.addf %dot_general3A_50, %add3A_54 : vector<2048x64xf32>
    %reduce_max3A = arith.constant dense<0xFF800000> : vector<2048xf32>
    %reduce_max3A_56 = vector.multi_reduction <maximumf>, %add3A_55, %reduce_max3A [1] : vector<2048x64xf32> to vector<2048xf32>
    %broadcast_in_dim3A = vector.shape_cast %reduce_max3A_56 : vector<2048xf32> to vector<2048x1xf32>
    %sub3A = vector.broadcast %broadcast_in_dim3A : vector<2048x1xf32> to vector<2048x64xf32>
    %sub3A_57 = arith.subf %add3A_55, %sub3A : vector<2048x64xf32>
    %exp3A = math.exp %sub3A_57 : vector<2048x64xf32>
    %reduce_sum3A = arith.constant dense<0.000000e+00> : vector<2048xf32>
    %reduce_sum3A_58 = vector.multi_reduction <add>, %exp3A, %reduce_sum3A [1] : vector<2048x64xf32> to vector<2048xf32>
    %broadcast_in_dim3A_59 = vector.shape_cast %reduce_sum3A_58 : vector<2048xf32> to vector<2048x1xf32>
    %div3A = vector.broadcast %broadcast_in_dim3A_59 : vector<2048x1xf32> to vector<2048x64xf32>
    %div3A_60 = arith.divf %exp3A, %div3A : vector<2048x64xf32>
    %swap3A = arith.constant 0 : index
    %swap3A_61 = arith.constant 0 : index
    %swap3A_62 = vector.load %arg10[%swap3A, %swap3A_61] : memref<2048x64xf32, #tpu.memory_space<vmem>>, vector<2048x64xf32>
    tpu.vector_store %arg10[%swap3A, %swap3A_61], %div3A_60 {strides = array<i32>} : memref<2048x64xf32, #tpu.memory_space<vmem>>, vector<2048x64xf32>,
    return
  }
  func.func @transform_0(%arg0: i32) -> (i32, i32) {
    %c0_i32 = arith.constant 0 : i32
    %c0_i32_0 = arith.constant 0 : i32
    return %arg0, %c0_i32 : i32, i32
  }
  func.func @transform_1(%arg0: i32) -> (i32, i32) {
    %c0_i32 = arith.constant 0 : i32
    %c0_i32_0 = arith.constant 0 : i32
    return %arg0, %c0_i32 : i32, i32
  }
  func.func @transform_2(%arg0: i32) -> (i32, i32) {
    %c0_i32 = arith.constant 0 : i32
    %c0_i32_0 = arith.constant 0 : i32
    return %arg0, %c0_i32 : i32, i32
  }
  func.func @transform_3(%arg0: i32) -> (i32, i32) {
    %c0_i32 = arith.constant 0 : i32
    %c0_i32_0 = arith.constant 0 : i32
    return %arg0, %c0_i32 : i32, i32
  }
  func.func @transform_4(%arg0: i32) -> (i32, i32) {
    %c0_i32 = arith.constant 0 : i32
    %c0_i32_0 = arith.constant 0 : i32
    return %arg0, %c0_i32 : i32, i32
  }
  func.func @transform_5(%arg0: i32) -> (i32, i32) {
    %c0_i32 = arith.constant 0 : i32
    %c0_i32_0 = arith.constant 0 : i32
    %c0_i32_1 = arith.constant 0 : i32
    return %c0_i32, %c0_i32_0 : i32, i32
  }
  func.func @transform_6(%arg0: i32) -> (i32, i32) {
    %c0_i32 = arith.constant 0 : i32
    %c0_i32_0 = arith.constant 0 : i32
    %c0_i32_1 = arith.constant 0 : i32
    return %c0_i32, %c0_i32_0 : i32, i32
  }
  func.func @transform_7(%arg0: i32) -> (i32, i32) {
    %c0_i32 = arith.constant 0 : i32
    %c0_i32_0 = arith.constant 0 : i32
    %c0_i32_1 = arith.constant 0 : i32
    return %c0_i32, %c0_i32_0 : i32, i32
  }
  func.func @transform_8(%arg0: i32) -> (i32, i32) {
    %c0_i32 = arith.constant 0 : i32
    %c0_i32_0 = arith.constant 0 : i32
    %c0_i32_1 = arith.constant 0 : i32
    return %c0_i32, %c0_i32_0 : i32, i32
  }
  func.func @transform_9(%arg0: i32) -> (i32, i32) {
    %c0_i32 = arith.constant 0 : i32
    %c0_i32_0 = arith.constant 0 : i32
    return %arg0, %c0_i32 : i32, i32
  }
}

</mosaic_0001>

<sc_bundles>
// kernel: kernel.4.cloned.1.call-start
scs
__scs_entry_jumppad:
0x0: {  	(pc) =	sbr.rel $0x88, $3  }
0x1: {  	(tag) =	ssettag $0x0;
	lr =	simm.s32 $0x1  }
0x2: {  	[smem:$0x3F9B] =	sst lr;
	_ =	strace $0xD0000000  }
0x3: {  	_ = 	snop  }
0x4: {  	_ = 	snop  }
0x5: {  	_ = 	snop  }
0x6: {  	_ = 	snop  }
0x7: {  	_ = 	snop  }
__scs_overlays_trampoline_lowered:
0x8: {  	[smem:$0x3FAA] =	sst s0  }
0x9: {  	[smem:$0x3FAB] =	sst s1  }
0xa: {  	[smem:$0x3FAC] =	sst s2  }
0xb: {  	[smem:$0x3FAD] =	sst s3  }
0xc: {  	[smem:$0x3FAE] =	sst s4  }
0xd: {  	[smem:$0x3FAF] =	sst s5  }
0xe: {  	[smem:$0x3FB0] =	sst s6  }
0xf: {  	[smem:$0x3FB1] =	sst s7  }
0x10: {  	[smem:$0x3FB2] =	sst s8  }
0x11: {  	[smem:$0x3FB3] =	sst s9;
	s0 =	simm.s32 @!p0 $0x0  }
0x12: {  	s1 =	sld [smem:$0x3F99];
	s0 =	simm.s32 @p0 $0x1  }
0x13: {  	[smem:$0x3FB4] =	sst s0;
	s0 =	simm.s32 @!p1 $0x0  }
0x14: {  	s2 =	sld [smem:$0x3F98];
	s0 =	simm.s32 @p1 $0x1  }
0x15: {  	[smem:$0x3FB5] =	sst s0;
	s0 =	simm.s32 @!p2 $0x0  }
0x16: {  	s3 =	sld [smem:$0x3FDB];
	s0 =	simm.s32 @p2 $0x1  }
0x17: {  	s4 =	simm.s32 $0x1BF5;
	[smem:$0x3FB7] =	sst s0  }
0x18: {  	s0 =	sld [smem:$0x3F9A];
	_ =	swait.ge [sflag:s4], $0x0  }
0x19: {  	s7 =	sld [smem:$0x3F9B]  }
0x1a: {  	s8 =	sadd.s32 $0xFFFFE003, lr  }
0x1b: {  	s9 =	sadd.s32 $0xFFFFFEF7, lr;
	s5 =	simm.s32 $0xFFFFFFFF;
	p2 =	slt.u32 s8, $0xFFFFF086  }
0x1c: {  	p1 =	slt.u32 s9, $0xF7A;
	s5 =	simm.s32 @!p2 $0x0  }
0x1d: {  	s5 =	simm.s32 @p1 $0x1;
	p0 =	seq.s32 s7, s2  }
0x1e: {  	s7 =	smul.u32 @!p0 $0xF7A, s2;
	p2 =	seq.s32 @!p0 s5, $0x0  }
0x1f: {  	s9 =	smul.u32 $0xF7A, s1;
	s8 =	simm.s32 @!p0 $0x1BF5;
	p2 =	por !p2, p0  }
0x20: {  	[sflag:s8] =	ssyncset.s32 @!p0 $0xFFFFF086;
	s6 =	sadd.s32 @!p0 s3, s7;
	s7 =	simm.s32 @!p0 $0x108  }
0x21: {  	s3 =	sadd.s32 s3, s9;
	s6 =	sadd.s32 @!p0 $0x88, s6;
	s7 =	simm.s32 @p2 $0x1082  }
0x22: {  	[simem:s7], [sflag:s8] =	dma.local @!p0 [hbm:s6], $0xF7A  }
0x23: {  	s9 =	sor.u32 $0xD0000000, s2;
	s6 =	simm.s32 $0x108;
	_ =	swait.ge @!p0 [sflag:s8], $0x0  }
0x24: {  	s3 =	sadd.s32 $0x88, s3;
	s6 =	simm.s32 @!p1 $0x1082;
	[sflag:s4] =	ssyncset.s32 $0xFFFFF086  }
0x25: {  	[simem:s6], [sflag:s4] =	dma.local [hbm:s3], $0xF7A  }
0x26: {  	[smem:$0x3F9B] =	sst s1;
	(tag) =	ssettag s2;
	_ =	strace s9  }
0x27: {  	s1 =	sld [smem:$0x3FAB]  }
0x28: {  	s2 =	sld [smem:$0x3FAC]  }
0x29: {  	s4 =	sld [smem:$0x3FAE]  }
0x2a: {  	p0 =	seq.s32 s5, $0x0;
	s5 =	sld [smem:$0x3FAF]  }
0x2b: {  	s6 =	sld [smem:$0x3FB0]  }
0x2c: {  	s7 =	sld [smem:$0x3FB1]  }
0x2d: {  	s3 =	simm.s32 $0x108;
	s8 =	sld [smem:$0x3FB2]  }
0x2e: {  	s3 =	simm.s32 @!p0 $0x1082;
	s9 =	sld [smem:$0x3FB3]  }
0x2f: {  	lr =	sadd.s32 s0, s3;
	s0 =	sld [smem:$0x3FAA]  }
0x30: {  	s3 =	sld [smem:$0x3FAD]  }
0x31: {  	[smem:$0x3FB6] =	sst s10  }
0x32: {  	s10 =	sld [smem:$0x3FB4];
	_ =	sdelay $0x3  }
0x33: {  	p0 =	seq.s32 s10, $0x1;
	s10 =	sld [smem:$0x3FB6];
	_ =	sdelay $0x3  }
0x34: {  	[smem:$0x3FB6] =	sst s10  }
0x35: {  	s10 =	sld [smem:$0x3FB5];
	_ =	sdelay $0x3  }
0x36: {  	p1 =	seq.s32 s10, $0x1;
	s10 =	sld [smem:$0x3FB6];
	_ =	sdelay $0x3  }
0x37: {  	[smem:$0x3FB6] =	sst s10  }
0x38: {  	s10 =	sld [smem:$0x3FB7]  }
0x39: {  	_ = 	snop;
	(pc) =	sbr.ind lr, $3  }
0x3a: {  	_ = 	snop  }
0x3b: {  	_ = 	snop  }
0x3c: {  	p2 =	seq.s32 s10, $0x1;
	s10 =	sld [smem:$0x3FB6]  }
0x3d: {  	_ =	shalt  }
0x3e: {  	_ =	shalt  }
0x3f: {  	_ =	shalt  }
0x40: {  	_ =	shalt  }
0x41: {  	_ =	shalt  }
0x42: {  	_ =	shalt  }
0x43: {  	_ =	shalt  }
0x44: {  	_ =	shalt  }
0x45: {  	_ =	shalt  }
0x46: {  	_ =	shalt  }
0x47: {  	_ =	shalt  }
0x48: {  	_ =	shalt  }
0x49: {  	_ =	shalt  }
0x4a: {  	_ =	shalt  }
0x4b: {  	_ =	shalt  }
0x4c: {  	_ =	shalt  }
0x4d: {  	_ =	shalt  }
0x4e: {  	_ =	shalt  }
0x4f: {  	_ =	shalt  }
0x50: {  	_ =	shalt  }
0x51: {  	_ =	shalt  }
0x52: {  	_ =	shalt  }
0x53: {  	_ =	shalt  }
0x54: {  	_ =	shalt  }
0x55: {  	_ =	shalt  }
0x56: {  	_ =	shalt  }
0x57: {  	_ =	shalt  }
0x58: {  	_ =	shalt  }
0x59: {  	_ =	shalt  }
0x5a: {  	_ =	shalt  }
0x5b: {  	_ =	shalt  }
0x5c: {  	_ =	shalt  }
0x5d: {  	_ =	shalt  }
0x5e: {  	_ =	shalt  }
0x5f: {  	_ =	shalt  }
0x60: {  	_ =	shalt  }
0x61: {  	_ =	shalt  }
0x62: {  	_ =	shalt  }
0x63: {  	_ =	shalt  }
0x64: {  	_ =	shalt  }
0x65: {  	_ =	shalt  }
0x66: {  	_ =	shalt  }
0x67: {  	_ =	shalt  }
0x68: {  	_ =	shalt  }
0x69: {  	_ =	shalt  }
0x6a: {  	_ =	shalt  }
0x6b: {  	_ =	shalt  }
0x6c: {  	_ =	shalt  }
0x6d: {  	_ =	shalt  }
0x6e: {  	_ =	shalt  }
0x6f: {  	_ =	shalt  }
0x70: {  	_ =	shalt  }
0x71: {  	_ =	shalt  }
0x72: {  	_ =	shalt  }
0x73: {  	_ =	shalt  }
0x74: {  	_ =	shalt  }
0x75: {  	_ =	shalt  }
0x76: {  	_ =	shalt  }
0x77: {  	_ =	shalt  }
0x78: {  	_ =	shalt  }
0x79: {  	_ =	shalt  }
0x7a: {  	_ =	shalt  }
0x7b: {  	_ =	shalt  }
0x7c: {  	_ =	shalt  }
0x7d: {  	_ =	shalt  }
0x7e: {  	_ =	shalt  }
0x7f: {  	_ =	shalt  }
0x80: {  	_ =	shalt  }
0x81: {  	_ =	shalt  }
0x82: {  	_ =	shalt  }
0x83: {  	_ =	shalt  }
0x84: {  	_ =	shalt  }
0x85: {  	_ =	shalt  }
0x86: {  	_ =	shalt  }
0x87: {  	_ =	shalt  }
.Lfunc_end0:
.L_simem_size_0:
called_computation_lowered:
.L_overlay_start_0:
0x88: {  	s2 =	sld [smem:$0x3FD9]  }
0x89: {  	s3 =	sld [smem:$0x3FFE];
	_ =	sdelay $0x1  }
0x8a: {  	s1 =	srdreg.scid  }
0x8b: {  	s0 =	sand.u32 $0x1, s1  }
0x8c: {  	s17 =	sshll.u32 s0, $0xA;
	s2 =	sadd.s32 s3, s2  }
0x8d: {  	s2 =	sadd.s32 s2, s17  }
0x8e: {  	[smem:$0x3FC2] =	sst s2  }
0x8f: {  	_ = 	snop  }
0x90: {  	s2 =	sld [smem:$0x3FD0];
	(tm) =	ssettm $0x1  }
0x91: {  	s18 =	sld [smem:$0x3FFB];
	_ =	sdelay $0x3  }
0x92: {  	_ =	strace s18  }
0x93: {  	s3 =	sld [smem:$0x3FFC];
	_ =	sdelay $0x3  }
0x94: {  	_ =	strace s3  }
0x95: {  	s3 =	sld [smem:$0x3FFD];
	_ =	sdelay $0x3  }
0x96: {  	_ =	strace s3  }
0x97: {  	_ =	strace $0x8FFFFFFF  }
0x98: {  	s19 =	sld [smem:$0x3FDB];
	_ =	sdelay $0x1  }
0x99: {  	s4 =	simm.s32 $_scs_section_size  }
0x9a: {  	s5 =	simm.s32 $_size__tile_overlayer_lowered;
	s6 =	simm.s32 $_tile_overlayer_lowered  }
0x9b: {  	s22 =	simm.s32 $0x1BFF;
	s21 =	sshll.u32 s6, $0x1;
	s3 =	sadd.s32 s4, s19  }
0x9c: {  	s7 =	simm.s32 $0x0;
	s20 =	sshll.u32 s5, $0x1;
	s5 =	sadd.s32 s21, s3  }
0x9d: {  	[timem:s7], [sflag:s22] =	dma.local [hbm:s5], s20  }
0x9e: {  	_ =	swait.ge [sflag:s22], s20  }
0x9f: {  	s4 =	ssub.s32 $0x0, s20;
	[sflag:s22] =	ssyncset.done $0x0  }
0xa0: {  	[sflag:s22] =	ssyncadd.s32 s4;
	_ =	sdelay $0x1  }
0xa1: {  	s23 =	simm.s32 $0x1B8B  }
0xa2: {  	_ =	swait.ge [sflag:s23], $0x1  }
0xa3: {  	[sflag:s23] =	ssyncset.done $0x0  }
0xa4: {  	s25 =	simm.s32 $0x1B8E;
	s24 =	sld [smem:$0x3FFE];
	[sflag:s23] =	ssyncadd.s32 $0xFFFFFFFF  }
0xa5: {  	s26 =	simm.s32 $execute0_lowered;
	[smem:$0x3FD2] =	sst s25  }
0xa6: {  	s5 =	sshll.u32 s26, $0x1;
	_ =	strace $0x80000046;
	[dreg:$0x1] =	wrdreg $0xFFFFFFFF  }
0xa7: {  	s28 =	simm.s32 $_size_execute0_lowered;
	s3 =	sadd.s32 s3, s5;
	[dreg:$0x0] =	wrdreg $0x0  }
0xa8: {  	s5 =	sshll.u32 s28, $0x1;
	[dreg:$0x2] =	wrdreg s3  }
0xa9: {  	[dreg:$0x3] =	wrdreg s5  }
0xaa: {  	[dreg:$0x4] =	wrdreg $0xC0  }
0xab: {  	_ =	task [dreg:s7], $0x5FFFF  }
0xac: {  	[dreg:$0x1] =	wrdreg $0xFFFFFFFF  }
0xad: {  	[dreg:$0x0] =	wrdreg $0x60  }
0xae: {  	[dreg:$0x2] =	wrdreg s2  }
0xaf: {  	[dreg:$0x3] =	wrdreg s24  }
0xb0: {  	[dreg:$0x4] =	wrdreg $0x9  }
0xb1: {  	_ =	task.clear_ibuf [dreg:s7], $0x5FFFF;
	_ =	strace $0x90000046  }
0xb2: {  	s29 =	simm.s32 $0x9;
	_ =	strace $0x80000048  }
0xb3: {  	_ =	swait.ge [sflag:s29], $0x1  }
0xb4: {  	[sflag:s29] =	ssyncadd.s32 $0xFFFFFFFF  }
0xb5: {  	_ =	strace $0x90000048  }
0xb6: {  	_ =	sfence  }
0xb7: {  	s30 =	sld [smem:$0x0];
	_ =	sdelay $0x2  }
0xb8: {  	s31 =	sshll.u32 s1, $0xD;
	s1 =	sshrl.u32 s1, $0x2  }
0xb9: {  	s3 =	sand.u32 $0x4000, s31;
	s1 =	sadd.s32 s1, s30  }
0xba: {  	s0 =	sor.u32 s3, s0;
	s1 =	sshll.u32 s1, $0x11  }
0xbb: {  	s0 =	sor.u32 s1, s0  }
0xbc: {  	s0 =	sadd.s32 $0x8F2B, s0  }
0xbd: {  	[sflag:s0] =	ssyncadd.remote.s32 $0x1  }
0xbe: {  	_ =	sfence.sel $0xFFFF  }
0xbf: {  	[dreg:$0x0] =	wrdreg $0xFFFFFFFF;
	(pc) =	sbr.abs _section_cstart, $3  }
0xc0: {  	[dreg:$0x1] =	wrdreg $0xFFFFFFFF  }
0xc1: {  	_ =	task.clear_ibuf [dreg:s7], $0x2FFFF;
	_ =	strace $0x9FFFFFFF  }
0xc2: {  	(tm) =	ssettm $0x7FFFFFFF  }
0xc3: {  	_ =	shalt  }
tec
execute0_lowered:
.L_overlay_start_1:
0x0: {  	(tag) =	ssettag $0x1  }
0x1: {  	s0 =	rddreg [dreg:$0x0]  }
0x2: {  	s1 =	rddreg [dreg:$0x1];
	s2 =	simm.s32 $0x0  }
0x3: {  	s6 =	stileid.u32;
	s5 =	srdreg.scid;
	s26 =	simm.s32 $0x9000  }
0x4: {  	s21 =	simm.s32 $0x1;
	s22 =	simm.s32 $0x2;
	[smem:$0x7FF] =	sst s2  }
0x5: {  	s4 =	sshll.u32 s6, $0xE;
	s3 =	sadd.s32 $0x1000, s1;
	s29 =	sand.u32 $0x1, s5  }
0x6: {  	s6 =	sshll.u32 s6, $0xC;
	_ =	strace $0x80000047;
	s1 =	sadd.s32 s4, s1  }
.Ltmp0:
0x7: {  	s5 =	ssub.s32 $0x2, s29;
	s7 =	sshll.u32 s29, $0xB;
	(pc) =	sbr.rel .LBB2_1-.Ltmp0, $4  }
0x8: {  	s4 =	sshll.u32 s29, $0xD;
	s8 =	sshrl.u32 s5, $0x1;
	s6 =	sor.u32 s7, s6  }
0x9: {  	s30 =	sadd.s32 s4, s1;
	s5 =	ssub.s32 s5, s8;
	s0 =	sadd.s32 s0, s6  }
0xa: {  	s7 =	simm.s32 $0x3;
	[dreg:$0x3] =	wrdreg s0;
	s31 =	smax.u32 s5, $0x1  }
0xb: {  	s1 =	simm.s32 $0x0;
	s6 =	sadd.s32 $0xF43400, s30;
	[dreg:$0x4] =	wrdreg s31  }
.LBB2_5:
0xc: {  	s1 =	rddreg [dreg:$0x5]  }
0xd: {  	s0 =	rddreg [dreg:$0x4];
	s1 =	sadd.s32 $0x1, s1  }
0xe: {  	p0 =	sne.s32 s1, s0  }
.Ltmp1:
0xf: {  	_ = 	snop;
	(pc) =	sbr.rel @!p0 .LBB2_6-.Ltmp1, $1  }
0x10: {  	_ =	sdelay $0x3  }
.LBB2_1:
0x11: {  	[dreg:$0x5] =	wrdreg s1  }
0x12: {  	s0 =	rddreg [dreg:$0x3]  }
0x13: {  	[tilespmem:s2], [sflag:$0x3] =	stream.linear.gather [hbm4b:s0+s2], $0x4000, $0x38;
	[tilespmem:$0xF400] =	vst v63  }
0x14: {  	_ =	swait.ge [sflag:s7], $0x4000  }
0x15: {  	[sflag:s7] =	ssyncset.done $0x0  }
0x16: {  	[sflag:s7] =	ssyncadd.s32 $0xFFFFC000  }
0x17: {  	v0 =	vld [tilespmem:$0x0];
	_ =	sdelay $0x4  }
0x18: {  	v0 =	vshll.u32 v0, $0x4  }
0x19: {  	(v2sf) =	vpush v0, $0x0  }
0x1a: {  	(v2sf) =	vpush v0, $0x1;
	_ =	sdelay $0x6  }
0x1b: {  	(v2sf) =	vpush v0, $0x2  }
0x1c: {  	(v2sf) =	vpush v0, $0x3;
	_ =	sdelay $0x5  }
0x1d: {  	s28 =	spop (v2sf);
	(v2sf) =	vpush v0, $0x4  }
0x1e: {  	s4 =	spop (v2sf);
	(v2sf) =	vpush v0, $0x5;
	_ =	sdelay $0x5  }
0x1f: {  	(v2sf) =	vpush v0, $0x6  }
0x20: {  	s8 =	spop (v2sf)  }
0x21: {  	s0 =	sand.u32 $0xFFFFF80, s28;
	s10 =	spop (v2sf);
	(v2sf) =	vpush v0, $0x7  }
0x22: {  	s31 =	simm.s32 $0x4000;
	s0 =	sadd.s32 s3, s0  }
0x23: {  	v1 =	vld [tilespmem:$0x4];
	[tilespmem:s31], [sflag:$0x1] =	stream.linear.gather [hbm4b:s0+s2], $0x400, $0x38  }
0x24: {  	s0 =	sand.u32 $0xFFFFF80, s4  }
0x25: {  	s5 =	simm.s32 $0x4400;
	s0 =	sadd.s32 s3, s0  }
0x26: {  	[tilespmem:s5], [sflag:$0x1] =	stream.linear.gather [hbm4b:s0+s2], $0x400, $0x38;
	[tilespmem:$0xF400] =	vst v63  }
0x27: {  	s0 =	sand.u32 $0xFFFFF80, s8;
	s12 =	spop (v2sf);
	(v2sf) =	vpush v0, $0x8  }
0x28: {  	s9 =	simm.s32 $0x4800;
	s0 =	sadd.s32 s3, s0;
	s14 =	spop (v2sf);
	(v2sf) =	vpush v0, $0x9  }
0x29: {  	[tilespmem:s9], [sflag:$0x1] =	stream.linear.gather [hbm4b:s0+s2], $0x400, $0x38;
	[tilespmem:$0xF400] =	vst v63  }
0x2a: {  	s0 =	sand.u32 $0xFFFFF80, s10  }
0x2b: {  	s11 =	simm.s32 $0x4C00;
	s0 =	sadd.s32 s3, s0  }
0x2c: {  	[tilespmem:s11], [sflag:$0x1] =	stream.linear.gather [hbm4b:s0+s2], $0x400, $0x38;
	[tilespmem:$0xF400] =	vst v63  }
0x2d: {  	s0 =	sand.u32 $0xFFFFF80, s12  }
0x2e: {  	s13 =	simm.s32 $0x5000;
	s0 =	sadd.s32 s3, s0;
	s16 =	spop (v2sf);
	(v2sf) =	vpush v0, $0xA  }
0x2f: {  	[tilespmem:s13], [sflag:$0x1] =	stream.linear.gather [hbm4b:s0+s2], $0x400, $0x38;
	[tilespmem:$0xF400] =	vst v63  }
0x30: {  	s0 =	sand.u32 $0xFFFFF80, s14;
	s18 =	spop (v2sf);
	(v2sf) =	vpush v0, $0xB  }
0x31: {  	s15 =	simm.s32 $0x5400;
	s0 =	sadd.s32 s3, s0  }
0x32: {  	[tilespmem:s15], [sflag:$0x1] =	stream.linear.gather [hbm4b:s0+s2], $0x400, $0x38;
	[tilespmem:$0xF400] =	vst v63  }
0x33: {  	s0 =	sand.u32 $0xFFFFF80, s16  }
0x34: {  	s17 =	simm.s32 $0x5800;
	s0 =	sadd.s32 s3, s0  }
0x35: {  	[tilespmem:s17], [sflag:$0x1] =	stream.linear.gather [hbm4b:s0+s2], $0x400, $0x38;
	[tilespmem:$0xF400] =	vst v63  }
0x36: {  	s0 =	sand.u32 $0xFFFFF80, s18;
	s20 =	spop (v2sf);
	(v2sf) =	vpush v0, $0xC  }
0x37: {  	s19 =	simm.s32 $0x5C00;
	s0 =	sadd.s32 s3, s0;
	s24 =	spop (v2sf);
	(v2sf) =	vpush v0, $0xD  }
0x38: {  	[tilespmem:s19], [sflag:$0x1] =	stream.linear.gather [hbm4b:s0+s2], $0x400, $0x38;
	[tilespmem:$0xF400] =	vst v63  }
0x39: {  	s0 =	sand.u32 $0xFFFFF80, s20;
	(v2sf) =	vpush v0, $0xE  }
0x3a: {  	s23 =	simm.s32 $0x6000;
	s0 =	sadd.s32 s3, s0  }
0x3b: {  	[tilespmem:s23], [sflag:$0x1] =	stream.linear.gather [hbm4b:s0+s2], $0x400, $0x38;
	[tilespmem:$0xF400] =	vst v63  }
0x3c: {  	s0 =	sand.u32 $0xFFFFF80, s24  }
0x3d: {  	s25 =	simm.s32 $0x6400;
	s28 =	spop (v2sf);
	s0 =	sadd.s32 s3, s0  }
0x3e: {  	v63 =	vshll.u32 v1, $0x4;
	(v2sf) =	vpush v0, $0xF;
	[tilespmem:s25], [sflag:$0x1] =	stream.linear.gather [hbm4b:s0+s2], $0x400, $0x38;
	[tilespmem:$0xF400] =	vst v63  }
0x3f: {  	s1 =	spop (v2sf);
	(v2sf) =	vpush v63, $0xC;
	s0 =	sand.u32 $0xFFFFF80, s28  }
0x40: {  	s31 =	simm.s32 $0x6800;
	s0 =	sadd.s32 s3, s0  }
0x41: {  	[tilespmem:s31], [sflag:$0x1] =	stream.linear.gather [hbm4b:s0+s2], $0x400, $0x38;
	[tilespmem:$0xF400] =	vst v63  }
0x42: {  	s0 =	sand.u32 $0xFFFFF80, s1  }
0x43: {  	s4 =	simm.s32 $0x6C00;
	s0 =	sadd.s32 s3, s0  }
0x44: {  	[tilespmem:s4], [sflag:$0x1] =	stream.linear.gather [hbm4b:s0+s2], $0x400, $0x38;
	[tilespmem:$0xF400] =	vst v63  }
0x45: {  	s5 =	spop (v2sf);
	(v2sf) =	vpush v63, $0xD  }
0x46: {  	s9 =	spop (v2sf);
	(v2sf) =	vpush v63, $0xE  }
0x47: {  	s0 =	sand.u32 $0xFFFFF80, s5  }
0x48: {  	s8 =	simm.s32 $0x7000;
	s0 =	sadd.s32 s3, s0;
	s11 =	spop (v2sf)  }
0x49: {  	(v2sf) =	vpush v63, $0xF;
	[tilespmem:s8], [sflag:$0x1] =	stream.linear.gather [hbm4b:s0+s2], $0x400, $0x38;
	[tilespmem:$0xF400] =	vst v63  }
0x4a: {  	s0 =	sand.u32 $0xFFFFF80, s9  }
0x4b: {  	s10 =	simm.s32 $0x7400;
	s0 =	sadd.s32 s3, s0  }
0x4c: {  	[tilespmem:s10], [sflag:$0x1] =	stream.linear.gather [hbm4b:s0+s2], $0x400, $0x38;
	[tilespmem:$0xF400] =	vst v63  }
0x4d: {  	s4 =	simm.s32 $0x7800;
	s12 =	spop (v2sf);
	s0 =	sand.u32 $0xFFFFF80, s11  }
0x4e: {  	s13 =	sand.u32 $0xFFFFF80, s12;
	s14 =	spop (v2sf);
	s0 =	sadd.s32 s3, s0  }
0x4f: {  	[tilespmem:s4], [sflag:$0x1] =	stream.linear.gather [hbm4b:s0+s2], $0x400, $0x38;
	[tilespmem:$0xF400] =	vst v63  }
0x50: {  	s15 =	simm.s32 $0x7C00;
	s16 =	sand.u32 $0xFFFFF80, s14;
	s0 =	sadd.s32 s3, s13  }
0x51: {  	[tilespmem:s15], [sflag:$0x1] =	stream.linear.gather [hbm4b:s0+s2], $0x400, $0x38;
	[tilespmem:$0xF400] =	vst v63  }
0x52: {  	s18 =	simm.s32 $0x8000;
	s0 =	sadd.s32 s3, s16  }
0x53: {  	[tilespmem:s18], [sflag:$0x1] =	stream.linear.gather [hbm4b:s0+s2], $0x400, $0x38;
	[tilespmem:$0xF400] =	vst v63  }
0x54: {  	s17 =	spop (v2sf)  }
0x55: {  	s23 =	simm.s32 $0x8400;
	s19 =	sand.u32 $0xFFFFF80, s17;
	s20 =	spop (v2sf)  }
0x56: {  	s25 =	simm.s32 $0x8800;
	s0 =	sadd.s32 s3, s19;
	s24 =	sand.u32 $0xFFFFF80, s20  }
0x57: {  	[tilespmem:s23], [sflag:$0x1] =	stream.linear.gather [hbm4b:s0+s2], $0x400, $0x38;
	[tilespmem:$0xF400] =	vst v63  }
.Ltmp2:
0x58: {  	s28 =	spop (v2sf);
	s0 =	sadd.s32 s3, s24;
	(pc) =	sbr.rel .LBB2_2-.Ltmp2, $4  }
0x59: {  	[tilespmem:s25], [sflag:$0x1] =	stream.linear.gather [hbm4b:s0+s2], $0x400, $0x38;
	[tilespmem:$0xF400] =	vst v63  }
0x5a: {  	s29 =	simm.s32 $0x84;
	s0 =	sand.u32 $0xFFFFF80, s28  }
0x5b: {  	s30 =	simm.s32 $0x0;
	s31 =	simm.s32 $0x8C00;
	s0 =	sadd.s32 s3, s0  }
0x5c: {  	[tilespmem:s31], [sflag:$0x1] =	stream.linear.gather [hbm4b:s0+s2], $0x400, $0x38;
	[tilespmem:$0xF400] =	vst v63  }
.LBB2_4:
0x5d: {  	_ =	swait.ge [sflag:s22], $0x5000  }
0x5e: {  	s24 =	sshll.u32 s24, $0x7;
	[sflag:s22] =	ssyncset.done $0x0  }
0x5f: {  	s24 =	sand.u32 $0x380, s24;
	[sflag:s22] =	ssyncadd.s32 $0xFFFFB000  }
0x60: {  	v0 =	vld [tilespmem:s24+$0x9000];
	_ =	sdelay $0x4  }
0x61: {  	[tilespmem:$0xE200] =	vst v0  }
0x62: {  	v0 =	vld [tilespmem:s24+$0x9010];
	_ =	sdelay $0x4  }
0x63: {  	[tilespmem:$0xE210] =	vst v0  }
0x64: {  	v0 =	vld [tilespmem:s24+$0x9020];
	_ =	sdelay $0x4  }
0x65: {  	[tilespmem:$0xE220] =	vst v0  }
0x66: {  	v0 =	vld [tilespmem:s24+$0x9022];
	_ =	sdelay $0x3  }
0x67: {  	s23 =	sshll.u32 s23, $0x7  }
0x68: {  	s23 =	sand.u32 $0x380, s23;
	[tilespmem:$0xE222] =	vst v0  }
0x69: {  	v0 =	vld [tilespmem:s23+$0x9400];
	_ =	sdelay $0x4  }
0x6a: {  	[tilespmem:$0xE600] =	vst v0  }
0x6b: {  	v0 =	vld [tilespmem:s23+$0x9410];
	_ =	sdelay $0x4  }
0x6c: {  	[tilespmem:$0xE610] =	vst v0  }
0x6d: {  	v0 =	vld [tilespmem:s23+$0x9420];
	_ =	sdelay $0x4  }
0x6e: {  	[tilespmem:$0xE620] =	vst v0  }
0x6f: {  	v0 =	vld [tilespmem:s23+$0x9422];
	_ =	sdelay $0x3  }
0x70: {  	s20 =	sshll.u32 s20, $0x7  }
0x71: {  	s20 =	sand.u32 $0x380, s20;
	[tilespmem:$0xE622] =	vst v0  }
0x72: {  	v0 =	vld [tilespmem:s20+$0x9800];
	_ =	sdelay $0x4  }
0x73: {  	[tilespmem:$0xEA00] =	vst v0  }
0x74: {  	v0 =	vld [tilespmem:s20+$0x9810];
	_ =	sdelay $0x4  }
0x75: {  	[tilespmem:$0xEA10] =	vst v0  }
0x76: {  	v0 =	vld [tilespmem:s20+$0x9820];
	_ =	sdelay $0x4  }
0x77: {  	[tilespmem:$0xEA20] =	vst v0  }
0x78: {  	v0 =	vld [tilespmem:s20+$0x9822];
	_ =	sdelay $0x3  }
0x79: {  	s19 =	sshll.u32 s19, $0x7  }
0x7a: {  	s19 =	sand.u32 $0x380, s19;
	[tilespmem:$0xEA22] =	vst v0  }
0x7b: {  	v0 =	vld [tilespmem:s19+$0x9C00];
	_ =	sdelay $0x4  }
0x7c: {  	[tilespmem:$0xEE00] =	vst v0  }
0x7d: {  	v0 =	vld [tilespmem:s19+$0x9C10];
	_ =	sdelay $0x4  }
0x7e: {  	[tilespmem:$0xEE10] =	vst v0  }
0x7f: {  	v0 =	vld [tilespmem:s19+$0x9C20];
	_ =	sdelay $0x4  }
0x80: {  	[tilespmem:$0xEE20] =	vst v0  }
0x81: {  	v0 =	vld [tilespmem:s19+$0x9C22];
	_ =	sdelay $0x3  }
0x82: {  	s18 =	sshll.u32 s18, $0x7  }
0x83: {  	s18 =	sand.u32 $0x380, s18;
	[tilespmem:$0xEE22] =	vst v0  }
0x84: {  	v0 =	vld [tilespmem:s18+$0xA000];
	_ =	sdelay $0x4  }
0x85: {  	[tilespmem:$0xF200] =	vst v0  }
0x86: {  	v0 =	vld [tilespmem:s18+$0xA010];
	_ =	sdelay $0x4  }
0x87: {  	[tilespmem:$0xF210] =	vst v0  }
0x88: {  	v0 =	vld [tilespmem:s18+$0xA020];
	_ =	sdelay $0x4  }
0x89: {  	[tilespmem:$0xF220] =	vst v0  }
0x8a: {  	v0 =	vld [tilespmem:s18+$0xA022];
	_ =	sdelay $0x3  }
0x8b: {  	s17 =	sshll.u32 s17, $0x7  }
0x8c: {  	s17 =	sand.u32 $0x380, s17;
	[tilespmem:$0xF222] =	vst v0  }
0x8d: {  	v0 =	vld [tilespmem:s17+$0xA400];
	_ =	sdelay $0x4  }
0x8e: {  	[tilespmem:$0xE280] =	vst v0  }
0x8f: {  	v0 =	vld [tilespmem:s17+$0xA410];
	_ =	sdelay $0x4  }
0x90: {  	[tilespmem:$0xE290] =	vst v0  }
0x91: {  	v0 =	vld [tilespmem:s17+$0xA420];
	_ =	sdelay $0x4  }
0x92: {  	[tilespmem:$0xE2A0] =	vst v0  }
0x93: {  	v0 =	vld [tilespmem:s17+$0xA422];
	_ =	sdelay $0x3  }
0x94: {  	s16 =	sshll.u32 s16, $0x7  }
0x95: {  	s16 =	sand.u32 $0x380, s16;
	[tilespmem:$0xE2A2] =	vst v0  }
0x96: {  	v0 =	vld [tilespmem:s16+$0xA800];
	_ =	sdelay $0x4  }
0x97: {  	[tilespmem:$0xE680] =	vst v0  }
0x98: {  	v0 =	vld [tilespmem:s16+$0xA810];
	_ =	sdelay $0x4  }
0x99: {  	[tilespmem:$0xE690] =	vst v0  }
0x9a: {  	v0 =	vld [tilespmem:s16+$0xA820];
	_ =	sdelay $0x4  }
0x9b: {  	[tilespmem:$0xE6A0] =	vst v0  }
0x9c: {  	v0 =	vld [tilespmem:s16+$0xA822];
	_ =	sdelay $0x3  }
0x9d: {  	s15 =	sshll.u32 s15, $0x7  }
0x9e: {  	s15 =	sand.u32 $0x380, s15;
	[tilespmem:$0xE6A2] =	vst v0  }
0x9f: {  	v0 =	vld [tilespmem:s15+$0xAC00];
	_ =	sdelay $0x4  }
0xa0: {  	[tilespmem:$0xEA80] =	vst v0  }
0xa1: {  	v0 =	vld [tilespmem:s15+$0xAC10];
	_ =	sdelay $0x4  }
0xa2: {  	[tilespmem:$0xEA90] =	vst v0  }
0xa3: {  	v0 =	vld [tilespmem:s15+$0xAC20];
	_ =	sdelay $0x4  }
0xa4: {  	[tilespmem:$0xEAA0] =	vst v0  }
0xa5: {  	v0 =	vld [tilespmem:s15+$0xAC22];
	_ =	sdelay $0x3  }
0xa6: {  	s14 =	sshll.u32 s14, $0x7  }
0xa7: {  	s14 =	sand.u32 $0x380, s14;
	[tilespmem:$0xEAA2] =	vst v0  }
0xa8: {  	v0 =	vld [tilespmem:s14+$0xB000];
	_ =	sdelay $0x4  }
0xa9: {  	[tilespmem:$0xEE80] =	vst v0  }
0xaa: {  	v0 =	vld [tilespmem:s14+$0xB010];
	_ =	sdelay $0x4  }
0xab: {  	[tilespmem:$0xEE90] =	vst v0  }
0xac: {  	v0 =	vld [tilespmem:s14+$0xB020];
	_ =	sdelay $0x4  }
0xad: {  	[tilespmem:$0xEEA0] =	vst v0  }
0xae: {  	v0 =	vld [tilespmem:s14+$0xB022];
	_ =	sdelay $0x3  }
0xaf: {  	s13 =	sshll.u32 s13, $0x7  }
0xb0: {  	s13 =	sand.u32 $0x380, s13;
	[tilespmem:$0xEEA2] =	vst v0  }
0xb1: {  	v0 =	vld [tilespmem:s13+$0xB400];
	_ =	sdelay $0x4  }
0xb2: {  	[tilespmem:$0xF280] =	vst v0  }
0xb3: {  	v0 =	vld [tilespmem:s13+$0xB410];
	_ =	sdelay $0x4  }
0xb4: {  	[tilespmem:$0xF290] =	vst v0  }
0xb5: {  	v0 =	vld [tilespmem:s13+$0xB420];
	_ =	sdelay $0x4  }
0xb6: {  	[tilespmem:$0xF2A0] =	vst v0  }
0xb7: {  	v0 =	vld [tilespmem:s13+$0xB422];
	_ =	sdelay $0x3  }
0xb8: {  	s12 =	sshll.u32 s12, $0x7  }
0xb9: {  	s12 =	sand.u32 $0x380, s12;
	[tilespmem:$0xF2A2] =	vst v0  }
0xba: {  	v0 =	vld [tilespmem:s12+$0xB800];
	_ =	sdelay $0x4  }
0xbb: {  	[tilespmem:$0xE300] =	vst v0  }
0xbc: {  	v0 =	vld [tilespmem:s12+$0xB810];
	_ =	sdelay $0x4  }
0xbd: {  	[tilespmem:$0xE310] =	vst v0  }
0xbe: {  	v0 =	vld [tilespmem:s12+$0xB820];
	_ =	sdelay $0x4  }
0xbf: {  	[tilespmem:$0xE320] =	vst v0  }
0xc0: {  	v0 =	vld [tilespmem:s12+$0xB822];
	_ =	sdelay $0x3  }
0xc1: {  	s11 =	sshll.u32 s11, $0x7  }
0xc2: {  	s11 =	sand.u32 $0x380, s11;
	[tilespmem:$0xE322] =	vst v0  }
0xc3: {  	v0 =	vld [tilespmem:s11+$0xBC00];
	_ =	sdelay $0x4  }
0xc4: {  	[tilespmem:$0xE700] =	vst v0  }
0xc5: {  	v0 =	vld [tilespmem:s11+$0xBC10];
	_ =	sdelay $0x4  }
0xc6: {  	[tilespmem:$0xE710] =	vst v0  }
0xc7: {  	v0 =	vld [tilespmem:s11+$0xBC20];
	_ =	sdelay $0x4  }
0xc8: {  	[tilespmem:$0xE720] =	vst v0  }
0xc9: {  	v0 =	vld [tilespmem:s11+$0xBC22];
	_ =	sdelay $0x3  }
0xca: {  	s10 =	sshll.u32 s10, $0x7  }
0xcb: {  	s10 =	sand.u32 $0x380, s10;
	[tilespmem:$0xE722] =	vst v0  }
0xcc: {  	v0 =	vld [tilespmem:s10+$0xC000];
	_ =	sdelay $0x4  }
0xcd: {  	[tilespmem:$0xEB00] =	vst v0  }
0xce: {  	v0 =	vld [tilespmem:s10+$0xC010];
	_ =	sdelay $0x4  }
0xcf: {  	[tilespmem:$0xEB10] =	vst v0  }
0xd0: {  	v0 =	vld [tilespmem:s10+$0xC020];
	_ =	sdelay $0x4  }
0xd1: {  	[tilespmem:$0xEB20] =	vst v0  }
0xd2: {  	v0 =	vld [tilespmem:s10+$0xC022];
	_ =	sdelay $0x3  }
0xd3: {  	s9 =	sshll.u32 s9, $0x7  }
0xd4: {  	s9 =	sand.u32 $0x380, s9;
	[tilespmem:$0xEB22] =	vst v0  }
0xd5: {  	v0 =	vld [tilespmem:s9+$0xC400];
	_ =	sdelay $0x4  }
0xd6: {  	[tilespmem:$0xEF00] =	vst v0  }
0xd7: {  	v0 =	vld [tilespmem:s9+$0xC410];
	_ =	sdelay $0x4  }
0xd8: {  	[tilespmem:$0xEF10] =	vst v0  }
0xd9: {  	v0 =	vld [tilespmem:s9+$0xC420];
	_ =	sdelay $0x4  }
0xda: {  	[tilespmem:$0xEF20] =	vst v0  }
0xdb: {  	v0 =	vld [tilespmem:s9+$0xC422];
	_ =	sdelay $0x3  }
0xdc: {  	s8 =	sshll.u32 s8, $0x7  }
0xdd: {  	s8 =	sand.u32 $0x380, s8;
	[tilespmem:$0xEF22] =	vst v0  }
0xde: {  	v0 =	vld [tilespmem:s8+$0xC800];
	_ =	sdelay $0x4  }
0xdf: {  	[tilespmem:$0xF300] =	vst v0  }
0xe0: {  	v0 =	vld [tilespmem:s8+$0xC810];
	_ =	sdelay $0x4  }
0xe1: {  	[tilespmem:$0xF310] =	vst v0  }
0xe2: {  	v0 =	vld [tilespmem:s8+$0xC820];
	_ =	sdelay $0x4  }
0xe3: {  	[tilespmem:$0xF320] =	vst v0  }
0xe4: {  	v0 =	vld [tilespmem:s8+$0xC822];
	_ =	sdelay $0x3  }
0xe5: {  	s5 =	sshll.u32 s5, $0x7  }
0xe6: {  	s5 =	sand.u32 $0x380, s5;
	[tilespmem:$0xF322] =	vst v0  }
0xe7: {  	v0 =	vld [tilespmem:s5+$0xCC00];
	_ =	sdelay $0x4  }
0xe8: {  	[tilespmem:$0xE380] =	vst v0  }
0xe9: {  	v0 =	vld [tilespmem:s5+$0xCC10];
	_ =	sdelay $0x4  }
0xea: {  	[tilespmem:$0xE390] =	vst v0  }
0xeb: {  	v0 =	vld [tilespmem:s5+$0xCC20];
	_ =	sdelay $0x4  }
0xec: {  	[tilespmem:$0xE3A0] =	vst v0  }
0xed: {  	v0 =	vld [tilespmem:s5+$0xCC22];
	_ =	sdelay $0x3  }
0xee: {  	s4 =	sshll.u32 s4, $0x7  }
0xef: {  	s4 =	sand.u32 $0x380, s4;
	[tilespmem:$0xE3A2] =	vst v0  }
0xf0: {  	v0 =	vld [tilespmem:s4+$0xD000];
	_ =	sdelay $0x4  }
0xf1: {  	[tilespmem:$0xE780] =	vst v0  }
0xf2: {  	v0 =	vld [tilespmem:s4+$0xD010];
	_ =	sdelay $0x4  }
0xf3: {  	[tilespmem:$0xE790] =	vst v0  }
0xf4: {  	v0 =	vld [tilespmem:s4+$0xD020];
	_ =	sdelay $0x4  }
0xf5: {  	[tilespmem:$0xE7A0] =	vst v0  }
0xf6: {  	v0 =	vld [tilespmem:s4+$0xD022];
	_ =	sdelay $0x3  }
0xf7: {  	s1 =	sshll.u32 s1, $0x7  }
0xf8: {  	s1 =	sand.u32 $0x380, s1;
	[tilespmem:$0xE7A2] =	vst v0  }
0xf9: {  	v0 =	vld [tilespmem:s1+$0xD400];
	_ =	sdelay $0x4  }
0xfa: {  	[tilespmem:$0xEB80] =	vst v0  }
0xfb: {  	v0 =	vld [tilespmem:s1+$0xD410];
	_ =	sdelay $0x4  }
0xfc: {  	[tilespmem:$0xEB90] =	vst v0  }
0xfd: {  	v0 =	vld [tilespmem:s1+$0xD420];
	_ =	sdelay $0x4  }
0xfe: {  	[tilespmem:$0xEBA0] =	vst v0  }
0xff: {  	v0 =	vld [tilespmem:s1+$0xD422];
	_ =	sdelay $0x3  }
0x100: {  	s0 =	sshll.u32 s0, $0x7  }
0x101: {  	s0 =	sand.u32 $0x380, s0;
	[tilespmem:$0xEBA2] =	vst v0  }
0x102: {  	v0 =	vld [tilespmem:s0+$0xD800];
	_ =	sdelay $0x4  }
0x103: {  	[tilespmem:$0xEF80] =	vst v0  }
0x104: {  	v0 =	vld [tilespmem:s0+$0xD810];
	_ =	sdelay $0x4  }
0x105: {  	[tilespmem:$0xEF90] =	vst v0  }
0x106: {  	v0 =	vld [tilespmem:s0+$0xD820];
	_ =	sdelay $0x4  }
0x107: {  	[tilespmem:$0xEFA0] =	vst v0  }
0x108: {  	v0 =	vld [tilespmem:s0+$0xD822];
	_ =	sdelay $0x3  }
0x109: {  	s16 =	sshll.u32 s31, $0x7  }
0x10a: {  	s0 =	sand.u32 $0x380, s16;
	[tilespmem:$0xEFA2] =	vst v0  }
0x10b: {  	v0 =	vld [tilespmem:s0+$0xDC00];
	_ =	sdelay $0x4  }
0x10c: {  	[tilespmem:$0xF380] =	vst v0  }
0x10d: {  	v0 =	vld [tilespmem:s0+$0xDC10];
	_ =	sdelay $0x4  }
0x10e: {  	[tilespmem:$0xF390] =	vst v0  }
0x10f: {  	v0 =	vld [tilespmem:s0+$0xDC20];
	_ =	sdelay $0x4  }
0x110: {  	[tilespmem:$0xF3A0] =	vst v0  }
0x111: {  	v0 =	vld [tilespmem:s0+$0xDC22];
	_ =	sdelay $0x4  }
0x112: {  	s18 =	simm.s32 $0xE000;
	s17 =	sadd.s32 s30, s6;
	[tilespmem:$0xF3A2] =	vst v0  }
0x113: {  	[hbm4b:s17+s2] =	stream.linear.scatter [tilespmem:s18], [sflag:$0x3], $0x400, $0x38;
	[tilespmem:$0xF400] =	vst v63  }
0x114: {  	_ =	swait.ge [sflag:s7], $0x400  }
0x115: {  	[sflag:s7] =	ssyncset.done $0x0  }
0x116: {  	s20 =	simm.s32 $0xE400;
	s19 =	sadd.s32 $0x40000, s17;
	[sflag:s7] =	ssyncadd.s32 $0xFFFFFC00  }
0x117: {  	[hbm4b:s19+s2] =	stream.linear.scatter [tilespmem:s20], [sflag:$0x3], $0x400, $0x38;
	[tilespmem:$0xF400] =	vst v63  }
0x118: {  	_ =	swait.ge [sflag:s7], $0x400  }
0x119: {  	[sflag:s7] =	ssyncset.done $0x0  }
0x11a: {  	s24 =	simm.s32 $0xE800;
	s23 =	sadd.s32 $0x80000, s17;
	[sflag:s7] =	ssyncadd.s32 $0xFFFFFC00  }
0x11b: {  	[hbm4b:s23+s2] =	stream.linear.scatter [tilespmem:s24], [sflag:$0x3], $0x400, $0x38;
	[tilespmem:$0xF400] =	vst v63  }
0x11c: {  	_ =	swait.ge [sflag:s7], $0x400  }
0x11d: {  	[sflag:s7] =	ssyncset.done $0x0  }
0x11e: {  	s28 =	simm.s32 $0xEC00;
	s25 =	sadd.s32 $0xC0000, s17;
	[sflag:s7] =	ssyncadd.s32 $0xFFFFFC00  }
0x11f: {  	[hbm4b:s25+s2] =	stream.linear.scatter [tilespmem:s28], [sflag:$0x3], $0x400, $0x38;
	[tilespmem:$0xF400] =	vst v63  }
0x120: {  	s30 =	sadd.s32 $0x80, s30;
	_ =	swait.ge [sflag:s7], $0x400  }
0x121: {  	p0 =	sne.s32 s30, $0x2000;
	s31 =	simm.s32 $0xF000;
	[sflag:s7] =	ssyncset.done $0x0  }
.Ltmp3:
0x122: {  	s0 =	sadd.s32 $0x100000, s17;
	[sflag:s7] =	ssyncadd.s32 $0xFFFFFC00;
	(pc) =	sbr.rel @!p0 .LBB2_5-.Ltmp3, $4  }
0x123: {  	[hbm4b:s0+s2] =	stream.linear.scatter [tilespmem:s31], [sflag:$0x3], $0x400, $0x38;
	[tilespmem:$0xF400] =	vst v63  }
0x124: {  	_ =	swait.ge [sflag:s7], $0x400  }
0x125: {  	[sflag:s7] =	ssyncset.done $0x0  }
0x126: {  	s29 =	sadd.s32 $0x100, s29;
	[sflag:s7] =	ssyncadd.s32 $0xFFFFFC00  }
.LBB2_2:
0x127: {  	v0 =	vld [tilespmem:s29+$0xFFFFFFFC];
	_ =	sdelay $0x4  }
0x128: {  	(v2sf) =	vpush v0, $0x0;
	_ =	sdelay $0x2  }
0x129: {  	(v2sf) =	vpush v0, $0x1;
	_ =	sdelay $0x2  }
0x12a: {  	(v2sf) =	vpush v0, $0x2;
	_ =	sdelay $0x2  }
0x12b: {  	(v2sf) =	vpush v0, $0x3;
	_ =	sdelay $0x5  }
0x12c: {  	s24 =	spop (v2sf);
	(v2sf) =	vpush v0, $0x4;
	_ =	sdelay $0x2  }
0x12d: {  	s23 =	spop (v2sf);
	(v2sf) =	vpush v0, $0x5  }
0x12e: {  	s0 =	sshll.u32 s24, $0x4  }
0x12f: {  	s0 =	sand.u32 $0xFFFFF80, s0  }
0x130: {  	s5 =	sshll.u32 s23, $0x4;
	s20 =	spop (v2sf);
	(v2sf) =	vpush v0, $0x6;
	s0 =	sadd.s32 s3, s0  }
0x131: {  	v1 =	vld [tilespmem:s29+$0x0];
	[tilespmem:s26], [sflag:$0x2] =	stream.linear.gather [hbm4b:s0+s2], $0x400, $0x38  }
0x132: {  	s1 =	simm.s32 $0x9400;
	s0 =	sand.u32 $0xFFFFF80, s5  }
0x133: {  	s8 =	sshll.u32 s20, $0x4;
	s19 =	spop (v2sf);
	(v2sf) =	vpush v0, $0x7;
	s0 =	sadd.s32 s3, s0  }
0x134: {  	[tilespmem:s1], [sflag:$0x2] =	stream.linear.gather [hbm4b:s0+s2], $0x400, $0x38;
	[tilespmem:$0xF400] =	vst v63  }
0x135: {  	s0 =	sand.u32 $0xFFFFF80, s8  }
0x136: {  	s9 =	simm.s32 $0x9800;
	s10 =	sshll.u32 s19, $0x4;
	s0 =	sadd.s32 s3, s0  }
0x137: {  	[tilespmem:s9], [sflag:$0x2] =	stream.linear.gather [hbm4b:s0+s2], $0x400, $0x38;
	[tilespmem:$0xF400] =	vst v63  }
0x138: {  	s0 =	sand.u32 $0xFFFFF80, s10  }
0x139: {  	s11 =	simm.s32 $0x9C00;
	s0 =	sadd.s32 s3, s0;
	s18 =	spop (v2sf);
	(v2sf) =	vpush v0, $0x8  }
0x13a: {  	[tilespmem:s11], [sflag:$0x2] =	stream.linear.gather [hbm4b:s0+s2], $0x400, $0x38;
	[tilespmem:$0xF400] =	vst v63  }
0x13b: {  	s12 =	sshll.u32 s18, $0x4  }
0x13c: {  	s17 =	spop (v2sf);
	(v2sf) =	vpush v0, $0x9;
	s0 =	sand.u32 $0xFFFFF80, s12  }
0x13d: {  	s13 =	simm.s32 $0xA000;
	s14 =	sshll.u32 s17, $0x4;
	s0 =	sadd.s32 s3, s0  }
0x13e: {  	[tilespmem:s13], [sflag:$0x2] =	stream.linear.gather [hbm4b:s0+s2], $0x400, $0x38;
	[tilespmem:$0xF400] =	vst v63  }
0x13f: {  	s16 =	spop (v2sf);
	(v2sf) =	vpush v0, $0xA;
	s0 =	sand.u32 $0xFFFFF80, s14  }
0x140: {  	s15 =	simm.s32 $0xA400;
	s0 =	sadd.s32 s3, s0  }
0x141: {  	[tilespmem:s15], [sflag:$0x2] =	stream.linear.gather [hbm4b:s0+s2], $0x400, $0x38;
	[tilespmem:$0xF400] =	vst v63  }
0x142: {  	s15 =	spop (v2sf);
	(v2sf) =	vpush v0, $0xB  }
0x143: {  	s25 =	sshll.u32 s16, $0x4  }
0x144: {  	s0 =	sand.u32 $0xFFFFF80, s25  }
0x145: {  	s28 =	simm.s32 $0xA800;
	s0 =	sadd.s32 s3, s0;
	s4 =	sshll.u32 s15, $0x4  }
0x146: {  	[tilespmem:s28], [sflag:$0x2] =	stream.linear.gather [hbm4b:s0+s2], $0x400, $0x38;
	[tilespmem:$0xF400] =	vst v63  }
0x147: {  	s0 =	sand.u32 $0xFFFFF80, s4  }
0x148: {  	s5 =	simm.s32 $0xAC00;
	s0 =	sadd.s32 s3, s0;
	s14 =	spop (v2sf);
	(v2sf) =	vpush v0, $0xC  }
0x149: {  	[tilespmem:s5], [sflag:$0x2] =	stream.linear.gather [hbm4b:s0+s2], $0x400, $0x38;
	[tilespmem:$0xF400] =	vst v63  }
0x14a: {  	s8 =	sshll.u32 s14, $0x4  }
0x14b: {  	s13 =	spop (v2sf);
	(v2sf) =	vpush v0, $0xD;
	s0 =	sand.u32 $0xFFFFF80, s8  }
0x14c: {  	s9 =	simm.s32 $0xB000;
	s10 =	sshll.u32 s13, $0x4;
	s0 =	sadd.s32 s3, s0  }
0x14d: {  	[tilespmem:s9], [sflag:$0x2] =	stream.linear.gather [hbm4b:s0+s2], $0x400, $0x38;
	[tilespmem:$0xF400] =	vst v63  }
0x14e: {  	s12 =	spop (v2sf);
	(v2sf) =	vpush v0, $0xE;
	s0 =	sand.u32 $0xFFFFF80, s10  }
0x14f: {  	s11 =	simm.s32 $0xB400;
	s0 =	sadd.s32 s3, s0  }
0x150: {  	[tilespmem:s11], [sflag:$0x2] =	stream.linear.gather [hbm4b:s0+s2], $0x400, $0x38;
	[tilespmem:$0xF400] =	vst v63  }
0x151: {  	s11 =	spop (v2sf);
	(v2sf) =	vpush v0, $0xF  }
0x152: {  	s25 =	sshll.u32 s12, $0x4  }
0x153: {  	s0 =	sand.u32 $0xFFFFF80, s25  }
0x154: {  	s28 =	simm.s32 $0xB800;
	s0 =	sadd.s32 s3, s0;
	s1 =	sshll.u32 s11, $0x4  }
0x155: {  	[tilespmem:s28], [sflag:$0x2] =	stream.linear.gather [hbm4b:s0+s2], $0x400, $0x38;
	[tilespmem:$0xF400] =	vst v63  }
0x156: {  	s0 =	sand.u32 $0xFFFFF80, s1  }
0x157: {  	s4 =	simm.s32 $0xBC00;
	s0 =	sadd.s32 s3, s0;
	s10 =	spop (v2sf);
	(v2sf) =	vpush v1, $0xC  }
0x158: {  	[tilespmem:s4], [sflag:$0x2] =	stream.linear.gather [hbm4b:s0+s2], $0x400, $0x38;
	[tilespmem:$0xF400] =	vst v63  }
0x159: {  	s5 =	sshll.u32 s10, $0x4  }
0x15a: {  	s9 =	spop (v2sf);
	(v2sf) =	vpush v1, $0xD;
	s0 =	sand.u32 $0xFFFFF80, s5  }
0x15b: {  	s8 =	simm.s32 $0xC000;
	s25 =	sshll.u32 s9, $0x4;
	s0 =	sadd.s32 s3, s0  }
0x15c: {  	[tilespmem:s8], [sflag:$0x2] =	stream.linear.gather [hbm4b:s0+s2], $0x400, $0x38;
	[tilespmem:$0xF400] =	vst v63  }
0x15d: {  	s0 =	sand.u32 $0xFFFFF80, s25;
	s8 =	spop (v2sf)  }
0x15e: {  	s28 =	simm.s32 $0xC400;
	(v2sf) =	vpush v1, $0xE;
	s0 =	sadd.s32 s3, s0;
	s1 =	sshll.u32 s8, $0x4  }
0x15f: {  	[tilespmem:s28], [sflag:$0x2] =	stream.linear.gather [hbm4b:s0+s2], $0x400, $0x38;
	[tilespmem:$0xF400] =	vst v63  }
0x160: {  	s0 =	sand.u32 $0xFFFFF80, s1;
	s5 =	spop (v2sf)  }
0x161: {  	s4 =	simm.s32 $0xC800;
	s0 =	sadd.s32 s3, s0;
	s25 =	sshll.u32 s5, $0x4  }
0x162: {  	(v2sf) =	vpush v1, $0xF;
	[tilespmem:s4], [sflag:$0x2] =	stream.linear.gather [hbm4b:s0+s2], $0x400, $0x38;
	[tilespmem:$0xF400] =	vst v63  }
0x163: {  	s0 =	sand.u32 $0xFFFFF80, s25  }
0x164: {  	s28 =	simm.s32 $0xCC00;
	s0 =	sadd.s32 s3, s0  }
0x165: {  	[tilespmem:s28], [sflag:$0x2] =	stream.linear.gather [hbm4b:s0+s2], $0x400, $0x38;
	[tilespmem:$0xF400] =	vst v63  }
0x166: {  	s4 =	spop (v2sf)  }
0x167: {  	s1 =	sshll.u32 s4, $0x4  }
0x168: {  	s0 =	sand.u32 $0xFFFFF80, s1  }
0x169: {  	s25 =	simm.s32 $0xD000;
	s1 =	spop (v2sf);
	s0 =	sadd.s32 s3, s0  }
0x16a: {  	[tilespmem:s25], [sflag:$0x2] =	stream.linear.gather [hbm4b:s0+s2], $0x400, $0x38;
	[tilespmem:$0xF400] =	vst v63  }
0x16b: {  	s25 =	sshll.u32 s1, $0x4  }
0x16c: {  	s31 =	sand.u32 $0xFFFFF80, s25  }
0x16d: {  	s28 =	simm.s32 $0xD400;
	s0 =	spop (v2sf);
	s31 =	sadd.s32 s3, s31  }
0x16e: {  	[tilespmem:s28], [sflag:$0x2] =	stream.linear.gather [hbm4b:s31+s2], $0x400, $0x38;
	[tilespmem:$0xF400] =	vst v63  }
0x16f: {  	s31 =	sshll.u32 s0, $0x4  }
0x170: {  	s28 =	sand.u32 $0xFFFFF80, s31  }
0x171: {  	s31 =	spop (v2sf);
	s25 =	sadd.s32 s3, s28;
	s28 =	simm.s32 $0xD800  }
0x172: {  	[tilespmem:s28], [sflag:$0x2] =	stream.linear.gather [hbm4b:s25+s2], $0x400, $0x38;
	[tilespmem:$0xF400] =	vst v63  }
0x173: {  	s28 =	sshll.u32 s31, $0x4  }
0x174: {  	s25 =	sand.u32 $0xFFFFF80, s28  }
0x175: {  	s28 =	simm.s32 $0xDC00;
	s25 =	sadd.s32 s3, s25  }
0x176: {  	[tilespmem:s28], [sflag:$0x2] =	stream.linear.gather [hbm4b:s25+s2], $0x400, $0x38;
	[tilespmem:$0xF400] =	vst v63  }
0x177: {  	v60 =	vld [tilespmem:s29+$0xFFFFFF7C];
	_ =	sdelay $0x4  }
0x178: {  	v61 =	vld [tilespmem:s29+$0xFFFFFF80];
	_ =	swait.ge [sflag:s21], $0x5000;
	v1 =	vshll.u32 v60, $0x7  }
0x179: {  	(v2sf) =	vpush v1, $0x0;
	_ =	sdelay $0xe  }
0x17a: {  	[sflag:s21] =	ssyncset.done $0x0;
	s28 =	spop (v2sf)  }
0x17b: {  	[sflag:s21] =	ssyncadd.s32 $0xFFFFB000;
	s25 =	sand.u32 $0x380, s28  }
0x17c: {  	v2 =	vld [tilespmem:s25+$0x4000];
	_ =	sdelay $0x4  }
0x17d: {  	[tilespmem:$0xE000] =	vst v2  }
0x17e: {  	v2 =	vld [tilespmem:s25+$0x4010]  }
0x17f: {  	(v2sf) =	vpush v1, $0x1;
	_ =	sdelay $0x3  }
0x180: {  	[tilespmem:$0xE010] =	vst v2  }
0x181: {  	v2 =	vld [tilespmem:s25+$0x4020];
	_ =	sdelay $0x4  }
0x182: {  	[tilespmem:$0xE020] =	vst v2  }
0x183: {  	v2 =	vld [tilespmem:s25+$0x4022];
	_ =	sdelay $0x3  }
0x184: {  	s28 =	spop (v2sf)  }
0x185: {  	s25 =	sand.u32 $0x380, s28;
	[tilespmem:$0xE022] =	vst v2  }
0x186: {  	v2 =	vld [tilespmem:s25+$0x4400];
	_ =	sdelay $0x4  }
0x187: {  	[tilespmem:$0xE400] =	vst v2  }
0x188: {  	v2 =	vld [tilespmem:s25+$0x4410]  }
0x189: {  	(v2sf) =	vpush v1, $0x2;
	_ =	sdelay $0x3  }
0x18a: {  	[tilespmem:$0xE410] =	vst v2  }
0x18b: {  	v2 =	vld [tilespmem:s25+$0x4420];
	_ =	sdelay $0x4  }
0x18c: {  	[tilespmem:$0xE420] =	vst v2  }
0x18d: {  	v2 =	vld [tilespmem:s25+$0x4422];
	_ =	sdelay $0x3  }
0x18e: {  	s28 =	spop (v2sf)  }
0x18f: {  	s25 =	sand.u32 $0x380, s28;
	[tilespmem:$0xE422] =	vst v2  }
0x190: {  	v2 =	vld [tilespmem:s25+$0x4800];
	_ =	sdelay $0x4  }
0x191: {  	[tilespmem:$0xE800] =	vst v2  }
0x192: {  	v2 =	vld [tilespmem:s25+$0x4810]  }
0x193: {  	(v2sf) =	vpush v1, $0x3;
	_ =	sdelay $0x3  }
0x194: {  	[tilespmem:$0xE810] =	vst v2  }
0x195: {  	v2 =	vld [tilespmem:s25+$0x4820];
	_ =	sdelay $0x4  }
0x196: {  	[tilespmem:$0xE820] =	vst v2  }
0x197: {  	v2 =	vld [tilespmem:s25+$0x4822];
	_ =	sdelay $0x3  }
0x198: {  	s28 =	spop (v2sf)  }
0x199: {  	s25 =	sand.u32 $0x380, s28;
	[tilespmem:$0xE822] =	vst v2  }
0x19a: {  	v2 =	vld [tilespmem:s25+$0x4C00];
	_ =	sdelay $0x4  }
0x19b: {  	[tilespmem:$0xEC00] =	vst v2  }
0x19c: {  	v2 =	vld [tilespmem:s25+$0x4C10]  }
0x19d: {  	(v2sf) =	vpush v1, $0x4;
	_ =	sdelay $0x3  }
0x19e: {  	[tilespmem:$0xEC10] =	vst v2  }
0x19f: {  	v2 =	vld [tilespmem:s25+$0x4C20];
	_ =	sdelay $0x4  }
0x1a0: {  	[tilespmem:$0xEC20] =	vst v2  }
0x1a1: {  	v2 =	vld [tilespmem:s25+$0x4C22];
	_ =	sdelay $0x3  }
0x1a2: {  	s28 =	spop (v2sf)  }
0x1a3: {  	s25 =	sand.u32 $0x380, s28;
	[tilespmem:$0xEC22] =	vst v2  }
0x1a4: {  	v2 =	vld [tilespmem:s25+$0x5000];
	_ =	sdelay $0x4  }
0x1a5: {  	[tilespmem:$0xF000] =	vst v2  }
0x1a6: {  	v2 =	vld [tilespmem:s25+$0x5010]  }
0x1a7: {  	(v2sf) =	vpush v1, $0x5;
	_ =	sdelay $0x3  }
0x1a8: {  	[tilespmem:$0xF010] =	vst v2  }
0x1a9: {  	v2 =	vld [tilespmem:s25+$0x5020];
	_ =	sdelay $0x4  }
0x1aa: {  	[tilespmem:$0xF020] =	vst v2  }
0x1ab: {  	v2 =	vld [tilespmem:s25+$0x5022];
	_ =	sdelay $0x3  }
0x1ac: {  	s28 =	spop (v2sf)  }
0x1ad: {  	s25 =	sand.u32 $0x380, s28;
	[tilespmem:$0xF022] =	vst v2  }
0x1ae: {  	v2 =	vld [tilespmem:s25+$0x5400];
	_ =	sdelay $0x4  }
0x1af: {  	[tilespmem:$0xE080] =	vst v2  }
0x1b0: {  	v2 =	vld [tilespmem:s25+$0x5410]  }
0x1b1: {  	(v2sf) =	vpush v1, $0x6;
	_ =	sdelay $0x3  }
0x1b2: {  	[tilespmem:$0xE090] =	vst v2  }
0x1b3: {  	v2 =	vld [tilespmem:s25+$0x5420];
	_ =	sdelay $0x4  }
0x1b4: {  	[tilespmem:$0xE0A0] =	vst v2  }
0x1b5: {  	v2 =	vld [tilespmem:s25+$0x5422];
	_ =	sdelay $0x3  }
0x1b6: {  	s28 =	spop (v2sf)  }
0x1b7: {  	s25 =	sand.u32 $0x380, s28;
	[tilespmem:$0xE0A2] =	vst v2  }
0x1b8: {  	v2 =	vld [tilespmem:s25+$0x5800];
	_ =	sdelay $0x4  }
0x1b9: {  	[tilespmem:$0xE480] =	vst v2  }
0x1ba: {  	v2 =	vld [tilespmem:s25+$0x5810]  }
0x1bb: {  	(v2sf) =	vpush v1, $0x7;
	_ =	sdelay $0x3  }
0x1bc: {  	[tilespmem:$0xE490] =	vst v2  }
0x1bd: {  	v2 =	vld [tilespmem:s25+$0x5820];
	_ =	sdelay $0x4  }
0x1be: {  	[tilespmem:$0xE4A0] =	vst v2  }
0x1bf: {  	v2 =	vld [tilespmem:s25+$0x5822];
	_ =	sdelay $0x3  }
0x1c0: {  	s28 =	spop (v2sf)  }
0x1c1: {  	s25 =	sand.u32 $0x380, s28;
	[tilespmem:$0xE4A2] =	vst v2  }
0x1c2: {  	v2 =	vld [tilespmem:s25+$0x5C00];
	_ =	sdelay $0x4  }
0x1c3: {  	[tilespmem:$0xE880] =	vst v2  }
0x1c4: {  	v2 =	vld [tilespmem:s25+$0x5C10]  }
0x1c5: {  	(v2sf) =	vpush v1, $0x8;
	_ =	sdelay $0x3  }
0x1c6: {  	[tilespmem:$0xE890] =	vst v2  }
0x1c7: {  	v2 =	vld [tilespmem:s25+$0x5C20];
	_ =	sdelay $0x4  }
0x1c8: {  	[tilespmem:$0xE8A0] =	vst v2  }
0x1c9: {  	v2 =	vld [tilespmem:s25+$0x5C22];
	_ =	sdelay $0x3  }
0x1ca: {  	s28 =	spop (v2sf)  }
0x1cb: {  	s25 =	sand.u32 $0x380, s28;
	[tilespmem:$0xE8A2] =	vst v2  }
0x1cc: {  	v2 =	vld [tilespmem:s25+$0x6000];
	_ =	sdelay $0x4  }
0x1cd: {  	[tilespmem:$0xEC80] =	vst v2  }
0x1ce: {  	v2 =	vld [tilespmem:s25+$0x6010]  }
0x1cf: {  	(v2sf) =	vpush v1, $0x9;
	_ =	sdelay $0x3  }
0x1d0: {  	[tilespmem:$0xEC90] =	vst v2  }
0x1d1: {  	v2 =	vld [tilespmem:s25+$0x6020];
	_ =	sdelay $0x4  }
0x1d2: {  	[tilespmem:$0xECA0] =	vst v2  }
0x1d3: {  	v2 =	vld [tilespmem:s25+$0x6022];
	_ =	sdelay $0x3  }
0x1d4: {  	s28 =	spop (v2sf)  }
0x1d5: {  	s25 =	sand.u32 $0x380, s28;
	[tilespmem:$0xECA2] =	vst v2  }
0x1d6: {  	v2 =	vld [tilespmem:s25+$0x6400];
	_ =	sdelay $0x4  }
0x1d7: {  	[tilespmem:$0xF080] =	vst v2  }
0x1d8: {  	v2 =	vld [tilespmem:s25+$0x6410]  }
0x1d9: {  	(v2sf) =	vpush v1, $0xA;
	_ =	sdelay $0x3  }
0x1da: {  	[tilespmem:$0xF090] =	vst v2  }
0x1db: {  	v2 =	vld [tilespmem:s25+$0x6420];
	_ =	sdelay $0x4  }
0x1dc: {  	[tilespmem:$0xF0A0] =	vst v2  }
0x1dd: {  	v2 =	vld [tilespmem:s25+$0x6422];
	_ =	sdelay $0x3  }
0x1de: {  	s28 =	spop (v2sf)  }
0x1df: {  	s25 =	sand.u32 $0x380, s28;
	[tilespmem:$0xF0A2] =	vst v2  }
0x1e0: {  	v2 =	vld [tilespmem:s25+$0x6800];
	_ =	sdelay $0x4  }
0x1e1: {  	[tilespmem:$0xE100] =	vst v2  }
0x1e2: {  	v2 =	vld [tilespmem:s25+$0x6810]  }
0x1e3: {  	(v2sf) =	vpush v1, $0xB;
	_ =	sdelay $0x3  }
0x1e4: {  	[tilespmem:$0xE110] =	vst v2  }
0x1e5: {  	v2 =	vld [tilespmem:s25+$0x6820];
	_ =	sdelay $0x4  }
0x1e6: {  	[tilespmem:$0xE120] =	vst v2  }
0x1e7: {  	v2 =	vld [tilespmem:s25+$0x6822];
	_ =	sdelay $0x3  }
0x1e8: {  	s28 =	spop (v2sf)  }
0x1e9: {  	s25 =	sand.u32 $0x380, s28;
	[tilespmem:$0xE122] =	vst v2  }
0x1ea: {  	v2 =	vld [tilespmem:s25+$0x6C00];
	_ =	sdelay $0x4  }
0x1eb: {  	[tilespmem:$0xE500] =	vst v2  }
0x1ec: {  	v2 =	vld [tilespmem:s25+$0x6C10]  }
0x1ed: {  	(v2sf) =	vpush v1, $0xC;
	_ =	sdelay $0x3  }
0x1ee: {  	[tilespmem:$0xE510] =	vst v2  }
0x1ef: {  	v2 =	vld [tilespmem:s25+$0x6C20];
	_ =	sdelay $0x4  }
0x1f0: {  	[tilespmem:$0xE520] =	vst v2  }
0x1f1: {  	v2 =	vld [tilespmem:s25+$0x6C22];
	_ =	sdelay $0x3  }
0x1f2: {  	s28 =	spop (v2sf)  }
0x1f3: {  	s25 =	sand.u32 $0x380, s28;
	[tilespmem:$0xE522] =	vst v2  }
0x1f4: {  	v2 =	vld [tilespmem:s25+$0x7000];
	_ =	sdelay $0x4  }
0x1f5: {  	[tilespmem:$0xE900] =	vst v2  }
0x1f6: {  	v2 =	vld [tilespmem:s25+$0x7010]  }
0x1f7: {  	(v2sf) =	vpush v1, $0xD;
	_ =	sdelay $0x3  }
0x1f8: {  	[tilespmem:$0xE910] =	vst v2  }
0x1f9: {  	v2 =	vld [tilespmem:s25+$0x7020];
	_ =	sdelay $0x4  }
0x1fa: {  	[tilespmem:$0xE920] =	vst v2  }
0x1fb: {  	v2 =	vld [tilespmem:s25+$0x7022];
	_ =	sdelay $0x3  }
0x1fc: {  	s28 =	spop (v2sf)  }
0x1fd: {  	s25 =	sand.u32 $0x380, s28;
	[tilespmem:$0xE922] =	vst v2  }
0x1fe: {  	v2 =	vld [tilespmem:s25+$0x7400];
	_ =	sdelay $0x4  }
0x1ff: {  	[tilespmem:$0xED00] =	vst v2  }
0x200: {  	v2 =	vld [tilespmem:s25+$0x7410]  }
0x201: {  	(v2sf) =	vpush v1, $0xE;
	_ =	sdelay $0x3  }
0x202: {  	[tilespmem:$0xED10] =	vst v2  }
0x203: {  	v2 =	vld [tilespmem:s25+$0x7420];
	_ =	sdelay $0x4  }
0x204: {  	[tilespmem:$0xED20] =	vst v2  }
0x205: {  	v2 =	vld [tilespmem:s25+$0x7422];
	_ =	sdelay $0x3  }
0x206: {  	s28 =	spop (v2sf)  }
0x207: {  	s25 =	sand.u32 $0x380, s28;
	[tilespmem:$0xED22] =	vst v2  }
0x208: {  	v2 =	vld [tilespmem:s25+$0x7800];
	_ =	sdelay $0x4  }
0x209: {  	[tilespmem:$0xF100] =	vst v2  }
0x20a: {  	v2 =	vld [tilespmem:s25+$0x7810]  }
0x20b: {  	(v2sf) =	vpush v1, $0xF;
	_ =	sdelay $0x3  }
0x20c: {  	[tilespmem:$0xF110] =	vst v2  }
0x20d: {  	v62 =	vld [tilespmem:s25+$0x7820];
	_ =	sdelay $0x4  }
0x20e: {  	[tilespmem:$0xF120] =	vst v62  }
0x20f: {  	v1 =	vld [tilespmem:s25+$0x7822];
	_ =	sdelay $0x3  }
0x210: {  	s28 =	spop (v2sf)  }
0x211: {  	s25 =	sand.u32 $0x380, s28;
	[tilespmem:$0xF122] =	vst v1  }
0x212: {  	v1 =	vld [tilespmem:s25+$0x7C00];
	_ =	sdelay $0x4  }
0x213: {  	[tilespmem:$0xE180] =	vst v1  }
0x214: {  	v0 =	vshll.u32 v61, $0x7;
	v1 =	vld [tilespmem:s25+$0x7C10]  }
0x215: {  	(v2sf) =	vpush v0, $0xC;
	_ =	sdelay $0x3  }
0x216: {  	[tilespmem:$0xE190] =	vst v1  }
0x217: {  	v1 =	vld [tilespmem:s25+$0x7C20];
	_ =	sdelay $0x4  }
0x218: {  	[tilespmem:$0xE1A0] =	vst v1  }
0x219: {  	v1 =	vld [tilespmem:s25+$0x7C22];
	_ =	sdelay $0x3  }
0x21a: {  	s28 =	spop (v2sf)  }
0x21b: {  	s25 =	sand.u32 $0x380, s28;
	[tilespmem:$0xE1A2] =	vst v1  }
0x21c: {  	v1 =	vld [tilespmem:s25+$0x8000];
	_ =	sdelay $0x4  }
0x21d: {  	[tilespmem:$0xE580] =	vst v1  }
0x21e: {  	v1 =	vld [tilespmem:s25+$0x8010]  }
0x21f: {  	(v2sf) =	vpush v0, $0xD;
	_ =	sdelay $0x3  }
0x220: {  	[tilespmem:$0xE590] =	vst v1  }
0x221: {  	v1 =	vld [tilespmem:s25+$0x8020];
	_ =	sdelay $0x4  }
0x222: {  	[tilespmem:$0xE5A0] =	vst v1  }
0x223: {  	v1 =	vld [tilespmem:s25+$0x8022];
	_ =	sdelay $0x3  }
0x224: {  	s28 =	spop (v2sf)  }
0x225: {  	s25 =	sand.u32 $0x380, s28;
	[tilespmem:$0xE5A2] =	vst v1  }
0x226: {  	v1 =	vld [tilespmem:s25+$0x8400];
	_ =	sdelay $0x4  }
0x227: {  	[tilespmem:$0xE980] =	vst v1  }
0x228: {  	v1 =	vld [tilespmem:s25+$0x8410]  }
0x229: {  	(v2sf) =	vpush v0, $0xE;
	_ =	sdelay $0x3  }
0x22a: {  	[tilespmem:$0xE990] =	vst v1  }
0x22b: {  	v1 =	vld [tilespmem:s25+$0x8420];
	_ =	sdelay $0x4  }
0x22c: {  	[tilespmem:$0xE9A0] =	vst v1  }
0x22d: {  	v1 =	vld [tilespmem:s25+$0x8422];
	_ =	sdelay $0x3  }
0x22e: {  	s28 =	spop (v2sf)  }
0x22f: {  	s25 =	sand.u32 $0x380, s28;
	[tilespmem:$0xE9A2] =	vst v1  }
0x230: {  	v1 =	vld [tilespmem:s25+$0x8800];
	_ =	sdelay $0x4  }
0x231: {  	[tilespmem:$0xED80] =	vst v1  }
0x232: {  	v1 =	vld [tilespmem:s25+$0x8810]  }
0x233: {  	(v2sf) =	vpush v0, $0xF;
	_ =	sdelay $0x3  }
0x234: {  	[tilespmem:$0xED90] =	vst v1  }
0x235: {  	v63 =	vld [tilespmem:s25+$0x8820];
	_ =	sdelay $0x4  }
0x236: {  	[tilespmem:$0xEDA0] =	vst v63  }
0x237: {  	v0 =	vld [tilespmem:s25+$0x8822];
	_ =	sdelay $0x3  }
0x238: {  	s28 =	spop (v2sf)  }
0x239: {  	s25 =	sand.u32 $0x380, s28;
	[tilespmem:$0xEDA2] =	vst v0  }
0x23a: {  	v0 =	vld [tilespmem:s25+$0x8C00];
	_ =	sdelay $0x4  }
0x23b: {  	[tilespmem:$0xF180] =	vst v0  }
0x23c: {  	v0 =	vld [tilespmem:s25+$0x8C10];
	_ =	sdelay $0x4  }
0x23d: {  	[tilespmem:$0xF190] =	vst v0  }
0x23e: {  	v0 =	vld [tilespmem:s25+$0x8C20];
	_ =	sdelay $0x4  }
0x23f: {  	[tilespmem:$0xF1A0] =	vst v0  }
0x240: {  	p0 =	seq.s32 s30, $0x1F80;
	v0 =	vld [tilespmem:s25+$0x8C22]  }
.Ltmp4:
0x241: {  	_ = 	snop;
	(pc) =	sbr.rel @p0 .LBB2_4-.Ltmp4, $2  }
0x242: {  	_ =	sdelay $0x2  }
0x243: {  	[tilespmem:$0xF1A2] =	vst v0  }
0x244: {  	v0 =	vld [tilespmem:s29+$0x7C];
	_ =	sdelay $0x4  }
0x245: {  	v0 =	vshll.u32 v0, $0x4  }
0x246: {  	(v2sf) =	vpush v0, $0x0;
	_ =	sdelay $0x3  }
0x247: {  	(v2sf) =	vpush v0, $0x1;
	_ =	sdelay $0x1  }
0x248: {  	(v2sf) =	vpush v0, $0x2;
	_ =	sdelay $0x2  }
0x249: {  	(v2sf) =	vpush v0, $0x3;
	_ =	sdelay $0x5  }
0x24a: {  	s25 =	spop (v2sf);
	(v2sf) =	vpush v0, $0x4  }
0x24b: {  	s25 =	sand.u32 $0xFFFFF80, s25  }
0x24c: {  	s26 =	simm.s32 $0x4000;
	s25 =	sadd.s32 s3, s25  }
0x24d: {  	v1 =	vld [tilespmem:s29+$0x80];
	[tilespmem:s26], [sflag:$0x1] =	stream.linear.gather [hbm4b:s25+s2], $0x400, $0x38  }
0x24e: {  	s26 =	spop (v2sf);
	(v2sf) =	vpush v0, $0x5;
	_ =	sdelay $0x1  }
0x24f: {  	s25 =	sand.u32 $0xFFFFF80, s26;
	s26 =	spop (v2sf);
	(v2sf) =	vpush v0, $0x6  }
0x250: {  	s28 =	simm.s32 $0x4400;
	s25 =	sadd.s32 s3, s25  }
0x251: {  	[tilespmem:s28], [sflag:$0x1] =	stream.linear.gather [hbm4b:s25+s2], $0x400, $0x38;
	[tilespmem:$0xF400] =	vst v63  }
0x252: {  	s25 =	sand.u32 $0xFFFFF80, s26;
	s26 =	spop (v2sf);
	(v2sf) =	vpush v0, $0x7;
	_ =	sdelay $0x3  }
0x253: {  	s28 =	simm.s32 $0x4800;
	s25 =	sadd.s32 s3, s25  }
0x254: {  	[tilespmem:s28], [sflag:$0x1] =	stream.linear.gather [hbm4b:s25+s2], $0x400, $0x38;
	[tilespmem:$0xF400] =	vst v63  }
0x255: {  	s25 =	sand.u32 $0xFFFFF80, s26;
	s26 =	spop (v2sf);
	(v2sf) =	vpush v0, $0x8  }
0x256: {  	s28 =	simm.s32 $0x4C00;
	s25 =	sadd.s32 s3, s25  }
0x257: {  	[tilespmem:s28], [sflag:$0x1] =	stream.linear.gather [hbm4b:s25+s2], $0x400, $0x38;
	[tilespmem:$0xF400] =	vst v63  }
0x258: {  	s25 =	sand.u32 $0xFFFFF80, s26  }
0x259: {  	s28 =	simm.s32 $0x5000;
	s25 =	sadd.s32 s3, s25;
	s26 =	spop (v2sf);
	(v2sf) =	vpush v0, $0x9  }
0x25a: {  	[tilespmem:s28], [sflag:$0x1] =	stream.linear.gather [hbm4b:s25+s2], $0x400, $0x38;
	[tilespmem:$0xF400] =	vst v63  }
0x25b: {  	s25 =	sand.u32 $0xFFFFF80, s26;
	s26 =	spop (v2sf);
	(v2sf) =	vpush v0, $0xA  }
0x25c: {  	s28 =	simm.s32 $0x5400;
	s25 =	sadd.s32 s3, s25  }
0x25d: {  	[tilespmem:s28], [sflag:$0x1] =	stream.linear.gather [hbm4b:s25+s2], $0x400, $0x38;
	[tilespmem:$0xF400] =	vst v63  }
0x25e: {  	s25 =	sand.u32 $0xFFFFF80, s26;
	s26 =	spop (v2sf);
	(v2sf) =	vpush v0, $0xB;
	_ =	sdelay $0x3  }
0x25f: {  	s28 =	simm.s32 $0x5800;
	s25 =	sadd.s32 s3, s25  }
0x260: {  	[tilespmem:s28], [sflag:$0x1] =	stream.linear.gather [hbm4b:s25+s2], $0x400, $0x38;
	[tilespmem:$0xF400] =	vst v63  }
0x261: {  	s25 =	sand.u32 $0xFFFFF80, s26;
	s26 =	spop (v2sf);
	(v2sf) =	vpush v0, $0xC  }
0x262: {  	s28 =	simm.s32 $0x5C00;
	s25 =	sadd.s32 s3, s25  }
0x263: {  	[tilespmem:s28], [sflag:$0x1] =	stream.linear.gather [hbm4b:s25+s2], $0x400, $0x38;
	[tilespmem:$0xF400] =	vst v63  }
0x264: {  	s25 =	sand.u32 $0xFFFFF80, s26  }
0x265: {  	s28 =	simm.s32 $0x6000;
	s25 =	sadd.s32 s3, s25;
	s26 =	spop (v2sf);
	(v2sf) =	vpush v0, $0xD  }
0x266: {  	[tilespmem:s28], [sflag:$0x1] =	stream.linear.gather [hbm4b:s25+s2], $0x400, $0x38;
	[tilespmem:$0xF400] =	vst v63  }
0x267: {  	s25 =	sand.u32 $0xFFFFF80, s26;
	s26 =	spop (v2sf);
	(v2sf) =	vpush v0, $0xE  }
0x268: {  	s28 =	simm.s32 $0x6400;
	s25 =	sadd.s32 s3, s25  }
0x269: {  	[tilespmem:s28], [sflag:$0x1] =	stream.linear.gather [hbm4b:s25+s2], $0x400, $0x38;
	[tilespmem:$0xF400] =	vst v63  }
0x26a: {  	s25 =	sand.u32 $0xFFFFF80, s26;
	s26 =	spop (v2sf);
	(v2sf) =	vpush v0, $0xF;
	_ =	sdelay $0x3  }
0x26b: {  	s28 =	simm.s32 $0x6800;
	s25 =	sadd.s32 s3, s25  }
0x26c: {  	v63 =	vshll.u32 v1, $0x4;
	[tilespmem:s28], [sflag:$0x1] =	stream.linear.gather [hbm4b:s25+s2], $0x400, $0x38;
	[tilespmem:$0xF400] =	vst v63  }
0x26d: {  	s25 =	sand.u32 $0xFFFFF80, s26;
	s26 =	spop (v2sf);
	(v2sf) =	vpush v63, $0xC  }
0x26e: {  	s28 =	simm.s32 $0x6C00;
	s25 =	sadd.s32 s3, s25  }
0x26f: {  	[tilespmem:s28], [sflag:$0x1] =	stream.linear.gather [hbm4b:s25+s2], $0x400, $0x38;
	[tilespmem:$0xF400] =	vst v63  }
0x270: {  	s25 =	sand.u32 $0xFFFFF80, s26  }
0x271: {  	s28 =	simm.s32 $0x7000;
	s25 =	sadd.s32 s3, s25;
	s26 =	spop (v2sf);
	(v2sf) =	vpush v63, $0xD  }
0x272: {  	[tilespmem:s28], [sflag:$0x1] =	stream.linear.gather [hbm4b:s25+s2], $0x400, $0x38;
	[tilespmem:$0xF400] =	vst v63  }
0x273: {  	s25 =	sand.u32 $0xFFFFF80, s26;
	s26 =	spop (v2sf);
	(v2sf) =	vpush v63, $0xE  }
0x274: {  	s28 =	simm.s32 $0x7400;
	s25 =	sadd.s32 s3, s25  }
0x275: {  	[tilespmem:s28], [sflag:$0x1] =	stream.linear.gather [hbm4b:s25+s2], $0x400, $0x38;
	[tilespmem:$0xF400] =	vst v63  }
0x276: {  	s25 =	sand.u32 $0xFFFFF80, s26;
	s26 =	spop (v2sf);
	(v2sf) =	vpush v63, $0xF  }
0x277: {  	s28 =	simm.s32 $0x7800;
	s25 =	sadd.s32 s3, s25  }
0x278: {  	[tilespmem:s28], [sflag:$0x1] =	stream.linear.gather [hbm4b:s25+s2], $0x400, $0x38;
	[tilespmem:$0xF400] =	vst v63  }
0x279: {  	s25 =	sand.u32 $0xFFFFF80, s26  }
0x27a: {  	s28 =	simm.s32 $0x7C00;
	s25 =	sadd.s32 s3, s25  }
0x27b: {  	[tilespmem:s28], [sflag:$0x1] =	stream.linear.gather [hbm4b:s25+s2], $0x400, $0x38;
	[tilespmem:$0xF400] =	vst v63  }
0x27c: {  	s26 =	spop (v2sf)  }
0x27d: {  	s25 =	sand.u32 $0xFFFFF80, s26  }
0x27e: {  	s28 =	simm.s32 $0x8000;
	s25 =	sadd.s32 s3, s25  }
0x27f: {  	[tilespmem:s28], [sflag:$0x1] =	stream.linear.gather [hbm4b:s25+s2], $0x400, $0x38;
	[tilespmem:$0xF400] =	vst v63  }
0x280: {  	s26 =	spop (v2sf)  }
0x281: {  	s25 =	sand.u32 $0xFFFFF80, s26  }
0x282: {  	s28 =	simm.s32 $0x8400;
	s26 =	spop (v2sf);
	s25 =	sadd.s32 s3, s25  }
0x283: {  	[tilespmem:s28], [sflag:$0x1] =	stream.linear.gather [hbm4b:s25+s2], $0x400, $0x38;
	[tilespmem:$0xF400] =	vst v63  }
0x284: {  	s25 =	sand.u32 $0xFFFFF80, s26;
	s28 =	simm.s32 $0x8800  }
.Ltmp5:
0x285: {  	s26 =	spop (v2sf);
	s25 =	sadd.s32 s3, s25;
	(pc) =	sbr.rel .LBB2_4-.Ltmp5, $4  }
0x286: {  	[tilespmem:s28], [sflag:$0x1] =	stream.linear.gather [hbm4b:s25+s2], $0x400, $0x38;
	[tilespmem:$0xF400] =	vst v63  }
0x287: {  	s25 =	sand.u32 $0xFFFFF80, s26  }
0x288: {  	s28 =	simm.s32 $0x8C00;
	s26 =	simm.s32 $0x9000;
	s25 =	sadd.s32 s3, s25  }
0x289: {  	[tilespmem:s28], [sflag:$0x1] =	stream.linear.gather [hbm4b:s25+s2], $0x400, $0x38;
	[tilespmem:$0xF400] =	vst v63  }
.LBB2_6:
0x28a: {  	_ =	sfence.sel $0x180000  }
0x28b: {  	[bflag:$0x0] =	sbarrier.arrive $0xFFFF  }
0x28c: {  	_ =	strace $0x90000047  }
0x28d: {  	s0 =	stileid.u32;
	[bflag:$0x2] =	sbarrier.arrive $0xFFFF  }
0x28e: {  	p0 =	sne.s32 s0, $0x0;
	s0 =	rddreg [dreg:$0x2]  }
0x28f: {  	s0 =	sadd.s32 @!p0 $0x100000, s0  }
0x290: {  	[sflag:s0] =	ssyncadd.tile.s32 @!p0 $0x1;
	_ =	shalt  }
.Lfunc_end2:
_tile_overlayer_lowered:
.L_overlay_start_2:
0x291: {  	(tag) =	ssettag $0x2  }
0x292: {  	s0 =	rddreg [dreg:$0x0];
	s2 =	stileid.u32  }
0x293: {  	s1 =	rddreg [dreg:$0x1];
	p0 =	sne.s32 s2, $0x0  }
0x294: {  	s3 =	rddreg [dreg:$0x2];
	[bflag:$0x3] =	sbarrier.arrive $0xFFFF;
	s2 =	simm.s32 @!p0 $0x1C03  }
0x295: {  	[timem:s3], [sflag:s2] =	dma.local @!p0 [hbm:s0], s1  }
0x296: {  	s0 =	simm.s32 @!p0 $0x3  }
0x297: {  	_ =	swait.ge @!p0 [sflag:s0], s1  }
0x298: {  	s1 =	ssub.s32 @!p0 $0x0, s1;
	[sflag:s0] =	ssyncset.done @!p0 $0x0  }
0x299: {  	[sflag:s0] =	ssyncadd.s32 @!p0 s1  }
0x29a: {  	[bflag:$0x3] =	sbarrier.arrive $0xFFFF  }
0x29b: {  	_ =	shalt  }

</sc_bundles>
